<compile_context>
chip_gen: v7x
topology: tpu7x:2x2x1
jax: 0.10.2.dev20260603
libtpu: 0.0.44.dev20260713+nightly
codegen_flags: <defaults>
</compile_context>

<pallas_src>
import jax
import jax.numpy as jnp
from jax import lax
from jax.experimental import pallas as pl
from jax.experimental.pallas import tpu as pltpu
from jax.experimental.pallas import tpu_sc as plsc

H = 128
N_NODE = 10000
N_PAD = 10368
E_EDGE = 320000
GRP = 128
NTILE = 32
G_E = 79
E_PAD = NTILE * G_E * GRP
E_LBL = 100000
G_L = 25
L_PAD = NTILE * G_L * GRP
ROWS_PER_TILE = N_PAD // 16

_DN = (((1,), (1,)), ((), ()))


def _matT(x, w):
    return lax.dot_general(x, w, _DN, preferred_element_type=jnp.float32)


def _input_body(xu_ref, xm_ref, luW, lub, lmW, lmb, bug, bub, bmg, bmb,
                ou_ref, om_ref):
    def one(x, W, b, g, bb, o_ref):
        y = _matT(x, W[...]) + b[...]
        m = jnp.mean(y, axis=0, keepdims=True)
        v = jnp.mean((y - m) ** 2, axis=0, keepdims=True)
        act = jnp.maximum((y - m) * lax.rsqrt(v + 1e-5) * g[...] + bb[...], 0.0)
        o_ref[...] = jnp.concatenate(
            [act, jnp.zeros((N_PAD - N_NODE, H), jnp.float32)], axis=0)

    one(xu_ref[...], luW, lub, bug, bub, ou_ref)
    one(xm_ref[...], lmW, lmb, bmg, bmb, om_ref)


def _tc_input(x_user, x_movie, lu_W, lu_b, lm_W, lm_b, bn_u_g, bn_u_b, bn_m_g, bn_m_b):
    return pl.pallas_call(
        _input_body,
        out_shape=[jax.ShapeDtypeStruct((N_PAD, H), jnp.float32),
                   jax.ShapeDtypeStruct((N_PAD, H), jnp.float32)],
    )(x_user, x_movie, lu_W, lu_b.reshape(1, H), lm_W, lm_b.reshape(1, H),
      bn_u_g.reshape(1, H), bn_u_b.reshape(1, H), bn_m_g.reshape(1, H), bn_m_b.reshape(1, H))


def _sc_mesh():
    return plsc.VectorSubcoreMesh(core_axis_name="c", subcore_axis_name="s")


def _sum_edges(wid, table_hbm, e_hbm, acc, idxs, idxd, msgs, semg, sems):
    for b in (0, 1):
        pltpu.sync_copy(e_hbm.at[0, wid, b], idxs[b])
        pltpu.sync_copy(e_hbm.at[1, wid, b], idxd[b])
        pltpu.async_copy(table_hbm.at[idxs[b]], msgs[b], semg[b])

    def body(g, carry):
        descs = []
        for b in (0, 1):
            pltpu.make_async_copy(table_hbm.at[idxs[b]], msgs[b], semg[b]).wait()
            descs.append(pltpu.async_copy(msgs[b], acc.at[idxd[b]], sems[b], add=True))
        for b in (0, 1):
            descs[b].wait()
            nx = 2 * g + b + 2

            @pl.when(nx < G_E)
            def _():
                pltpu.sync_copy(e_hbm.at[0, wid, nx], idxs[b])
                pltpu.sync_copy(e_hbm.at[1, wid, nx], idxd[b])
                pltpu.async_copy(table_hbm.at[idxs[b]], msgs[b], semg[b])
        return carry

    lax.fori_loop(0, G_E // 2, body, 0)
    if G_E % 2 == 1:
        pltpu.make_async_copy(table_hbm.at[idxs[0]], msgs[0], semg[0]).wait()
        pltpu.sync_copy(msgs[0], acc.at[idxd[0]], add=True)


def _cnt_edges(wid, e_hbm, acc, ones_v, idxd, sems):
    for b in (0, 1):
        pltpu.sync_copy(e_hbm.at[1, wid, b], idxd[b])

    def body(g, carry):
        descs = []
        for b in (0, 1):
            descs.append(pltpu.async_copy(ones_v, acc.at[idxd[b]], sems[b], add=True))
        for b in (0, 1):
            descs[b].wait()
            nx = 2 * g + b + 2

            @pl.when(nx < G_E)
            def _():
                pltpu.sync_copy(e_hbm.at[1, wid, nx], idxd[b])
        return carry

    lax.fori_loop(0, G_E // 2, body, 0)
    if G_E % 2 == 1:
        pltpu.sync_copy(ones_v, acc.at[idxd[0]], add=True)


def _seg_body_l1(xu_hbm, xm_hbm, eR_hbm, eD_hbm, zs_hbm, ones_hbm,
                 os_m, os_u, oc_m, oc_u,
                 idx_s0, idx_s1, idx_d0, idx_d1, msg0, msg1, acc_sum,
                 sem_g0, sem_g1, sem_s0, sem_s1):
    cid = lax.axis_index("c")
    sid = lax.axis_index("s")
    wid = cid * 16 + sid
    r0 = sid * ROWS_PER_TILE
    idxs, idxd = (idx_s0, idx_s1), (idx_d0, idx_d1)
    msgs = (msg0, msg1)
    semg, sems = (sem_g0, sem_g1), (sem_s0, sem_s1)

    def zero_acc():
        pltpu.sync_copy(zs_hbm.at[pl.ds(r0, ROWS_PER_TILE)],
                        acc_sum.at[pl.ds(r0, ROWS_PER_TILE)])

    def copy_out(o):
        pltpu.sync_copy(acc_sum.at[pl.ds(r0, ROWS_PER_TILE)],
                        o.at[cid, pl.ds(r0, ROWS_PER_TILE)])

    zero_acc()
    plsc.subcore_barrier()
    _sum_edges(wid, xu_hbm, eR_hbm, acc_sum, idxs, idxd, msgs, semg, sems)
    plsc.subcore_barrier()
    copy_out(os_m)
    plsc.subcore_barrier()
    zero_acc()
    plsc.subcore_barrier()
    _sum_edges(wid, xm_hbm, eD_hbm, acc_sum, idxs, idxd, msgs, semg, sems)
    plsc.subcore_barrier()
    copy_out(os_u)
    plsc.subcore_barrier()
    zero_acc()
    pltpu.sync_copy(ones_hbm, msg0)
    plsc.subcore_barrier()
    _cnt_edges(wid, eR_hbm, acc_sum, msg0, idxd, sems)
    plsc.subcore_barrier()
    copy_out(oc_m)
    plsc.subcore_barrier()
    zero_acc()
    plsc.subcore_barrier()
    _cnt_edges(wid, eD_hbm, acc_sum, msg0, idxd, sems)
    plsc.subcore_barrier()
    copy_out(oc_u)


def _sc_segsum_l1(xu, xm, eR, eD):
    f32 = jnp.float32
    zs = jnp.zeros((N_PAD, H), f32)
    ones = jnp.ones((GRP, H), f32)
    return pl.kernel(
        _seg_body_l1,
        out_type=[jax.ShapeDtypeStruct((2, N_PAD, H), f32)] * 4,
        mesh=_sc_mesh(),
        scratch_types=[
            pltpu.VMEM((GRP,), jnp.int32),
            pltpu.VMEM((GRP,), jnp.int32),
            pltpu.VMEM((GRP,), jnp.int32),
            pltpu.VMEM((GRP,), jnp.int32),
            pltpu.VMEM((GRP, H), f32),
            pltpu.VMEM((GRP, H), f32),
            pltpu.VMEM_SHARED((N_PAD, H), f32),
            pltpu.SemaphoreType.DMA,
            pltpu.SemaphoreType.DMA,
            pltpu.SemaphoreType.DMA,
            pltpu.SemaphoreType.DMA,
        ],
    )(xu, xm, eR, eD, zs, ones)


def _seg_body_plain(xu_hbm, xm_hbm, eR_hbm, eD_hbm, zs_hbm,
                    os_m, os_u,
                    idx_s0, idx_s1, idx_d0, idx_d1, msg0, msg1, acc_sum,
                    sem_g0, sem_g1, sem_s0, sem_s1):
    cid = lax.axis_index("c")
    sid = lax.axis_index("s")
    wid = cid * 16 + sid
    r0 = sid * ROWS_PER_TILE
    idxs, idxd = (idx_s0, idx_s1), (idx_d0, idx_d1)
    msgs = (msg0, msg1)
    semg, sems = (sem_g0, sem_g1), (sem_s0, sem_s1)

    def zero_acc():
        pltpu.sync_copy(zs_hbm.at[pl.ds(r0, ROWS_PER_TILE)],
                        acc_sum.at[pl.ds(r0, ROWS_PER_TILE)])

    def copy_out(o):
        pltpu.sync_copy(acc_sum.at[pl.ds(r0, ROWS_PER_TILE)],
                        o.at[cid, pl.ds(r0, ROWS_PER_TILE)])

    zero_acc()
    plsc.subcore_barrier()
    _sum_edges(wid, xu_hbm, eR_hbm, acc_sum, idxs, idxd, msgs, semg, sems)
    plsc.subcore_barrier()
    copy_out(os_m)
    plsc.subcore_barrier()
    zero_acc()
    plsc.subcore_barrier()
    _sum_edges(wid, xm_hbm, eD_hbm, acc_sum, idxs, idxd, msgs, semg, sems)
    plsc.subcore_barrier()
    copy_out(os_u)


def _sc_segsum(table_m, table_u, eR, eD):
    f32 = jnp.float32
    zs = jnp.zeros((N_PAD, H), f32)
    return pl.kernel(
        _seg_body_plain,
        out_type=[jax.ShapeDtypeStruct((2, N_PAD, H), f32),
                  jax.ShapeDtypeStruct((2, N_PAD, H), f32)],
        mesh=_sc_mesh(),
        scratch_types=[
            pltpu.VMEM((GRP,), jnp.int32),
            pltpu.VMEM((GRP,), jnp.int32),
            pltpu.VMEM((GRP,), jnp.int32),
            pltpu.VMEM((GRP,), jnp.int32),
            pltpu.VMEM((GRP, H), f32),
            pltpu.VMEM((GRP, H), f32),
            pltpu.VMEM_SHARED((N_PAD, H), f32),
            pltpu.SemaphoreType.DMA,
            pltpu.SemaphoreType.DMA,
            pltpu.SemaphoreType.DMA,
            pltpu.SemaphoreType.DMA,
        ],
    )(table_m, table_u, eR, eD, zs)


def _gather_body(u2_hbm, m2_hbm, eli_hbm, fu_hbm, fm_hbm,
                 idx0a, idx0b, idx1a, idx1b, bufU0, bufU1, bufM0, bufM1,
                 sem_gu0, sem_gu1, sem_gm0, sem_gm1, sem_w0, sem_w1):
    cid = lax.axis_index("c")
    sid = lax.axis_index("s")
    wid = cid * 16 + sid
    base = wid * (G_L * GRP)
    idx0, idx1 = (idx0a, idx0b), (idx1a, idx1b)
    bufU, bufM = (bufU0, bufU1), (bufM0, bufM1)
    semgu, semgm = (sem_gu0, sem_gu1), (sem_gm0, sem_gm1)
    semw = (sem_w0, sem_w1)

    for b in (0, 1):
        pltpu.sync_copy(eli_hbm.at[0, wid, b], idx0[b])
        pltpu.sync_copy(eli_hbm.at[1, wid, b], idx1[b])
        pltpu.async_copy(u2_hbm.at[idx0[b]], bufU[b], semgu[b])
        pltpu.async_copy(m2_hbm.at[idx1[b]], bufM[b], semgm[b])

    def body(g, carry):
        descs = []
        for b in (0, 1):
            j = 2 * g + b
            pltpu.make_async_copy(u2_hbm.at[idx0[b]], bufU[b], semgu[b]).wait()
            du = pltpu.async_copy(bufU[b], fu_hbm.at[pl.ds(base + j * GRP, GRP)], semw[b])
            pltpu.make_async_copy(m2_hbm.at[idx1[b]], bufM[b], semgm[b]).wait()
            dm = pltpu.async_copy(bufM[b], fm_hbm.at[pl.ds(base + j * GRP, GRP)], semw[b])
            descs.append((du, dm))
        for b in (0, 1):
            descs[b][0].wait()
            descs[b][1].wait()
            nx = 2 * g + b + 2

            @pl.when(nx < G_L)
            def _():
                pltpu.sync_copy(eli_hbm.at[0, wid, nx], idx0[b])
                pltpu.sync_copy(eli_hbm.at[1, wid, nx], idx1[b])
                pltpu.async_copy(u2_hbm.at[idx0[b]], bufU[b], semgu[b])
                pltpu.async_copy(m2_hbm.at[idx1[b]], bufM[b], semgm[b])
        return carry

    lax.fori_loop(0, G_L // 2, body, 0)
    if G_L % 2 == 1:
        jl = G_L - 1
        pltpu.make_async_copy(u2_hbm.at[idx0[0]], bufU[0], semgu[0]).wait()
        pltpu.sync_copy(bufU[0], fu_hbm.at[pl.ds(base + jl * GRP, GRP)])
        pltpu.make_async_copy(m2_hbm.at[idx1[0]], bufM[0], semgm[0]).wait()
        pltpu.sync_copy(bufM[0], fm_hbm.at[pl.ds(base + jl * GRP, GRP)])


def _sc_label_gather(u2, m2, eli):
    f32 = jnp.float32
    return pl.kernel(
        _gather_body,
        out_type=[jax.ShapeDtypeStruct((L_PAD, H), f32),
                  jax.ShapeDtypeStruct((L_PAD, H), f32)],
        mesh=_sc_mesh(),
        scratch_types=[
            pltpu.VMEM((GRP,), jnp.int32),
            pltpu.VMEM((GRP,), jnp.int32),
            pltpu.VMEM((GRP,), jnp.int32),
            pltpu.VMEM((GRP,), jnp.int32),
            pltpu.VMEM((GRP, H), f32),
            pltpu.VMEM((GRP, H), f32),
            pltpu.VMEM((GRP, H), f32),
            pltpu.VMEM((GRP, H), f32),
            pltpu.SemaphoreType.DMA,
            pltpu.SemaphoreType.DMA,
            pltpu.SemaphoreType.DMA,
            pltpu.SemaphoreType.DMA,
            pltpu.SemaphoreType.DMA,
            pltpu.SemaphoreType.DMA,
        ],
    )(u2, m2, eli)


def _make_sage_body(relu, out_bf16):
    def body(sm0, sm1, cm0, cm1, xdm, Wlm, blm, Wrm,
             su0, su1, cu0, cu1, xdu, Wlu, blu, Wru, om_ref, ou_ref):
        def one(s0, s1, c0, c1, xd, Wl, bl, Wr, o_ref):
            cnt = jnp.maximum(c0[:, 0:1] + c1[:, 0:1], 1.0)
            mean = (s0[...] + s1[...]) / cnt
            r = _matT(mean, Wl[...]) + bl[...] + _matT(xd[...], Wr[...])
            if relu:
                r = jnp.maximum(r, 0.0)
            o_ref[...] = r.astype(jnp.bfloat16) if out_bf16 else r

        one(sm0, sm1, cm0, cm1, xdm, Wlm, blm, Wrm, om_ref)
        one(su0, su1, cu0, cu1, xdu, Wlu, blu, Wru, ou_ref)

    return body


_SAGE_BLK = 2592


def _tc_sage(relu, out_bf16, sm, cm, xdm, Wlm, blm, Wrm, su, cu, xdu, Wlu, blu, Wru):
    row = pl.BlockSpec((_SAGE_BLK, H), lambda i: (i, 0))
    wfull = pl.BlockSpec((H, H), lambda i: (0, 0))
    bfull = pl.BlockSpec((1, H), lambda i: (0, 0))
    grid = (N_PAD // _SAGE_BLK,)
    odt = jnp.bfloat16 if out_bf16 else jnp.float32
    return pl.pallas_call(
        _make_sage_body(relu, out_bf16),
        grid=grid,
        in_specs=[row, row, row, row, row, wfull, bfull, wfull,
                  row, row, row, row, row, wfull, bfull, wfull],
        out_specs=[row, row],
        out_shape=[jax.ShapeDtypeStruct((N_PAD, H), odt),
                   jax.ShapeDtypeStruct((N_PAD, H), odt)],
    )(sm[0], sm[1], cm[0], cm[1], xdm, Wlm, blm.reshape(1, H), Wrm,
      su[0], su[1], cu[0], cu[1], xdu, Wlu, blu.reshape(1, H), Wru)


_DEC_BLK = 2048


def _dec_body(fu, fm, W1a, W1b, b1, W2, b2, W3, b3, o_ref):
    h = jnp.maximum(_matT(fu[...].astype(jnp.bfloat16), W1a[...])
                    + _matT(fm[...].astype(jnp.bfloat16), W1b[...]) + b1[...], 0.0)
    h = jnp.maximum(_matT(h.astype(jnp.bfloat16), W2[...]) + b2[...], 0.0)
    o_ref[...] = _matT(h.astype(jnp.bfloat16), W3[...]) + b3[...]


def _tc_decoder(fu, fm, d_W1, d_b1, d_W2, d_b2, d_W3, d_b3):
    H4, H2 = 4 * H, 2 * H
    bf16 = jnp.bfloat16
    W1a = d_W1[:, :H].astype(bf16)
    W1b = d_W1[:, H:].astype(bf16)
    W2b = d_W2.astype(bf16)
    W3p = jnp.zeros((8, H2), jnp.float32).at[0].set(d_W3[0]).astype(bf16)
    b3p = jnp.broadcast_to(d_b3.reshape(1, 1), (_DEC_BLK, 8))
    row = pl.BlockSpec((_DEC_BLK, H), lambda i: (i, 0))
    grid = (L_PAD // _DEC_BLK,)
    out = pl.pallas_call(
        _dec_body,
        grid=grid,
        in_specs=[row, row,
                  pl.BlockSpec((H4, H), lambda i: (0, 0)),
                  pl.BlockSpec((H4, H), lambda i: (0, 0)),
                  pl.BlockSpec((1, H4), lambda i: (0, 0)),
                  pl.BlockSpec((H2, H4), lambda i: (0, 0)),
                  pl.BlockSpec((1, H2), lambda i: (0, 0)),
                  pl.BlockSpec((8, H2), lambda i: (0, 0)),
                  pl.BlockSpec((_DEC_BLK, 8), lambda i: (0, 0))],
        out_specs=pl.BlockSpec((_DEC_BLK, 8), lambda i: (i, 0)),
        out_shape=jax.ShapeDtypeStruct((L_PAD, 8), jnp.float32),
    )(fu, fm, W1a, W1b, d_b1.reshape(1, H4), W2b, d_b2.reshape(1, H2),
      W3p, b3p)
    return out[:E_LBL, 0]


def _pad_edges(ei):
    pad = E_PAD - E_EDGE
    trash = N_NODE + jnp.arange(pad, dtype=jnp.int32) % (N_PAD - N_NODE)
    src = jnp.concatenate([ei[0], jnp.zeros((pad,), jnp.int32)])
    dst = jnp.concatenate([ei[1], trash])
    return jnp.stack([src, dst]).reshape(2, NTILE, G_E, GRP)


def kernel(x_user, x_movie, ei_rates, ei_rated, edge_label_index,
           lu_W, lu_b, lm_W, lm_b, bn_u_g, bn_u_b, bn_m_g, bn_m_b,
           c1r_Wl, c1r_bl, c1r_Wr, c1d_Wl, c1d_bl, c1d_Wr,
           c2r_Wl, c2r_bl, c2r_Wr, c2d_Wl, c2d_bl, c2d_Wr,
           d_W1, d_b1, d_W2, d_b2, d_W3, d_b3):
    eR = _pad_edges(ei_rates)
    eD = _pad_edges(ei_rated)
    lpad = L_PAD - E_LBL
    eli = jnp.concatenate([edge_label_index,
                           jnp.zeros((2, lpad), jnp.int32)], axis=1).reshape(2, NTILE, G_L, GRP)

    xu, xm = _tc_input(x_user, x_movie, lu_W, lu_b, lm_W, lm_b,
                       bn_u_g, bn_u_b, bn_m_g, bn_m_b)

    os_m, os_u, oc_m, oc_u = _sc_segsum_l1(xu, xm, eR, eD)

    m1, u1 = _tc_sage(True, False, os_m, oc_m, xm, c1r_Wl, c1r_bl, c1r_Wr,
                      os_u, oc_u, xu, c1d_Wl, c1d_bl, c1d_Wr)

    os2_m, os2_u = _sc_segsum(u1, m1, eR, eD)

    m2, u2 = _tc_sage(False, False, os2_m, oc_m, m1, c2r_Wl, c2r_bl, c2r_Wr,
                      os2_u, oc_u, u1, c2d_Wl, c2d_bl, c2d_Wr)

    fu, fm = _sc_label_gather(u2, m2, eli)

    return _tc_decoder(fu, fm, d_W1, d_b1, d_W2, d_b2, d_W3, d_b3)

# --- scband reference (transcript-rebuilt; emitter-appended) ---
"""Pipeline reference for scband-model-57071525429488 (READ-ONLY COPY).

The authoritative reference and input builder live on the scoring server;
editing this copy changes nothing except your own understanding.
"""

import jax, jax.numpy as jnp
import numpy as np

H = 128
N_USER = 10000
N_MOVIE = 10000
E = 320000
E_LBL = 100000


def _p(key, shape):
    return jax.random.normal(key, shape, dtype=jnp.float32) * 0.05


def setup_inputs(seed: int = 0):
    key = jax.random.key(seed)
    ks = jax.random.split(key, 40)
    inp = {}
    inp["x_user"] = jax.random.normal(ks[0], (N_USER, H), dtype=jnp.float32)
    inp["x_movie"] = jax.random.normal(ks[1], (N_MOVIE, H), dtype=jnp.float32)
    inp["ei_rates"] = jnp.stack([jax.random.randint(ks[2], (E,), 0, N_USER), jax.random.randint(ks[3], (E,), 0, N_MOVIE)]).astype(jnp.int32)
    inp["ei_rated"] = jnp.stack([jax.random.randint(ks[4], (E,), 0, N_MOVIE), jax.random.randint(ks[5], (E,), 0, N_USER)]).astype(jnp.int32)
    inp["edge_label_index"] = jnp.stack([jax.random.randint(ks[6], (E_LBL,), 0, N_USER), jax.random.randint(ks[7], (E_LBL,), 0, N_MOVIE)]).astype(jnp.int32)
    names_shapes = [
        ("lu_W", (H, H)), ("lu_b", (H,)), ("lm_W", (H, H)), ("lm_b", (H,)),
        ("bn_u_g", (H,)), ("bn_u_b", (H,)), ("bn_m_g", (H,)), ("bn_m_b", (H,)),
        ("c1r_Wl", (H, H)), ("c1r_bl", (H,)), ("c1r_Wr", (H, H)),
        ("c1d_Wl", (H, H)), ("c1d_bl", (H,)), ("c1d_Wr", (H, H)),
        ("c2r_Wl", (H, H)), ("c2r_bl", (H,)), ("c2r_Wr", (H, H)),
        ("c2d_Wl", (H, H)), ("c2d_bl", (H,)), ("c2d_Wr", (H, H)),
        ("d_W1", (4 * H, 2 * H)), ("d_b1", (4 * H,)), ("d_W2", (2 * H, 4 * H)), ("d_b2", (2 * H,)), ("d_W3", (1, 2 * H)), ("d_b3", (1,)),
    ]
    for i, (n, s) in enumerate(names_shapes):
        inp[n] = _p(ks[8 + i], s)
    return inp


def _lin(x, W, b):
    return x @ W.T + b


def _bn(x, g, b):
    m = jnp.mean(x, axis=0)
    v = jnp.var(x, axis=0)
    return (x - m) / jnp.sqrt(v + 1e-5) * g + b


def _sage(x_src, x_dst, ei, Wl, bl, Wr, n_dst):
    msg = x_src[ei[0]]
    s = jax.ops.segment_sum(msg, ei[1], num_segments=n_dst)
    cnt = jax.ops.segment_sum(jnp.ones((ei.shape[1],), jnp.float32), ei[1], num_segments=n_dst)
    mean = s / jnp.maximum(cnt, 1.0)[:, None]
    return _lin(mean, Wl, bl) + x_dst @ Wr.T


def reference(x_user, x_movie, ei_rates, ei_rated, edge_label_index, lu_W, lu_b, lm_W, lm_b, bn_u_g, bn_u_b, bn_m_g, bn_m_b, c1r_Wl, c1r_bl, c1r_Wr, c1d_Wl, c1d_bl, c1d_Wr, c2r_Wl, c2r_bl, c2r_Wr, c2d_Wl, c2d_bl, c2d_Wr, d_W1, d_b1, d_W2, d_b2, d_W3, d_b3):
    xu = jax.nn.relu(_bn(_lin(x_user, lu_W, lu_b), bn_u_g, bn_u_b))
    xm = jax.nn.relu(_bn(_lin(x_movie, lm_W, lm_b), bn_m_g, bn_m_b))
    m1 = jax.nn.relu(_sage(xu, xm, ei_rates, c1r_Wl, c1r_bl, c1r_Wr, N_MOVIE))
    u1 = jax.nn.relu(_sage(xm, xu, ei_rated, c1d_Wl, c1d_bl, c1d_Wr, N_USER))
    m2 = _sage(u1, m1, ei_rates, c2r_Wl, c2r_bl, c2r_Wr, N_MOVIE)
    u2 = _sage(m1, u1, ei_rated, c2d_Wl, c2d_bl, c2d_Wr, N_USER)
    f = jnp.concatenate([u2[edge_label_index[0]], m2[edge_label_index[1]]], axis=-1)
    h = jax.nn.relu(_lin(f, d_W1, d_b1))
    h = jax.nn.relu(_lin(h, d_W2, d_b2))
    return _lin(h, d_W3, d_b3).squeeze(-1)

if __name__ == "__main__":
    import jax
    _d = setup_inputs()
    print(jax.jit(kernel)(*tuple(_d.values())))

</pallas_src>

<mosaic_0001>
#map = affine_map<(d0, d1) -> (0, 0)>
#map1 = affine_map<(d0, d1) -> (0, 0, 0, 0)>
#map2 = affine_map<(d0, d1) -> (0, 0, 0)>
module attributes {stable_mosaic.version = 14 : i64} {
  func.func @_seg_body_plain(%arg0: i32, %arg1: i32, %arg2: memref<10368x128xf32, #tpu.memory_space<hbm>>, %arg3: memref<10368x128xf32, #tpu.memory_space<hbm>>, %arg4: memref<2x32x79x128xi32, #tpu.memory_space<hbm>>, %arg5: memref<2x32x79x128xi32, #tpu.memory_space<hbm>>, %arg6: memref<10368x128xf32, #tpu.memory_space<hbm>>, %arg7: memref<2x10368x128xf32, #tpu.memory_space<hbm>>, %arg8: memref<2x10368x128xf32, #tpu.memory_space<hbm>>, %arg9: memref<128xi32, #tpu.memory_space<vmem>>, %arg10: memref<128xi32, #tpu.memory_space<vmem>>, %arg11: memref<128xi32, #tpu.memory_space<vmem>>, %arg12: memref<128xi32, #tpu.memory_space<vmem>>, %arg13: memref<128x128xf32, #tpu.memory_space<vmem>>, %arg14: memref<128x128xf32, #tpu.memory_space<vmem>>, %arg15: memref<10368x128xf32, #tpu.memory_space<vmem_shared>>, %arg16: memref<!tpu.dma_semaphore, #tpu.memory_space<semaphore_mem>>, %arg17: memref<!tpu.dma_semaphore, #tpu.memory_space<semaphore_mem>>, %arg18: memref<!tpu.dma_semaphore, #tpu.memory_space<semaphore_mem>>, %arg19: memref<!tpu.dma_semaphore, #tpu.memory_space<semaphore_mem>>) attributes {dimension_semantics = [#tpu.dimension_semantics<core_parallel>, #tpu.dimension_semantics<subcore_parallel>], iteration_bounds = array<i64: 2, 16>, scalar_prefetch = 0 : i64, scratch_operands = 11 : i64, tpu.core_type = #tpu.core_type<sc_vector_subcore>, window_params = [{transform_indices = #map}, {transform_indices = #map}, {transform_indices = #map1}, {transform_indices = #map1}, {transform_indices = #map}, {transform_indices = #map2}, {transform_indices = #map2}]} {
    %mul3A = arith.constant 16 : i32
    %mul3A_0 = arith.muli %arg0, %mul3A : i32
    %add3A = arith.addi %mul3A_0, %arg1 : i32
    %mul3A_1 = arith.constant 648 : i32
    %mul3A_2 = arith.muli %arg1, %mul3A_1 : i32
    "tpu.region"() ({
      %run_scoped3A_49 = tpu.sem_alloc : memref<!tpu.dma_semaphore, #tpu.memory_space<semaphore_mem>>
      %dma_start3A_50 = arith.constant 0 : i32
      %dma_start3A_51 = tpu.memref_slice %arg15[%mul3A_2, %dma_start3A_50] : memref<10368x128xf32, #tpu.memory_space<vmem_shared>> -> memref<648x128xf32, #tpu.memory_space<vmem_shared>>
      %dma_start3A_52 = arith.constant 0 : i32
      %dma_start3A_53 = tpu.memref_slice %arg6[%mul3A_2, %dma_start3A_52] : memref<10368x128xf32, #tpu.memory_space<hbm>> -> memref<648x128xf32, #tpu.memory_space<hbm>>
      tpu.enqueue_dma source(%dma_start3A_53 : memref<648x128xf32, #tpu.memory_space<hbm>>) target(%dma_start3A_51 : memref<648x128xf32, #tpu.memory_space<vmem_shared>>) target_semaphore(%run_scoped3A_49 : memref<!tpu.dma_semaphore, #tpu.memory_space<semaphore_mem>>)
      %dma_wait3A_54 = arith.constant 0 : i32
      %dma_wait3A_55 = tpu.memref_slice %arg15[%mul3A_2, %dma_wait3A_54] : memref<10368x128xf32, #tpu.memory_space<vmem_shared>> -> memref<648x128xf32, #tpu.memory_space<vmem_shared>>
      %dma_wait3A_56 = arith.constant 0 : i32
      %dma_wait3A_57 = tpu.memref_slice %arg6[%mul3A_2, %dma_wait3A_56] : memref<10368x128xf32, #tpu.memory_space<hbm>> -> memref<648x128xf32, #tpu.memory_space<hbm>>
      tpu.wait_dma2 semaphore(%run_scoped3A_49 : memref<!tpu.dma_semaphore, #tpu.memory_space<semaphore_mem>>) src(%dma_wait3A_57 : memref<648x128xf32, #tpu.memory_space<hbm>>) dst(%dma_wait3A_55 : memref<648x128xf32, #tpu.memory_space<vmem_shared>>)
      tpu.yield
    }) : () -> ()
    %barrier3A = arith.constant 0 : index
    tpu.barrier barrier_id(%barrier3A)
    %run_scoped3A = arith.constant 0 : i32
    %run_scoped3A_3 = arith.constant 0 : i32
    "tpu.region"() ({
      %run_scoped3A_49 = tpu.sem_alloc : memref<!tpu.dma_semaphore, #tpu.memory_space<semaphore_mem>>
      %dma_start3A_50 = arith.constant 0 : i32
      %dma_start3A_51 = tpu.memref_slice %arg4[%run_scoped3A, %add3A, %run_scoped3A_3, %dma_start3A_50] : memref<2x32x79x128xi32, #tpu.memory_space<hbm>> -> memref<1x1x1x128xi32, #tpu.memory_space<hbm>>
      %dma_start3A_52 = tpu.memref_squeeze %dma_start3A_51 : memref<1x1x1x128xi32, #tpu.memory_space<hbm>> -> memref<128xi32, #tpu.memory_space<hbm>>
      %dma_start3A_53 = arith.constant 0 : i32
      %dma_start3A_54 = tpu.memref_slice %arg4[%run_scoped3A, %add3A, %run_scoped3A_3, %dma_start3A_53] : memref<2x32x79x128xi32, #tpu.memory_space<hbm>> -> memref<1x1x1x128xi32, #tpu.memory_space<hbm>>
      %dma_start3A_55 = tpu.memref_squeeze %dma_start3A_54 : memref<1x1x1x128xi32, #tpu.memory_space<hbm>> -> memref<128xi32, #tpu.memory_space<hbm>>
      tpu.enqueue_dma source(%dma_start3A_55 : memref<128xi32, #tpu.memory_space<hbm>>) target(%arg9 : memref<128xi32, #tpu.memory_space<vmem>>) target_semaphore(%run_scoped3A_49 : memref<!tpu.dma_semaphore, #tpu.memory_space<semaphore_mem>>)
      %dma_wait3A_56 = arith.constant 0 : i32
      %dma_wait3A_57 = tpu.memref_slice %arg4[%run_scoped3A, %add3A, %run_scoped3A_3, %dma_wait3A_56] : memref<2x32x79x128xi32, #tpu.memory_space<hbm>> -> memref<1x1x1x128xi32, #tpu.memory_space<hbm>>
      %dma_wait3A_58 = tpu.memref_squeeze %dma_wait3A_57 : memref<1x1x1x128xi32, #tpu.memory_space<hbm>> -> memref<128xi32, #tpu.memory_space<hbm>>
      %dma_wait3A_59 = arith.constant 0 : i32
      %dma_wait3A_60 = tpu.memref_slice %arg4[%run_scoped3A, %add3A, %run_scoped3A_3, %dma_wait3A_59] : memref<2x32x79x128xi32, #tpu.memory_space<hbm>> -> memref<1x1x1x128xi32, #tpu.memory_space<hbm>>
      %dma_wait3A_61 = tpu.memref_squeeze %dma_wait3A_60 : memref<1x1x1x128xi32, #tpu.memory_space<hbm>> -> memref<128xi32, #tpu.memory_space<hbm>>
      tpu.wait_dma2 semaphore(%run_scoped3A_49 : memref<!tpu.dma_semaphore, #tpu.memory_space<semaphore_mem>>) src(%dma_wait3A_61 : memref<128xi32, #tpu.memory_space<hbm>>) dst(%arg9 : memref<128xi32, #tpu.memory_space<vmem>>)
      tpu.yield
    }) : () -> ()
    %run_scoped3A_4 = arith.constant 1 : i32
    %run_scoped3A_5 = arith.constant 0 : i32
    "tpu.region"() ({
      %run_scoped3A_49 = tpu.sem_alloc : memref<!tpu.dma_semaphore, #tpu.memory_space<semaphore_mem>>
      %dma_start3A_50 = arith.constant 0 : i32
      %dma_start3A_51 = tpu.memref_slice %arg4[%run_scoped3A_4, %add3A, %run_scoped3A_5, %dma_start3A_50] : memref<2x32x79x128xi32, #tpu.memory_space<hbm>> -> memref<1x1x1x128xi32, #tpu.memory_space<hbm>>
      %dma_start3A_52 = tpu.memref_squeeze %dma_start3A_51 : memref<1x1x1x128xi32, #tpu.memory_space<hbm>> -> memref<128xi32, #tpu.memory_space<hbm>>
      %dma_start3A_53 = arith.constant 0 : i32
      %dma_start3A_54 = tpu.memref_slice %arg4[%run_scoped3A_4, %add3A, %run_scoped3A_5, %dma_start3A_53] : memref<2x32x79x128xi32, #tpu.memory_space<hbm>> -> memref<1x1x1x128xi32, #tpu.memory_space<hbm>>
      %dma_start3A_55 = tpu.memref_squeeze %dma_start3A_54 : memref<1x1x1x128xi32, #tpu.memory_space<hbm>> -> memref<128xi32, #tpu.memory_space<hbm>>
      tpu.enqueue_dma source(%dma_start3A_55 : memref<128xi32, #tpu.memory_space<hbm>>) target(%arg11 : memref<128xi32, #tpu.memory_space<vmem>>) target_semaphore(%run_scoped3A_49 : memref<!tpu.dma_semaphore, #tpu.memory_space<semaphore_mem>>)
      %dma_wait3A_56 = arith.constant 0 : i32
      %dma_wait3A_57 = tpu.memref_slice %arg4[%run_scoped3A_4, %add3A, %run_scoped3A_5, %dma_wait3A_56] : memref<2x32x79x128xi32, #tpu.memory_space<hbm>> -> memref<1x1x1x128xi32, #tpu.memory_space<hbm>>
      %dma_wait3A_58 = tpu.memref_squeeze %dma_wait3A_57 : memref<1x1x1x128xi32, #tpu.memory_space<hbm>> -> memref<128xi32, #tpu.memory_space<hbm>>
      %dma_wait3A_59 = arith.constant 0 : i32
      %dma_wait3A_60 = tpu.memref_slice %arg4[%run_scoped3A_4, %add3A, %run_scoped3A_5, %dma_wait3A_59] : memref<2x32x79x128xi32, #tpu.memory_space<hbm>> -> memref<1x1x1x128xi32, #tpu.memory_space<hbm>>
      %dma_wait3A_61 = tpu.memref_squeeze %dma_wait3A_60 : memref<1x1x1x128xi32, #tpu.memory_space<hbm>> -> memref<128xi32, #tpu.memory_space<hbm>>
      tpu.wait_dma2 semaphore(%run_scoped3A_49 : memref<!tpu.dma_semaphore, #tpu.memory_space<semaphore_mem>>) src(%dma_wait3A_61 : memref<128xi32, #tpu.memory_space<hbm>>) dst(%arg11 : memref<128xi32, #tpu.memory_space<vmem>>)
      tpu.yield
    }) : () -> ()
    %dma_start3A = arith.constant 0 : i32
    %dma_start3A_6 = arith.constant 0 : i32
    %dma_start3A_7 = tpu.memref_slice %arg2[%dma_start3A, %dma_start3A_6] : memref<10368x128xf32, #tpu.memory_space<hbm>> -> memref<10368x128xf32, #tpu.memory_space<hbm>>
    tpu.enqueue_indirect_dma source(%dma_start3A_7 : memref<10368x128xf32, #tpu.memory_space<hbm>>) target(%arg13 : memref<128x128xf32, #tpu.memory_space<vmem>>) offsets(%arg9 : memref<128xi32, #tpu.memory_space<vmem>>) semaphore(%arg16 : memref<!tpu.dma_semaphore, #tpu.memory_space<semaphore_mem>>)
    %run_scoped3A_8 = arith.constant 0 : i32
    %run_scoped3A_9 = arith.constant 1 : i32
    "tpu.region"() ({
      %run_scoped3A_49 = tpu.sem_alloc : memref<!tpu.dma_semaphore, #tpu.memory_space<semaphore_mem>>
      %dma_start3A_50 = arith.constant 0 : i32
      %dma_start3A_51 = tpu.memref_slice %arg4[%run_scoped3A_8, %add3A, %run_scoped3A_9, %dma_start3A_50] : memref<2x32x79x128xi32, #tpu.memory_space<hbm>> -> memref<1x1x1x128xi32, #tpu.memory_space<hbm>>
      %dma_start3A_52 = tpu.memref_squeeze %dma_start3A_51 : memref<1x1x1x128xi32, #tpu.memory_space<hbm>> -> memref<128xi32, #tpu.memory_space<hbm>>
      %dma_start3A_53 = arith.constant 0 : i32
      %dma_start3A_54 = tpu.memref_slice %arg4[%run_scoped3A_8, %add3A, %run_scoped3A_9, %dma_start3A_53] : memref<2x32x79x128xi32, #tpu.memory_space<hbm>> -> memref<1x1x1x128xi32, #tpu.memory_space<hbm>>
      %dma_start3A_55 = tpu.memref_squeeze %dma_start3A_54 : memref<1x1x1x128xi32, #tpu.memory_space<hbm>> -> memref<128xi32, #tpu.memory_space<hbm>>
      tpu.enqueue_dma source(%dma_start3A_55 : memref<128xi32, #tpu.memory_space<hbm>>) target(%arg10 : memref<128xi32, #tpu.memory_space<vmem>>) target_semaphore(%run_scoped3A_49 : memref<!tpu.dma_semaphore, #tpu.memory_space<semaphore_mem>>)
      %dma_wait3A_56 = arith.constant 0 : i32
      %dma_wait3A_57 = tpu.memref_slice %arg4[%run_scoped3A_8, %add3A, %run_scoped3A_9, %dma_wait3A_56] : memref<2x32x79x128xi32, #tpu.memory_space<hbm>> -> memref<1x1x1x128xi32, #tpu.memory_space<hbm>>
      %dma_wait3A_58 = tpu.memref_squeeze %dma_wait3A_57 : memref<1x1x1x128xi32, #tpu.memory_space<hbm>> -> memref<128xi32, #tpu.memory_space<hbm>>
      %dma_wait3A_59 = arith.constant 0 : i32
      %dma_wait3A_60 = tpu.memref_slice %arg4[%run_scoped3A_8, %add3A, %run_scoped3A_9, %dma_wait3A_59] : memref<2x32x79x128xi32, #tpu.memory_space<hbm>> -> memref<1x1x1x128xi32, #tpu.memory_space<hbm>>
      %dma_wait3A_61 = tpu.memref_squeeze %dma_wait3A_60 : memref<1x1x1x128xi32, #tpu.memory_space<hbm>> -> memref<128xi32, #tpu.memory_space<hbm>>
      tpu.wait_dma2 semaphore(%run_scoped3A_49 : memref<!tpu.dma_semaphore, #tpu.memory_space<semaphore_mem>>) src(%dma_wait3A_61 : memref<128xi32, #tpu.memory_space<hbm>>) dst(%arg10 : memref<128xi32, #tpu.memory_space<vmem>>)
      tpu.yield
    }) : () -> ()
    %run_scoped3A_10 = arith.constant 1 : i32
    %run_scoped3A_11 = arith.constant 1 : i32
    "tpu.region"() ({
      %run_scoped3A_49 = tpu.sem_alloc : memref<!tpu.dma_semaphore, #tpu.memory_space<semaphore_mem>>
      %dma_start3A_50 = arith.constant 0 : i32
      %dma_start3A_51 = tpu.memref_slice %arg4[%run_scoped3A_10, %add3A, %run_scoped3A_11, %dma_start3A_50] : memref<2x32x79x128xi32, #tpu.memory_space<hbm>> -> memref<1x1x1x128xi32, #tpu.memory_space<hbm>>
      %dma_start3A_52 = tpu.memref_squeeze %dma_start3A_51 : memref<1x1x1x128xi32, #tpu.memory_space<hbm>> -> memref<128xi32, #tpu.memory_space<hbm>>
      %dma_start3A_53 = arith.constant 0 : i32
      %dma_start3A_54 = tpu.memref_slice %arg4[%run_scoped3A_10, %add3A, %run_scoped3A_11, %dma_start3A_53] : memref<2x32x79x128xi32, #tpu.memory_space<hbm>> -> memref<1x1x1x128xi32, #tpu.memory_space<hbm>>
      %dma_start3A_55 = tpu.memref_squeeze %dma_start3A_54 : memref<1x1x1x128xi32, #tpu.memory_space<hbm>> -> memref<128xi32, #tpu.memory_space<hbm>>
      tpu.enqueue_dma source(%dma_start3A_55 : memref<128xi32, #tpu.memory_space<hbm>>) target(%arg12 : memref<128xi32, #tpu.memory_space<vmem>>) target_semaphore(%run_scoped3A_49 : memref<!tpu.dma_semaphore, #tpu.memory_space<semaphore_mem>>)
      %dma_wait3A_56 = arith.constant 0 : i32
      %dma_wait3A_57 = tpu.memref_slice %arg4[%run_scoped3A_10, %add3A, %run_scoped3A_11, %dma_wait3A_56] : memref<2x32x79x128xi32, #tpu.memory_space<hbm>> -> memref<1x1x1x128xi32, #tpu.memory_space<hbm>>
      %dma_wait3A_58 = tpu.memref_squeeze %dma_wait3A_57 : memref<1x1x1x128xi32, #tpu.memory_space<hbm>> -> memref<128xi32, #tpu.memory_space<hbm>>
      %dma_wait3A_59 = arith.constant 0 : i32
      %dma_wait3A_60 = tpu.memref_slice %arg4[%run_scoped3A_10, %add3A, %run_scoped3A_11, %dma_wait3A_59] : memref<2x32x79x128xi32, #tpu.memory_space<hbm>> -> memref<1x1x1x128xi32, #tpu.memory_space<hbm>>
      %dma_wait3A_61 = tpu.memref_squeeze %dma_wait3A_60 : memref<1x1x1x128xi32, #tpu.memory_space<hbm>> -> memref<128xi32, #tpu.memory_space<hbm>>
      tpu.wait_dma2 semaphore(%run_scoped3A_49 : memref<!tpu.dma_semaphore, #tpu.memory_space<semaphore_mem>>) src(%dma_wait3A_61 : memref<128xi32, #tpu.memory_space<hbm>>) dst(%arg12 : memref<128xi32, #tpu.memory_space<vmem>>)
      tpu.yield
    }) : () -> ()
    %dma_start3A_12 = arith.constant 0 : i32
    %dma_start3A_13 = arith.constant 0 : i32
    %dma_start3A_14 = tpu.memref_slice %arg2[%dma_start3A_12, %dma_start3A_13] : memref<10368x128xf32, #tpu.memory_space<hbm>> -> memref<10368x128xf32, #tpu.memory_space<hbm>>
    tpu.enqueue_indirect_dma source(%dma_start3A_14 : memref<10368x128xf32, #tpu.memory_space<hbm>>) target(%arg14 : memref<128x128xf32, #tpu.memory_space<vmem>>) offsets(%arg10 : memref<128xi32, #tpu.memory_space<vmem>>) semaphore(%arg17 : memref<!tpu.dma_semaphore, #tpu.memory_space<semaphore_mem>>)
    %scan3A = arith.constant 0 : i32
    %scan3A_15 = arith.constant 0 : i32
    %scan3A_16 = arith.constant 39 : i32
    %scan3A_17 = arith.addi %scan3A_15, %scan3A_16 : i32
    %scan3A_18 = arith.constant 1 : i32
    scf.for %scan3A_49 = %scan3A_15 to %scan3A_17 step %scan3A_18  : i32 {
      %dma_wait3A_50 = arith.constant 0 : i32
      %dma_wait3A_51 = arith.constant 0 : i32
      %dma_wait3A_52 = tpu.memref_slice %arg2[%dma_wait3A_50, %dma_wait3A_51] : memref<10368x128xf32, #tpu.memory_space<hbm>> -> memref<10368x128xf32, #tpu.memory_space<hbm>>
      tpu.wait_indirect_dma semaphore(%arg16 : memref<!tpu.dma_semaphore, #tpu.memory_space<semaphore_mem>>) src(%dma_wait3A_52 : memref<10368x128xf32, #tpu.memory_space<hbm>>) dst(%arg13 : memref<128x128xf32, #tpu.memory_space<vmem>>)
      %dma_start3A_53 = arith.constant 0 : i32
      %dma_start3A_54 = arith.constant 0 : i32
      %dma_start3A_55 = tpu.memref_slice %arg15[%dma_start3A_53, %dma_start3A_54] : memref<10368x128xf32, #tpu.memory_space<vmem_shared>> -> memref<10368x128xf32, #tpu.memory_space<vmem_shared>>
      tpu.enqueue_indirect_dma source(%arg13 : memref<128x128xf32, #tpu.memory_space<vmem>>) target(%dma_start3A_55 : memref<10368x128xf32, #tpu.memory_space<vmem_shared>>) offsets(%arg11 : memref<128xi32, #tpu.memory_space<vmem>>) semaphore(%arg18 : memref<!tpu.dma_semaphore, #tpu.memory_space<semaphore_mem>>) {add = true}
      %dma_wait3A_56 = arith.constant 0 : i32
      %dma_wait3A_57 = arith.constant 0 : i32
      %dma_wait3A_58 = tpu.memref_slice %arg2[%dma_wait3A_56, %dma_wait3A_57] : memref<10368x128xf32, #tpu.memory_space<hbm>> -> memref<10368x128xf32, #tpu.memory_space<hbm>>
      tpu.wait_indirect_dma semaphore(%arg17 : memref<!tpu.dma_semaphore, #tpu.memory_space<semaphore_mem>>) src(%dma_wait3A_58 : memref<10368x128xf32, #tpu.memory_space<hbm>>) dst(%arg14 : memref<128x128xf32, #tpu.memory_space<vmem>>)
      %dma_start3A_59 = arith.constant 0 : i32
      %dma_start3A_60 = arith.constant 0 : i32
      %dma_start3A_61 = tpu.memref_slice %arg15[%dma_start3A_59, %dma_start3A_60] : memref<10368x128xf32, #tpu.memory_space<vmem_shared>> -> memref<10368x128xf32, #tpu.memory_space<vmem_shared>>
      tpu.enqueue_indirect_dma source(%arg14 : memref<128x128xf32, #tpu.memory_space<vmem>>) target(%dma_start3A_61 : memref<10368x128xf32, #tpu.memory_space<vmem_shared>>) offsets(%arg12 : memref<128xi32, #tpu.memory_space<vmem>>) semaphore(%arg19 : memref<!tpu.dma_semaphore, #tpu.memory_space<semaphore_mem>>) {add = true}
      %dma_wait3A_62 = arith.constant 0 : i32
      %dma_wait3A_63 = arith.constant 0 : i32
      %dma_wait3A_64 = tpu.memref_slice %arg15[%dma_wait3A_62, %dma_wait3A_63] : memref<10368x128xf32, #tpu.memory_space<vmem_shared>> -> memref<10368x128xf32, #tpu.memory_space<vmem_shared>>
      tpu.wait_indirect_dma semaphore(%arg18 : memref<!tpu.dma_semaphore, #tpu.memory_space<semaphore_mem>>) src(%arg13 : memref<128x128xf32, #tpu.memory_space<vmem>>) dst(%dma_wait3A_64 : memref<10368x128xf32, #tpu.memory_space<vmem_shared>>)
      %mul3A_65 = arith.constant 2 : i32
      %mul3A_66 = arith.muli %mul3A_65, %scan3A_49 : i32
      %add3A_67 = arith.constant 0 : i32
      %add3A_68 = arith.addi %mul3A_66, %add3A_67 : i32
      %add3A_69 = arith.constant 2 : i32
      %add3A_70 = arith.addi %add3A_68, %add3A_69 : i32
      %lt3A = arith.constant 79 : i32
      %lt3A_71 = arith.cmpi slt, %add3A_70, %lt3A : i32
      %convert_element_type3A = arith.extui %lt3A_71 : i1 to i32
      %cond3A = arith.constant 0 : i32
      %cond3A_72 = arith.cmpi ne, %convert_element_type3A, %cond3A : i32
      scf.if %cond3A_72 {
        %run_scoped3A_87 = arith.constant 0 : i32
        "tpu.region"() ({
          %run_scoped3A_92 = tpu.sem_alloc : memref<!tpu.dma_semaphore, #tpu.memory_space<semaphore_mem>>
          %dma_start3A_93 = arith.constant 0 : i32
          %dma_start3A_94 = tpu.memref_slice %arg4[%run_scoped3A_87, %add3A, %add3A_70, %dma_start3A_93] : memref<2x32x79x128xi32, #tpu.memory_space<hbm>> -> memref<1x1x1x128xi32, #tpu.memory_space<hbm>>
          %dma_start3A_95 = tpu.memref_squeeze %dma_start3A_94 : memref<1x1x1x128xi32, #tpu.memory_space<hbm>> -> memref<128xi32, #tpu.memory_space<hbm>>
          %dma_start3A_96 = arith.constant 0 : i32
          %dma_start3A_97 = tpu.memref_slice %arg4[%run_scoped3A_87, %add3A, %add3A_70, %dma_start3A_96] : memref<2x32x79x128xi32, #tpu.memory_space<hbm>> -> memref<1x1x1x128xi32, #tpu.memory_space<hbm>>
          %dma_start3A_98 = tpu.memref_squeeze %dma_start3A_97 : memref<1x1x1x128xi32, #tpu.memory_space<hbm>> -> memref<128xi32, #tpu.memory_space<hbm>>
          tpu.enqueue_dma source(%dma_start3A_98 : memref<128xi32, #tpu.memory_space<hbm>>) target(%arg9 : memref<128xi32, #tpu.memory_space<vmem>>) target_semaphore(%run_scoped3A_92 : memref<!tpu.dma_semaphore, #tpu.memory_space<semaphore_mem>>)
          %dma_wait3A_99 = arith.constant 0 : i32
          %dma_wait3A_100 = tpu.memref_slice %arg4[%run_scoped3A_87, %add3A, %add3A_70, %dma_wait3A_99] : memref<2x32x79x128xi32, #tpu.memory_space<hbm>> -> memref<1x1x1x128xi32, #tpu.memory_space<hbm>>
          %dma_wait3A_101 = tpu.memref_squeeze %dma_wait3A_100 : memref<1x1x1x128xi32, #tpu.memory_space<hbm>> -> memref<128xi32, #tpu.memory_space<hbm>>
          %dma_wait3A_102 = arith.constant 0 : i32
          %dma_wait3A_103 = tpu.memref_slice %arg4[%run_scoped3A_87, %add3A, %add3A_70, %dma_wait3A_102] : memref<2x32x79x128xi32, #tpu.memory_space<hbm>> -> memref<1x1x1x128xi32, #tpu.memory_space<hbm>>
          %dma_wait3A_104 = tpu.memref_squeeze %dma_wait3A_103 : memref<1x1x1x128xi32, #tpu.memory_space<hbm>> -> memref<128xi32, #tpu.memory_space<hbm>>
          tpu.wait_dma2 semaphore(%run_scoped3A_92 : memref<!tpu.dma_semaphore, #tpu.memory_space<semaphore_mem>>) src(%dma_wait3A_104 : memref<128xi32, #tpu.memory_space<hbm>>) dst(%arg9 : memref<128xi32, #tpu.memory_space<vmem>>)
          tpu.yield
        }) : () -> ()
        %run_scoped3A_88 = arith.constant 1 : i32
        "tpu.region"() ({
          %run_scoped3A_92 = tpu.sem_alloc : memref<!tpu.dma_semaphore, #tpu.memory_space<semaphore_mem>>
          %dma_start3A_93 = arith.constant 0 : i32
          %dma_start3A_94 = tpu.memref_slice %arg4[%run_scoped3A_88, %add3A, %add3A_70, %dma_start3A_93] : memref<2x32x79x128xi32, #tpu.memory_space<hbm>> -> memref<1x1x1x128xi32, #tpu.memory_space<hbm>>
          %dma_start3A_95 = tpu.memref_squeeze %dma_start3A_94 : memref<1x1x1x128xi32, #tpu.memory_space<hbm>> -> memref<128xi32, #tpu.memory_space<hbm>>
          %dma_start3A_96 = arith.constant 0 : i32
          %dma_start3A_97 = tpu.memref_slice %arg4[%run_scoped3A_88, %add3A, %add3A_70, %dma_start3A_96] : memref<2x32x79x128xi32, #tpu.memory_space<hbm>> -> memref<1x1x1x128xi32, #tpu.memory_space<hbm>>
          %dma_start3A_98 = tpu.memref_squeeze %dma_start3A_97 : memref<1x1x1x128xi32, #tpu.memory_space<hbm>> -> memref<128xi32, #tpu.memory_space<hbm>>
          tpu.enqueue_dma source(%dma_start3A_98 : memref<128xi32, #tpu.memory_space<hbm>>) target(%arg11 : memref<128xi32, #tpu.memory_space<vmem>>) target_semaphore(%run_scoped3A_92 : memref<!tpu.dma_semaphore, #tpu.memory_space<semaphore_mem>>)
          %dma_wait3A_99 = arith.constant 0 : i32
          %dma_wait3A_100 = tpu.memref_slice %arg4[%run_scoped3A_88, %add3A, %add3A_70, %dma_wait3A_99] : memref<2x32x79x128xi32, #tpu.memory_space<hbm>> -> memref<1x1x1x128xi32, #tpu.memory_space<hbm>>
          %dma_wait3A_101 = tpu.memref_squeeze %dma_wait3A_100 : memref<1x1x1x128xi32, #tpu.memory_space<hbm>> -> memref<128xi32, #tpu.memory_space<hbm>>
          %dma_wait3A_102 = arith.constant 0 : i32
          %dma_wait3A_103 = tpu.memref_slice %arg4[%run_scoped3A_88, %add3A, %add3A_70, %dma_wait3A_102] : memref<2x32x79x128xi32, #tpu.memory_space<hbm>> -> memref<1x1x1x128xi32, #tpu.memory_space<hbm>>
          %dma_wait3A_104 = tpu.memref_squeeze %dma_wait3A_103 : memref<1x1x1x128xi32, #tpu.memory_space<hbm>> -> memref<128xi32, #tpu.memory_space<hbm>>
          tpu.wait_dma2 semaphore(%run_scoped3A_92 : memref<!tpu.dma_semaphore, #tpu.memory_space<semaphore_mem>>) src(%dma_wait3A_104 : memref<128xi32, #tpu.memory_space<hbm>>) dst(%arg11 : memref<128xi32, #tpu.memory_space<vmem>>)
          tpu.yield
        }) : () -> ()
        %dma_start3A_89 = arith.constant 0 : i32
        %dma_start3A_90 = arith.constant 0 : i32
        %dma_start3A_91 = tpu.memref_slice %arg2[%dma_start3A_89, %dma_start3A_90] : memref<10368x128xf32, #tpu.memory_space<hbm>> -> memref<10368x128xf32, #tpu.memory_space<hbm>>
        tpu.enqueue_indirect_dma source(%dma_start3A_91 : memref<10368x128xf32, #tpu.memory_space<hbm>>) target(%arg13 : memref<128x128xf32, #tpu.memory_space<vmem>>) offsets(%arg9 : memref<128xi32, #tpu.memory_space<vmem>>) semaphore(%arg16 : memref<!tpu.dma_semaphore, #tpu.memory_space<semaphore_mem>>)
      } else {
      }
      %dma_wait3A_73 = arith.constant 0 : i32
      %dma_wait3A_74 = arith.constant 0 : i32
      %dma_wait3A_75 = tpu.memref_slice %arg15[%dma_wait3A_73, %dma_wait3A_74] : memref<10368x128xf32, #tpu.memory_space<vmem_shared>> -> memref<10368x128xf32, #tpu.memory_space<vmem_shared>>
      tpu.wait_indirect_dma semaphore(%arg19 : memref<!tpu.dma_semaphore, #tpu.memory_space<semaphore_mem>>) src(%arg14 : memref<128x128xf32, #tpu.memory_space<vmem>>) dst(%dma_wait3A_75 : memref<10368x128xf32, #tpu.memory_space<vmem_shared>>)
      %mul3A_76 = arith.constant 2 : i32
      %mul3A_77 = arith.muli %mul3A_76, %scan3A_49 : i32
      %add3A_78 = arith.constant 1 : i32
      %add3A_79 = arith.addi %mul3A_77, %add3A_78 : i32
      %add3A_80 = arith.constant 2 : i32
      %add3A_81 = arith.addi %add3A_79, %add3A_80 : i32
      %lt3A_82 = arith.constant 79 : i32
      %lt3A_83 = arith.cmpi slt, %add3A_81, %lt3A_82 : i32
      %convert_element_type3A_84 = arith.extui %lt3A_83 : i1 to i32
      %cond3A_85 = arith.constant 0 : i32
      %cond3A_86 = arith.cmpi ne, %convert_element_type3A_84, %cond3A_85 : i32
      scf.if %cond3A_86 {
        %run_scoped3A_87 = arith.constant 0 : i32
        "tpu.region"() ({
          %run_scoped3A_92 = tpu.sem_alloc : memref<!tpu.dma_semaphore, #tpu.memory_space<semaphore_mem>>
          %dma_start3A_93 = arith.constant 0 : i32
          %dma_start3A_94 = tpu.memref_slice %arg4[%run_scoped3A_87, %add3A, %add3A_81, %dma_start3A_93] : memref<2x32x79x128xi32, #tpu.memory_space<hbm>> -> memref<1x1x1x128xi32, #tpu.memory_space<hbm>>
          %dma_start3A_95 = tpu.memref_squeeze %dma_start3A_94 : memref<1x1x1x128xi32, #tpu.memory_space<hbm>> -> memref<128xi32, #tpu.memory_space<hbm>>
          %dma_start3A_96 = arith.constant 0 : i32
          %dma_start3A_97 = tpu.memref_slice %arg4[%run_scoped3A_87, %add3A, %add3A_81, %dma_start3A_96] : memref<2x32x79x128xi32, #tpu.memory_space<hbm>> -> memref<1x1x1x128xi32, #tpu.memory_space<hbm>>
          %dma_start3A_98 = tpu.memref_squeeze %dma_start3A_97 : memref<1x1x1x128xi32, #tpu.memory_space<hbm>> -> memref<128xi32, #tpu.memory_space<hbm>>
          tpu.enqueue_dma source(%dma_start3A_98 : memref<128xi32, #tpu.memory_space<hbm>>) target(%arg10 : memref<128xi32, #tpu.memory_space<vmem>>) target_semaphore(%run_scoped3A_92 : memref<!tpu.dma_semaphore, #tpu.memory_space<semaphore_mem>>)
          %dma_wait3A_99 = arith.constant 0 : i32
          %dma_wait3A_100 = tpu.memref_slice %arg4[%run_scoped3A_87, %add3A, %add3A_81, %dma_wait3A_99] : memref<2x32x79x128xi32, #tpu.memory_space<hbm>> -> memref<1x1x1x128xi32, #tpu.memory_space<hbm>>
          %dma_wait3A_101 = tpu.memref_squeeze %dma_wait3A_100 : memref<1x1x1x128xi32, #tpu.memory_space<hbm>> -> memref<128xi32, #tpu.memory_space<hbm>>
          %dma_wait3A_102 = arith.constant 0 : i32
          %dma_wait3A_103 = tpu.memref_slice %arg4[%run_scoped3A_87, %add3A, %add3A_81, %dma_wait3A_102] : memref<2x32x79x128xi32, #tpu.memory_space<hbm>> -> memref<1x1x1x128xi32, #tpu.memory_space<hbm>>
          %dma_wait3A_104 = tpu.memref_squeeze %dma_wait3A_103 : memref<1x1x1x128xi32, #tpu.memory_space<hbm>> -> memref<128xi32, #tpu.memory_space<hbm>>
          tpu.wait_dma2 semaphore(%run_scoped3A_92 : memref<!tpu.dma_semaphore, #tpu.memory_space<semaphore_mem>>) src(%dma_wait3A_104 : memref<128xi32, #tpu.memory_space<hbm>>) dst(%arg10 : memref<128xi32, #tpu.memory_space<vmem>>)
          tpu.yield
        }) : () -> ()
        %run_scoped3A_88 = arith.constant 1 : i32
        "tpu.region"() ({
          %run_scoped3A_92 = tpu.sem_alloc : memref<!tpu.dma_semaphore, #tpu.memory_space<semaphore_mem>>
          %dma_start3A_93 = arith.constant 0 : i32
          %dma_start3A_94 = tpu.memref_slice %arg4[%run_scoped3A_88, %add3A, %add3A_81, %dma_start3A_93] : memref<2x32x79x128xi32, #tpu.memory_space<hbm>> -> memref<1x1x1x128xi32, #tpu.memory_space<hbm>>
          %dma_start3A_95 = tpu.memref_squeeze %dma_start3A_94 : memref<1x1x1x128xi32, #tpu.memory_space<hbm>> -> memref<128xi32, #tpu.memory_space<hbm>>
          %dma_start3A_96 = arith.constant 0 : i32
          %dma_start3A_97 = tpu.memref_slice %arg4[%run_scoped3A_88, %add3A, %add3A_81, %dma_start3A_96] : memref<2x32x79x128xi32, #tpu.memory_space<hbm>> -> memref<1x1x1x128xi32, #tpu.memory_space<hbm>>
          %dma_start3A_98 = tpu.memref_squeeze %dma_start3A_97 : memref<1x1x1x128xi32, #tpu.memory_space<hbm>> -> memref<128xi32, #tpu.memory_space<hbm>>
          tpu.enqueue_dma source(%dma_start3A_98 : memref<128xi32, #tpu.memory_space<hbm>>) target(%arg12 : memref<128xi32, #tpu.memory_space<vmem>>) target_semaphore(%run_scoped3A_92 : memref<!tpu.dma_semaphore, #tpu.memory_space<semaphore_mem>>)
          %dma_wait3A_99 = arith.constant 0 : i32
          %dma_wait3A_100 = tpu.memref_slice %arg4[%run_scoped3A_88, %add3A, %add3A_81, %dma_wait3A_99] : memref<2x32x79x128xi32, #tpu.memory_space<hbm>> -> memref<1x1x1x128xi32, #tpu.memory_space<hbm>>
          %dma_wait3A_101 = tpu.memref_squeeze %dma_wait3A_100 : memref<1x1x1x128xi32, #tpu.memory_space<hbm>> -> memref<128xi32, #tpu.memory_space<hbm>>
          %dma_wait3A_102 = arith.constant 0 : i32
          %dma_wait3A_103 = tpu.memref_slice %arg4[%run_scoped3A_88, %add3A, %add3A_81, %dma_wait3A_102] : memref<2x32x79x128xi32, #tpu.memory_space<hbm>> -> memref<1x1x1x128xi32, #tpu.memory_space<hbm>>
          %dma_wait3A_104 = tpu.memref_squeeze %dma_wait3A_103 : memref<1x1x1x128xi32, #tpu.memory_space<hbm>> -> memref<128xi32, #tpu.memory_space<hbm>>
          tpu.wait_dma2 semaphore(%run_scoped3A_92 : memref<!tpu.dma_semaphore, #tpu.memory_space<semaphore_mem>>) src(%dma_wait3A_104 : memref<128xi32, #tpu.memory_space<hbm>>) dst(%arg12 : memref<128xi32, #tpu.memory_space<vmem>>)
          tpu.yield
        }) : () -> ()
        %dma_start3A_89 = arith.constant 0 : i32
        %dma_start3A_90 = arith.constant 0 : i32
        %dma_start3A_91 = tpu.memref_slice %arg2[%dma_start3A_89, %dma_start3A_90] : memref<10368x128xf32, #tpu.memory_space<hbm>> -> memref<10368x128xf32, #tpu.memory_space<hbm>>
        tpu.enqueue_indirect_dma source(%dma_start3A_91 : memref<10368x128xf32, #tpu.memory_space<hbm>>) target(%arg14 : memref<128x128xf32, #tpu.memory_space<vmem>>) offsets(%arg10 : memref<128xi32, #tpu.memory_space<vmem>>) semaphore(%arg17 : memref<!tpu.dma_semaphore, #tpu.memory_space<semaphore_mem>>)
      } else {
      }
    }
    %scan3A_19 = arith.constant 39 : i32
    %dma_wait3A = arith.constant 0 : i32
    %dma_wait3A_20 = arith.constant 0 : i32
    %dma_wait3A_21 = tpu.memref_slice %arg2[%dma_wait3A, %dma_wait3A_20] : memref<10368x128xf32, #tpu.memory_space<hbm>> -> memref<10368x128xf32, #tpu.memory_space<hbm>>
    tpu.wait_indirect_dma semaphore(%arg16 : memref<!tpu.dma_semaphore, #tpu.memory_space<semaphore_mem>>) src(%dma_wait3A_21 : memref<10368x128xf32, #tpu.memory_space<hbm>>) dst(%arg13 : memref<128x128xf32, #tpu.memory_space<vmem>>)
    "tpu.region"() ({
      %run_scoped3A_49 = tpu.sem_alloc : memref<!tpu.dma_semaphore, #tpu.memory_space<semaphore_mem>>
      %dma_start3A_50 = arith.constant 0 : i32
      %dma_start3A_51 = arith.constant 0 : i32
      %dma_start3A_52 = tpu.memref_slice %arg15[%dma_start3A_50, %dma_start3A_51] : memref<10368x128xf32, #tpu.memory_space<vmem_shared>> -> memref<10368x128xf32, #tpu.memory_space<vmem_shared>>
      tpu.enqueue_indirect_dma source(%arg13 : memref<128x128xf32, #tpu.memory_space<vmem>>) target(%dma_start3A_52 : memref<10368x128xf32, #tpu.memory_space<vmem_shared>>) offsets(%arg11 : memref<128xi32, #tpu.memory_space<vmem>>) semaphore(%run_scoped3A_49 : memref<!tpu.dma_semaphore, #tpu.memory_space<semaphore_mem>>) {add = true}
      %dma_wait3A_53 = arith.constant 0 : i32
      %dma_wait3A_54 = arith.constant 0 : i32
      %dma_wait3A_55 = tpu.memref_slice %arg15[%dma_wait3A_53, %dma_wait3A_54] : memref<10368x128xf32, #tpu.memory_space<vmem_shared>> -> memref<10368x128xf32, #tpu.memory_space<vmem_shared>>
      tpu.wait_indirect_dma semaphore(%run_scoped3A_49 : memref<!tpu.dma_semaphore, #tpu.memory_space<semaphore_mem>>) src(%arg13 : memref<128x128xf32, #tpu.memory_space<vmem>>) dst(%dma_wait3A_55 : memref<10368x128xf32, #tpu.memory_space<vmem_shared>>)
      tpu.yield
    }) : () -> ()
    %barrier3A_22 = arith.constant 0 : index
    tpu.barrier barrier_id(%barrier3A_22)
    "tpu.region"() ({
      %run_scoped3A_49 = tpu.sem_alloc : memref<!tpu.dma_semaphore, #tpu.memory_space<semaphore_mem>>
      %dma_start3A_50 = arith.constant 0 : i32
      %dma_start3A_51 = tpu.memref_slice %arg7[%arg0, %mul3A_2, %dma_start3A_50] : memref<2x10368x128xf32, #tpu.memory_space<hbm>> -> memref<1x648x128xf32, #tpu.memory_space<hbm>>
      %dma_start3A_52 = tpu.memref_squeeze %dma_start3A_51 : memref<1x648x128xf32, #tpu.memory_space<hbm>> -> memref<648x128xf32, #tpu.memory_space<hbm>>
      %dma_start3A_53 = arith.constant 0 : i32
      %dma_start3A_54 = tpu.memref_slice %arg15[%mul3A_2, %dma_start3A_53] : memref<10368x128xf32, #tpu.memory_space<vmem_shared>> -> memref<648x128xf32, #tpu.memory_space<vmem_shared>>
      tpu.enqueue_dma source(%dma_start3A_54 : memref<648x128xf32, #tpu.memory_space<vmem_shared>>) target(%dma_start3A_52 : memref<648x128xf32, #tpu.memory_space<hbm>>) target_semaphore(%run_scoped3A_49 : memref<!tpu.dma_semaphore, #tpu.memory_space<semaphore_mem>>)
      %dma_wait3A_55 = arith.constant 0 : i32
      %dma_wait3A_56 = tpu.memref_slice %arg7[%arg0, %mul3A_2, %dma_wait3A_55] : memref<2x10368x128xf32, #tpu.memory_space<hbm>> -> memref<1x648x128xf32, #tpu.memory_space<hbm>>
      %dma_wait3A_57 = tpu.memref_squeeze %dma_wait3A_56 : memref<1x648x128xf32, #tpu.memory_space<hbm>> -> memref<648x128xf32, #tpu.memory_space<hbm>>
      %dma_wait3A_58 = arith.constant 0 : i32
      %dma_wait3A_59 = tpu.memref_slice %arg15[%mul3A_2, %dma_wait3A_58] : memref<10368x128xf32, #tpu.memory_space<vmem_shared>> -> memref<648x128xf32, #tpu.memory_space<vmem_shared>>
      tpu.wait_dma2 semaphore(%run_scoped3A_49 : memref<!tpu.dma_semaphore, #tpu.memory_space<semaphore_mem>>) src(%dma_wait3A_59 : memref<648x128xf32, #tpu.memory_space<vmem_shared>>) dst(%dma_wait3A_57 : memref<648x128xf32, #tpu.memory_space<hbm>>)
      tpu.yield
    }) : () -> ()
    %barrier3A_23 = arith.constant 0 : index
    tpu.barrier barrier_id(%barrier3A_23)
    "tpu.region"() ({
      %run_scoped3A_49 = tpu.sem_alloc : memref<!tpu.dma_semaphore, #tpu.memory_space<semaphore_mem>>
      %dma_start3A_50 = arith.constant 0 : i32
      %dma_start3A_51 = tpu.memref_slice %arg15[%mul3A_2, %dma_start3A_50] : memref<10368x128xf32, #tpu.memory_space<vmem_shared>> -> memref<648x128xf32, #tpu.memory_space<vmem_shared>>
      %dma_start3A_52 = arith.constant 0 : i32
      %dma_start3A_53 = tpu.memref_slice %arg6[%mul3A_2, %dma_start3A_52] : memref<10368x128xf32, #tpu.memory_space<hbm>> -> memref<648x128xf32, #tpu.memory_space<hbm>>
      tpu.enqueue_dma source(%dma_start3A_53 : memref<648x128xf32, #tpu.memory_space<hbm>>) target(%dma_start3A_51 : memref<648x128xf32, #tpu.memory_space<vmem_shared>>) target_semaphore(%run_scoped3A_49 : memref<!tpu.dma_semaphore, #tpu.memory_space<semaphore_mem>>)
      %dma_wait3A_54 = arith.constant 0 : i32
      %dma_wait3A_55 = tpu.memref_slice %arg15[%mul3A_2, %dma_wait3A_54] : memref<10368x128xf32, #tpu.memory_space<vmem_shared>> -> memref<648x128xf32, #tpu.memory_space<vmem_shared>>
      %dma_wait3A_56 = arith.constant 0 : i32
      %dma_wait3A_57 = tpu.memref_slice %arg6[%mul3A_2, %dma_wait3A_56] : memref<10368x128xf32, #tpu.memory_space<hbm>> -> memref<648x128xf32, #tpu.memory_space<hbm>>
      tpu.wait_dma2 semaphore(%run_scoped3A_49 : memref<!tpu.dma_semaphore, #tpu.memory_space<semaphore_mem>>) src(%dma_wait3A_57 : memref<648x128xf32, #tpu.memory_space<hbm>>) dst(%dma_wait3A_55 : memref<648x128xf32, #tpu.memory_space<vmem_shared>>)
      tpu.yield
    }) : () -> ()
    %barrier3A_24 = arith.constant 0 : index
    tpu.barrier barrier_id(%barrier3A_24)
    %run_scoped3A_25 = arith.constant 0 : i32
    %run_scoped3A_26 = arith.constant 0 : i32
    "tpu.region"() ({
      %run_scoped3A_49 = tpu.sem_alloc : memref<!tpu.dma_semaphore, #tpu.memory_space<semaphore_mem>>
      %dma_start3A_50 = arith.constant 0 : i32
      %dma_start3A_51 = tpu.memref_slice %arg5[%run_scoped3A_25, %add3A, %run_scoped3A_26, %dma_start3A_50] : memref<2x32x79x128xi32, #tpu.memory_space<hbm>> -> memref<1x1x1x128xi32, #tpu.memory_space<hbm>>
      %dma_start3A_52 = tpu.memref_squeeze %dma_start3A_51 : memref<1x1x1x128xi32, #tpu.memory_space<hbm>> -> memref<128xi32, #tpu.memory_space<hbm>>
      %dma_start3A_53 = arith.constant 0 : i32
      %dma_start3A_54 = tpu.memref_slice %arg5[%run_scoped3A_25, %add3A, %run_scoped3A_26, %dma_start3A_53] : memref<2x32x79x128xi32, #tpu.memory_space<hbm>> -> memref<1x1x1x128xi32, #tpu.memory_space<hbm>>
      %dma_start3A_55 = tpu.memref_squeeze %dma_start3A_54 : memref<1x1x1x128xi32, #tpu.memory_space<hbm>> -> memref<128xi32, #tpu.memory_space<hbm>>
      tpu.enqueue_dma source(%dma_start3A_55 : memref<128xi32, #tpu.memory_space<hbm>>) target(%arg9 : memref<128xi32, #tpu.memory_space<vmem>>) target_semaphore(%run_scoped3A_49 : memref<!tpu.dma_semaphore, #tpu.memory_space<semaphore_mem>>)
      %dma_wait3A_56 = arith.constant 0 : i32
      %dma_wait3A_57 = tpu.memref_slice %arg5[%run_scoped3A_25, %add3A, %run_scoped3A_26, %dma_wait3A_56] : memref<2x32x79x128xi32, #tpu.memory_space<hbm>> -> memref<1x1x1x128xi32, #tpu.memory_space<hbm>>
      %dma_wait3A_58 = tpu.memref_squeeze %dma_wait3A_57 : memref<1x1x1x128xi32, #tpu.memory_space<hbm>> -> memref<128xi32, #tpu.memory_space<hbm>>
      %dma_wait3A_59 = arith.constant 0 : i32
      %dma_wait3A_60 = tpu.memref_slice %arg5[%run_scoped3A_25, %add3A, %run_scoped3A_26, %dma_wait3A_59] : memref<2x32x79x128xi32, #tpu.memory_space<hbm>> -> memref<1x1x1x128xi32, #tpu.memory_space<hbm>>
      %dma_wait3A_61 = tpu.memref_squeeze %dma_wait3A_60 : memref<1x1x1x128xi32, #tpu.memory_space<hbm>> -> memref<128xi32, #tpu.memory_space<hbm>>
      tpu.wait_dma2 semaphore(%run_scoped3A_49 : memref<!tpu.dma_semaphore, #tpu.memory_space<semaphore_mem>>) src(%dma_wait3A_61 : memref<128xi32, #tpu.memory_space<hbm>>) dst(%arg9 : memref<128xi32, #tpu.memory_space<vmem>>)
      tpu.yield
    }) : () -> ()
    %run_scoped3A_27 = arith.constant 1 : i32
    %run_scoped3A_28 = arith.constant 0 : i32
    "tpu.region"() ({
      %run_scoped3A_49 = tpu.sem_alloc : memref<!tpu.dma_semaphore, #tpu.memory_space<semaphore_mem>>
      %dma_start3A_50 = arith.constant 0 : i32
      %dma_start3A_51 = tpu.memref_slice %arg5[%run_scoped3A_27, %add3A, %run_scoped3A_28, %dma_start3A_50] : memref<2x32x79x128xi32, #tpu.memory_space<hbm>> -> memref<1x1x1x128xi32, #tpu.memory_space<hbm>>
      %dma_start3A_52 = tpu.memref_squeeze %dma_start3A_51 : memref<1x1x1x128xi32, #tpu.memory_space<hbm>> -> memref<128xi32, #tpu.memory_space<hbm>>
      %dma_start3A_53 = arith.constant 0 : i32
      %dma_start3A_54 = tpu.memref_slice %arg5[%run_scoped3A_27, %add3A, %run_scoped3A_28, %dma_start3A_53] : memref<2x32x79x128xi32, #tpu.memory_space<hbm>> -> memref<1x1x1x128xi32, #tpu.memory_space<hbm>>
      %dma_start3A_55 = tpu.memref_squeeze %dma_start3A_54 : memref<1x1x1x128xi32, #tpu.memory_space<hbm>> -> memref<128xi32, #tpu.memory_space<hbm>>
      tpu.enqueue_dma source(%dma_start3A_55 : memref<128xi32, #tpu.memory_space<hbm>>) target(%arg11 : memref<128xi32, #tpu.memory_space<vmem>>) target_semaphore(%run_scoped3A_49 : memref<!tpu.dma_semaphore, #tpu.memory_space<semaphore_mem>>)
      %dma_wait3A_56 = arith.constant 0 : i32
      %dma_wait3A_57 = tpu.memref_slice %arg5[%run_scoped3A_27, %add3A, %run_scoped3A_28, %dma_wait3A_56] : memref<2x32x79x128xi32, #tpu.memory_space<hbm>> -> memref<1x1x1x128xi32, #tpu.memory_space<hbm>>
      %dma_wait3A_58 = tpu.memref_squeeze %dma_wait3A_57 : memref<1x1x1x128xi32, #tpu.memory_space<hbm>> -> memref<128xi32, #tpu.memory_space<hbm>>
      %dma_wait3A_59 = arith.constant 0 : i32
      %dma_wait3A_60 = tpu.memref_slice %arg5[%run_scoped3A_27, %add3A, %run_scoped3A_28, %dma_wait3A_59] : memref<2x32x79x128xi32, #tpu.memory_space<hbm>> -> memref<1x1x1x128xi32, #tpu.memory_space<hbm>>
      %dma_wait3A_61 = tpu.memref_squeeze %dma_wait3A_60 : memref<1x1x1x128xi32, #tpu.memory_space<hbm>> -> memref<128xi32, #tpu.memory_space<hbm>>
      tpu.wait_dma2 semaphore(%run_scoped3A_49 : memref<!tpu.dma_semaphore, #tpu.memory_space<semaphore_mem>>) src(%dma_wait3A_61 : memref<128xi32, #tpu.memory_space<hbm>>) dst(%arg11 : memref<128xi32, #tpu.memory_space<vmem>>)
      tpu.yield
    }) : () -> ()
    %dma_start3A_29 = arith.constant 0 : i32
    %dma_start3A_30 = arith.constant 0 : i32
    %dma_start3A_31 = tpu.memref_slice %arg3[%dma_start3A_29, %dma_start3A_30] : memref<10368x128xf32, #tpu.memory_space<hbm>> -> memref<10368x128xf32, #tpu.memory_space<hbm>>
    tpu.enqueue_indirect_dma source(%dma_start3A_31 : memref<10368x128xf32, #tpu.memory_space<hbm>>) target(%arg13 : memref<128x128xf32, #tpu.memory_space<vmem>>) offsets(%arg9 : memref<128xi32, #tpu.memory_space<vmem>>) semaphore(%arg16 : memref<!tpu.dma_semaphore, #tpu.memory_space<semaphore_mem>>)
    %run_scoped3A_32 = arith.constant 0 : i32
    %run_scoped3A_33 = arith.constant 1 : i32
    "tpu.region"() ({
      %run_scoped3A_49 = tpu.sem_alloc : memref<!tpu.dma_semaphore, #tpu.memory_space<semaphore_mem>>
      %dma_start3A_50 = arith.constant 0 : i32
      %dma_start3A_51 = tpu.memref_slice %arg5[%run_scoped3A_32, %add3A, %run_scoped3A_33, %dma_start3A_50] : memref<2x32x79x128xi32, #tpu.memory_space<hbm>> -> memref<1x1x1x128xi32, #tpu.memory_space<hbm>>
      %dma_start3A_52 = tpu.memref_squeeze %dma_start3A_51 : memref<1x1x1x128xi32, #tpu.memory_space<hbm>> -> memref<128xi32, #tpu.memory_space<hbm>>
      %dma_start3A_53 = arith.constant 0 : i32
      %dma_start3A_54 = tpu.memref_slice %arg5[%run_scoped3A_32, %add3A, %run_scoped3A_33, %dma_start3A_53] : memref<2x32x79x128xi32, #tpu.memory_space<hbm>> -> memref<1x1x1x128xi32, #tpu.memory_space<hbm>>
      %dma_start3A_55 = tpu.memref_squeeze %dma_start3A_54 : memref<1x1x1x128xi32, #tpu.memory_space<hbm>> -> memref<128xi32, #tpu.memory_space<hbm>>
      tpu.enqueue_dma source(%dma_start3A_55 : memref<128xi32, #tpu.memory_space<hbm>>) target(%arg10 : memref<128xi32, #tpu.memory_space<vmem>>) target_semaphore(%run_scoped3A_49 : memref<!tpu.dma_semaphore, #tpu.memory_space<semaphore_mem>>)
      %dma_wait3A_56 = arith.constant 0 : i32
      %dma_wait3A_57 = tpu.memref_slice %arg5[%run_scoped3A_32, %add3A, %run_scoped3A_33, %dma_wait3A_56] : memref<2x32x79x128xi32, #tpu.memory_space<hbm>> -> memref<1x1x1x128xi32, #tpu.memory_space<hbm>>
      %dma_wait3A_58 = tpu.memref_squeeze %dma_wait3A_57 : memref<1x1x1x128xi32, #tpu.memory_space<hbm>> -> memref<128xi32, #tpu.memory_space<hbm>>
      %dma_wait3A_59 = arith.constant 0 : i32
      %dma_wait3A_60 = tpu.memref_slice %arg5[%run_scoped3A_32, %add3A, %run_scoped3A_33, %dma_wait3A_59] : memref<2x32x79x128xi32, #tpu.memory_space<hbm>> -> memref<1x1x1x128xi32, #tpu.memory_space<hbm>>
      %dma_wait3A_61 = tpu.memref_squeeze %dma_wait3A_60 : memref<1x1x1x128xi32, #tpu.memory_space<hbm>> -> memref<128xi32, #tpu.memory_space<hbm>>
      tpu.wait_dma2 semaphore(%run_scoped3A_49 : memref<!tpu.dma_semaphore, #tpu.memory_space<semaphore_mem>>) src(%dma_wait3A_61 : memref<128xi32, #tpu.memory_space<hbm>>) dst(%arg10 : memref<128xi32, #tpu.memory_space<vmem>>)
      tpu.yield
    }) : () -> ()
    %run_scoped3A_34 = arith.constant 1 : i32
    %run_scoped3A_35 = arith.constant 1 : i32
    "tpu.region"() ({
      %run_scoped3A_49 = tpu.sem_alloc : memref<!tpu.dma_semaphore, #tpu.memory_space<semaphore_mem>>
      %dma_start3A_50 = arith.constant 0 : i32
      %dma_start3A_51 = tpu.memref_slice %arg5[%run_scoped3A_34, %add3A, %run_scoped3A_35, %dma_start3A_50] : memref<2x32x79x128xi32, #tpu.memory_space<hbm>> -> memref<1x1x1x128xi32, #tpu.memory_space<hbm>>
      %dma_start3A_52 = tpu.memref_squeeze %dma_start3A_51 : memref<1x1x1x128xi32, #tpu.memory_space<hbm>> -> memref<128xi32, #tpu.memory_space<hbm>>
      %dma_start3A_53 = arith.constant 0 : i32
      %dma_start3A_54 = tpu.memref_slice %arg5[%run_scoped3A_34, %add3A, %run_scoped3A_35, %dma_start3A_53] : memref<2x32x79x128xi32, #tpu.memory_space<hbm>> -> memref<1x1x1x128xi32, #tpu.memory_space<hbm>>
      %dma_start3A_55 = tpu.memref_squeeze %dma_start3A_54 : memref<1x1x1x128xi32, #tpu.memory_space<hbm>> -> memref<128xi32, #tpu.memory_space<hbm>>
      tpu.enqueue_dma source(%dma_start3A_55 : memref<128xi32, #tpu.memory_space<hbm>>) target(%arg12 : memref<128xi32, #tpu.memory_space<vmem>>) target_semaphore(%run_scoped3A_49 : memref<!tpu.dma_semaphore, #tpu.memory_space<semaphore_mem>>)
      %dma_wait3A_56 = arith.constant 0 : i32
      %dma_wait3A_57 = tpu.memref_slice %arg5[%run_scoped3A_34, %add3A, %run_scoped3A_35, %dma_wait3A_56] : memref<2x32x79x128xi32, #tpu.memory_space<hbm>> -> memref<1x1x1x128xi32, #tpu.memory_space<hbm>>
      %dma_wait3A_58 = tpu.memref_squeeze %dma_wait3A_57 : memref<1x1x1x128xi32, #tpu.memory_space<hbm>> -> memref<128xi32, #tpu.memory_space<hbm>>
      %dma_wait3A_59 = arith.constant 0 : i32
      %dma_wait3A_60 = tpu.memref_slice %arg5[%run_scoped3A_34, %add3A, %run_scoped3A_35, %dma_wait3A_59] : memref<2x32x79x128xi32, #tpu.memory_space<hbm>> -> memref<1x1x1x128xi32, #tpu.memory_space<hbm>>
      %dma_wait3A_61 = tpu.memref_squeeze %dma_wait3A_60 : memref<1x1x1x128xi32, #tpu.memory_space<hbm>> -> memref<128xi32, #tpu.memory_space<hbm>>
      tpu.wait_dma2 semaphore(%run_scoped3A_49 : memref<!tpu.dma_semaphore, #tpu.memory_space<semaphore_mem>>) src(%dma_wait3A_61 : memref<128xi32, #tpu.memory_space<hbm>>) dst(%arg12 : memref<128xi32, #tpu.memory_space<vmem>>)
      tpu.yield
    }) : () -> ()
    %dma_start3A_36 = arith.constant 0 : i32
    %dma_start3A_37 = arith.constant 0 : i32
    %dma_start3A_38 = tpu.memref_slice %arg3[%dma_start3A_36, %dma_start3A_37] : memref<10368x128xf32, #tpu.memory_space<hbm>> -> memref<10368x128xf32, #tpu.memory_space<hbm>>
    tpu.enqueue_indirect_dma source(%dma_start3A_38 : memref<10368x128xf32, #tpu.memory_space<hbm>>) target(%arg14 : memref<128x128xf32, #tpu.memory_space<vmem>>) offsets(%arg10 : memref<128xi32, #tpu.memory_space<vmem>>) semaphore(%arg17 : memref<!tpu.dma_semaphore, #tpu.memory_space<semaphore_mem>>)
    %scan3A_39 = arith.constant 0 : i32
    %scan3A_40 = arith.constant 0 : i32
    %scan3A_41 = arith.constant 39 : i32
    %scan3A_42 = arith.addi %scan3A_40, %scan3A_41 : i32
    %scan3A_43 = arith.constant 1 : i32
    scf.for %scan3A_49 = %scan3A_40 to %scan3A_42 step %scan3A_43  : i32 {
      %dma_wait3A_50 = arith.constant 0 : i32
      %dma_wait3A_51 = arith.constant 0 : i32
      %dma_wait3A_52 = tpu.memref_slice %arg3[%dma_wait3A_50, %dma_wait3A_51] : memref<10368x128xf32, #tpu.memory_space<hbm>> -> memref<10368x128xf32, #tpu.memory_space<hbm>>
      tpu.wait_indirect_dma semaphore(%arg16 : memref<!tpu.dma_semaphore, #tpu.memory_space<semaphore_mem>>) src(%dma_wait3A_52 : memref<10368x128xf32, #tpu.memory_space<hbm>>) dst(%arg13 : memref<128x128xf32, #tpu.memory_space<vmem>>)
      %dma_start3A_53 = arith.constant 0 : i32
      %dma_start3A_54 = arith.constant 0 : i32
      %dma_start3A_55 = tpu.memref_slice %arg15[%dma_start3A_53, %dma_start3A_54] : memref<10368x128xf32, #tpu.memory_space<vmem_shared>> -> memref<10368x128xf32, #tpu.memory_space<vmem_shared>>
      tpu.enqueue_indirect_dma source(%arg13 : memref<128x128xf32, #tpu.memory_space<vmem>>) target(%dma_start3A_55 : memref<10368x128xf32, #tpu.memory_space<vmem_shared>>) offsets(%arg11 : memref<128xi32, #tpu.memory_space<vmem>>) semaphore(%arg18 : memref<!tpu.dma_semaphore, #tpu.memory_space<semaphore_mem>>) {add = true}
      %dma_wait3A_56 = arith.constant 0 : i32
      %dma_wait3A_57 = arith.constant 0 : i32
      %dma_wait3A_58 = tpu.memref_slice %arg3[%dma_wait3A_56, %dma_wait3A_57] : memref<10368x128xf32, #tpu.memory_space<hbm>> -> memref<10368x128xf32, #tpu.memory_space<hbm>>
      tpu.wait_indirect_dma semaphore(%arg17 : memref<!tpu.dma_semaphore, #tpu.memory_space<semaphore_mem>>) src(%dma_wait3A_58 : memref<10368x128xf32, #tpu.memory_space<hbm>>) dst(%arg14 : memref<128x128xf32, #tpu.memory_space<vmem>>)
      %dma_start3A_59 = arith.constant 0 : i32
      %dma_start3A_60 = arith.constant 0 : i32
      %dma_start3A_61 = tpu.memref_slice %arg15[%dma_start3A_59, %dma_start3A_60] : memref<10368x128xf32, #tpu.memory_space<vmem_shared>> -> memref<10368x128xf32, #tpu.memory_space<vmem_shared>>
      tpu.enqueue_indirect_dma source(%arg14 : memref<128x128xf32, #tpu.memory_space<vmem>>) target(%dma_start3A_61 : memref<10368x128xf32, #tpu.memory_space<vmem_shared>>) offsets(%arg12 : memref<128xi32, #tpu.memory_space<vmem>>) semaphore(%arg19 : memref<!tpu.dma_semaphore, #tpu.memory_space<semaphore_mem>>) {add = true}
      %dma_wait3A_62 = arith.constant 0 : i32
      %dma_wait3A_63 = arith.constant 0 : i32
      %dma_wait3A_64 = tpu.memref_slice %arg15[%dma_wait3A_62, %dma_wait3A_63] : memref<10368x128xf32, #tpu.memory_space<vmem_shared>> -> memref<10368x128xf32, #tpu.memory_space<vmem_shared>>
      tpu.wait_indirect_dma semaphore(%arg18 : memref<!tpu.dma_semaphore, #tpu.memory_space<semaphore_mem>>) src(%arg13 : memref<128x128xf32, #tpu.memory_space<vmem>>) dst(%dma_wait3A_64 : memref<10368x128xf32, #tpu.memory_space<vmem_shared>>)
      %mul3A_65 = arith.constant 2 : i32
      %mul3A_66 = arith.muli %mul3A_65, %scan3A_49 : i32
      %add3A_67 = arith.constant 0 : i32
      %add3A_68 = arith.addi %mul3A_66, %add3A_67 : i32
      %add3A_69 = arith.constant 2 : i32
      %add3A_70 = arith.addi %add3A_68, %add3A_69 : i32
      %lt3A = arith.constant 79 : i32
      %lt3A_71 = arith.cmpi slt, %add3A_70, %lt3A : i32
      %convert_element_type3A = arith.extui %lt3A_71 : i1 to i32
      %cond3A = arith.constant 0 : i32
      %cond3A_72 = arith.cmpi ne, %convert_element_type3A, %cond3A : i32
      scf.if %cond3A_72 {
        %run_scoped3A_87 = arith.constant 0 : i32
        "tpu.region"() ({
          %run_scoped3A_92 = tpu.sem_alloc : memref<!tpu.dma_semaphore, #tpu.memory_space<semaphore_mem>>
          %dma_start3A_93 = arith.constant 0 : i32
          %dma_start3A_94 = tpu.memref_slice %arg5[%run_scoped3A_87, %add3A, %add3A_70, %dma_start3A_93] : memref<2x32x79x128xi32, #tpu.memory_space<hbm>> -> memref<1x1x1x128xi32, #tpu.memory_space<hbm>>
          %dma_start3A_95 = tpu.memref_squeeze %dma_start3A_94 : memref<1x1x1x128xi32, #tpu.memory_space<hbm>> -> memref<128xi32, #tpu.memory_space<hbm>>
          %dma_start3A_96 = arith.constant 0 : i32
          %dma_start3A_97 = tpu.memref_slice %arg5[%run_scoped3A_87, %add3A, %add3A_70, %dma_start3A_96] : memref<2x32x79x128xi32, #tpu.memory_space<hbm>> -> memref<1x1x1x128xi32, #tpu.memory_space<hbm>>
          %dma_start3A_98 = tpu.memref_squeeze %dma_start3A_97 : memref<1x1x1x128xi32, #tpu.memory_space<hbm>> -> memref<128xi32, #tpu.memory_space<hbm>>
          tpu.enqueue_dma source(%dma_start3A_98 : memref<128xi32, #tpu.memory_space<hbm>>) target(%arg9 : memref<128xi32, #tpu.memory_space<vmem>>) target_semaphore(%run_scoped3A_92 : memref<!tpu.dma_semaphore, #tpu.memory_space<semaphore_mem>>)
          %dma_wait3A_99 = arith.constant 0 : i32
          %dma_wait3A_100 = tpu.memref_slice %arg5[%run_scoped3A_87, %add3A, %add3A_70, %dma_wait3A_99] : memref<2x32x79x128xi32, #tpu.memory_space<hbm>> -> memref<1x1x1x128xi32, #tpu.memory_space<hbm>>
          %dma_wait3A_101 = tpu.memref_squeeze %dma_wait3A_100 : memref<1x1x1x128xi32, #tpu.memory_space<hbm>> -> memref<128xi32, #tpu.memory_space<hbm>>
          %dma_wait3A_102 = arith.constant 0 : i32
          %dma_wait3A_103 = tpu.memref_slice %arg5[%run_scoped3A_87, %add3A, %add3A_70, %dma_wait3A_102] : memref<2x32x79x128xi32, #tpu.memory_space<hbm>> -> memref<1x1x1x128xi32, #tpu.memory_space<hbm>>
          %dma_wait3A_104 = tpu.memref_squeeze %dma_wait3A_103 : memref<1x1x1x128xi32, #tpu.memory_space<hbm>> -> memref<128xi32, #tpu.memory_space<hbm>>
          tpu.wait_dma2 semaphore(%run_scoped3A_92 : memref<!tpu.dma_semaphore, #tpu.memory_space<semaphore_mem>>) src(%dma_wait3A_104 : memref<128xi32, #tpu.memory_space<hbm>>) dst(%arg9 : memref<128xi32, #tpu.memory_space<vmem>>)
          tpu.yield
        }) : () -> ()
        %run_scoped3A_88 = arith.constant 1 : i32
        "tpu.region"() ({
          %run_scoped3A_92 = tpu.sem_alloc : memref<!tpu.dma_semaphore, #tpu.memory_space<semaphore_mem>>
          %dma_start3A_93 = arith.constant 0 : i32
          %dma_start3A_94 = tpu.memref_slice %arg5[%run_scoped3A_88, %add3A, %add3A_70, %dma_start3A_93] : memref<2x32x79x128xi32, #tpu.memory_space<hbm>> -> memref<1x1x1x128xi32, #tpu.memory_space<hbm>>
          %dma_start3A_95 = tpu.memref_squeeze %dma_start3A_94 : memref<1x1x1x128xi32, #tpu.memory_space<hbm>> -> memref<128xi32, #tpu.memory_space<hbm>>
          %dma_start3A_96 = arith.constant 0 : i32
          %dma_start3A_97 = tpu.memref_slice %arg5[%run_scoped3A_88, %add3A, %add3A_70, %dma_start3A_96] : memref<2x32x79x128xi32, #tpu.memory_space<hbm>> -> memref<1x1x1x128xi32, #tpu.memory_space<hbm>>
          %dma_start3A_98 = tpu.memref_squeeze %dma_start3A_97 : memref<1x1x1x128xi32, #tpu.memory_space<hbm>> -> memref<128xi32, #tpu.memory_space<hbm>>
          tpu.enqueue_dma source(%dma_start3A_98 : memref<128xi32, #tpu.memory_space<hbm>>) target(%arg11 : memref<128xi32, #tpu.memory_space<vmem>>) target_semaphore(%run_scoped3A_92 : memref<!tpu.dma_semaphore, #tpu.memory_space<semaphore_mem>>)
          %dma_wait3A_99 = arith.constant 0 : i32
          %dma_wait3A_100 = tpu.memref_slice %arg5[%run_scoped3A_88, %add3A, %add3A_70, %dma_wait3A_99] : memref<2x32x79x128xi32, #tpu.memory_space<hbm>> -> memref<1x1x1x128xi32, #tpu.memory_space<hbm>>
          %dma_wait3A_101 = tpu.memref_squeeze %dma_wait3A_100 : memref<1x1x1x128xi32, #tpu.memory_space<hbm>> -> memref<128xi32, #tpu.memory_space<hbm>>
          %dma_wait3A_102 = arith.constant 0 : i32
          %dma_wait3A_103 = tpu.memref_slice %arg5[%run_scoped3A_88, %add3A, %add3A_70, %dma_wait3A_102] : memref<2x32x79x128xi32, #tpu.memory_space<hbm>> -> memref<1x1x1x128xi32, #tpu.memory_space<hbm>>
          %dma_wait3A_104 = tpu.memref_squeeze %dma_wait3A_103 : memref<1x1x1x128xi32, #tpu.memory_space<hbm>> -> memref<128xi32, #tpu.memory_space<hbm>>
          tpu.wait_dma2 semaphore(%run_scoped3A_92 : memref<!tpu.dma_semaphore, #tpu.memory_space<semaphore_mem>>) src(%dma_wait3A_104 : memref<128xi32, #tpu.memory_space<hbm>>) dst(%arg11 : memref<128xi32, #tpu.memory_space<vmem>>)
          tpu.yield
        }) : () -> ()
        %dma_start3A_89 = arith.constant 0 : i32
        %dma_start3A_90 = arith.constant 0 : i32
        %dma_start3A_91 = tpu.memref_slice %arg3[%dma_start3A_89, %dma_start3A_90] : memref<10368x128xf32, #tpu.memory_space<hbm>> -> memref<10368x128xf32, #tpu.memory_space<hbm>>
        tpu.enqueue_indirect_dma source(%dma_start3A_91 : memref<10368x128xf32, #tpu.memory_space<hbm>>) target(%arg13 : memref<128x128xf32, #tpu.memory_space<vmem>>) offsets(%arg9 : memref<128xi32, #tpu.memory_space<vmem>>) semaphore(%arg16 : memref<!tpu.dma_semaphore, #tpu.memory_space<semaphore_mem>>)
      } else {
      }
      %dma_wait3A_73 = arith.constant 0 : i32
      %dma_wait3A_74 = arith.constant 0 : i32
      %dma_wait3A_75 = tpu.memref_slice %arg15[%dma_wait3A_73, %dma_wait3A_74] : memref<10368x128xf32, #tpu.memory_space<vmem_shared>> -> memref<10368x128xf32, #tpu.memory_space<vmem_shared>>
      tpu.wait_indirect_dma semaphore(%arg19 : memref<!tpu.dma_semaphore, #tpu.memory_space<semaphore_mem>>) src(%arg14 : memref<128x128xf32, #tpu.memory_space<vmem>>) dst(%dma_wait3A_75 : memref<10368x128xf32, #tpu.memory_space<vmem_shared>>)
      %mul3A_76 = arith.constant 2 : i32
      %mul3A_77 = arith.muli %mul3A_76, %scan3A_49 : i32
      %add3A_78 = arith.constant 1 : i32
      %add3A_79 = arith.addi %mul3A_77, %add3A_78 : i32
      %add3A_80 = arith.constant 2 : i32
      %add3A_81 = arith.addi %add3A_79, %add3A_80 : i32
      %lt3A_82 = arith.constant 79 : i32
      %lt3A_83 = arith.cmpi slt, %add3A_81, %lt3A_82 : i32
      %convert_element_type3A_84 = arith.extui %lt3A_83 : i1 to i32
      %cond3A_85 = arith.constant 0 : i32
      %cond3A_86 = arith.cmpi ne, %convert_element_type3A_84, %cond3A_85 : i32
      scf.if %cond3A_86 {
        %run_scoped3A_87 = arith.constant 0 : i32
        "tpu.region"() ({
          %run_scoped3A_92 = tpu.sem_alloc : memref<!tpu.dma_semaphore, #tpu.memory_space<semaphore_mem>>
          %dma_start3A_93 = arith.constant 0 : i32
          %dma_start3A_94 = tpu.memref_slice %arg5[%run_scoped3A_87, %add3A, %add3A_81, %dma_start3A_93] : memref<2x32x79x128xi32, #tpu.memory_space<hbm>> -> memref<1x1x1x128xi32, #tpu.memory_space<hbm>>
          %dma_start3A_95 = tpu.memref_squeeze %dma_start3A_94 : memref<1x1x1x128xi32, #tpu.memory_space<hbm>> -> memref<128xi32, #tpu.memory_space<hbm>>
          %dma_start3A_96 = arith.constant 0 : i32
          %dma_start3A_97 = tpu.memref_slice %arg5[%run_scoped3A_87, %add3A, %add3A_81, %dma_start3A_96] : memref<2x32x79x128xi32, #tpu.memory_space<hbm>> -> memref<1x1x1x128xi32, #tpu.memory_space<hbm>>
          %dma_start3A_98 = tpu.memref_squeeze %dma_start3A_97 : memref<1x1x1x128xi32, #tpu.memory_space<hbm>> -> memref<128xi32, #tpu.memory_space<hbm>>
          tpu.enqueue_dma source(%dma_start3A_98 : memref<128xi32, #tpu.memory_space<hbm>>) target(%arg10 : memref<128xi32, #tpu.memory_space<vmem>>) target_semaphore(%run_scoped3A_92 : memref<!tpu.dma_semaphore, #tpu.memory_space<semaphore_mem>>)
          %dma_wait3A_99 = arith.constant 0 : i32
          %dma_wait3A_100 = tpu.memref_slice %arg5[%run_scoped3A_87, %add3A, %add3A_81, %dma_wait3A_99] : memref<2x32x79x128xi32, #tpu.memory_space<hbm>> -> memref<1x1x1x128xi32, #tpu.memory_space<hbm>>
          %dma_wait3A_101 = tpu.memref_squeeze %dma_wait3A_100 : memref<1x1x1x128xi32, #tpu.memory_space<hbm>> -> memref<128xi32, #tpu.memory_space<hbm>>
          %dma_wait3A_102 = arith.constant 0 : i32
          %dma_wait3A_103 = tpu.memref_slice %arg5[%run_scoped3A_87, %add3A, %add3A_81, %dma_wait3A_102] : memref<2x32x79x128xi32, #tpu.memory_space<hbm>> -> memref<1x1x1x128xi32, #tpu.memory_space<hbm>>
          %dma_wait3A_104 = tpu.memref_squeeze %dma_wait3A_103 : memref<1x1x1x128xi32, #tpu.memory_space<hbm>> -> memref<128xi32, #tpu.memory_space<hbm>>
          tpu.wait_dma2 semaphore(%run_scoped3A_92 : memref<!tpu.dma_semaphore, #tpu.memory_space<semaphore_mem>>) src(%dma_wait3A_104 : memref<128xi32, #tpu.memory_space<hbm>>) dst(%arg10 : memref<128xi32, #tpu.memory_space<vmem>>)
          tpu.yield
        }) : () -> ()
        %run_scoped3A_88 = arith.constant 1 : i32
        "tpu.region"() ({
          %run_scoped3A_92 = tpu.sem_alloc : memref<!tpu.dma_semaphore, #tpu.memory_space<semaphore_mem>>
          %dma_start3A_93 = arith.constant 0 : i32
          %dma_start3A_94 = tpu.memref_slice %arg5[%run_scoped3A_88, %add3A, %add3A_81, %dma_start3A_93] : memref<2x32x79x128xi32, #tpu.memory_space<hbm>> -> memref<1x1x1x128xi32, #tpu.memory_space<hbm>>
          %dma_start3A_95 = tpu.memref_squeeze %dma_start3A_94 : memref<1x1x1x128xi32, #tpu.memory_space<hbm>> -> memref<128xi32, #tpu.memory_space<hbm>>
          %dma_start3A_96 = arith.constant 0 : i32
          %dma_start3A_97 = tpu.memref_slice %arg5[%run_scoped3A_88, %add3A, %add3A_81, %dma_start3A_96] : memref<2x32x79x128xi32, #tpu.memory_space<hbm>> -> memref<1x1x1x128xi32, #tpu.memory_space<hbm>>
          %dma_start3A_98 = tpu.memref_squeeze %dma_start3A_97 : memref<1x1x1x128xi32, #tpu.memory_space<hbm>> -> memref<128xi32, #tpu.memory_space<hbm>>
          tpu.enqueue_dma source(%dma_start3A_98 : memref<128xi32, #tpu.memory_space<hbm>>) target(%arg12 : memref<128xi32, #tpu.memory_space<vmem>>) target_semaphore(%run_scoped3A_92 : memref<!tpu.dma_semaphore, #tpu.memory_space<semaphore_mem>>)
          %dma_wait3A_99 = arith.constant 0 : i32
          %dma_wait3A_100 = tpu.memref_slice %arg5[%run_scoped3A_88, %add3A, %add3A_81, %dma_wait3A_99] : memref<2x32x79x128xi32, #tpu.memory_space<hbm>> -> memref<1x1x1x128xi32, #tpu.memory_space<hbm>>
          %dma_wait3A_101 = tpu.memref_squeeze %dma_wait3A_100 : memref<1x1x1x128xi32, #tpu.memory_space<hbm>> -> memref<128xi32, #tpu.memory_space<hbm>>
          %dma_wait3A_102 = arith.constant 0 : i32
          %dma_wait3A_103 = tpu.memref_slice %arg5[%run_scoped3A_88, %add3A, %add3A_81, %dma_wait3A_102] : memref<2x32x79x128xi32, #tpu.memory_space<hbm>> -> memref<1x1x1x128xi32, #tpu.memory_space<hbm>>
          %dma_wait3A_104 = tpu.memref_squeeze %dma_wait3A_103 : memref<1x1x1x128xi32, #tpu.memory_space<hbm>> -> memref<128xi32, #tpu.memory_space<hbm>>
          tpu.wait_dma2 semaphore(%run_scoped3A_92 : memref<!tpu.dma_semaphore, #tpu.memory_space<semaphore_mem>>) src(%dma_wait3A_104 : memref<128xi32, #tpu.memory_space<hbm>>) dst(%arg12 : memref<128xi32, #tpu.memory_space<vmem>>)
          tpu.yield
        }) : () -> ()
        %dma_start3A_89 = arith.constant 0 : i32
        %dma_start3A_90 = arith.constant 0 : i32
        %dma_start3A_91 = tpu.memref_slice %arg3[%dma_start3A_89, %dma_start3A_90] : memref<10368x128xf32, #tpu.memory_space<hbm>> -> memref<10368x128xf32, #tpu.memory_space<hbm>>
        tpu.enqueue_indirect_dma source(%dma_start3A_91 : memref<10368x128xf32, #tpu.memory_space<hbm>>) target(%arg14 : memref<128x128xf32, #tpu.memory_space<vmem>>) offsets(%arg10 : memref<128xi32, #tpu.memory_space<vmem>>) semaphore(%arg17 : memref<!tpu.dma_semaphore, #tpu.memory_space<semaphore_mem>>)
      } else {
      }
    }
    %scan3A_44 = arith.constant 39 : i32
    %dma_wait3A_45 = arith.constant 0 : i32
    %dma_wait3A_46 = arith.constant 0 : i32
    %dma_wait3A_47 = tpu.memref_slice %arg3[%dma_wait3A_45, %dma_wait3A_46] : memref<10368x128xf32, #tpu.memory_space<hbm>> -> memref<10368x128xf32, #tpu.memory_space<hbm>>
    tpu.wait_indirect_dma semaphore(%arg16 : memref<!tpu.dma_semaphore, #tpu.memory_space<semaphore_mem>>) src(%dma_wait3A_47 : memref<10368x128xf32, #tpu.memory_space<hbm>>) dst(%arg13 : memref<128x128xf32, #tpu.memory_space<vmem>>)
    "tpu.region"() ({
      %run_scoped3A_49 = tpu.sem_alloc : memref<!tpu.dma_semaphore, #tpu.memory_space<semaphore_mem>>
      %dma_start3A_50 = arith.constant 0 : i32
      %dma_start3A_51 = arith.constant 0 : i32
      %dma_start3A_52 = tpu.memref_slice %arg15[%dma_start3A_50, %dma_start3A_51] : memref<10368x128xf32, #tpu.memory_space<vmem_shared>> -> memref<10368x128xf32, #tpu.memory_space<vmem_shared>>
      tpu.enqueue_indirect_dma source(%arg13 : memref<128x128xf32, #tpu.memory_space<vmem>>) target(%dma_start3A_52 : memref<10368x128xf32, #tpu.memory_space<vmem_shared>>) offsets(%arg11 : memref<128xi32, #tpu.memory_space<vmem>>) semaphore(%run_scoped3A_49 : memref<!tpu.dma_semaphore, #tpu.memory_space<semaphore_mem>>) {add = true}
      %dma_wait3A_53 = arith.constant 0 : i32
      %dma_wait3A_54 = arith.constant 0 : i32
      %dma_wait3A_55 = tpu.memref_slice %arg15[%dma_wait3A_53, %dma_wait3A_54] : memref<10368x128xf32, #tpu.memory_space<vmem_shared>> -> memref<10368x128xf32, #tpu.memory_space<vmem_shared>>
      tpu.wait_indirect_dma semaphore(%run_scoped3A_49 : memref<!tpu.dma_semaphore, #tpu.memory_space<semaphore_mem>>) src(%arg13 : memref<128x128xf32, #tpu.memory_space<vmem>>) dst(%dma_wait3A_55 : memref<10368x128xf32, #tpu.memory_space<vmem_shared>>)
      tpu.yield
    }) : () -> ()
    %barrier3A_48 = arith.constant 0 : index
    tpu.barrier barrier_id(%barrier3A_48)
    "tpu.region"() ({
      %run_scoped3A_49 = tpu.sem_alloc : memref<!tpu.dma_semaphore, #tpu.memory_space<semaphore_mem>>
      %dma_start3A_50 = arith.constant 0 : i32
      %dma_start3A_51 = tpu.memref_slice %arg8[%arg0, %mul3A_2, %dma_start3A_50] : memref<2x10368x128xf32, #tpu.memory_space<hbm>> -> memref<1x648x128xf32, #tpu.memory_space<hbm>>
      %dma_start3A_52 = tpu.memref_squeeze %dma_start3A_51 : memref<1x648x128xf32, #tpu.memory_space<hbm>> -> memref<648x128xf32, #tpu.memory_space<hbm>>
      %dma_start3A_53 = arith.constant 0 : i32
      %dma_start3A_54 = tpu.memref_slice %arg15[%mul3A_2, %dma_start3A_53] : memref<10368x128xf32, #tpu.memory_space<vmem_shared>> -> memref<648x128xf32, #tpu.memory_space<vmem_shared>>
      tpu.enqueue_dma source(%dma_start3A_54 : memref<648x128xf32, #tpu.memory_space<vmem_shared>>) target(%dma_start3A_52 : memref<648x128xf32, #tpu.memory_space<hbm>>) target_semaphore(%run_scoped3A_49 : memref<!tpu.dma_semaphore, #tpu.memory_space<semaphore_mem>>)
      %dma_wait3A_55 = arith.constant 0 : i32
      %dma_wait3A_56 = tpu.memref_slice %arg8[%arg0, %mul3A_2, %dma_wait3A_55] : memref<2x10368x128xf32, #tpu.memory_space<hbm>> -> memref<1x648x128xf32, #tpu.memory_space<hbm>>
      %dma_wait3A_57 = tpu.memref_squeeze %dma_wait3A_56 : memref<1x648x128xf32, #tpu.memory_space<hbm>> -> memref<648x128xf32, #tpu.memory_space<hbm>>
      %dma_wait3A_58 = arith.constant 0 : i32
      %dma_wait3A_59 = tpu.memref_slice %arg15[%mul3A_2, %dma_wait3A_58] : memref<10368x128xf32, #tpu.memory_space<vmem_shared>> -> memref<648x128xf32, #tpu.memory_space<vmem_shared>>
      tpu.wait_dma2 semaphore(%run_scoped3A_49 : memref<!tpu.dma_semaphore, #tpu.memory_space<semaphore_mem>>) src(%dma_wait3A_59 : memref<648x128xf32, #tpu.memory_space<vmem_shared>>) dst(%dma_wait3A_57 : memref<648x128xf32, #tpu.memory_space<hbm>>)
      tpu.yield
    }) : () -> ()
    return
  }
}

#map = affine_map<(d0, d1) -> (0, 0)>
#map1 = affine_map<(d0, d1) -> (0, 0, 0, 0)>
#map2 = affine_map<(d0, d1) -> (0, 0, 0)>
module attributes {stable_mosaic.version = 14 : i64} {
  func.func @_seg_body_l1(%arg0: i32, %arg1: i32, %arg2: memref<10368x128xf32, #tpu.memory_space<hbm>>, %arg3: memref<10368x128xf32, #tpu.memory_space<hbm>>, %arg4: memref<2x32x79x128xi32, #tpu.memory_space<hbm>>, %arg5: memref<2x32x79x128xi32, #tpu.memory_space<hbm>>, %arg6: memref<10368x128xf32, #tpu.memory_space<hbm>>, %arg7: memref<128x128xf32, #tpu.memory_space<hbm>>, %arg8: memref<2x10368x128xf32, #tpu.memory_space<hbm>>, %arg9: memref<2x10368x128xf32, #tpu.memory_space<hbm>>, %arg10: memref<2x10368x128xf32, #tpu.memory_space<hbm>>, %arg11: memref<2x10368x128xf32, #tpu.memory_space<hbm>>, %arg12: memref<128xi32, #tpu.memory_space<vmem>>, %arg13: memref<128xi32, #tpu.memory_space<vmem>>, %arg14: memref<128xi32, #tpu.memory_space<vmem>>, %arg15: memref<128xi32, #tpu.memory_space<vmem>>, %arg16: memref<128x128xf32, #tpu.memory_space<vmem>>, %arg17: memref<128x128xf32, #tpu.memory_space<vmem>>, %arg18: memref<10368x128xf32, #tpu.memory_space<vmem_shared>>, %arg19: memref<!tpu.dma_semaphore, #tpu.memory_space<semaphore_mem>>, %arg20: memref<!tpu.dma_semaphore, #tpu.memory_space<semaphore_mem>>, %arg21: memref<!tpu.dma_semaphore, #tpu.memory_space<semaphore_mem>>, %arg22: memref<!tpu.dma_semaphore, #tpu.memory_space<semaphore_mem>>) attributes {dimension_semantics = [#tpu.dimension_semantics<core_parallel>, #tpu.dimension_semantics<subcore_parallel>], iteration_bounds = array<i64: 2, 16>, scalar_prefetch = 0 : i64, scratch_operands = 11 : i64, tpu.core_type = #tpu.core_type<sc_vector_subcore>, window_params = [{transform_indices = #map}, {transform_indices = #map}, {transform_indices = #map1}, {transform_indices = #map1}, {transform_indices = #map}, {transform_indices = #map}, {transform_indices = #map2}, {transform_indices = #map2}, {transform_indices = #map2}, {transform_indices = #map2}]} {
    %mul3A = arith.constant 16 : i32
    %mul3A_0 = arith.muli %arg0, %mul3A : i32
    %add3A = arith.addi %mul3A_0, %arg1 : i32
    %mul3A_1 = arith.constant 648 : i32
    %mul3A_2 = arith.muli %arg1, %mul3A_1 : i32
    "tpu.region"() ({
      %run_scoped3A_75 = tpu.sem_alloc : memref<!tpu.dma_semaphore, #tpu.memory_space<semaphore_mem>>
      %dma_start3A_76 = arith.constant 0 : i32
      %dma_start3A_77 = tpu.memref_slice %arg18[%mul3A_2, %dma_start3A_76] : memref<10368x128xf32, #tpu.memory_space<vmem_shared>> -> memref<648x128xf32, #tpu.memory_space<vmem_shared>>
      %dma_start3A_78 = arith.constant 0 : i32
      %dma_start3A_79 = tpu.memref_slice %arg6[%mul3A_2, %dma_start3A_78] : memref<10368x128xf32, #tpu.memory_space<hbm>> -> memref<648x128xf32, #tpu.memory_space<hbm>>
      tpu.enqueue_dma source(%dma_start3A_79 : memref<648x128xf32, #tpu.memory_space<hbm>>) target(%dma_start3A_77 : memref<648x128xf32, #tpu.memory_space<vmem_shared>>) target_semaphore(%run_scoped3A_75 : memref<!tpu.dma_semaphore, #tpu.memory_space<semaphore_mem>>)
      %dma_wait3A_80 = arith.constant 0 : i32
      %dma_wait3A_81 = tpu.memref_slice %arg18[%mul3A_2, %dma_wait3A_80] : memref<10368x128xf32, #tpu.memory_space<vmem_shared>> -> memref<648x128xf32, #tpu.memory_space<vmem_shared>>
      %dma_wait3A_82 = arith.constant 0 : i32
      %dma_wait3A_83 = tpu.memref_slice %arg6[%mul3A_2, %dma_wait3A_82] : memref<10368x128xf32, #tpu.memory_space<hbm>> -> memref<648x128xf32, #tpu.memory_space<hbm>>
      tpu.wait_dma2 semaphore(%run_scoped3A_75 : memref<!tpu.dma_semaphore, #tpu.memory_space<semaphore_mem>>) src(%dma_wait3A_83 : memref<648x128xf32, #tpu.memory_space<hbm>>) dst(%dma_wait3A_81 : memref<648x128xf32, #tpu.memory_space<vmem_shared>>)
      tpu.yield
    }) : () -> ()
    %barrier3A = arith.constant 0 : index
    tpu.barrier barrier_id(%barrier3A)
    %run_scoped3A = arith.constant 0 : i32
    %run_scoped3A_3 = arith.constant 0 : i32
    "tpu.region"() ({
      %run_scoped3A_75 = tpu.sem_alloc : memref<!tpu.dma_semaphore, #tpu.memory_space<semaphore_mem>>
      %dma_start3A_76 = arith.constant 0 : i32
      %dma_start3A_77 = tpu.memref_slice %arg4[%run_scoped3A, %add3A, %run_scoped3A_3, %dma_start3A_76] : memref<2x32x79x128xi32, #tpu.memory_space<hbm>> -> memref<1x1x1x128xi32, #tpu.memory_space<hbm>>
      %dma_start3A_78 = tpu.memref_squeeze %dma_start3A_77 : memref<1x1x1x128xi32, #tpu.memory_space<hbm>> -> memref<128xi32, #tpu.memory_space<hbm>>
      %dma_start3A_79 = arith.constant 0 : i32
      %dma_start3A_80 = tpu.memref_slice %arg4[%run_scoped3A, %add3A, %run_scoped3A_3, %dma_start3A_79] : memref<2x32x79x128xi32, #tpu.memory_space<hbm>> -> memref<1x1x1x128xi32, #tpu.memory_space<hbm>>
      %dma_start3A_81 = tpu.memref_squeeze %dma_start3A_80 : memref<1x1x1x128xi32, #tpu.memory_space<hbm>> -> memref<128xi32, #tpu.memory_space<hbm>>
      tpu.enqueue_dma source(%dma_start3A_81 : memref<128xi32, #tpu.memory_space<hbm>>) target(%arg12 : memref<128xi32, #tpu.memory_space<vmem>>) target_semaphore(%run_scoped3A_75 : memref<!tpu.dma_semaphore, #tpu.memory_space<semaphore_mem>>)
      %dma_wait3A_82 = arith.constant 0 : i32
      %dma_wait3A_83 = tpu.memref_slice %arg4[%run_scoped3A, %add3A, %run_scoped3A_3, %dma_wait3A_82] : memref<2x32x79x128xi32, #tpu.memory_space<hbm>> -> memref<1x1x1x128xi32, #tpu.memory_space<hbm>>
      %dma_wait3A_84 = tpu.memref_squeeze %dma_wait3A_83 : memref<1x1x1x128xi32, #tpu.memory_space<hbm>> -> memref<128xi32, #tpu.memory_space<hbm>>
      %dma_wait3A_85 = arith.constant 0 : i32
      %dma_wait3A_86 = tpu.memref_slice %arg4[%run_scoped3A, %add3A, %run_scoped3A_3, %dma_wait3A_85] : memref<2x32x79x128xi32, #tpu.memory_space<hbm>> -> memref<1x1x1x128xi32, #tpu.memory_space<hbm>>
      %dma_wait3A_87 = tpu.memref_squeeze %dma_wait3A_86 : memref<1x1x1x128xi32, #tpu.memory_space<hbm>> -> memref<128xi32, #tpu.memory_space<hbm>>
      tpu.wait_dma2 semaphore(%run_scoped3A_75 : memref<!tpu.dma_semaphore, #tpu.memory_space<semaphore_mem>>) src(%dma_wait3A_87 : memref<128xi32, #tpu.memory_space<hbm>>) dst(%arg12 : memref<128xi32, #tpu.memory_space<vmem>>)
      tpu.yield
    }) : () -> ()
    %run_scoped3A_4 = arith.constant 1 : i32
    %run_scoped3A_5 = arith.constant 0 : i32
    "tpu.region"() ({
      %run_scoped3A_75 = tpu.sem_alloc : memref<!tpu.dma_semaphore, #tpu.memory_space<semaphore_mem>>
      %dma_start3A_76 = arith.constant 0 : i32
      %dma_start3A_77 = tpu.memref_slice %arg4[%run_scoped3A_4, %add3A, %run_scoped3A_5, %dma_start3A_76] : memref<2x32x79x128xi32, #tpu.memory_space<hbm>> -> memref<1x1x1x128xi32, #tpu.memory_space<hbm>>
      %dma_start3A_78 = tpu.memref_squeeze %dma_start3A_77 : memref<1x1x1x128xi32, #tpu.memory_space<hbm>> -> memref<128xi32, #tpu.memory_space<hbm>>
      %dma_start3A_79 = arith.constant 0 : i32
      %dma_start3A_80 = tpu.memref_slice %arg4[%run_scoped3A_4, %add3A, %run_scoped3A_5, %dma_start3A_79] : memref<2x32x79x128xi32, #tpu.memory_space<hbm>> -> memref<1x1x1x128xi32, #tpu.memory_space<hbm>>
      %dma_start3A_81 = tpu.memref_squeeze %dma_start3A_80 : memref<1x1x1x128xi32, #tpu.memory_space<hbm>> -> memref<128xi32, #tpu.memory_space<hbm>>
      tpu.enqueue_dma source(%dma_start3A_81 : memref<128xi32, #tpu.memory_space<hbm>>) target(%arg14 : memref<128xi32, #tpu.memory_space<vmem>>) target_semaphore(%run_scoped3A_75 : memref<!tpu.dma_semaphore, #tpu.memory_space<semaphore_mem>>)
      %dma_wait3A_82 = arith.constant 0 : i32
      %dma_wait3A_83 = tpu.memref_slice %arg4[%run_scoped3A_4, %add3A, %run_scoped3A_5, %dma_wait3A_82] : memref<2x32x79x128xi32, #tpu.memory_space<hbm>> -> memref<1x1x1x128xi32, #tpu.memory_space<hbm>>
      %dma_wait3A_84 = tpu.memref_squeeze %dma_wait3A_83 : memref<1x1x1x128xi32, #tpu.memory_space<hbm>> -> memref<128xi32, #tpu.memory_space<hbm>>
      %dma_wait3A_85 = arith.constant 0 : i32
      %dma_wait3A_86 = tpu.memref_slice %arg4[%run_scoped3A_4, %add3A, %run_scoped3A_5, %dma_wait3A_85] : memref<2x32x79x128xi32, #tpu.memory_space<hbm>> -> memref<1x1x1x128xi32, #tpu.memory_space<hbm>>
      %dma_wait3A_87 = tpu.memref_squeeze %dma_wait3A_86 : memref<1x1x1x128xi32, #tpu.memory_space<hbm>> -> memref<128xi32, #tpu.memory_space<hbm>>
      tpu.wait_dma2 semaphore(%run_scoped3A_75 : memref<!tpu.dma_semaphore, #tpu.memory_space<semaphore_mem>>) src(%dma_wait3A_87 : memref<128xi32, #tpu.memory_space<hbm>>) dst(%arg14 : memref<128xi32, #tpu.memory_space<vmem>>)
      tpu.yield
    }) : () -> ()
    %dma_start3A = arith.constant 0 : i32
    %dma_start3A_6 = arith.constant 0 : i32
    %dma_start3A_7 = tpu.memref_slice %arg2[%dma_start3A, %dma_start3A_6] : memref<10368x128xf32, #tpu.memory_space<hbm>> -> memref<10368x128xf32, #tpu.memory_space<hbm>>
    tpu.enqueue_indirect_dma source(%dma_start3A_7 : memref<10368x128xf32, #tpu.memory_space<hbm>>) target(%arg16 : memref<128x128xf32, #tpu.memory_space<vmem>>) offsets(%arg12 : memref<128xi32, #tpu.memory_space<vmem>>) semaphore(%arg19 : memref<!tpu.dma_semaphore, #tpu.memory_space<semaphore_mem>>)
    %run_scoped3A_8 = arith.constant 0 : i32
    %run_scoped3A_9 = arith.constant 1 : i32
    "tpu.region"() ({
      %run_scoped3A_75 = tpu.sem_alloc : memref<!tpu.dma_semaphore, #tpu.memory_space<semaphore_mem>>
      %dma_start3A_76 = arith.constant 0 : i32
      %dma_start3A_77 = tpu.memref_slice %arg4[%run_scoped3A_8, %add3A, %run_scoped3A_9, %dma_start3A_76] : memref<2x32x79x128xi32, #tpu.memory_space<hbm>> -> memref<1x1x1x128xi32, #tpu.memory_space<hbm>>
      %dma_start3A_78 = tpu.memref_squeeze %dma_start3A_77 : memref<1x1x1x128xi32, #tpu.memory_space<hbm>> -> memref<128xi32, #tpu.memory_space<hbm>>
      %dma_start3A_79 = arith.constant 0 : i32
      %dma_start3A_80 = tpu.memref_slice %arg4[%run_scoped3A_8, %add3A, %run_scoped3A_9, %dma_start3A_79] : memref<2x32x79x128xi32, #tpu.memory_space<hbm>> -> memref<1x1x1x128xi32, #tpu.memory_space<hbm>>
      %dma_start3A_81 = tpu.memref_squeeze %dma_start3A_80 : memref<1x1x1x128xi32, #tpu.memory_space<hbm>> -> memref<128xi32, #tpu.memory_space<hbm>>
      tpu.enqueue_dma source(%dma_start3A_81 : memref<128xi32, #tpu.memory_space<hbm>>) target(%arg13 : memref<128xi32, #tpu.memory_space<vmem>>) target_semaphore(%run_scoped3A_75 : memref<!tpu.dma_semaphore, #tpu.memory_space<semaphore_mem>>)
      %dma_wait3A_82 = arith.constant 0 : i32
      %dma_wait3A_83 = tpu.memref_slice %arg4[%run_scoped3A_8, %add3A, %run_scoped3A_9, %dma_wait3A_82] : memref<2x32x79x128xi32, #tpu.memory_space<hbm>> -> memref<1x1x1x128xi32, #tpu.memory_space<hbm>>
      %dma_wait3A_84 = tpu.memref_squeeze %dma_wait3A_83 : memref<1x1x1x128xi32, #tpu.memory_space<hbm>> -> memref<128xi32, #tpu.memory_space<hbm>>
      %dma_wait3A_85 = arith.constant 0 : i32
      %dma_wait3A_86 = tpu.memref_slice %arg4[%run_scoped3A_8, %add3A, %run_scoped3A_9, %dma_wait3A_85] : memref<2x32x79x128xi32, #tpu.memory_space<hbm>> -> memref<1x1x1x128xi32, #tpu.memory_space<hbm>>
      %dma_wait3A_87 = tpu.memref_squeeze %dma_wait3A_86 : memref<1x1x1x128xi32, #tpu.memory_space<hbm>> -> memref<128xi32, #tpu.memory_space<hbm>>
      tpu.wait_dma2 semaphore(%run_scoped3A_75 : memref<!tpu.dma_semaphore, #tpu.memory_space<semaphore_mem>>) src(%dma_wait3A_87 : memref<128xi32, #tpu.memory_space<hbm>>) dst(%arg13 : memref<128xi32, #tpu.memory_space<vmem>>)
      tpu.yield
    }) : () -> ()
    %run_scoped3A_10 = arith.constant 1 : i32
    %run_scoped3A_11 = arith.constant 1 : i32
    "tpu.region"() ({
      %run_scoped3A_75 = tpu.sem_alloc : memref<!tpu.dma_semaphore, #tpu.memory_space<semaphore_mem>>
      %dma_start3A_76 = arith.constant 0 : i32
      %dma_start3A_77 = tpu.memref_slice %arg4[%run_scoped3A_10, %add3A, %run_scoped3A_11, %dma_start3A_76] : memref<2x32x79x128xi32, #tpu.memory_space<hbm>> -> memref<1x1x1x128xi32, #tpu.memory_space<hbm>>
      %dma_start3A_78 = tpu.memref_squeeze %dma_start3A_77 : memref<1x1x1x128xi32, #tpu.memory_space<hbm>> -> memref<128xi32, #tpu.memory_space<hbm>>
      %dma_start3A_79 = arith.constant 0 : i32
      %dma_start3A_80 = tpu.memref_slice %arg4[%run_scoped3A_10, %add3A, %run_scoped3A_11, %dma_start3A_79] : memref<2x32x79x128xi32, #tpu.memory_space<hbm>> -> memref<1x1x1x128xi32, #tpu.memory_space<hbm>>
      %dma_start3A_81 = tpu.memref_squeeze %dma_start3A_80 : memref<1x1x1x128xi32, #tpu.memory_space<hbm>> -> memref<128xi32, #tpu.memory_space<hbm>>
      tpu.enqueue_dma source(%dma_start3A_81 : memref<128xi32, #tpu.memory_space<hbm>>) target(%arg15 : memref<128xi32, #tpu.memory_space<vmem>>) target_semaphore(%run_scoped3A_75 : memref<!tpu.dma_semaphore, #tpu.memory_space<semaphore_mem>>)
      %dma_wait3A_82 = arith.constant 0 : i32
      %dma_wait3A_83 = tpu.memref_slice %arg4[%run_scoped3A_10, %add3A, %run_scoped3A_11, %dma_wait3A_82] : memref<2x32x79x128xi32, #tpu.memory_space<hbm>> -> memref<1x1x1x128xi32, #tpu.memory_space<hbm>>
      %dma_wait3A_84 = tpu.memref_squeeze %dma_wait3A_83 : memref<1x1x1x128xi32, #tpu.memory_space<hbm>> -> memref<128xi32, #tpu.memory_space<hbm>>
      %dma_wait3A_85 = arith.constant 0 : i32
      %dma_wait3A_86 = tpu.memref_slice %arg4[%run_scoped3A_10, %add3A, %run_scoped3A_11, %dma_wait3A_85] : memref<2x32x79x128xi32, #tpu.memory_space<hbm>> -> memref<1x1x1x128xi32, #tpu.memory_space<hbm>>
      %dma_wait3A_87 = tpu.memref_squeeze %dma_wait3A_86 : memref<1x1x1x128xi32, #tpu.memory_space<hbm>> -> memref<128xi32, #tpu.memory_space<hbm>>
      tpu.wait_dma2 semaphore(%run_scoped3A_75 : memref<!tpu.dma_semaphore, #tpu.memory_space<semaphore_mem>>) src(%dma_wait3A_87 : memref<128xi32, #tpu.memory_space<hbm>>) dst(%arg15 : memref<128xi32, #tpu.memory_space<vmem>>)
      tpu.yield
    }) : () -> ()
    %dma_start3A_12 = arith.constant 0 : i32
    %dma_start3A_13 = arith.constant 0 : i32
    %dma_start3A_14 = tpu.memref_slice %arg2[%dma_start3A_12, %dma_start3A_13] : memref<10368x128xf32, #tpu.memory_space<hbm>> -> memref<10368x128xf32, #tpu.memory_space<hbm>>
    tpu.enqueue_indirect_dma source(%dma_start3A_14 : memref<10368x128xf32, #tpu.memory_space<hbm>>) target(%arg17 : memref<128x128xf32, #tpu.memory_space<vmem>>) offsets(%arg13 : memref<128xi32, #tpu.memory_space<vmem>>) semaphore(%arg20 : memref<!tpu.dma_semaphore, #tpu.memory_space<semaphore_mem>>)
    %scan3A = arith.constant 0 : i32
    %scan3A_15 = arith.constant 0 : i32
    %scan3A_16 = arith.constant 39 : i32
    %scan3A_17 = arith.addi %scan3A_15, %scan3A_16 : i32
    %scan3A_18 = arith.constant 1 : i32
    scf.for %scan3A_75 = %scan3A_15 to %scan3A_17 step %scan3A_18  : i32 {
      %dma_wait3A_76 = arith.constant 0 : i32
      %dma_wait3A_77 = arith.constant 0 : i32
      %dma_wait3A_78 = tpu.memref_slice %arg2[%dma_wait3A_76, %dma_wait3A_77] : memref<10368x128xf32, #tpu.memory_space<hbm>> -> memref<10368x128xf32, #tpu.memory_space<hbm>>
      tpu.wait_indirect_dma semaphore(%arg19 : memref<!tpu.dma_semaphore, #tpu.memory_space<semaphore_mem>>) src(%dma_wait3A_78 : memref<10368x128xf32, #tpu.memory_space<hbm>>) dst(%arg16 : memref<128x128xf32, #tpu.memory_space<vmem>>)
      %dma_start3A_79 = arith.constant 0 : i32
      %dma_start3A_80 = arith.constant 0 : i32
      %dma_start3A_81 = tpu.memref_slice %arg18[%dma_start3A_79, %dma_start3A_80] : memref<10368x128xf32, #tpu.memory_space<vmem_shared>> -> memref<10368x128xf32, #tpu.memory_space<vmem_shared>>
      tpu.enqueue_indirect_dma source(%arg16 : memref<128x128xf32, #tpu.memory_space<vmem>>) target(%dma_start3A_81 : memref<10368x128xf32, #tpu.memory_space<vmem_shared>>) offsets(%arg14 : memref<128xi32, #tpu.memory_space<vmem>>) semaphore(%arg21 : memref<!tpu.dma_semaphore, #tpu.memory_space<semaphore_mem>>) {add = true}
      %dma_wait3A_82 = arith.constant 0 : i32
      %dma_wait3A_83 = arith.constant 0 : i32
      %dma_wait3A_84 = tpu.memref_slice %arg2[%dma_wait3A_82, %dma_wait3A_83] : memref<10368x128xf32, #tpu.memory_space<hbm>> -> memref<10368x128xf32, #tpu.memory_space<hbm>>
      tpu.wait_indirect_dma semaphore(%arg20 : memref<!tpu.dma_semaphore, #tpu.memory_space<semaphore_mem>>) src(%dma_wait3A_84 : memref<10368x128xf32, #tpu.memory_space<hbm>>) dst(%arg17 : memref<128x128xf32, #tpu.memory_space<vmem>>)
      %dma_start3A_85 = arith.constant 0 : i32
      %dma_start3A_86 = arith.constant 0 : i32
      %dma_start3A_87 = tpu.memref_slice %arg18[%dma_start3A_85, %dma_start3A_86] : memref<10368x128xf32, #tpu.memory_space<vmem_shared>> -> memref<10368x128xf32, #tpu.memory_space<vmem_shared>>
      tpu.enqueue_indirect_dma source(%arg17 : memref<128x128xf32, #tpu.memory_space<vmem>>) target(%dma_start3A_87 : memref<10368x128xf32, #tpu.memory_space<vmem_shared>>) offsets(%arg15 : memref<128xi32, #tpu.memory_space<vmem>>) semaphore(%arg22 : memref<!tpu.dma_semaphore, #tpu.memory_space<semaphore_mem>>) {add = true}
      %dma_wait3A_88 = arith.constant 0 : i32
      %dma_wait3A_89 = arith.constant 0 : i32
      %dma_wait3A_90 = tpu.memref_slice %arg18[%dma_wait3A_88, %dma_wait3A_89] : memref<10368x128xf32, #tpu.memory_space<vmem_shared>> -> memref<10368x128xf32, #tpu.memory_space<vmem_shared>>
      tpu.wait_indirect_dma semaphore(%arg21 : memref<!tpu.dma_semaphore, #tpu.memory_space<semaphore_mem>>) src(%arg16 : memref<128x128xf32, #tpu.memory_space<vmem>>) dst(%dma_wait3A_90 : memref<10368x128xf32, #tpu.memory_space<vmem_shared>>)
      %mul3A_91 = arith.constant 2 : i32
      %mul3A_92 = arith.muli %mul3A_91, %scan3A_75 : i32
      %add3A_93 = arith.constant 0 : i32
      %add3A_94 = arith.addi %mul3A_92, %add3A_93 : i32
      %add3A_95 = arith.constant 2 : i32
      %add3A_96 = arith.addi %add3A_94, %add3A_95 : i32
      %lt3A = arith.constant 79 : i32
      %lt3A_97 = arith.cmpi slt, %add3A_96, %lt3A : i32
      %convert_element_type3A = arith.extui %lt3A_97 : i1 to i32
      %cond3A = arith.constant 0 : i32
      %cond3A_98 = arith.cmpi ne, %convert_element_type3A, %cond3A : i32
      scf.if %cond3A_98 {
        %run_scoped3A_113 = arith.constant 0 : i32
        "tpu.region"() ({
          %run_scoped3A_118 = tpu.sem_alloc : memref<!tpu.dma_semaphore, #tpu.memory_space<semaphore_mem>>
          %dma_start3A_119 = arith.constant 0 : i32
          %dma_start3A_120 = tpu.memref_slice %arg4[%run_scoped3A_113, %add3A, %add3A_96, %dma_start3A_119] : memref<2x32x79x128xi32, #tpu.memory_space<hbm>> -> memref<1x1x1x128xi32, #tpu.memory_space<hbm>>
          %dma_start3A_121 = tpu.memref_squeeze %dma_start3A_120 : memref<1x1x1x128xi32, #tpu.memory_space<hbm>> -> memref<128xi32, #tpu.memory_space<hbm>>
          %dma_start3A_122 = arith.constant 0 : i32
          %dma_start3A_123 = tpu.memref_slice %arg4[%run_scoped3A_113, %add3A, %add3A_96, %dma_start3A_122] : memref<2x32x79x128xi32, #tpu.memory_space<hbm>> -> memref<1x1x1x128xi32, #tpu.memory_space<hbm>>
          %dma_start3A_124 = tpu.memref_squeeze %dma_start3A_123 : memref<1x1x1x128xi32, #tpu.memory_space<hbm>> -> memref<128xi32, #tpu.memory_space<hbm>>
          tpu.enqueue_dma source(%dma_start3A_124 : memref<128xi32, #tpu.memory_space<hbm>>) target(%arg12 : memref<128xi32, #tpu.memory_space<vmem>>) target_semaphore(%run_scoped3A_118 : memref<!tpu.dma_semaphore, #tpu.memory_space<semaphore_mem>>)
          %dma_wait3A_125 = arith.constant 0 : i32
          %dma_wait3A_126 = tpu.memref_slice %arg4[%run_scoped3A_113, %add3A, %add3A_96, %dma_wait3A_125] : memref<2x32x79x128xi32, #tpu.memory_space<hbm>> -> memref<1x1x1x128xi32, #tpu.memory_space<hbm>>
          %dma_wait3A_127 = tpu.memref_squeeze %dma_wait3A_126 : memref<1x1x1x128xi32, #tpu.memory_space<hbm>> -> memref<128xi32, #tpu.memory_space<hbm>>
          %dma_wait3A_128 = arith.constant 0 : i32
          %dma_wait3A_129 = tpu.memref_slice %arg4[%run_scoped3A_113, %add3A, %add3A_96, %dma_wait3A_128] : memref<2x32x79x128xi32, #tpu.memory_space<hbm>> -> memref<1x1x1x128xi32, #tpu.memory_space<hbm>>
          %dma_wait3A_130 = tpu.memref_squeeze %dma_wait3A_129 : memref<1x1x1x128xi32, #tpu.memory_space<hbm>> -> memref<128xi32, #tpu.memory_space<hbm>>
          tpu.wait_dma2 semaphore(%run_scoped3A_118 : memref<!tpu.dma_semaphore, #tpu.memory_space<semaphore_mem>>) src(%dma_wait3A_130 : memref<128xi32, #tpu.memory_space<hbm>>) dst(%arg12 : memref<128xi32, #tpu.memory_space<vmem>>)
          tpu.yield
        }) : () -> ()
        %run_scoped3A_114 = arith.constant 1 : i32
        "tpu.region"() ({
          %run_scoped3A_118 = tpu.sem_alloc : memref<!tpu.dma_semaphore, #tpu.memory_space<semaphore_mem>>
          %dma_start3A_119 = arith.constant 0 : i32
          %dma_start3A_120 = tpu.memref_slice %arg4[%run_scoped3A_114, %add3A, %add3A_96, %dma_start3A_119] : memref<2x32x79x128xi32, #tpu.memory_space<hbm>> -> memref<1x1x1x128xi32, #tpu.memory_space<hbm>>
          %dma_start3A_121 = tpu.memref_squeeze %dma_start3A_120 : memref<1x1x1x128xi32, #tpu.memory_space<hbm>> -> memref<128xi32, #tpu.memory_space<hbm>>
          %dma_start3A_122 = arith.constant 0 : i32
          %dma_start3A_123 = tpu.memref_slice %arg4[%run_scoped3A_114, %add3A, %add3A_96, %dma_start3A_122] : memref<2x32x79x128xi32, #tpu.memory_space<hbm>> -> memref<1x1x1x128xi32, #tpu.memory_space<hbm>>
          %dma_start3A_124 = tpu.memref_squeeze %dma_start3A_123 : memref<1x1x1x128xi32, #tpu.memory_space<hbm>> -> memref<128xi32, #tpu.memory_space<hbm>>
          tpu.enqueue_dma source(%dma_start3A_124 : memref<128xi32, #tpu.memory_space<hbm>>) target(%arg14 : memref<128xi32, #tpu.memory_space<vmem>>) target_semaphore(%run_scoped3A_118 : memref<!tpu.dma_semaphore, #tpu.memory_space<semaphore_mem>>)
          %dma_wait3A_125 = arith.constant 0 : i32
          %dma_wait3A_126 = tpu.memref_slice %arg4[%run_scoped3A_114, %add3A, %add3A_96, %dma_wait3A_125] : memref<2x32x79x128xi32, #tpu.memory_space<hbm>> -> memref<1x1x1x128xi32, #tpu.memory_space<hbm>>
          %dma_wait3A_127 = tpu.memref_squeeze %dma_wait3A_126 : memref<1x1x1x128xi32, #tpu.memory_space<hbm>> -> memref<128xi32, #tpu.memory_space<hbm>>
          %dma_wait3A_128 = arith.constant 0 : i32
          %dma_wait3A_129 = tpu.memref_slice %arg4[%run_scoped3A_114, %add3A, %add3A_96, %dma_wait3A_128] : memref<2x32x79x128xi32, #tpu.memory_space<hbm>> -> memref<1x1x1x128xi32, #tpu.memory_space<hbm>>
          %dma_wait3A_130 = tpu.memref_squeeze %dma_wait3A_129 : memref<1x1x1x128xi32, #tpu.memory_space<hbm>> -> memref<128xi32, #tpu.memory_space<hbm>>
          tpu.wait_dma2 semaphore(%run_scoped3A_118 : memref<!tpu.dma_semaphore, #tpu.memory_space<semaphore_mem>>) src(%dma_wait3A_130 : memref<128xi32, #tpu.memory_space<hbm>>) dst(%arg14 : memref<128xi32, #tpu.memory_space<vmem>>)
          tpu.yield
        }) : () -> ()
        %dma_start3A_115 = arith.constant 0 : i32
        %dma_start3A_116 = arith.constant 0 : i32
        %dma_start3A_117 = tpu.memref_slice %arg2[%dma_start3A_115, %dma_start3A_116] : memref<10368x128xf32, #tpu.memory_space<hbm>> -> memref<10368x128xf32, #tpu.memory_space<hbm>>
        tpu.enqueue_indirect_dma source(%dma_start3A_117 : memref<10368x128xf32, #tpu.memory_space<hbm>>) target(%arg16 : memref<128x128xf32, #tpu.memory_space<vmem>>) offsets(%arg12 : memref<128xi32, #tpu.memory_space<vmem>>) semaphore(%arg19 : memref<!tpu.dma_semaphore, #tpu.memory_space<semaphore_mem>>)
      } else {
      }
      %dma_wait3A_99 = arith.constant 0 : i32
      %dma_wait3A_100 = arith.constant 0 : i32
      %dma_wait3A_101 = tpu.memref_slice %arg18[%dma_wait3A_99, %dma_wait3A_100] : memref<10368x128xf32, #tpu.memory_space<vmem_shared>> -> memref<10368x128xf32, #tpu.memory_space<vmem_shared>>
      tpu.wait_indirect_dma semaphore(%arg22 : memref<!tpu.dma_semaphore, #tpu.memory_space<semaphore_mem>>) src(%arg17 : memref<128x128xf32, #tpu.memory_space<vmem>>) dst(%dma_wait3A_101 : memref<10368x128xf32, #tpu.memory_space<vmem_shared>>)
      %mul3A_102 = arith.constant 2 : i32
      %mul3A_103 = arith.muli %mul3A_102, %scan3A_75 : i32
      %add3A_104 = arith.constant 1 : i32
      %add3A_105 = arith.addi %mul3A_103, %add3A_104 : i32
      %add3A_106 = arith.constant 2 : i32
      %add3A_107 = arith.addi %add3A_105, %add3A_106 : i32
      %lt3A_108 = arith.constant 79 : i32
      %lt3A_109 = arith.cmpi slt, %add3A_107, %lt3A_108 : i32
      %convert_element_type3A_110 = arith.extui %lt3A_109 : i1 to i32
      %cond3A_111 = arith.constant 0 : i32
      %cond3A_112 = arith.cmpi ne, %convert_element_type3A_110, %cond3A_111 : i32
      scf.if %cond3A_112 {
        %run_scoped3A_113 = arith.constant 0 : i32
        "tpu.region"() ({
          %run_scoped3A_118 = tpu.sem_alloc : memref<!tpu.dma_semaphore, #tpu.memory_space<semaphore_mem>>
          %dma_start3A_119 = arith.constant 0 : i32
          %dma_start3A_120 = tpu.memref_slice %arg4[%run_scoped3A_113, %add3A, %add3A_107, %dma_start3A_119] : memref<2x32x79x128xi32, #tpu.memory_space<hbm>> -> memref<1x1x1x128xi32, #tpu.memory_space<hbm>>
          %dma_start3A_121 = tpu.memref_squeeze %dma_start3A_120 : memref<1x1x1x128xi32, #tpu.memory_space<hbm>> -> memref<128xi32, #tpu.memory_space<hbm>>
          %dma_start3A_122 = arith.constant 0 : i32
          %dma_start3A_123 = tpu.memref_slice %arg4[%run_scoped3A_113, %add3A, %add3A_107, %dma_start3A_122] : memref<2x32x79x128xi32, #tpu.memory_space<hbm>> -> memref<1x1x1x128xi32, #tpu.memory_space<hbm>>
          %dma_start3A_124 = tpu.memref_squeeze %dma_start3A_123 : memref<1x1x1x128xi32, #tpu.memory_space<hbm>> -> memref<128xi32, #tpu.memory_space<hbm>>
          tpu.enqueue_dma source(%dma_start3A_124 : memref<128xi32, #tpu.memory_space<hbm>>) target(%arg13 : memref<128xi32, #tpu.memory_space<vmem>>) target_semaphore(%run_scoped3A_118 : memref<!tpu.dma_semaphore, #tpu.memory_space<semaphore_mem>>)
          %dma_wait3A_125 = arith.constant 0 : i32
          %dma_wait3A_126 = tpu.memref_slice %arg4[%run_scoped3A_113, %add3A, %add3A_107, %dma_wait3A_125] : memref<2x32x79x128xi32, #tpu.memory_space<hbm>> -> memref<1x1x1x128xi32, #tpu.memory_space<hbm>>
          %dma_wait3A_127 = tpu.memref_squeeze %dma_wait3A_126 : memref<1x1x1x128xi32, #tpu.memory_space<hbm>> -> memref<128xi32, #tpu.memory_space<hbm>>
          %dma_wait3A_128 = arith.constant 0 : i32
          %dma_wait3A_129 = tpu.memref_slice %arg4[%run_scoped3A_113, %add3A, %add3A_107, %dma_wait3A_128] : memref<2x32x79x128xi32, #tpu.memory_space<hbm>> -> memref<1x1x1x128xi32, #tpu.memory_space<hbm>>
          %dma_wait3A_130 = tpu.memref_squeeze %dma_wait3A_129 : memref<1x1x1x128xi32, #tpu.memory_space<hbm>> -> memref<128xi32, #tpu.memory_space<hbm>>
          tpu.wait_dma2 semaphore(%run_scoped3A_118 : memref<!tpu.dma_semaphore, #tpu.memory_space<semaphore_mem>>) src(%dma_wait3A_130 : memref<128xi32, #tpu.memory_space<hbm>>) dst(%arg13 : memref<128xi32, #tpu.memory_space<vmem>>)
          tpu.yield
        }) : () -> ()
        %run_scoped3A_114 = arith.constant 1 : i32
        "tpu.region"() ({
          %run_scoped3A_118 = tpu.sem_alloc : memref<!tpu.dma_semaphore, #tpu.memory_space<semaphore_mem>>
          %dma_start3A_119 = arith.constant 0 : i32
          %dma_start3A_120 = tpu.memref_slice %arg4[%run_scoped3A_114, %add3A, %add3A_107, %dma_start3A_119] : memref<2x32x79x128xi32, #tpu.memory_space<hbm>> -> memref<1x1x1x128xi32, #tpu.memory_space<hbm>>
          %dma_start3A_121 = tpu.memref_squeeze %dma_start3A_120 : memref<1x1x1x128xi32, #tpu.memory_space<hbm>> -> memref<128xi32, #tpu.memory_space<hbm>>
          %dma_start3A_122 = arith.constant 0 : i32
          %dma_start3A_123 = tpu.memref_slice %arg4[%run_scoped3A_114, %add3A, %add3A_107, %dma_start3A_122] : memref<2x32x79x128xi32, #tpu.memory_space<hbm>> -> memref<1x1x1x128xi32, #tpu.memory_space<hbm>>
          %dma_start3A_124 = tpu.memref_squeeze %dma_start3A_123 : memref<1x1x1x128xi32, #tpu.memory_space<hbm>> -> memref<128xi32, #tpu.memory_space<hbm>>
          tpu.enqueue_dma source(%dma_start3A_124 : memref<128xi32, #tpu.memory_space<hbm>>) target(%arg15 : memref<128xi32, #tpu.memory_space<vmem>>) target_semaphore(%run_scoped3A_118 : memref<!tpu.dma_semaphore, #tpu.memory_space<semaphore_mem>>)
          %dma_wait3A_125 = arith.constant 0 : i32
          %dma_wait3A_126 = tpu.memref_slice %arg4[%run_scoped3A_114, %add3A, %add3A_107, %dma_wait3A_125] : memref<2x32x79x128xi32, #tpu.memory_space<hbm>> -> memref<1x1x1x128xi32, #tpu.memory_space<hbm>>
          %dma_wait3A_127 = tpu.memref_squeeze %dma_wait3A_126 : memref<1x1x1x128xi32, #tpu.memory_space<hbm>> -> memref<128xi32, #tpu.memory_space<hbm>>
          %dma_wait3A_128 = arith.constant 0 : i32
          %dma_wait3A_129 = tpu.memref_slice %arg4[%run_scoped3A_114, %add3A, %add3A_107, %dma_wait3A_128] : memref<2x32x79x128xi32, #tpu.memory_space<hbm>> -> memref<1x1x1x128xi32, #tpu.memory_space<hbm>>
          %dma_wait3A_130 = tpu.memref_squeeze %dma_wait3A_129 : memref<1x1x1x128xi32, #tpu.memory_space<hbm>> -> memref<128xi32, #tpu.memory_space<hbm>>
          tpu.wait_dma2 semaphore(%run_scoped3A_118 : memref<!tpu.dma_semaphore, #tpu.memory_space<semaphore_mem>>) src(%dma_wait3A_130 : memref<128xi32, #tpu.memory_space<hbm>>) dst(%arg15 : memref<128xi32, #tpu.memory_space<vmem>>)
          tpu.yield
        }) : () -> ()
        %dma_start3A_115 = arith.constant 0 : i32
        %dma_start3A_116 = arith.constant 0 : i32
        %dma_start3A_117 = tpu.memref_slice %arg2[%dma_start3A_115, %dma_start3A_116] : memref<10368x128xf32, #tpu.memory_space<hbm>> -> memref<10368x128xf32, #tpu.memory_space<hbm>>
        tpu.enqueue_indirect_dma source(%dma_start3A_117 : memref<10368x128xf32, #tpu.memory_space<hbm>>) target(%arg17 : memref<128x128xf32, #tpu.memory_space<vmem>>) offsets(%arg13 : memref<128xi32, #tpu.memory_space<vmem>>) semaphore(%arg20 : memref<!tpu.dma_semaphore, #tpu.memory_space<semaphore_mem>>)
      } else {
      }
    }
    %scan3A_19 = arith.constant 39 : i32
    %dma_wait3A = arith.constant 0 : i32
    %dma_wait3A_20 = arith.constant 0 : i32
    %dma_wait3A_21 = tpu.memref_slice %arg2[%dma_wait3A, %dma_wait3A_20] : memref<10368x128xf32, #tpu.memory_space<hbm>> -> memref<10368x128xf32, #tpu.memory_space<hbm>>
    tpu.wait_indirect_dma semaphore(%arg19 : memref<!tpu.dma_semaphore, #tpu.memory_space<semaphore_mem>>) src(%dma_wait3A_21 : memref<10368x128xf32, #tpu.memory_space<hbm>>) dst(%arg16 : memref<128x128xf32, #tpu.memory_space<vmem>>)
    "tpu.region"() ({
      %run_scoped3A_75 = tpu.sem_alloc : memref<!tpu.dma_semaphore, #tpu.memory_space<semaphore_mem>>
      %dma_start3A_76 = arith.constant 0 : i32
      %dma_start3A_77 = arith.constant 0 : i32
      %dma_start3A_78 = tpu.memref_slice %arg18[%dma_start3A_76, %dma_start3A_77] : memref<10368x128xf32, #tpu.memory_space<vmem_shared>> -> memref<10368x128xf32, #tpu.memory_space<vmem_shared>>
      tpu.enqueue_indirect_dma source(%arg16 : memref<128x128xf32, #tpu.memory_space<vmem>>) target(%dma_start3A_78 : memref<10368x128xf32, #tpu.memory_space<vmem_shared>>) offsets(%arg14 : memref<128xi32, #tpu.memory_space<vmem>>) semaphore(%run_scoped3A_75 : memref<!tpu.dma_semaphore, #tpu.memory_space<semaphore_mem>>) {add = true}
      %dma_wait3A_79 = arith.constant 0 : i32
      %dma_wait3A_80 = arith.constant 0 : i32
      %dma_wait3A_81 = tpu.memref_slice %arg18[%dma_wait3A_79, %dma_wait3A_80] : memref<10368x128xf32, #tpu.memory_space<vmem_shared>> -> memref<10368x128xf32, #tpu.memory_space<vmem_shared>>
      tpu.wait_indirect_dma semaphore(%run_scoped3A_75 : memref<!tpu.dma_semaphore, #tpu.memory_space<semaphore_mem>>) src(%arg16 : memref<128x128xf32, #tpu.memory_space<vmem>>) dst(%dma_wait3A_81 : memref<10368x128xf32, #tpu.memory_space<vmem_shared>>)
      tpu.yield
    }) : () -> ()
    %barrier3A_22 = arith.constant 0 : index
    tpu.barrier barrier_id(%barrier3A_22)
    "tpu.region"() ({
      %run_scoped3A_75 = tpu.sem_alloc : memref<!tpu.dma_semaphore, #tpu.memory_space<semaphore_mem>>
      %dma_start3A_76 = arith.constant 0 : i32
      %dma_start3A_77 = tpu.memref_slice %arg8[%arg0, %mul3A_2, %dma_start3A_76] : memref<2x10368x128xf32, #tpu.memory_space<hbm>> -> memref<1x648x128xf32, #tpu.memory_space<hbm>>
      %dma_start3A_78 = tpu.memref_squeeze %dma_start3A_77 : memref<1x648x128xf32, #tpu.memory_space<hbm>> -> memref<648x128xf32, #tpu.memory_space<hbm>>
      %dma_start3A_79 = arith.constant 0 : i32
      %dma_start3A_80 = tpu.memref_slice %arg18[%mul3A_2, %dma_start3A_79] : memref<10368x128xf32, #tpu.memory_space<vmem_shared>> -> memref<648x128xf32, #tpu.memory_space<vmem_shared>>
      tpu.enqueue_dma source(%dma_start3A_80 : memref<648x128xf32, #tpu.memory_space<vmem_shared>>) target(%dma_start3A_78 : memref<648x128xf32, #tpu.memory_space<hbm>>) target_semaphore(%run_scoped3A_75 : memref<!tpu.dma_semaphore, #tpu.memory_space<semaphore_mem>>)
      %dma_wait3A_81 = arith.constant 0 : i32
      %dma_wait3A_82 = tpu.memref_slice %arg8[%arg0, %mul3A_2, %dma_wait3A_81] : memref<2x10368x128xf32, #tpu.memory_space<hbm>> -> memref<1x648x128xf32, #tpu.memory_space<hbm>>
      %dma_wait3A_83 = tpu.memref_squeeze %dma_wait3A_82 : memref<1x648x128xf32, #tpu.memory_space<hbm>> -> memref<648x128xf32, #tpu.memory_space<hbm>>
      %dma_wait3A_84 = arith.constant 0 : i32
      %dma_wait3A_85 = tpu.memref_slice %arg18[%mul3A_2, %dma_wait3A_84] : memref<10368x128xf32, #tpu.memory_space<vmem_shared>> -> memref<648x128xf32, #tpu.memory_space<vmem_shared>>
      tpu.wait_dma2 semaphore(%run_scoped3A_75 : memref<!tpu.dma_semaphore, #tpu.memory_space<semaphore_mem>>) src(%dma_wait3A_85 : memref<648x128xf32, #tpu.memory_space<vmem_shared>>) dst(%dma_wait3A_83 : memref<648x128xf32, #tpu.memory_space<hbm>>)
      tpu.yield
    }) : () -> ()
    %barrier3A_23 = arith.constant 0 : index
    tpu.barrier barrier_id(%barrier3A_23)
    "tpu.region"() ({
      %run_scoped3A_75 = tpu.sem_alloc : memref<!tpu.dma_semaphore, #tpu.memory_space<semaphore_mem>>
      %dma_start3A_76 = arith.constant 0 : i32
      %dma_start3A_77 = tpu.memref_slice %arg18[%mul3A_2, %dma_start3A_76] : memref<10368x128xf32, #tpu.memory_space<vmem_shared>> -> memref<648x128xf32, #tpu.memory_space<vmem_shared>>
      %dma_start3A_78 = arith.constant 0 : i32
      %dma_start3A_79 = tpu.memref_slice %arg6[%mul3A_2, %dma_start3A_78] : memref<10368x128xf32, #tpu.memory_space<hbm>> -> memref<648x128xf32, #tpu.memory_space<hbm>>
      tpu.enqueue_dma source(%dma_start3A_79 : memref<648x128xf32, #tpu.memory_space<hbm>>) target(%dma_start3A_77 : memref<648x128xf32, #tpu.memory_space<vmem_shared>>) target_semaphore(%run_scoped3A_75 : memref<!tpu.dma_semaphore, #tpu.memory_space<semaphore_mem>>)
      %dma_wait3A_80 = arith.constant 0 : i32
      %dma_wait3A_81 = tpu.memref_slice %arg18[%mul3A_2, %dma_wait3A_80] : memref<10368x128xf32, #tpu.memory_space<vmem_shared>> -> memref<648x128xf32, #tpu.memory_space<vmem_shared>>
      %dma_wait3A_82 = arith.constant 0 : i32
      %dma_wait3A_83 = tpu.memref_slice %arg6[%mul3A_2, %dma_wait3A_82] : memref<10368x128xf32, #tpu.memory_space<hbm>> -> memref<648x128xf32, #tpu.memory_space<hbm>>
      tpu.wait_dma2 semaphore(%run_scoped3A_75 : memref<!tpu.dma_semaphore, #tpu.memory_space<semaphore_mem>>) src(%dma_wait3A_83 : memref<648x128xf32, #tpu.memory_space<hbm>>) dst(%dma_wait3A_81 : memref<648x128xf32, #tpu.memory_space<vmem_shared>>)
      tpu.yield
    }) : () -> ()
    %barrier3A_24 = arith.constant 0 : index
    tpu.barrier barrier_id(%barrier3A_24)
    %run_scoped3A_25 = arith.constant 0 : i32
    %run_scoped3A_26 = arith.constant 0 : i32
    "tpu.region"() ({
      %run_scoped3A_75 = tpu.sem_alloc : memref<!tpu.dma_semaphore, #tpu.memory_space<semaphore_mem>>
      %dma_start3A_76 = arith.constant 0 : i32
      %dma_start3A_77 = tpu.memref_slice %arg5[%run_scoped3A_25, %add3A, %run_scoped3A_26, %dma_start3A_76] : memref<2x32x79x128xi32, #tpu.memory_space<hbm>> -> memref<1x1x1x128xi32, #tpu.memory_space<hbm>>
      %dma_start3A_78 = tpu.memref_squeeze %dma_start3A_77 : memref<1x1x1x128xi32, #tpu.memory_space<hbm>> -> memref<128xi32, #tpu.memory_space<hbm>>
      %dma_start3A_79 = arith.constant 0 : i32
      %dma_start3A_80 = tpu.memref_slice %arg5[%run_scoped3A_25, %add3A, %run_scoped3A_26, %dma_start3A_79] : memref<2x32x79x128xi32, #tpu.memory_space<hbm>> -> memref<1x1x1x128xi32, #tpu.memory_space<hbm>>
      %dma_start3A_81 = tpu.memref_squeeze %dma_start3A_80 : memref<1x1x1x128xi32, #tpu.memory_space<hbm>> -> memref<128xi32, #tpu.memory_space<hbm>>
      tpu.enqueue_dma source(%dma_start3A_81 : memref<128xi32, #tpu.memory_space<hbm>>) target(%arg12 : memref<128xi32, #tpu.memory_space<vmem>>) target_semaphore(%run_scoped3A_75 : memref<!tpu.dma_semaphore, #tpu.memory_space<semaphore_mem>>)
      %dma_wait3A_82 = arith.constant 0 : i32
      %dma_wait3A_83 = tpu.memref_slice %arg5[%run_scoped3A_25, %add3A, %run_scoped3A_26, %dma_wait3A_82] : memref<2x32x79x128xi32, #tpu.memory_space<hbm>> -> memref<1x1x1x128xi32, #tpu.memory_space<hbm>>
      %dma_wait3A_84 = tpu.memref_squeeze %dma_wait3A_83 : memref<1x1x1x128xi32, #tpu.memory_space<hbm>> -> memref<128xi32, #tpu.memory_space<hbm>>
      %dma_wait3A_85 = arith.constant 0 : i32
      %dma_wait3A_86 = tpu.memref_slice %arg5[%run_scoped3A_25, %add3A, %run_scoped3A_26, %dma_wait3A_85] : memref<2x32x79x128xi32, #tpu.memory_space<hbm>> -> memref<1x1x1x128xi32, #tpu.memory_space<hbm>>
      %dma_wait3A_87 = tpu.memref_squeeze %dma_wait3A_86 : memref<1x1x1x128xi32, #tpu.memory_space<hbm>> -> memref<128xi32, #tpu.memory_space<hbm>>
      tpu.wait_dma2 semaphore(%run_scoped3A_75 : memref<!tpu.dma_semaphore, #tpu.memory_space<semaphore_mem>>) src(%dma_wait3A_87 : memref<128xi32, #tpu.memory_space<hbm>>) dst(%arg12 : memref<128xi32, #tpu.memory_space<vmem>>)
      tpu.yield
    }) : () -> ()
    %run_scoped3A_27 = arith.constant 1 : i32
    %run_scoped3A_28 = arith.constant 0 : i32
    "tpu.region"() ({
      %run_scoped3A_75 = tpu.sem_alloc : memref<!tpu.dma_semaphore, #tpu.memory_space<semaphore_mem>>
      %dma_start3A_76 = arith.constant 0 : i32
      %dma_start3A_77 = tpu.memref_slice %arg5[%run_scoped3A_27, %add3A, %run_scoped3A_28, %dma_start3A_76] : memref<2x32x79x128xi32, #tpu.memory_space<hbm>> -> memref<1x1x1x128xi32, #tpu.memory_space<hbm>>
      %dma_start3A_78 = tpu.memref_squeeze %dma_start3A_77 : memref<1x1x1x128xi32, #tpu.memory_space<hbm>> -> memref<128xi32, #tpu.memory_space<hbm>>
      %dma_start3A_79 = arith.constant 0 : i32
      %dma_start3A_80 = tpu.memref_slice %arg5[%run_scoped3A_27, %add3A, %run_scoped3A_28, %dma_start3A_79] : memref<2x32x79x128xi32, #tpu.memory_space<hbm>> -> memref<1x1x1x128xi32, #tpu.memory_space<hbm>>
      %dma_start3A_81 = tpu.memref_squeeze %dma_start3A_80 : memref<1x1x1x128xi32, #tpu.memory_space<hbm>> -> memref<128xi32, #tpu.memory_space<hbm>>
      tpu.enqueue_dma source(%dma_start3A_81 : memref<128xi32, #tpu.memory_space<hbm>>) target(%arg14 : memref<128xi32, #tpu.memory_space<vmem>>) target_semaphore(%run_scoped3A_75 : memref<!tpu.dma_semaphore, #tpu.memory_space<semaphore_mem>>)
      %dma_wait3A_82 = arith.constant 0 : i32
      %dma_wait3A_83 = tpu.memref_slice %arg5[%run_scoped3A_27, %add3A, %run_scoped3A_28, %dma_wait3A_82] : memref<2x32x79x128xi32, #tpu.memory_space<hbm>> -> memref<1x1x1x128xi32, #tpu.memory_space<hbm>>
      %dma_wait3A_84 = tpu.memref_squeeze %dma_wait3A_83 : memref<1x1x1x128xi32, #tpu.memory_space<hbm>> -> memref<128xi32, #tpu.memory_space<hbm>>
      %dma_wait3A_85 = arith.constant 0 : i32
      %dma_wait3A_86 = tpu.memref_slice %arg5[%run_scoped3A_27, %add3A, %run_scoped3A_28, %dma_wait3A_85] : memref<2x32x79x128xi32, #tpu.memory_space<hbm>> -> memref<1x1x1x128xi32, #tpu.memory_space<hbm>>
      %dma_wait3A_87 = tpu.memref_squeeze %dma_wait3A_86 : memref<1x1x1x128xi32, #tpu.memory_space<hbm>> -> memref<128xi32, #tpu.memory_space<hbm>>
      tpu.wait_dma2 semaphore(%run_scoped3A_75 : memref<!tpu.dma_semaphore, #tpu.memory_space<semaphore_mem>>) src(%dma_wait3A_87 : memref<128xi32, #tpu.memory_space<hbm>>) dst(%arg14 : memref<128xi32, #tpu.memory_space<vmem>>)
      tpu.yield
    }) : () -> ()
    %dma_start3A_29 = arith.constant 0 : i32
    %dma_start3A_30 = arith.constant 0 : i32
    %dma_start3A_31 = tpu.memref_slice %arg3[%dma_start3A_29, %dma_start3A_30] : memref<10368x128xf32, #tpu.memory_space<hbm>> -> memref<10368x128xf32, #tpu.memory_space<hbm>>
    tpu.enqueue_indirect_dma source(%dma_start3A_31 : memref<10368x128xf32, #tpu.memory_space<hbm>>) target(%arg16 : memref<128x128xf32, #tpu.memory_space<vmem>>) offsets(%arg12 : memref<128xi32, #tpu.memory_space<vmem>>) semaphore(%arg19 : memref<!tpu.dma_semaphore, #tpu.memory_space<semaphore_mem>>)
    %run_scoped3A_32 = arith.constant 0 : i32
    %run_scoped3A_33 = arith.constant 1 : i32
    "tpu.region"() ({
      %run_scoped3A_75 = tpu.sem_alloc : memref<!tpu.dma_semaphore, #tpu.memory_space<semaphore_mem>>
      %dma_start3A_76 = arith.constant 0 : i32
      %dma_start3A_77 = tpu.memref_slice %arg5[%run_scoped3A_32, %add3A, %run_scoped3A_33, %dma_start3A_76] : memref<2x32x79x128xi32, #tpu.memory_space<hbm>> -> memref<1x1x1x128xi32, #tpu.memory_space<hbm>>
      %dma_start3A_78 = tpu.memref_squeeze %dma_start3A_77 : memref<1x1x1x128xi32, #tpu.memory_space<hbm>> -> memref<128xi32, #tpu.memory_space<hbm>>
      %dma_start3A_79 = arith.constant 0 : i32
      %dma_start3A_80 = tpu.memref_slice %arg5[%run_scoped3A_32, %add3A, %run_scoped3A_33, %dma_start3A_79] : memref<2x32x79x128xi32, #tpu.memory_space<hbm>> -> memref<1x1x1x128xi32, #tpu.memory_space<hbm>>
      %dma_start3A_81 = tpu.memref_squeeze %dma_start3A_80 : memref<1x1x1x128xi32, #tpu.memory_space<hbm>> -> memref<128xi32, #tpu.memory_space<hbm>>
      tpu.enqueue_dma source(%dma_start3A_81 : memref<128xi32, #tpu.memory_space<hbm>>) target(%arg13 : memref<128xi32, #tpu.memory_space<vmem>>) target_semaphore(%run_scoped3A_75 : memref<!tpu.dma_semaphore, #tpu.memory_space<semaphore_mem>>)
      %dma_wait3A_82 = arith.constant 0 : i32
      %dma_wait3A_83 = tpu.memref_slice %arg5[%run_scoped3A_32, %add3A, %run_scoped3A_33, %dma_wait3A_82] : memref<2x32x79x128xi32, #tpu.memory_space<hbm>> -> memref<1x1x1x128xi32, #tpu.memory_space<hbm>>
      %dma_wait3A_84 = tpu.memref_squeeze %dma_wait3A_83 : memref<1x1x1x128xi32, #tpu.memory_space<hbm>> -> memref<128xi32, #tpu.memory_space<hbm>>
      %dma_wait3A_85 = arith.constant 0 : i32
      %dma_wait3A_86 = tpu.memref_slice %arg5[%run_scoped3A_32, %add3A, %run_scoped3A_33, %dma_wait3A_85] : memref<2x32x79x128xi32, #tpu.memory_space<hbm>> -> memref<1x1x1x128xi32, #tpu.memory_space<hbm>>
      %dma_wait3A_87 = tpu.memref_squeeze %dma_wait3A_86 : memref<1x1x1x128xi32, #tpu.memory_space<hbm>> -> memref<128xi32, #tpu.memory_space<hbm>>
      tpu.wait_dma2 semaphore(%run_scoped3A_75 : memref<!tpu.dma_semaphore, #tpu.memory_space<semaphore_mem>>) src(%dma_wait3A_87 : memref<128xi32, #tpu.memory_space<hbm>>) dst(%arg13 : memref<128xi32, #tpu.memory_space<vmem>>)
      tpu.yield
    }) : () -> ()
    %run_scoped3A_34 = arith.constant 1 : i32
    %run_scoped3A_35 = arith.constant 1 : i32
    "tpu.region"() ({
      %run_scoped3A_75 = tpu.sem_alloc : memref<!tpu.dma_semaphore, #tpu.memory_space<semaphore_mem>>
      %dma_start3A_76 = arith.constant 0 : i32
      %dma_start3A_77 = tpu.memref_slice %arg5[%run_scoped3A_34, %add3A, %run_scoped3A_35, %dma_start3A_76] : memref<2x32x79x128xi32, #tpu.memory_space<hbm>> -> memref<1x1x1x128xi32, #tpu.memory_space<hbm>>
      %dma_start3A_78 = tpu.memref_squeeze %dma_start3A_77 : memref<1x1x1x128xi32, #tpu.memory_space<hbm>> -> memref<128xi32, #tpu.memory_space<hbm>>
      %dma_start3A_79 = arith.constant 0 : i32
      %dma_start3A_80 = tpu.memref_slice %arg5[%run_scoped3A_34, %add3A, %run_scoped3A_35, %dma_start3A_79] : memref<2x32x79x128xi32, #tpu.memory_space<hbm>> -> memref<1x1x1x128xi32, #tpu.memory_space<hbm>>
      %dma_start3A_81 = tpu.memref_squeeze %dma_start3A_80 : memref<1x1x1x128xi32, #tpu.memory_space<hbm>> -> memref<128xi32, #tpu.memory_space<hbm>>
      tpu.enqueue_dma source(%dma_start3A_81 : memref<128xi32, #tpu.memory_space<hbm>>) target(%arg15 : memref<128xi32, #tpu.memory_space<vmem>>) target_semaphore(%run_scoped3A_75 : memref<!tpu.dma_semaphore, #tpu.memory_space<semaphore_mem>>)
      %dma_wait3A_82 = arith.constant 0 : i32
      %dma_wait3A_83 = tpu.memref_slice %arg5[%run_scoped3A_34, %add3A, %run_scoped3A_35, %dma_wait3A_82] : memref<2x32x79x128xi32, #tpu.memory_space<hbm>> -> memref<1x1x1x128xi32, #tpu.memory_space<hbm>>
      %dma_wait3A_84 = tpu.memref_squeeze %dma_wait3A_83 : memref<1x1x1x128xi32, #tpu.memory_space<hbm>> -> memref<128xi32, #tpu.memory_space<hbm>>
      %dma_wait3A_85 = arith.constant 0 : i32
      %dma_wait3A_86 = tpu.memref_slice %arg5[%run_scoped3A_34, %add3A, %run_scoped3A_35, %dma_wait3A_85] : memref<2x32x79x128xi32, #tpu.memory_space<hbm>> -> memref<1x1x1x128xi32, #tpu.memory_space<hbm>>
      %dma_wait3A_87 = tpu.memref_squeeze %dma_wait3A_86 : memref<1x1x1x128xi32, #tpu.memory_space<hbm>> -> memref<128xi32, #tpu.memory_space<hbm>>
      tpu.wait_dma2 semaphore(%run_scoped3A_75 : memref<!tpu.dma_semaphore, #tpu.memory_space<semaphore_mem>>) src(%dma_wait3A_87 : memref<128xi32, #tpu.memory_space<hbm>>) dst(%arg15 : memref<128xi32, #tpu.memory_space<vmem>>)
      tpu.yield
    }) : () -> ()
    %dma_start3A_36 = arith.constant 0 : i32
    %dma_start3A_37 = arith.constant 0 : i32
    %dma_start3A_38 = tpu.memref_slice %arg3[%dma_start3A_36, %dma_start3A_37] : memref<10368x128xf32, #tpu.memory_space<hbm>> -> memref<10368x128xf32, #tpu.memory_space<hbm>>
    tpu.enqueue_indirect_dma source(%dma_start3A_38 : memref<10368x128xf32, #tpu.memory_space<hbm>>) target(%arg17 : memref<128x128xf32, #tpu.memory_space<vmem>>) offsets(%arg13 : memref<128xi32, #tpu.memory_space<vmem>>) semaphore(%arg20 : memref<!tpu.dma_semaphore, #tpu.memory_space<semaphore_mem>>)
    %scan3A_39 = arith.constant 0 : i32
    %scan3A_40 = arith.constant 0 : i32
    %scan3A_41 = arith.constant 39 : i32
    %scan3A_42 = arith.addi %scan3A_40, %scan3A_41 : i32
    %scan3A_43 = arith.constant 1 : i32
    scf.for %scan3A_75 = %scan3A_40 to %scan3A_42 step %scan3A_43  : i32 {
      %dma_wait3A_76 = arith.constant 0 : i32
      %dma_wait3A_77 = arith.constant 0 : i32
      %dma_wait3A_78 = tpu.memref_slice %arg3[%dma_wait3A_76, %dma_wait3A_77] : memref<10368x128xf32, #tpu.memory_space<hbm>> -> memref<10368x128xf32, #tpu.memory_space<hbm>>
      tpu.wait_indirect_dma semaphore(%arg19 : memref<!tpu.dma_semaphore, #tpu.memory_space<semaphore_mem>>) src(%dma_wait3A_78 : memref<10368x128xf32, #tpu.memory_space<hbm>>) dst(%arg16 : memref<128x128xf32, #tpu.memory_space<vmem>>)
      %dma_start3A_79 = arith.constant 0 : i32
      %dma_start3A_80 = arith.constant 0 : i32
      %dma_start3A_81 = tpu.memref_slice %arg18[%dma_start3A_79, %dma_start3A_80] : memref<10368x128xf32, #tpu.memory_space<vmem_shared>> -> memref<10368x128xf32, #tpu.memory_space<vmem_shared>>
      tpu.enqueue_indirect_dma source(%arg16 : memref<128x128xf32, #tpu.memory_space<vmem>>) target(%dma_start3A_81 : memref<10368x128xf32, #tpu.memory_space<vmem_shared>>) offsets(%arg14 : memref<128xi32, #tpu.memory_space<vmem>>) semaphore(%arg21 : memref<!tpu.dma_semaphore, #tpu.memory_space<semaphore_mem>>) {add = true}
      %dma_wait3A_82 = arith.constant 0 : i32
      %dma_wait3A_83 = arith.constant 0 : i32
      %dma_wait3A_84 = tpu.memref_slice %arg3[%dma_wait3A_82, %dma_wait3A_83] : memref<10368x128xf32, #tpu.memory_space<hbm>> -> memref<10368x128xf32, #tpu.memory_space<hbm>>
      tpu.wait_indirect_dma semaphore(%arg20 : memref<!tpu.dma_semaphore, #tpu.memory_space<semaphore_mem>>) src(%dma_wait3A_84 : memref<10368x128xf32, #tpu.memory_space<hbm>>) dst(%arg17 : memref<128x128xf32, #tpu.memory_space<vmem>>)
      %dma_start3A_85 = arith.constant 0 : i32
      %dma_start3A_86 = arith.constant 0 : i32
      %dma_start3A_87 = tpu.memref_slice %arg18[%dma_start3A_85, %dma_start3A_86] : memref<10368x128xf32, #tpu.memory_space<vmem_shared>> -> memref<10368x128xf32, #tpu.memory_space<vmem_shared>>
      tpu.enqueue_indirect_dma source(%arg17 : memref<128x128xf32, #tpu.memory_space<vmem>>) target(%dma_start3A_87 : memref<10368x128xf32, #tpu.memory_space<vmem_shared>>) offsets(%arg15 : memref<128xi32, #tpu.memory_space<vmem>>) semaphore(%arg22 : memref<!tpu.dma_semaphore, #tpu.memory_space<semaphore_mem>>) {add = true}
      %dma_wait3A_88 = arith.constant 0 : i32
      %dma_wait3A_89 = arith.constant 0 : i32
      %dma_wait3A_90 = tpu.memref_slice %arg18[%dma_wait3A_88, %dma_wait3A_89] : memref<10368x128xf32, #tpu.memory_space<vmem_shared>> -> memref<10368x128xf32, #tpu.memory_space<vmem_shared>>
      tpu.wait_indirect_dma semaphore(%arg21 : memref<!tpu.dma_semaphore, #tpu.memory_space<semaphore_mem>>) src(%arg16 : memref<128x128xf32, #tpu.memory_space<vmem>>) dst(%dma_wait3A_90 : memref<10368x128xf32, #tpu.memory_space<vmem_shared>>)
      %mul3A_91 = arith.constant 2 : i32
      %mul3A_92 = arith.muli %mul3A_91, %scan3A_75 : i32
      %add3A_93 = arith.constant 0 : i32
      %add3A_94 = arith.addi %mul3A_92, %add3A_93 : i32
      %add3A_95 = arith.constant 2 : i32
      %add3A_96 = arith.addi %add3A_94, %add3A_95 : i32
      %lt3A = arith.constant 79 : i32
      %lt3A_97 = arith.cmpi slt, %add3A_96, %lt3A : i32
      %convert_element_type3A = arith.extui %lt3A_97 : i1 to i32
      %cond3A = arith.constant 0 : i32
      %cond3A_98 = arith.cmpi ne, %convert_element_type3A, %cond3A : i32
      scf.if %cond3A_98 {
        %run_scoped3A_113 = arith.constant 0 : i32
        "tpu.region"() ({
          %run_scoped3A_118 = tpu.sem_alloc : memref<!tpu.dma_semaphore, #tpu.memory_space<semaphore_mem>>
          %dma_start3A_119 = arith.constant 0 : i32
          %dma_start3A_120 = tpu.memref_slice %arg5[%run_scoped3A_113, %add3A, %add3A_96, %dma_start3A_119] : memref<2x32x79x128xi32, #tpu.memory_space<hbm>> -> memref<1x1x1x128xi32, #tpu.memory_space<hbm>>
          %dma_start3A_121 = tpu.memref_squeeze %dma_start3A_120 : memref<1x1x1x128xi32, #tpu.memory_space<hbm>> -> memref<128xi32, #tpu.memory_space<hbm>>
          %dma_start3A_122 = arith.constant 0 : i32
          %dma_start3A_123 = tpu.memref_slice %arg5[%run_scoped3A_113, %add3A, %add3A_96, %dma_start3A_122] : memref<2x32x79x128xi32, #tpu.memory_space<hbm>> -> memref<1x1x1x128xi32, #tpu.memory_space<hbm>>
          %dma_start3A_124 = tpu.memref_squeeze %dma_start3A_123 : memref<1x1x1x128xi32, #tpu.memory_space<hbm>> -> memref<128xi32, #tpu.memory_space<hbm>>
          tpu.enqueue_dma source(%dma_start3A_124 : memref<128xi32, #tpu.memory_space<hbm>>) target(%arg12 : memref<128xi32, #tpu.memory_space<vmem>>) target_semaphore(%run_scoped3A_118 : memref<!tpu.dma_semaphore, #tpu.memory_space<semaphore_mem>>)
          %dma_wait3A_125 = arith.constant 0 : i32
          %dma_wait3A_126 = tpu.memref_slice %arg5[%run_scoped3A_113, %add3A, %add3A_96, %dma_wait3A_125] : memref<2x32x79x128xi32, #tpu.memory_space<hbm>> -> memref<1x1x1x128xi32, #tpu.memory_space<hbm>>
          %dma_wait3A_127 = tpu.memref_squeeze %dma_wait3A_126 : memref<1x1x1x128xi32, #tpu.memory_space<hbm>> -> memref<128xi32, #tpu.memory_space<hbm>>
          %dma_wait3A_128 = arith.constant 0 : i32
          %dma_wait3A_129 = tpu.memref_slice %arg5[%run_scoped3A_113, %add3A, %add3A_96, %dma_wait3A_128] : memref<2x32x79x128xi32, #tpu.memory_space<hbm>> -> memref<1x1x1x128xi32, #tpu.memory_space<hbm>>
          %dma_wait3A_130 = tpu.memref_squeeze %dma_wait3A_129 : memref<1x1x1x128xi32, #tpu.memory_space<hbm>> -> memref<128xi32, #tpu.memory_space<hbm>>
          tpu.wait_dma2 semaphore(%run_scoped3A_118 : memref<!tpu.dma_semaphore, #tpu.memory_space<semaphore_mem>>) src(%dma_wait3A_130 : memref<128xi32, #tpu.memory_space<hbm>>) dst(%arg12 : memref<128xi32, #tpu.memory_space<vmem>>)
          tpu.yield
        }) : () -> ()
        %run_scoped3A_114 = arith.constant 1 : i32
        "tpu.region"() ({
          %run_scoped3A_118 = tpu.sem_alloc : memref<!tpu.dma_semaphore, #tpu.memory_space<semaphore_mem>>
          %dma_start3A_119 = arith.constant 0 : i32
          %dma_start3A_120 = tpu.memref_slice %arg5[%run_scoped3A_114, %add3A, %add3A_96, %dma_start3A_119] : memref<2x32x79x128xi32, #tpu.memory_space<hbm>> -> memref<1x1x1x128xi32, #tpu.memory_space<hbm>>
          %dma_start3A_121 = tpu.memref_squeeze %dma_start3A_120 : memref<1x1x1x128xi32, #tpu.memory_space<hbm>> -> memref<128xi32, #tpu.memory_space<hbm>>
          %dma_start3A_122 = arith.constant 0 : i32
          %dma_start3A_123 = tpu.memref_slice %arg5[%run_scoped3A_114, %add3A, %add3A_96, %dma_start3A_122] : memref<2x32x79x128xi32, #tpu.memory_space<hbm>> -> memref<1x1x1x128xi32, #tpu.memory_space<hbm>>
          %dma_start3A_124 = tpu.memref_squeeze %dma_start3A_123 : memref<1x1x1x128xi32, #tpu.memory_space<hbm>> -> memref<128xi32, #tpu.memory_space<hbm>>
          tpu.enqueue_dma source(%dma_start3A_124 : memref<128xi32, #tpu.memory_space<hbm>>) target(%arg14 : memref<128xi32, #tpu.memory_space<vmem>>) target_semaphore(%run_scoped3A_118 : memref<!tpu.dma_semaphore, #tpu.memory_space<semaphore_mem>>)
          %dma_wait3A_125 = arith.constant 0 : i32
          %dma_wait3A_126 = tpu.memref_slice %arg5[%run_scoped3A_114, %add3A, %add3A_96, %dma_wait3A_125] : memref<2x32x79x128xi32, #tpu.memory_space<hbm>> -> memref<1x1x1x128xi32, #tpu.memory_space<hbm>>
          %dma_wait3A_127 = tpu.memref_squeeze %dma_wait3A_126 : memref<1x1x1x128xi32, #tpu.memory_space<hbm>> -> memref<128xi32, #tpu.memory_space<hbm>>
          %dma_wait3A_128 = arith.constant 0 : i32
          %dma_wait3A_129 = tpu.memref_slice %arg5[%run_scoped3A_114, %add3A, %add3A_96, %dma_wait3A_128] : memref<2x32x79x128xi32, #tpu.memory_space<hbm>> -> memref<1x1x1x128xi32, #tpu.memory_space<hbm>>
          %dma_wait3A_130 = tpu.memref_squeeze %dma_wait3A_129 : memref<1x1x1x128xi32, #tpu.memory_space<hbm>> -> memref<128xi32, #tpu.memory_space<hbm>>
          tpu.wait_dma2 semaphore(%run_scoped3A_118 : memref<!tpu.dma_semaphore, #tpu.memory_space<semaphore_mem>>) src(%dma_wait3A_130 : memref<128xi32, #tpu.memory_space<hbm>>) dst(%arg14 : memref<128xi32, #tpu.memory_space<vmem>>)
          tpu.yield
        }) : () -> ()
        %dma_start3A_115 = arith.constant 0 : i32
        %dma_start3A_116 = arith.constant 0 : i32
        %dma_start3A_117 = tpu.memref_slice %arg3[%dma_start3A_115, %dma_start3A_116] : memref<10368x128xf32, #tpu.memory_space<hbm>> -> memref<10368x128xf32, #tpu.memory_space<hbm>>
        tpu.enqueue_indirect_dma source(%dma_start3A_117 : memref<10368x128xf32, #tpu.memory_space<hbm>>) target(%arg16 : memref<128x128xf32, #tpu.memory_space<vmem>>) offsets(%arg12 : memref<128xi32, #tpu.memory_space<vmem>>) semaphore(%arg19 : memref<!tpu.dma_semaphore, #tpu.memory_space<semaphore_mem>>)
      } else {
      }
      %dma_wait3A_99 = arith.constant 0 : i32
      %dma_wait3A_100 = arith.constant 0 : i32
      %dma_wait3A_101 = tpu.memref_slice %arg18[%dma_wait3A_99, %dma_wait3A_100] : memref<10368x128xf32, #tpu.memory_space<vmem_shared>> -> memref<10368x128xf32, #tpu.memory_space<vmem_shared>>
      tpu.wait_indirect_dma semaphore(%arg22 : memref<!tpu.dma_semaphore, #tpu.memory_space<semaphore_mem>>) src(%arg17 : memref<128x128xf32, #tpu.memory_space<vmem>>) dst(%dma_wait3A_101 : memref<10368x128xf32, #tpu.memory_space<vmem_shared>>)
      %mul3A_102 = arith.constant 2 : i32
      %mul3A_103 = arith.muli %mul3A_102, %scan3A_75 : i32
      %add3A_104 = arith.constant 1 : i32
      %add3A_105 = arith.addi %mul3A_103, %add3A_104 : i32
      %add3A_106 = arith.constant 2 : i32
      %add3A_107 = arith.addi %add3A_105, %add3A_106 : i32
      %lt3A_108 = arith.constant 79 : i32
      %lt3A_109 = arith.cmpi slt, %add3A_107, %lt3A_108 : i32
      %convert_element_type3A_110 = arith.extui %lt3A_109 : i1 to i32
      %cond3A_111 = arith.constant 0 : i32
      %cond3A_112 = arith.cmpi ne, %convert_element_type3A_110, %cond3A_111 : i32
      scf.if %cond3A_112 {
        %run_scoped3A_113 = arith.constant 0 : i32
        "tpu.region"() ({
          %run_scoped3A_118 = tpu.sem_alloc : memref<!tpu.dma_semaphore, #tpu.memory_space<semaphore_mem>>
          %dma_start3A_119 = arith.constant 0 : i32
          %dma_start3A_120 = tpu.memref_slice %arg5[%run_scoped3A_113, %add3A, %add3A_107, %dma_start3A_119] : memref<2x32x79x128xi32, #tpu.memory_space<hbm>> -> memref<1x1x1x128xi32, #tpu.memory_space<hbm>>
          %dma_start3A_121 = tpu.memref_squeeze %dma_start3A_120 : memref<1x1x1x128xi32, #tpu.memory_space<hbm>> -> memref<128xi32, #tpu.memory_space<hbm>>
          %dma_start3A_122 = arith.constant 0 : i32
          %dma_start3A_123 = tpu.memref_slice %arg5[%run_scoped3A_113, %add3A, %add3A_107, %dma_start3A_122] : memref<2x32x79x128xi32, #tpu.memory_space<hbm>> -> memref<1x1x1x128xi32, #tpu.memory_space<hbm>>
          %dma_start3A_124 = tpu.memref_squeeze %dma_start3A_123 : memref<1x1x1x128xi32, #tpu.memory_space<hbm>> -> memref<128xi32, #tpu.memory_space<hbm>>
          tpu.enqueue_dma source(%dma_start3A_124 : memref<128xi32, #tpu.memory_space<hbm>>) target(%arg13 : memref<128xi32, #tpu.memory_space<vmem>>) target_semaphore(%run_scoped3A_118 : memref<!tpu.dma_semaphore, #tpu.memory_space<semaphore_mem>>)
          %dma_wait3A_125 = arith.constant 0 : i32
          %dma_wait3A_126 = tpu.memref_slice %arg5[%run_scoped3A_113, %add3A, %add3A_107, %dma_wait3A_125] : memref<2x32x79x128xi32, #tpu.memory_space<hbm>> -> memref<1x1x1x128xi32, #tpu.memory_space<hbm>>
          %dma_wait3A_127 = tpu.memref_squeeze %dma_wait3A_126 : memref<1x1x1x128xi32, #tpu.memory_space<hbm>> -> memref<128xi32, #tpu.memory_space<hbm>>
          %dma_wait3A_128 = arith.constant 0 : i32
          %dma_wait3A_129 = tpu.memref_slice %arg5[%run_scoped3A_113, %add3A, %add3A_107, %dma_wait3A_128] : memref<2x32x79x128xi32, #tpu.memory_space<hbm>> -> memref<1x1x1x128xi32, #tpu.memory_space<hbm>>
          %dma_wait3A_130 = tpu.memref_squeeze %dma_wait3A_129 : memref<1x1x1x128xi32, #tpu.memory_space<hbm>> -> memref<128xi32, #tpu.memory_space<hbm>>
          tpu.wait_dma2 semaphore(%run_scoped3A_118 : memref<!tpu.dma_semaphore, #tpu.memory_space<semaphore_mem>>) src(%dma_wait3A_130 : memref<128xi32, #tpu.memory_space<hbm>>) dst(%arg13 : memref<128xi32, #tpu.memory_space<vmem>>)
          tpu.yield
        }) : () -> ()
        %run_scoped3A_114 = arith.constant 1 : i32
        "tpu.region"() ({
          %run_scoped3A_118 = tpu.sem_alloc : memref<!tpu.dma_semaphore, #tpu.memory_space<semaphore_mem>>
          %dma_start3A_119 = arith.constant 0 : i32
          %dma_start3A_120 = tpu.memref_slice %arg5[%run_scoped3A_114, %add3A, %add3A_107, %dma_start3A_119] : memref<2x32x79x128xi32, #tpu.memory_space<hbm>> -> memref<1x1x1x128xi32, #tpu.memory_space<hbm>>
          %dma_start3A_121 = tpu.memref_squeeze %dma_start3A_120 : memref<1x1x1x128xi32, #tpu.memory_space<hbm>> -> memref<128xi32, #tpu.memory_space<hbm>>
          %dma_start3A_122 = arith.constant 0 : i32
          %dma_start3A_123 = tpu.memref_slice %arg5[%run_scoped3A_114, %add3A, %add3A_107, %dma_start3A_122] : memref<2x32x79x128xi32, #tpu.memory_space<hbm>> -> memref<1x1x1x128xi32, #tpu.memory_space<hbm>>
          %dma_start3A_124 = tpu.memref_squeeze %dma_start3A_123 : memref<1x1x1x128xi32, #tpu.memory_space<hbm>> -> memref<128xi32, #tpu.memory_space<hbm>>
          tpu.enqueue_dma source(%dma_start3A_124 : memref<128xi32, #tpu.memory_space<hbm>>) target(%arg15 : memref<128xi32, #tpu.memory_space<vmem>>) target_semaphore(%run_scoped3A_118 : memref<!tpu.dma_semaphore, #tpu.memory_space<semaphore_mem>>)
          %dma_wait3A_125 = arith.constant 0 : i32
          %dma_wait3A_126 = tpu.memref_slice %arg5[%run_scoped3A_114, %add3A, %add3A_107, %dma_wait3A_125] : memref<2x32x79x128xi32, #tpu.memory_space<hbm>> -> memref<1x1x1x128xi32, #tpu.memory_space<hbm>>
          %dma_wait3A_127 = tpu.memref_squeeze %dma_wait3A_126 : memref<1x1x1x128xi32, #tpu.memory_space<hbm>> -> memref<128xi32, #tpu.memory_space<hbm>>
          %dma_wait3A_128 = arith.constant 0 : i32
          %dma_wait3A_129 = tpu.memref_slice %arg5[%run_scoped3A_114, %add3A, %add3A_107, %dma_wait3A_128] : memref<2x32x79x128xi32, #tpu.memory_space<hbm>> -> memref<1x1x1x128xi32, #tpu.memory_space<hbm>>
          %dma_wait3A_130 = tpu.memref_squeeze %dma_wait3A_129 : memref<1x1x1x128xi32, #tpu.memory_space<hbm>> -> memref<128xi32, #tpu.memory_space<hbm>>
          tpu.wait_dma2 semaphore(%run_scoped3A_118 : memref<!tpu.dma_semaphore, #tpu.memory_space<semaphore_mem>>) src(%dma_wait3A_130 : memref<128xi32, #tpu.memory_space<hbm>>) dst(%arg15 : memref<128xi32, #tpu.memory_space<vmem>>)
          tpu.yield
        }) : () -> ()
        %dma_start3A_115 = arith.constant 0 : i32
        %dma_start3A_116 = arith.constant 0 : i32
        %dma_start3A_117 = tpu.memref_slice %arg3[%dma_start3A_115, %dma_start3A_116] : memref<10368x128xf32, #tpu.memory_space<hbm>> -> memref<10368x128xf32, #tpu.memory_space<hbm>>
        tpu.enqueue_indirect_dma source(%dma_start3A_117 : memref<10368x128xf32, #tpu.memory_space<hbm>>) target(%arg17 : memref<128x128xf32, #tpu.memory_space<vmem>>) offsets(%arg13 : memref<128xi32, #tpu.memory_space<vmem>>) semaphore(%arg20 : memref<!tpu.dma_semaphore, #tpu.memory_space<semaphore_mem>>)
      } else {
      }
    }
    %scan3A_44 = arith.constant 39 : i32
    %dma_wait3A_45 = arith.constant 0 : i32
    %dma_wait3A_46 = arith.constant 0 : i32
    %dma_wait3A_47 = tpu.memref_slice %arg3[%dma_wait3A_45, %dma_wait3A_46] : memref<10368x128xf32, #tpu.memory_space<hbm>> -> memref<10368x128xf32, #tpu.memory_space<hbm>>
    tpu.wait_indirect_dma semaphore(%arg19 : memref<!tpu.dma_semaphore, #tpu.memory_space<semaphore_mem>>) src(%dma_wait3A_47 : memref<10368x128xf32, #tpu.memory_space<hbm>>) dst(%arg16 : memref<128x128xf32, #tpu.memory_space<vmem>>)
    "tpu.region"() ({
      %run_scoped3A_75 = tpu.sem_alloc : memref<!tpu.dma_semaphore, #tpu.memory_space<semaphore_mem>>
      %dma_start3A_76 = arith.constant 0 : i32
      %dma_start3A_77 = arith.constant 0 : i32
      %dma_start3A_78 = tpu.memref_slice %arg18[%dma_start3A_76, %dma_start3A_77] : memref<10368x128xf32, #tpu.memory_space<vmem_shared>> -> memref<10368x128xf32, #tpu.memory_space<vmem_shared>>
      tpu.enqueue_indirect_dma source(%arg16 : memref<128x128xf32, #tpu.memory_space<vmem>>) target(%dma_start3A_78 : memref<10368x128xf32, #tpu.memory_space<vmem_shared>>) offsets(%arg14 : memref<128xi32, #tpu.memory_space<vmem>>) semaphore(%run_scoped3A_75 : memref<!tpu.dma_semaphore, #tpu.memory_space<semaphore_mem>>) {add = true}
      %dma_wait3A_79 = arith.constant 0 : i32
      %dma_wait3A_80 = arith.constant 0 : i32
      %dma_wait3A_81 = tpu.memref_slice %arg18[%dma_wait3A_79, %dma_wait3A_80] : memref<10368x128xf32, #tpu.memory_space<vmem_shared>> -> memref<10368x128xf32, #tpu.memory_space<vmem_shared>>
      tpu.wait_indirect_dma semaphore(%run_scoped3A_75 : memref<!tpu.dma_semaphore, #tpu.memory_space<semaphore_mem>>) src(%arg16 : memref<128x128xf32, #tpu.memory_space<vmem>>) dst(%dma_wait3A_81 : memref<10368x128xf32, #tpu.memory_space<vmem_shared>>)
      tpu.yield
    }) : () -> ()
    %barrier3A_48 = arith.constant 0 : index
    tpu.barrier barrier_id(%barrier3A_48)
    "tpu.region"() ({
      %run_scoped3A_75 = tpu.sem_alloc : memref<!tpu.dma_semaphore, #tpu.memory_space<semaphore_mem>>
      %dma_start3A_76 = arith.constant 0 : i32
      %dma_start3A_77 = tpu.memref_slice %arg9[%arg0, %mul3A_2, %dma_start3A_76] : memref<2x10368x128xf32, #tpu.memory_space<hbm>> -> memref<1x648x128xf32, #tpu.memory_space<hbm>>
      %dma_start3A_78 = tpu.memref_squeeze %dma_start3A_77 : memref<1x648x128xf32, #tpu.memory_space<hbm>> -> memref<648x128xf32, #tpu.memory_space<hbm>>
      %dma_start3A_79 = arith.constant 0 : i32
      %dma_start3A_80 = tpu.memref_slice %arg18[%mul3A_2, %dma_start3A_79] : memref<10368x128xf32, #tpu.memory_space<vmem_shared>> -> memref<648x128xf32, #tpu.memory_space<vmem_shared>>
      tpu.enqueue_dma source(%dma_start3A_80 : memref<648x128xf32, #tpu.memory_space<vmem_shared>>) target(%dma_start3A_78 : memref<648x128xf32, #tpu.memory_space<hbm>>) target_semaphore(%run_scoped3A_75 : memref<!tpu.dma_semaphore, #tpu.memory_space<semaphore_mem>>)
      %dma_wait3A_81 = arith.constant 0 : i32
      %dma_wait3A_82 = tpu.memref_slice %arg9[%arg0, %mul3A_2, %dma_wait3A_81] : memref<2x10368x128xf32, #tpu.memory_space<hbm>> -> memref<1x648x128xf32, #tpu.memory_space<hbm>>
      %dma_wait3A_83 = tpu.memref_squeeze %dma_wait3A_82 : memref<1x648x128xf32, #tpu.memory_space<hbm>> -> memref<648x128xf32, #tpu.memory_space<hbm>>
      %dma_wait3A_84 = arith.constant 0 : i32
      %dma_wait3A_85 = tpu.memref_slice %arg18[%mul3A_2, %dma_wait3A_84] : memref<10368x128xf32, #tpu.memory_space<vmem_shared>> -> memref<648x128xf32, #tpu.memory_space<vmem_shared>>
      tpu.wait_dma2 semaphore(%run_scoped3A_75 : memref<!tpu.dma_semaphore, #tpu.memory_space<semaphore_mem>>) src(%dma_wait3A_85 : memref<648x128xf32, #tpu.memory_space<vmem_shared>>) dst(%dma_wait3A_83 : memref<648x128xf32, #tpu.memory_space<hbm>>)
      tpu.yield
    }) : () -> ()
    %barrier3A_49 = arith.constant 0 : index
    tpu.barrier barrier_id(%barrier3A_49)
    "tpu.region"() ({
      %run_scoped3A_75 = tpu.sem_alloc : memref<!tpu.dma_semaphore, #tpu.memory_space<semaphore_mem>>
      %dma_start3A_76 = arith.constant 0 : i32
      %dma_start3A_77 = tpu.memref_slice %arg18[%mul3A_2, %dma_start3A_76] : memref<10368x128xf32, #tpu.memory_space<vmem_shared>> -> memref<648x128xf32, #tpu.memory_space<vmem_shared>>
      %dma_start3A_78 = arith.constant 0 : i32
      %dma_start3A_79 = tpu.memref_slice %arg6[%mul3A_2, %dma_start3A_78] : memref<10368x128xf32, #tpu.memory_space<hbm>> -> memref<648x128xf32, #tpu.memory_space<hbm>>
      tpu.enqueue_dma source(%dma_start3A_79 : memref<648x128xf32, #tpu.memory_space<hbm>>) target(%dma_start3A_77 : memref<648x128xf32, #tpu.memory_space<vmem_shared>>) target_semaphore(%run_scoped3A_75 : memref<!tpu.dma_semaphore, #tpu.memory_space<semaphore_mem>>)
      %dma_wait3A_80 = arith.constant 0 : i32
      %dma_wait3A_81 = tpu.memref_slice %arg18[%mul3A_2, %dma_wait3A_80] : memref<10368x128xf32, #tpu.memory_space<vmem_shared>> -> memref<648x128xf32, #tpu.memory_space<vmem_shared>>
      %dma_wait3A_82 = arith.constant 0 : i32
      %dma_wait3A_83 = tpu.memref_slice %arg6[%mul3A_2, %dma_wait3A_82] : memref<10368x128xf32, #tpu.memory_space<hbm>> -> memref<648x128xf32, #tpu.memory_space<hbm>>
      tpu.wait_dma2 semaphore(%run_scoped3A_75 : memref<!tpu.dma_semaphore, #tpu.memory_space<semaphore_mem>>) src(%dma_wait3A_83 : memref<648x128xf32, #tpu.memory_space<hbm>>) dst(%dma_wait3A_81 : memref<648x128xf32, #tpu.memory_space<vmem_shared>>)
      tpu.yield
    }) : () -> ()
    "tpu.region"() ({
      %run_scoped3A_75 = tpu.sem_alloc : memref<!tpu.dma_semaphore, #tpu.memory_space<semaphore_mem>>
      tpu.enqueue_dma source(%arg7 : memref<128x128xf32, #tpu.memory_space<hbm>>) target(%arg16 : memref<128x128xf32, #tpu.memory_space<vmem>>) target_semaphore(%run_scoped3A_75 : memref<!tpu.dma_semaphore, #tpu.memory_space<semaphore_mem>>)
      tpu.wait_dma2 semaphore(%run_scoped3A_75 : memref<!tpu.dma_semaphore, #tpu.memory_space<semaphore_mem>>) src(%arg7 : memref<128x128xf32, #tpu.memory_space<hbm>>) dst(%arg16 : memref<128x128xf32, #tpu.memory_space<vmem>>)
      tpu.yield
    }) : () -> ()
    %barrier3A_50 = arith.constant 0 : index
    tpu.barrier barrier_id(%barrier3A_50)
    %run_scoped3A_51 = arith.constant 1 : i32
    %run_scoped3A_52 = arith.constant 0 : i32
    "tpu.region"() ({
      %run_scoped3A_75 = tpu.sem_alloc : memref<!tpu.dma_semaphore, #tpu.memory_space<semaphore_mem>>
      %dma_start3A_76 = arith.constant 0 : i32
      %dma_start3A_77 = tpu.memref_slice %arg4[%run_scoped3A_51, %add3A, %run_scoped3A_52, %dma_start3A_76] : memref<2x32x79x128xi32, #tpu.memory_space<hbm>> -> memref<1x1x1x128xi32, #tpu.memory_space<hbm>>
      %dma_start3A_78 = tpu.memref_squeeze %dma_start3A_77 : memref<1x1x1x128xi32, #tpu.memory_space<hbm>> -> memref<128xi32, #tpu.memory_space<hbm>>
      %dma_start3A_79 = arith.constant 0 : i32
      %dma_start3A_80 = tpu.memref_slice %arg4[%run_scoped3A_51, %add3A, %run_scoped3A_52, %dma_start3A_79] : memref<2x32x79x128xi32, #tpu.memory_space<hbm>> -> memref<1x1x1x128xi32, #tpu.memory_space<hbm>>
      %dma_start3A_81 = tpu.memref_squeeze %dma_start3A_80 : memref<1x1x1x128xi32, #tpu.memory_space<hbm>> -> memref<128xi32, #tpu.memory_space<hbm>>
      tpu.enqueue_dma source(%dma_start3A_81 : memref<128xi32, #tpu.memory_space<hbm>>) target(%arg14 : memref<128xi32, #tpu.memory_space<vmem>>) target_semaphore(%run_scoped3A_75 : memref<!tpu.dma_semaphore, #tpu.memory_space<semaphore_mem>>)
      %dma_wait3A_82 = arith.constant 0 : i32
      %dma_wait3A_83 = tpu.memref_slice %arg4[%run_scoped3A_51, %add3A, %run_scoped3A_52, %dma_wait3A_82] : memref<2x32x79x128xi32, #tpu.memory_space<hbm>> -> memref<1x1x1x128xi32, #tpu.memory_space<hbm>>
      %dma_wait3A_84 = tpu.memref_squeeze %dma_wait3A_83 : memref<1x1x1x128xi32, #tpu.memory_space<hbm>> -> memref<128xi32, #tpu.memory_space<hbm>>
      %dma_wait3A_85 = arith.constant 0 : i32
      %dma_wait3A_86 = tpu.memref_slice %arg4[%run_scoped3A_51, %add3A, %run_scoped3A_52, %dma_wait3A_85] : memref<2x32x79x128xi32, #tpu.memory_space<hbm>> -> memref<1x1x1x128xi32, #tpu.memory_space<hbm>>
      %dma_wait3A_87 = tpu.memref_squeeze %dma_wait3A_86 : memref<1x1x1x128xi32, #tpu.memory_space<hbm>> -> memref<128xi32, #tpu.memory_space<hbm>>
      tpu.wait_dma2 semaphore(%run_scoped3A_75 : memref<!tpu.dma_semaphore, #tpu.memory_space<semaphore_mem>>) src(%dma_wait3A_87 : memref<128xi32, #tpu.memory_space<hbm>>) dst(%arg14 : memref<128xi32, #tpu.memory_space<vmem>>)
      tpu.yield
    }) : () -> ()
    %run_scoped3A_53 = arith.constant 1 : i32
    %run_scoped3A_54 = arith.constant 1 : i32
    "tpu.region"() ({
      %run_scoped3A_75 = tpu.sem_alloc : memref<!tpu.dma_semaphore, #tpu.memory_space<semaphore_mem>>
      %dma_start3A_76 = arith.constant 0 : i32
      %dma_start3A_77 = tpu.memref_slice %arg4[%run_scoped3A_53, %add3A, %run_scoped3A_54, %dma_start3A_76] : memref<2x32x79x128xi32, #tpu.memory_space<hbm>> -> memref<1x1x1x128xi32, #tpu.memory_space<hbm>>
      %dma_start3A_78 = tpu.memref_squeeze %dma_start3A_77 : memref<1x1x1x128xi32, #tpu.memory_space<hbm>> -> memref<128xi32, #tpu.memory_space<hbm>>
      %dma_start3A_79 = arith.constant 0 : i32
      %dma_start3A_80 = tpu.memref_slice %arg4[%run_scoped3A_53, %add3A, %run_scoped3A_54, %dma_start3A_79] : memref<2x32x79x128xi32, #tpu.memory_space<hbm>> -> memref<1x1x1x128xi32, #tpu.memory_space<hbm>>
      %dma_start3A_81 = tpu.memref_squeeze %dma_start3A_80 : memref<1x1x1x128xi32, #tpu.memory_space<hbm>> -> memref<128xi32, #tpu.memory_space<hbm>>
      tpu.enqueue_dma source(%dma_start3A_81 : memref<128xi32, #tpu.memory_space<hbm>>) target(%arg15 : memref<128xi32, #tpu.memory_space<vmem>>) target_semaphore(%run_scoped3A_75 : memref<!tpu.dma_semaphore, #tpu.memory_space<semaphore_mem>>)
      %dma_wait3A_82 = arith.constant 0 : i32
      %dma_wait3A_83 = tpu.memref_slice %arg4[%run_scoped3A_53, %add3A, %run_scoped3A_54, %dma_wait3A_82] : memref<2x32x79x128xi32, #tpu.memory_space<hbm>> -> memref<1x1x1x128xi32, #tpu.memory_space<hbm>>
      %dma_wait3A_84 = tpu.memref_squeeze %dma_wait3A_83 : memref<1x1x1x128xi32, #tpu.memory_space<hbm>> -> memref<128xi32, #tpu.memory_space<hbm>>
      %dma_wait3A_85 = arith.constant 0 : i32
      %dma_wait3A_86 = tpu.memref_slice %arg4[%run_scoped3A_53, %add3A, %run_scoped3A_54, %dma_wait3A_85] : memref<2x32x79x128xi32, #tpu.memory_space<hbm>> -> memref<1x1x1x128xi32, #tpu.memory_space<hbm>>
      %dma_wait3A_87 = tpu.memref_squeeze %dma_wait3A_86 : memref<1x1x1x128xi32, #tpu.memory_space<hbm>> -> memref<128xi32, #tpu.memory_space<hbm>>
      tpu.wait_dma2 semaphore(%run_scoped3A_75 : memref<!tpu.dma_semaphore, #tpu.memory_space<semaphore_mem>>) src(%dma_wait3A_87 : memref<128xi32, #tpu.memory_space<hbm>>) dst(%arg15 : memref<128xi32, #tpu.memory_space<vmem>>)
      tpu.yield
    }) : () -> ()
    %scan3A_55 = arith.constant 0 : i32
    %scan3A_56 = arith.constant 0 : i32
    %scan3A_57 = arith.constant 39 : i32
    %scan3A_58 = arith.addi %scan3A_56, %scan3A_57 : i32
    %scan3A_59 = arith.constant 1 : i32
    scf.for %scan3A_75 = %scan3A_56 to %scan3A_58 step %scan3A_59  : i32 {
      %dma_start3A_76 = arith.constant 0 : i32
      %dma_start3A_77 = arith.constant 0 : i32
      %dma_start3A_78 = tpu.memref_slice %arg18[%dma_start3A_76, %dma_start3A_77] : memref<10368x128xf32, #tpu.memory_space<vmem_shared>> -> memref<10368x128xf32, #tpu.memory_space<vmem_shared>>
      tpu.enqueue_indirect_dma source(%arg16 : memref<128x128xf32, #tpu.memory_space<vmem>>) target(%dma_start3A_78 : memref<10368x128xf32, #tpu.memory_space<vmem_shared>>) offsets(%arg14 : memref<128xi32, #tpu.memory_space<vmem>>) semaphore(%arg21 : memref<!tpu.dma_semaphore, #tpu.memory_space<semaphore_mem>>) {add = true}
      %dma_start3A_79 = arith.constant 0 : i32
      %dma_start3A_80 = arith.constant 0 : i32
      %dma_start3A_81 = tpu.memref_slice %arg18[%dma_start3A_79, %dma_start3A_80] : memref<10368x128xf32, #tpu.memory_space<vmem_shared>> -> memref<10368x128xf32, #tpu.memory_space<vmem_shared>>
      tpu.enqueue_indirect_dma source(%arg16 : memref<128x128xf32, #tpu.memory_space<vmem>>) target(%dma_start3A_81 : memref<10368x128xf32, #tpu.memory_space<vmem_shared>>) offsets(%arg15 : memref<128xi32, #tpu.memory_space<vmem>>) semaphore(%arg22 : memref<!tpu.dma_semaphore, #tpu.memory_space<semaphore_mem>>) {add = true}
      %dma_wait3A_82 = arith.constant 0 : i32
      %dma_wait3A_83 = arith.constant 0 : i32
      %dma_wait3A_84 = tpu.memref_slice %arg18[%dma_wait3A_82, %dma_wait3A_83] : memref<10368x128xf32, #tpu.memory_space<vmem_shared>> -> memref<10368x128xf32, #tpu.memory_space<vmem_shared>>
      tpu.wait_indirect_dma semaphore(%arg21 : memref<!tpu.dma_semaphore, #tpu.memory_space<semaphore_mem>>) src(%arg16 : memref<128x128xf32, #tpu.memory_space<vmem>>) dst(%dma_wait3A_84 : memref<10368x128xf32, #tpu.memory_space<vmem_shared>>)
      %mul3A_85 = arith.constant 2 : i32
      %mul3A_86 = arith.muli %mul3A_85, %scan3A_75 : i32
      %add3A_87 = arith.constant 0 : i32
      %add3A_88 = arith.addi %mul3A_86, %add3A_87 : i32
      %add3A_89 = arith.constant 2 : i32
      %add3A_90 = arith.addi %add3A_88, %add3A_89 : i32
      %lt3A = arith.constant 79 : i32
      %lt3A_91 = arith.cmpi slt, %add3A_90, %lt3A : i32
      %convert_element_type3A = arith.extui %lt3A_91 : i1 to i32
      %cond3A = arith.constant 0 : i32
      %cond3A_92 = arith.cmpi ne, %convert_element_type3A, %cond3A : i32
      scf.if %cond3A_92 {
        %run_scoped3A_107 = arith.constant 1 : i32
        "tpu.region"() ({
          %run_scoped3A_108 = tpu.sem_alloc : memref<!tpu.dma_semaphore, #tpu.memory_space<semaphore_mem>>
          %dma_start3A_109 = arith.constant 0 : i32
          %dma_start3A_110 = tpu.memref_slice %arg4[%run_scoped3A_107, %add3A, %add3A_90, %dma_start3A_109] : memref<2x32x79x128xi32, #tpu.memory_space<hbm>> -> memref<1x1x1x128xi32, #tpu.memory_space<hbm>>
          %dma_start3A_111 = tpu.memref_squeeze %dma_start3A_110 : memref<1x1x1x128xi32, #tpu.memory_space<hbm>> -> memref<128xi32, #tpu.memory_space<hbm>>
          %dma_start3A_112 = arith.constant 0 : i32
          %dma_start3A_113 = tpu.memref_slice %arg4[%run_scoped3A_107, %add3A, %add3A_90, %dma_start3A_112] : memref<2x32x79x128xi32, #tpu.memory_space<hbm>> -> memref<1x1x1x128xi32, #tpu.memory_space<hbm>>
          %dma_start3A_114 = tpu.memref_squeeze %dma_start3A_113 : memref<1x1x1x128xi32, #tpu.memory_space<hbm>> -> memref<128xi32, #tpu.memory_space<hbm>>
          tpu.enqueue_dma source(%dma_start3A_114 : memref<128xi32, #tpu.memory_space<hbm>>) target(%arg14 : memref<128xi32, #tpu.memory_space<vmem>>) target_semaphore(%run_scoped3A_108 : memref<!tpu.dma_semaphore, #tpu.memory_space<semaphore_mem>>)
          %dma_wait3A_115 = arith.constant 0 : i32
          %dma_wait3A_116 = tpu.memref_slice %arg4[%run_scoped3A_107, %add3A, %add3A_90, %dma_wait3A_115] : memref<2x32x79x128xi32, #tpu.memory_space<hbm>> -> memref<1x1x1x128xi32, #tpu.memory_space<hbm>>
          %dma_wait3A_117 = tpu.memref_squeeze %dma_wait3A_116 : memref<1x1x1x128xi32, #tpu.memory_space<hbm>> -> memref<128xi32, #tpu.memory_space<hbm>>
          %dma_wait3A_118 = arith.constant 0 : i32
          %dma_wait3A_119 = tpu.memref_slice %arg4[%run_scoped3A_107, %add3A, %add3A_90, %dma_wait3A_118] : memref<2x32x79x128xi32, #tpu.memory_space<hbm>> -> memref<1x1x1x128xi32, #tpu.memory_space<hbm>>
          %dma_wait3A_120 = tpu.memref_squeeze %dma_wait3A_119 : memref<1x1x1x128xi32, #tpu.memory_space<hbm>> -> memref<128xi32, #tpu.memory_space<hbm>>
          tpu.wait_dma2 semaphore(%run_scoped3A_108 : memref<!tpu.dma_semaphore, #tpu.memory_space<semaphore_mem>>) src(%dma_wait3A_120 : memref<128xi32, #tpu.memory_space<hbm>>) dst(%arg14 : memref<128xi32, #tpu.memory_space<vmem>>)
          tpu.yield
        }) : () -> ()
      } else {
      }
      %dma_wait3A_93 = arith.constant 0 : i32
      %dma_wait3A_94 = arith.constant 0 : i32
      %dma_wait3A_95 = tpu.memref_slice %arg18[%dma_wait3A_93, %dma_wait3A_94] : memref<10368x128xf32, #tpu.memory_space<vmem_shared>> -> memref<10368x128xf32, #tpu.memory_space<vmem_shared>>
      tpu.wait_indirect_dma semaphore(%arg22 : memref<!tpu.dma_semaphore, #tpu.memory_space<semaphore_mem>>) src(%arg16 : memref<128x128xf32, #tpu.memory_space<vmem>>) dst(%dma_wait3A_95 : memref<10368x128xf32, #tpu.memory_space<vmem_shared>>)
      %mul3A_96 = arith.constant 2 : i32
      %mul3A_97 = arith.muli %mul3A_96, %scan3A_75 : i32
      %add3A_98 = arith.constant 1 : i32
      %add3A_99 = arith.addi %mul3A_97, %add3A_98 : i32
      %add3A_100 = arith.constant 2 : i32
      %add3A_101 = arith.addi %add3A_99, %add3A_100 : i32
      %lt3A_102 = arith.constant 79 : i32
      %lt3A_103 = arith.cmpi slt, %add3A_101, %lt3A_102 : i32
      %convert_element_type3A_104 = arith.extui %lt3A_103 : i1 to i32
      %cond3A_105 = arith.constant 0 : i32
      %cond3A_106 = arith.cmpi ne, %convert_element_type3A_104, %cond3A_105 : i32
      scf.if %cond3A_106 {
        %run_scoped3A_107 = arith.constant 1 : i32
        "tpu.region"() ({
          %run_scoped3A_108 = tpu.sem_alloc : memref<!tpu.dma_semaphore, #tpu.memory_space<semaphore_mem>>
          %dma_start3A_109 = arith.constant 0 : i32
          %dma_start3A_110 = tpu.memref_slice %arg4[%run_scoped3A_107, %add3A, %add3A_101, %dma_start3A_109] : memref<2x32x79x128xi32, #tpu.memory_space<hbm>> -> memref<1x1x1x128xi32, #tpu.memory_space<hbm>>
          %dma_start3A_111 = tpu.memref_squeeze %dma_start3A_110 : memref<1x1x1x128xi32, #tpu.memory_space<hbm>> -> memref<128xi32, #tpu.memory_space<hbm>>
          %dma_start3A_112 = arith.constant 0 : i32
          %dma_start3A_113 = tpu.memref_slice %arg4[%run_scoped3A_107, %add3A, %add3A_101, %dma_start3A_112] : memref<2x32x79x128xi32, #tpu.memory_space<hbm>> -> memref<1x1x1x128xi32, #tpu.memory_space<hbm>>
          %dma_start3A_114 = tpu.memref_squeeze %dma_start3A_113 : memref<1x1x1x128xi32, #tpu.memory_space<hbm>> -> memref<128xi32, #tpu.memory_space<hbm>>
          tpu.enqueue_dma source(%dma_start3A_114 : memref<128xi32, #tpu.memory_space<hbm>>) target(%arg15 : memref<128xi32, #tpu.memory_space<vmem>>) target_semaphore(%run_scoped3A_108 : memref<!tpu.dma_semaphore, #tpu.memory_space<semaphore_mem>>)
          %dma_wait3A_115 = arith.constant 0 : i32
          %dma_wait3A_116 = tpu.memref_slice %arg4[%run_scoped3A_107, %add3A, %add3A_101, %dma_wait3A_115] : memref<2x32x79x128xi32, #tpu.memory_space<hbm>> -> memref<1x1x1x128xi32, #tpu.memory_space<hbm>>
          %dma_wait3A_117 = tpu.memref_squeeze %dma_wait3A_116 : memref<1x1x1x128xi32, #tpu.memory_space<hbm>> -> memref<128xi32, #tpu.memory_space<hbm>>
          %dma_wait3A_118 = arith.constant 0 : i32
          %dma_wait3A_119 = tpu.memref_slice %arg4[%run_scoped3A_107, %add3A, %add3A_101, %dma_wait3A_118] : memref<2x32x79x128xi32, #tpu.memory_space<hbm>> -> memref<1x1x1x128xi32, #tpu.memory_space<hbm>>
          %dma_wait3A_120 = tpu.memref_squeeze %dma_wait3A_119 : memref<1x1x1x128xi32, #tpu.memory_space<hbm>> -> memref<128xi32, #tpu.memory_space<hbm>>
          tpu.wait_dma2 semaphore(%run_scoped3A_108 : memref<!tpu.dma_semaphore, #tpu.memory_space<semaphore_mem>>) src(%dma_wait3A_120 : memref<128xi32, #tpu.memory_space<hbm>>) dst(%arg15 : memref<128xi32, #tpu.memory_space<vmem>>)
          tpu.yield
        }) : () -> ()
      } else {
      }
    }
    %scan3A_60 = arith.constant 39 : i32
    "tpu.region"() ({
      %run_scoped3A_75 = tpu.sem_alloc : memref<!tpu.dma_semaphore, #tpu.memory_space<semaphore_mem>>
      %dma_start3A_76 = arith.constant 0 : i32
      %dma_start3A_77 = arith.constant 0 : i32
      %dma_start3A_78 = tpu.memref_slice %arg18[%dma_start3A_76, %dma_start3A_77] : memref<10368x128xf32, #tpu.memory_space<vmem_shared>> -> memref<10368x128xf32, #tpu.memory_space<vmem_shared>>
      tpu.enqueue_indirect_dma source(%arg16 : memref<128x128xf32, #tpu.memory_space<vmem>>) target(%dma_start3A_78 : memref<10368x128xf32, #tpu.memory_space<vmem_shared>>) offsets(%arg14 : memref<128xi32, #tpu.memory_space<vmem>>) semaphore(%run_scoped3A_75 : memref<!tpu.dma_semaphore, #tpu.memory_space<semaphore_mem>>) {add = true}
      %dma_wait3A_79 = arith.constant 0 : i32
      %dma_wait3A_80 = arith.constant 0 : i32
      %dma_wait3A_81 = tpu.memref_slice %arg18[%dma_wait3A_79, %dma_wait3A_80] : memref<10368x128xf32, #tpu.memory_space<vmem_shared>> -> memref<10368x128xf32, #tpu.memory_space<vmem_shared>>
      tpu.wait_indirect_dma semaphore(%run_scoped3A_75 : memref<!tpu.dma_semaphore, #tpu.memory_space<semaphore_mem>>) src(%arg16 : memref<128x128xf32, #tpu.memory_space<vmem>>) dst(%dma_wait3A_81 : memref<10368x128xf32, #tpu.memory_space<vmem_shared>>)
      tpu.yield
    }) : () -> ()
    %barrier3A_61 = arith.constant 0 : index
    tpu.barrier barrier_id(%barrier3A_61)
    "tpu.region"() ({
      %run_scoped3A_75 = tpu.sem_alloc : memref<!tpu.dma_semaphore, #tpu.memory_space<semaphore_mem>>
      %dma_start3A_76 = arith.constant 0 : i32
      %dma_start3A_77 = tpu.memref_slice %arg10[%arg0, %mul3A_2, %dma_start3A_76] : memref<2x10368x128xf32, #tpu.memory_space<hbm>> -> memref<1x648x128xf32, #tpu.memory_space<hbm>>
      %dma_start3A_78 = tpu.memref_squeeze %dma_start3A_77 : memref<1x648x128xf32, #tpu.memory_space<hbm>> -> memref<648x128xf32, #tpu.memory_space<hbm>>
      %dma_start3A_79 = arith.constant 0 : i32
      %dma_start3A_80 = tpu.memref_slice %arg18[%mul3A_2, %dma_start3A_79] : memref<10368x128xf32, #tpu.memory_space<vmem_shared>> -> memref<648x128xf32, #tpu.memory_space<vmem_shared>>
      tpu.enqueue_dma source(%dma_start3A_80 : memref<648x128xf32, #tpu.memory_space<vmem_shared>>) target(%dma_start3A_78 : memref<648x128xf32, #tpu.memory_space<hbm>>) target_semaphore(%run_scoped3A_75 : memref<!tpu.dma_semaphore, #tpu.memory_space<semaphore_mem>>)
      %dma_wait3A_81 = arith.constant 0 : i32
      %dma_wait3A_82 = tpu.memref_slice %arg10[%arg0, %mul3A_2, %dma_wait3A_81] : memref<2x10368x128xf32, #tpu.memory_space<hbm>> -> memref<1x648x128xf32, #tpu.memory_space<hbm>>
      %dma_wait3A_83 = tpu.memref_squeeze %dma_wait3A_82 : memref<1x648x128xf32, #tpu.memory_space<hbm>> -> memref<648x128xf32, #tpu.memory_space<hbm>>
      %dma_wait3A_84 = arith.constant 0 : i32
      %dma_wait3A_85 = tpu.memref_slice %arg18[%mul3A_2, %dma_wait3A_84] : memref<10368x128xf32, #tpu.memory_space<vmem_shared>> -> memref<648x128xf32, #tpu.memory_space<vmem_shared>>
      tpu.wait_dma2 semaphore(%run_scoped3A_75 : memref<!tpu.dma_semaphore, #tpu.memory_space<semaphore_mem>>) src(%dma_wait3A_85 : memref<648x128xf32, #tpu.memory_space<vmem_shared>>) dst(%dma_wait3A_83 : memref<648x128xf32, #tpu.memory_space<hbm>>)
      tpu.yield
    }) : () -> ()
    %barrier3A_62 = arith.constant 0 : index
    tpu.barrier barrier_id(%barrier3A_62)
    "tpu.region"() ({
      %run_scoped3A_75 = tpu.sem_alloc : memref<!tpu.dma_semaphore, #tpu.memory_space<semaphore_mem>>
      %dma_start3A_76 = arith.constant 0 : i32
      %dma_start3A_77 = tpu.memref_slice %arg18[%mul3A_2, %dma_start3A_76] : memref<10368x128xf32, #tpu.memory_space<vmem_shared>> -> memref<648x128xf32, #tpu.memory_space<vmem_shared>>
      %dma_start3A_78 = arith.constant 0 : i32
      %dma_start3A_79 = tpu.memref_slice %arg6[%mul3A_2, %dma_start3A_78] : memref<10368x128xf32, #tpu.memory_space<hbm>> -> memref<648x128xf32, #tpu.memory_space<hbm>>
      tpu.enqueue_dma source(%dma_start3A_79 : memref<648x128xf32, #tpu.memory_space<hbm>>) target(%dma_start3A_77 : memref<648x128xf32, #tpu.memory_space<vmem_shared>>) target_semaphore(%run_scoped3A_75 : memref<!tpu.dma_semaphore, #tpu.memory_space<semaphore_mem>>)
      %dma_wait3A_80 = arith.constant 0 : i32
      %dma_wait3A_81 = tpu.memref_slice %arg18[%mul3A_2, %dma_wait3A_80] : memref<10368x128xf32, #tpu.memory_space<vmem_shared>> -> memref<648x128xf32, #tpu.memory_space<vmem_shared>>
      %dma_wait3A_82 = arith.constant 0 : i32
      %dma_wait3A_83 = tpu.memref_slice %arg6[%mul3A_2, %dma_wait3A_82] : memref<10368x128xf32, #tpu.memory_space<hbm>> -> memref<648x128xf32, #tpu.memory_space<hbm>>
      tpu.wait_dma2 semaphore(%run_scoped3A_75 : memref<!tpu.dma_semaphore, #tpu.memory_space<semaphore_mem>>) src(%dma_wait3A_83 : memref<648x128xf32, #tpu.memory_space<hbm>>) dst(%dma_wait3A_81 : memref<648x128xf32, #tpu.memory_space<vmem_shared>>)
      tpu.yield
    }) : () -> ()
    %barrier3A_63 = arith.constant 0 : index
    tpu.barrier barrier_id(%barrier3A_63)
    %run_scoped3A_64 = arith.constant 1 : i32
    %run_scoped3A_65 = arith.constant 0 : i32
    "tpu.region"() ({
      %run_scoped3A_75 = tpu.sem_alloc : memref<!tpu.dma_semaphore, #tpu.memory_space<semaphore_mem>>
      %dma_start3A_76 = arith.constant 0 : i32
      %dma_start3A_77 = tpu.memref_slice %arg5[%run_scoped3A_64, %add3A, %run_scoped3A_65, %dma_start3A_76] : memref<2x32x79x128xi32, #tpu.memory_space<hbm>> -> memref<1x1x1x128xi32, #tpu.memory_space<hbm>>
      %dma_start3A_78 = tpu.memref_squeeze %dma_start3A_77 : memref<1x1x1x128xi32, #tpu.memory_space<hbm>> -> memref<128xi32, #tpu.memory_space<hbm>>
      %dma_start3A_79 = arith.constant 0 : i32
      %dma_start3A_80 = tpu.memref_slice %arg5[%run_scoped3A_64, %add3A, %run_scoped3A_65, %dma_start3A_79] : memref<2x32x79x128xi32, #tpu.memory_space<hbm>> -> memref<1x1x1x128xi32, #tpu.memory_space<hbm>>
      %dma_start3A_81 = tpu.memref_squeeze %dma_start3A_80 : memref<1x1x1x128xi32, #tpu.memory_space<hbm>> -> memref<128xi32, #tpu.memory_space<hbm>>
      tpu.enqueue_dma source(%dma_start3A_81 : memref<128xi32, #tpu.memory_space<hbm>>) target(%arg14 : memref<128xi32, #tpu.memory_space<vmem>>) target_semaphore(%run_scoped3A_75 : memref<!tpu.dma_semaphore, #tpu.memory_space<semaphore_mem>>)
      %dma_wait3A_82 = arith.constant 0 : i32
      %dma_wait3A_83 = tpu.memref_slice %arg5[%run_scoped3A_64, %add3A, %run_scoped3A_65, %dma_wait3A_82] : memref<2x32x79x128xi32, #tpu.memory_space<hbm>> -> memref<1x1x1x128xi32, #tpu.memory_space<hbm>>
      %dma_wait3A_84 = tpu.memref_squeeze %dma_wait3A_83 : memref<1x1x1x128xi32, #tpu.memory_space<hbm>> -> memref<128xi32, #tpu.memory_space<hbm>>
      %dma_wait3A_85 = arith.constant 0 : i32
      %dma_wait3A_86 = tpu.memref_slice %arg5[%run_scoped3A_64, %add3A, %run_scoped3A_65, %dma_wait3A_85] : memref<2x32x79x128xi32, #tpu.memory_space<hbm>> -> memref<1x1x1x128xi32, #tpu.memory_space<hbm>>
      %dma_wait3A_87 = tpu.memref_squeeze %dma_wait3A_86 : memref<1x1x1x128xi32, #tpu.memory_space<hbm>> -> memref<128xi32, #tpu.memory_space<hbm>>
      tpu.wait_dma2 semaphore(%run_scoped3A_75 : memref<!tpu.dma_semaphore, #tpu.memory_space<semaphore_mem>>) src(%dma_wait3A_87 : memref<128xi32, #tpu.memory_space<hbm>>) dst(%arg14 : memref<128xi32, #tpu.memory_space<vmem>>)
      tpu.yield
    }) : () -> ()
    %run_scoped3A_66 = arith.constant 1 : i32
    %run_scoped3A_67 = arith.constant 1 : i32
    "tpu.region"() ({
      %run_scoped3A_75 = tpu.sem_alloc : memref<!tpu.dma_semaphore, #tpu.memory_space<semaphore_mem>>
      %dma_start3A_76 = arith.constant 0 : i32
      %dma_start3A_77 = tpu.memref_slice %arg5[%run_scoped3A_66, %add3A, %run_scoped3A_67, %dma_start3A_76] : memref<2x32x79x128xi32, #tpu.memory_space<hbm>> -> memref<1x1x1x128xi32, #tpu.memory_space<hbm>>
      %dma_start3A_78 = tpu.memref_squeeze %dma_start3A_77 : memref<1x1x1x128xi32, #tpu.memory_space<hbm>> -> memref<128xi32, #tpu.memory_space<hbm>>
      %dma_start3A_79 = arith.constant 0 : i32
      %dma_start3A_80 = tpu.memref_slice %arg5[%run_scoped3A_66, %add3A, %run_scoped3A_67, %dma_start3A_79] : memref<2x32x79x128xi32, #tpu.memory_space<hbm>> -> memref<1x1x1x128xi32, #tpu.memory_space<hbm>>
      %dma_start3A_81 = tpu.memref_squeeze %dma_start3A_80 : memref<1x1x1x128xi32, #tpu.memory_space<hbm>> -> memref<128xi32, #tpu.memory_space<hbm>>
      tpu.enqueue_dma source(%dma_start3A_81 : memref<128xi32, #tpu.memory_space<hbm>>) target(%arg15 : memref<128xi32, #tpu.memory_space<vmem>>) target_semaphore(%run_scoped3A_75 : memref<!tpu.dma_semaphore, #tpu.memory_space<semaphore_mem>>)
      %dma_wait3A_82 = arith.constant 0 : i32
      %dma_wait3A_83 = tpu.memref_slice %arg5[%run_scoped3A_66, %add3A, %run_scoped3A_67, %dma_wait3A_82] : memref<2x32x79x128xi32, #tpu.memory_space<hbm>> -> memref<1x1x1x128xi32, #tpu.memory_space<hbm>>
      %dma_wait3A_84 = tpu.memref_squeeze %dma_wait3A_83 : memref<1x1x1x128xi32, #tpu.memory_space<hbm>> -> memref<128xi32, #tpu.memory_space<hbm>>
      %dma_wait3A_85 = arith.constant 0 : i32
      %dma_wait3A_86 = tpu.memref_slice %arg5[%run_scoped3A_66, %add3A, %run_scoped3A_67, %dma_wait3A_85] : memref<2x32x79x128xi32, #tpu.memory_space<hbm>> -> memref<1x1x1x128xi32, #tpu.memory_space<hbm>>
      %dma_wait3A_87 = tpu.memref_squeeze %dma_wait3A_86 : memref<1x1x1x128xi32, #tpu.memory_space<hbm>> -> memref<128xi32, #tpu.memory_space<hbm>>
      tpu.wait_dma2 semaphore(%run_scoped3A_75 : memref<!tpu.dma_semaphore, #tpu.memory_space<semaphore_mem>>) src(%dma_wait3A_87 : memref<128xi32, #tpu.memory_space<hbm>>) dst(%arg15 : memref<128xi32, #tpu.memory_space<vmem>>)
      tpu.yield
    }) : () -> ()
    %scan3A_68 = arith.constant 0 : i32
    %scan3A_69 = arith.constant 0 : i32
    %scan3A_70 = arith.constant 39 : i32
    %scan3A_71 = arith.addi %scan3A_69, %scan3A_70 : i32
    %scan3A_72 = arith.constant 1 : i32
    scf.for %scan3A_75 = %scan3A_69 to %scan3A_71 step %scan3A_72  : i32 {
      %dma_start3A_76 = arith.constant 0 : i32
      %dma_start3A_77 = arith.constant 0 : i32
      %dma_start3A_78 = tpu.memref_slice %arg18[%dma_start3A_76, %dma_start3A_77] : memref<10368x128xf32, #tpu.memory_space<vmem_shared>> -> memref<10368x128xf32, #tpu.memory_space<vmem_shared>>
      tpu.enqueue_indirect_dma source(%arg16 : memref<128x128xf32, #tpu.memory_space<vmem>>) target(%dma_start3A_78 : memref<10368x128xf32, #tpu.memory_space<vmem_shared>>) offsets(%arg14 : memref<128xi32, #tpu.memory_space<vmem>>) semaphore(%arg21 : memref<!tpu.dma_semaphore, #tpu.memory_space<semaphore_mem>>) {add = true}
      %dma_start3A_79 = arith.constant 0 : i32
      %dma_start3A_80 = arith.constant 0 : i32
      %dma_start3A_81 = tpu.memref_slice %arg18[%dma_start3A_79, %dma_start3A_80] : memref<10368x128xf32, #tpu.memory_space<vmem_shared>> -> memref<10368x128xf32, #tpu.memory_space<vmem_shared>>
      tpu.enqueue_indirect_dma source(%arg16 : memref<128x128xf32, #tpu.memory_space<vmem>>) target(%dma_start3A_81 : memref<10368x128xf32, #tpu.memory_space<vmem_shared>>) offsets(%arg15 : memref<128xi32, #tpu.memory_space<vmem>>) semaphore(%arg22 : memref<!tpu.dma_semaphore, #tpu.memory_space<semaphore_mem>>) {add = true}
      %dma_wait3A_82 = arith.constant 0 : i32
      %dma_wait3A_83 = arith.constant 0 : i32
      %dma_wait3A_84 = tpu.memref_slice %arg18[%dma_wait3A_82, %dma_wait3A_83] : memref<10368x128xf32, #tpu.memory_space<vmem_shared>> -> memref<10368x128xf32, #tpu.memory_space<vmem_shared>>
      tpu.wait_indirect_dma semaphore(%arg21 : memref<!tpu.dma_semaphore, #tpu.memory_space<semaphore_mem>>) src(%arg16 : memref<128x128xf32, #tpu.memory_space<vmem>>) dst(%dma_wait3A_84 : memref<10368x128xf32, #tpu.memory_space<vmem_shared>>)
      %mul3A_85 = arith.constant 2 : i32
      %mul3A_86 = arith.muli %mul3A_85, %scan3A_75 : i32
      %add3A_87 = arith.constant 0 : i32
      %add3A_88 = arith.addi %mul3A_86, %add3A_87 : i32
      %add3A_89 = arith.constant 2 : i32
      %add3A_90 = arith.addi %add3A_88, %add3A_89 : i32
      %lt3A = arith.constant 79 : i32
      %lt3A_91 = arith.cmpi slt, %add3A_90, %lt3A : i32
      %convert_element_type3A = arith.extui %lt3A_91 : i1 to i32
      %cond3A = arith.constant 0 : i32
      %cond3A_92 = arith.cmpi ne, %convert_element_type3A, %cond3A : i32
      scf.if %cond3A_92 {
        %run_scoped3A_107 = arith.constant 1 : i32
        "tpu.region"() ({
          %run_scoped3A_108 = tpu.sem_alloc : memref<!tpu.dma_semaphore, #tpu.memory_space<semaphore_mem>>
          %dma_start3A_109 = arith.constant 0 : i32
          %dma_start3A_110 = tpu.memref_slice %arg5[%run_scoped3A_107, %add3A, %add3A_90, %dma_start3A_109] : memref<2x32x79x128xi32, #tpu.memory_space<hbm>> -> memref<1x1x1x128xi32, #tpu.memory_space<hbm>>
          %dma_start3A_111 = tpu.memref_squeeze %dma_start3A_110 : memref<1x1x1x128xi32, #tpu.memory_space<hbm>> -> memref<128xi32, #tpu.memory_space<hbm>>
          %dma_start3A_112 = arith.constant 0 : i32
          %dma_start3A_113 = tpu.memref_slice %arg5[%run_scoped3A_107, %add3A, %add3A_90, %dma_start3A_112] : memref<2x32x79x128xi32, #tpu.memory_space<hbm>> -> memref<1x1x1x128xi32, #tpu.memory_space<hbm>>
          %dma_start3A_114 = tpu.memref_squeeze %dma_start3A_113 : memref<1x1x1x128xi32, #tpu.memory_space<hbm>> -> memref<128xi32, #tpu.memory_space<hbm>>
          tpu.enqueue_dma source(%dma_start3A_114 : memref<128xi32, #tpu.memory_space<hbm>>) target(%arg14 : memref<128xi32, #tpu.memory_space<vmem>>) target_semaphore(%run_scoped3A_108 : memref<!tpu.dma_semaphore, #tpu.memory_space<semaphore_mem>>)
          %dma_wait3A_115 = arith.constant 0 : i32
          %dma_wait3A_116 = tpu.memref_slice %arg5[%run_scoped3A_107, %add3A, %add3A_90, %dma_wait3A_115] : memref<2x32x79x128xi32, #tpu.memory_space<hbm>> -> memref<1x1x1x128xi32, #tpu.memory_space<hbm>>
          %dma_wait3A_117 = tpu.memref_squeeze %dma_wait3A_116 : memref<1x1x1x128xi32, #tpu.memory_space<hbm>> -> memref<128xi32, #tpu.memory_space<hbm>>
          %dma_wait3A_118 = arith.constant 0 : i32
          %dma_wait3A_119 = tpu.memref_slice %arg5[%run_scoped3A_107, %add3A, %add3A_90, %dma_wait3A_118] : memref<2x32x79x128xi32, #tpu.memory_space<hbm>> -> memref<1x1x1x128xi32, #tpu.memory_space<hbm>>
          %dma_wait3A_120 = tpu.memref_squeeze %dma_wait3A_119 : memref<1x1x1x128xi32, #tpu.memory_space<hbm>> -> memref<128xi32, #tpu.memory_space<hbm>>
          tpu.wait_dma2 semaphore(%run_scoped3A_108 : memref<!tpu.dma_semaphore, #tpu.memory_space<semaphore_mem>>) src(%dma_wait3A_120 : memref<128xi32, #tpu.memory_space<hbm>>) dst(%arg14 : memref<128xi32, #tpu.memory_space<vmem>>)
          tpu.yield
        }) : () -> ()
      } else {
      }
      %dma_wait3A_93 = arith.constant 0 : i32
      %dma_wait3A_94 = arith.constant 0 : i32
      %dma_wait3A_95 = tpu.memref_slice %arg18[%dma_wait3A_93, %dma_wait3A_94] : memref<10368x128xf32, #tpu.memory_space<vmem_shared>> -> memref<10368x128xf32, #tpu.memory_space<vmem_shared>>
      tpu.wait_indirect_dma semaphore(%arg22 : memref<!tpu.dma_semaphore, #tpu.memory_space<semaphore_mem>>) src(%arg16 : memref<128x128xf32, #tpu.memory_space<vmem>>) dst(%dma_wait3A_95 : memref<10368x128xf32, #tpu.memory_space<vmem_shared>>)
      %mul3A_96 = arith.constant 2 : i32
      %mul3A_97 = arith.muli %mul3A_96, %scan3A_75 : i32
      %add3A_98 = arith.constant 1 : i32
      %add3A_99 = arith.addi %mul3A_97, %add3A_98 : i32
      %add3A_100 = arith.constant 2 : i32
      %add3A_101 = arith.addi %add3A_99, %add3A_100 : i32
      %lt3A_102 = arith.constant 79 : i32
      %lt3A_103 = arith.cmpi slt, %add3A_101, %lt3A_102 : i32
      %convert_element_type3A_104 = arith.extui %lt3A_103 : i1 to i32
      %cond3A_105 = arith.constant 0 : i32
      %cond3A_106 = arith.cmpi ne, %convert_element_type3A_104, %cond3A_105 : i32
      scf.if %cond3A_106 {
        %run_scoped3A_107 = arith.constant 1 : i32
        "tpu.region"() ({
          %run_scoped3A_108 = tpu.sem_alloc : memref<!tpu.dma_semaphore, #tpu.memory_space<semaphore_mem>>
          %dma_start3A_109 = arith.constant 0 : i32
          %dma_start3A_110 = tpu.memref_slice %arg5[%run_scoped3A_107, %add3A, %add3A_101, %dma_start3A_109] : memref<2x32x79x128xi32, #tpu.memory_space<hbm>> -> memref<1x1x1x128xi32, #tpu.memory_space<hbm>>
          %dma_start3A_111 = tpu.memref_squeeze %dma_start3A_110 : memref<1x1x1x128xi32, #tpu.memory_space<hbm>> -> memref<128xi32, #tpu.memory_space<hbm>>
          %dma_start3A_112 = arith.constant 0 : i32
          %dma_start3A_113 = tpu.memref_slice %arg5[%run_scoped3A_107, %add3A, %add3A_101, %dma_start3A_112] : memref<2x32x79x128xi32, #tpu.memory_space<hbm>> -> memref<1x1x1x128xi32, #tpu.memory_space<hbm>>
          %dma_start3A_114 = tpu.memref_squeeze %dma_start3A_113 : memref<1x1x1x128xi32, #tpu.memory_space<hbm>> -> memref<128xi32, #tpu.memory_space<hbm>>
          tpu.enqueue_dma source(%dma_start3A_114 : memref<128xi32, #tpu.memory_space<hbm>>) target(%arg15 : memref<128xi32, #tpu.memory_space<vmem>>) target_semaphore(%run_scoped3A_108 : memref<!tpu.dma_semaphore, #tpu.memory_space<semaphore_mem>>)
          %dma_wait3A_115 = arith.constant 0 : i32
          %dma_wait3A_116 = tpu.memref_slice %arg5[%run_scoped3A_107, %add3A, %add3A_101, %dma_wait3A_115] : memref<2x32x79x128xi32, #tpu.memory_space<hbm>> -> memref<1x1x1x128xi32, #tpu.memory_space<hbm>>
          %dma_wait3A_117 = tpu.memref_squeeze %dma_wait3A_116 : memref<1x1x1x128xi32, #tpu.memory_space<hbm>> -> memref<128xi32, #tpu.memory_space<hbm>>
          %dma_wait3A_118 = arith.constant 0 : i32
          %dma_wait3A_119 = tpu.memref_slice %arg5[%run_scoped3A_107, %add3A, %add3A_101, %dma_wait3A_118] : memref<2x32x79x128xi32, #tpu.memory_space<hbm>> -> memref<1x1x1x128xi32, #tpu.memory_space<hbm>>
          %dma_wait3A_120 = tpu.memref_squeeze %dma_wait3A_119 : memref<1x1x1x128xi32, #tpu.memory_space<hbm>> -> memref<128xi32, #tpu.memory_space<hbm>>
          tpu.wait_dma2 semaphore(%run_scoped3A_108 : memref<!tpu.dma_semaphore, #tpu.memory_space<semaphore_mem>>) src(%dma_wait3A_120 : memref<128xi32, #tpu.memory_space<hbm>>) dst(%arg15 : memref<128xi32, #tpu.memory_space<vmem>>)
          tpu.yield
        }) : () -> ()
      } else {
      }
    }
    %scan3A_73 = arith.constant 39 : i32
    "tpu.region"() ({
      %run_scoped3A_75 = tpu.sem_alloc : memref<!tpu.dma_semaphore, #tpu.memory_space<semaphore_mem>>
      %dma_start3A_76 = arith.constant 0 : i32
      %dma_start3A_77 = arith.constant 0 : i32
      %dma_start3A_78 = tpu.memref_slice %arg18[%dma_start3A_76, %dma_start3A_77] : memref<10368x128xf32, #tpu.memory_space<vmem_shared>> -> memref<10368x128xf32, #tpu.memory_space<vmem_shared>>
      tpu.enqueue_indirect_dma source(%arg16 : memref<128x128xf32, #tpu.memory_space<vmem>>) target(%dma_start3A_78 : memref<10368x128xf32, #tpu.memory_space<vmem_shared>>) offsets(%arg14 : memref<128xi32, #tpu.memory_space<vmem>>) semaphore(%run_scoped3A_75 : memref<!tpu.dma_semaphore, #tpu.memory_space<semaphore_mem>>) {add = true}
      %dma_wait3A_79 = arith.constant 0 : i32
      %dma_wait3A_80 = arith.constant 0 : i32
      %dma_wait3A_81 = tpu.memref_slice %arg18[%dma_wait3A_79, %dma_wait3A_80] : memref<10368x128xf32, #tpu.memory_space<vmem_shared>> -> memref<10368x128xf32, #tpu.memory_space<vmem_shared>>
      tpu.wait_indirect_dma semaphore(%run_scoped3A_75 : memref<!tpu.dma_semaphore, #tpu.memory_space<semaphore_mem>>) src(%arg16 : memref<128x128xf32, #tpu.memory_space<vmem>>) dst(%dma_wait3A_81 : memref<10368x128xf32, #tpu.memory_space<vmem_shared>>)
      tpu.yield
    }) : () -> ()
    %barrier3A_74 = arith.constant 0 : index
    tpu.barrier barrier_id(%barrier3A_74)
    "tpu.region"() ({
      %run_scoped3A_75 = tpu.sem_alloc : memref<!tpu.dma_semaphore, #tpu.memory_space<semaphore_mem>>
      %dma_start3A_76 = arith.constant 0 : i32
      %dma_start3A_77 = tpu.memref_slice %arg11[%arg0, %mul3A_2, %dma_start3A_76] : memref<2x10368x128xf32, #tpu.memory_space<hbm>> -> memref<1x648x128xf32, #tpu.memory_space<hbm>>
      %dma_start3A_78 = tpu.memref_squeeze %dma_start3A_77 : memref<1x648x128xf32, #tpu.memory_space<hbm>> -> memref<648x128xf32, #tpu.memory_space<hbm>>
      %dma_start3A_79 = arith.constant 0 : i32
      %dma_start3A_80 = tpu.memref_slice %arg18[%mul3A_2, %dma_start3A_79] : memref<10368x128xf32, #tpu.memory_space<vmem_shared>> -> memref<648x128xf32, #tpu.memory_space<vmem_shared>>
      tpu.enqueue_dma source(%dma_start3A_80 : memref<648x128xf32, #tpu.memory_space<vmem_shared>>) target(%dma_start3A_78 : memref<648x128xf32, #tpu.memory_space<hbm>>) target_semaphore(%run_scoped3A_75 : memref<!tpu.dma_semaphore, #tpu.memory_space<semaphore_mem>>)
      %dma_wait3A_81 = arith.constant 0 : i32
      %dma_wait3A_82 = tpu.memref_slice %arg11[%arg0, %mul3A_2, %dma_wait3A_81] : memref<2x10368x128xf32, #tpu.memory_space<hbm>> -> memref<1x648x128xf32, #tpu.memory_space<hbm>>
      %dma_wait3A_83 = tpu.memref_squeeze %dma_wait3A_82 : memref<1x648x128xf32, #tpu.memory_space<hbm>> -> memref<648x128xf32, #tpu.memory_space<hbm>>
      %dma_wait3A_84 = arith.constant 0 : i32
      %dma_wait3A_85 = tpu.memref_slice %arg18[%mul3A_2, %dma_wait3A_84] : memref<10368x128xf32, #tpu.memory_space<vmem_shared>> -> memref<648x128xf32, #tpu.memory_space<vmem_shared>>
      tpu.wait_dma2 semaphore(%run_scoped3A_75 : memref<!tpu.dma_semaphore, #tpu.memory_space<semaphore_mem>>) src(%dma_wait3A_85 : memref<648x128xf32, #tpu.memory_space<vmem_shared>>) dst(%dma_wait3A_83 : memref<648x128xf32, #tpu.memory_space<hbm>>)
      tpu.yield
    }) : () -> ()
    return
  }
}

#map = affine_map<(d0, d1) -> (0, 0)>
#map1 = affine_map<(d0, d1) -> (0, 0, 0, 0)>
module attributes {stable_mosaic.version = 14 : i64} {
  func.func @_gather_body(%arg0: i32, %arg1: i32, %arg2: memref<10368x128xf32, #tpu.memory_space<hbm>>, %arg3: memref<10368x128xf32, #tpu.memory_space<hbm>>, %arg4: memref<2x32x25x128xi32, #tpu.memory_space<hbm>>, %arg5: memref<102400x128xf32, #tpu.memory_space<hbm>>, %arg6: memref<102400x128xf32, #tpu.memory_space<hbm>>, %arg7: memref<128xi32, #tpu.memory_space<vmem>>, %arg8: memref<128xi32, #tpu.memory_space<vmem>>, %arg9: memref<128xi32, #tpu.memory_space<vmem>>, %arg10: memref<128xi32, #tpu.memory_space<vmem>>, %arg11: memref<128x128xf32, #tpu.memory_space<vmem>>, %arg12: memref<128x128xf32, #tpu.memory_space<vmem>>, %arg13: memref<128x128xf32, #tpu.memory_space<vmem>>, %arg14: memref<128x128xf32, #tpu.memory_space<vmem>>, %arg15: memref<!tpu.dma_semaphore, #tpu.memory_space<semaphore_mem>>, %arg16: memref<!tpu.dma_semaphore, #tpu.memory_space<semaphore_mem>>, %arg17: memref<!tpu.dma_semaphore, #tpu.memory_space<semaphore_mem>>, %arg18: memref<!tpu.dma_semaphore, #tpu.memory_space<semaphore_mem>>, %arg19: memref<!tpu.dma_semaphore, #tpu.memory_space<semaphore_mem>>, %arg20: memref<!tpu.dma_semaphore, #tpu.memory_space<semaphore_mem>>) attributes {dimension_semantics = [#tpu.dimension_semantics<core_parallel>, #tpu.dimension_semantics<subcore_parallel>], iteration_bounds = array<i64: 2, 16>, scalar_prefetch = 0 : i64, scratch_operands = 14 : i64, tpu.core_type = #tpu.core_type<sc_vector_subcore>, window_params = [{transform_indices = #map}, {transform_indices = #map}, {transform_indices = #map1}, {transform_indices = #map}, {transform_indices = #map}]} {
    %mul3A = arith.constant 16 : i32
    %mul3A_0 = arith.muli %arg0, %mul3A : i32
    %add3A = arith.addi %mul3A_0, %arg1 : i32
    %mul3A_1 = arith.constant 3200 : i32
    %mul3A_2 = arith.muli %add3A, %mul3A_1 : i32
    %run_scoped3A = arith.constant 0 : i32
    %run_scoped3A_3 = arith.constant 0 : i32
    "tpu.region"() ({
      %run_scoped3A_35 = tpu.sem_alloc : memref<!tpu.dma_semaphore, #tpu.memory_space<semaphore_mem>>
      %dma_start3A_36 = arith.constant 0 : i32
      %dma_start3A_37 = tpu.memref_slice %arg4[%run_scoped3A, %add3A, %run_scoped3A_3, %dma_start3A_36] : memref<2x32x25x128xi32, #tpu.memory_space<hbm>> -> memref<1x1x1x128xi32, #tpu.memory_space<hbm>>
      %dma_start3A_38 = tpu.memref_squeeze %dma_start3A_37 : memref<1x1x1x128xi32, #tpu.memory_space<hbm>> -> memref<128xi32, #tpu.memory_space<hbm>>
      %dma_start3A_39 = arith.constant 0 : i32
      %dma_start3A_40 = tpu.memref_slice %arg4[%run_scoped3A, %add3A, %run_scoped3A_3, %dma_start3A_39] : memref<2x32x25x128xi32, #tpu.memory_space<hbm>> -> memref<1x1x1x128xi32, #tpu.memory_space<hbm>>
      %dma_start3A_41 = tpu.memref_squeeze %dma_start3A_40 : memref<1x1x1x128xi32, #tpu.memory_space<hbm>> -> memref<128xi32, #tpu.memory_space<hbm>>
      tpu.enqueue_dma source(%dma_start3A_41 : memref<128xi32, #tpu.memory_space<hbm>>) target(%arg7 : memref<128xi32, #tpu.memory_space<vmem>>) target_semaphore(%run_scoped3A_35 : memref<!tpu.dma_semaphore, #tpu.memory_space<semaphore_mem>>)
      %dma_wait3A_42 = arith.constant 0 : i32
      %dma_wait3A_43 = tpu.memref_slice %arg4[%run_scoped3A, %add3A, %run_scoped3A_3, %dma_wait3A_42] : memref<2x32x25x128xi32, #tpu.memory_space<hbm>> -> memref<1x1x1x128xi32, #tpu.memory_space<hbm>>
      %dma_wait3A_44 = tpu.memref_squeeze %dma_wait3A_43 : memref<1x1x1x128xi32, #tpu.memory_space<hbm>> -> memref<128xi32, #tpu.memory_space<hbm>>
      %dma_wait3A_45 = arith.constant 0 : i32
      %dma_wait3A_46 = tpu.memref_slice %arg4[%run_scoped3A, %add3A, %run_scoped3A_3, %dma_wait3A_45] : memref<2x32x25x128xi32, #tpu.memory_space<hbm>> -> memref<1x1x1x128xi32, #tpu.memory_space<hbm>>
      %dma_wait3A_47 = tpu.memref_squeeze %dma_wait3A_46 : memref<1x1x1x128xi32, #tpu.memory_space<hbm>> -> memref<128xi32, #tpu.memory_space<hbm>>
      tpu.wait_dma2 semaphore(%run_scoped3A_35 : memref<!tpu.dma_semaphore, #tpu.memory_space<semaphore_mem>>) src(%dma_wait3A_47 : memref<128xi32, #tpu.memory_space<hbm>>) dst(%arg7 : memref<128xi32, #tpu.memory_space<vmem>>)
      tpu.yield
    }) : () -> ()
    %run_scoped3A_4 = arith.constant 1 : i32
    %run_scoped3A_5 = arith.constant 0 : i32
    "tpu.region"() ({
      %run_scoped3A_35 = tpu.sem_alloc : memref<!tpu.dma_semaphore, #tpu.memory_space<semaphore_mem>>
      %dma_start3A_36 = arith.constant 0 : i32
      %dma_start3A_37 = tpu.memref_slice %arg4[%run_scoped3A_4, %add3A, %run_scoped3A_5, %dma_start3A_36] : memref<2x32x25x128xi32, #tpu.memory_space<hbm>> -> memref<1x1x1x128xi32, #tpu.memory_space<hbm>>
      %dma_start3A_38 = tpu.memref_squeeze %dma_start3A_37 : memref<1x1x1x128xi32, #tpu.memory_space<hbm>> -> memref<128xi32, #tpu.memory_space<hbm>>
      %dma_start3A_39 = arith.constant 0 : i32
      %dma_start3A_40 = tpu.memref_slice %arg4[%run_scoped3A_4, %add3A, %run_scoped3A_5, %dma_start3A_39] : memref<2x32x25x128xi32, #tpu.memory_space<hbm>> -> memref<1x1x1x128xi32, #tpu.memory_space<hbm>>
      %dma_start3A_41 = tpu.memref_squeeze %dma_start3A_40 : memref<1x1x1x128xi32, #tpu.memory_space<hbm>> -> memref<128xi32, #tpu.memory_space<hbm>>
      tpu.enqueue_dma source(%dma_start3A_41 : memref<128xi32, #tpu.memory_space<hbm>>) target(%arg9 : memref<128xi32, #tpu.memory_space<vmem>>) target_semaphore(%run_scoped3A_35 : memref<!tpu.dma_semaphore, #tpu.memory_space<semaphore_mem>>)
      %dma_wait3A_42 = arith.constant 0 : i32
      %dma_wait3A_43 = tpu.memref_slice %arg4[%run_scoped3A_4, %add3A, %run_scoped3A_5, %dma_wait3A_42] : memref<2x32x25x128xi32, #tpu.memory_space<hbm>> -> memref<1x1x1x128xi32, #tpu.memory_space<hbm>>
      %dma_wait3A_44 = tpu.memref_squeeze %dma_wait3A_43 : memref<1x1x1x128xi32, #tpu.memory_space<hbm>> -> memref<128xi32, #tpu.memory_space<hbm>>
      %dma_wait3A_45 = arith.constant 0 : i32
      %dma_wait3A_46 = tpu.memref_slice %arg4[%run_scoped3A_4, %add3A, %run_scoped3A_5, %dma_wait3A_45] : memref<2x32x25x128xi32, #tpu.memory_space<hbm>> -> memref<1x1x1x128xi32, #tpu.memory_space<hbm>>
      %dma_wait3A_47 = tpu.memref_squeeze %dma_wait3A_46 : memref<1x1x1x128xi32, #tpu.memory_space<hbm>> -> memref<128xi32, #tpu.memory_space<hbm>>
      tpu.wait_dma2 semaphore(%run_scoped3A_35 : memref<!tpu.dma_semaphore, #tpu.memory_space<semaphore_mem>>) src(%dma_wait3A_47 : memref<128xi32, #tpu.memory_space<hbm>>) dst(%arg9 : memref<128xi32, #tpu.memory_space<vmem>>)
      tpu.yield
    }) : () -> ()
    %dma_start3A = arith.constant 0 : i32
    %dma_start3A_6 = arith.constant 0 : i32
    %dma_start3A_7 = tpu.memref_slice %arg2[%dma_start3A, %dma_start3A_6] : memref<10368x128xf32, #tpu.memory_space<hbm>> -> memref<10368x128xf32, #tpu.memory_space<hbm>>
    tpu.enqueue_indirect_dma source(%dma_start3A_7 : memref<10368x128xf32, #tpu.memory_space<hbm>>) target(%arg11 : memref<128x128xf32, #tpu.memory_space<vmem>>) offsets(%arg7 : memref<128xi32, #tpu.memory_space<vmem>>) semaphore(%arg15 : memref<!tpu.dma_semaphore, #tpu.memory_space<semaphore_mem>>)
    %dma_start3A_8 = arith.constant 0 : i32
    %dma_start3A_9 = arith.constant 0 : i32
    %dma_start3A_10 = tpu.memref_slice %arg3[%dma_start3A_8, %dma_start3A_9] : memref<10368x128xf32, #tpu.memory_space<hbm>> -> memref<10368x128xf32, #tpu.memory_space<hbm>>
    tpu.enqueue_indirect_dma source(%dma_start3A_10 : memref<10368x128xf32, #tpu.memory_space<hbm>>) target(%arg13 : memref<128x128xf32, #tpu.memory_space<vmem>>) offsets(%arg9 : memref<128xi32, #tpu.memory_space<vmem>>) semaphore(%arg17 : memref<!tpu.dma_semaphore, #tpu.memory_space<semaphore_mem>>)
    %run_scoped3A_11 = arith.constant 0 : i32
    %run_scoped3A_12 = arith.constant 1 : i32
    "tpu.region"() ({
      %run_scoped3A_35 = tpu.sem_alloc : memref<!tpu.dma_semaphore, #tpu.memory_space<semaphore_mem>>
      %dma_start3A_36 = arith.constant 0 : i32
      %dma_start3A_37 = tpu.memref_slice %arg4[%run_scoped3A_11, %add3A, %run_scoped3A_12, %dma_start3A_36] : memref<2x32x25x128xi32, #tpu.memory_space<hbm>> -> memref<1x1x1x128xi32, #tpu.memory_space<hbm>>
      %dma_start3A_38 = tpu.memref_squeeze %dma_start3A_37 : memref<1x1x1x128xi32, #tpu.memory_space<hbm>> -> memref<128xi32, #tpu.memory_space<hbm>>
      %dma_start3A_39 = arith.constant 0 : i32
      %dma_start3A_40 = tpu.memref_slice %arg4[%run_scoped3A_11, %add3A, %run_scoped3A_12, %dma_start3A_39] : memref<2x32x25x128xi32, #tpu.memory_space<hbm>> -> memref<1x1x1x128xi32, #tpu.memory_space<hbm>>
      %dma_start3A_41 = tpu.memref_squeeze %dma_start3A_40 : memref<1x1x1x128xi32, #tpu.memory_space<hbm>> -> memref<128xi32, #tpu.memory_space<hbm>>
      tpu.enqueue_dma source(%dma_start3A_41 : memref<128xi32, #tpu.memory_space<hbm>>) target(%arg8 : memref<128xi32, #tpu.memory_space<vmem>>) target_semaphore(%run_scoped3A_35 : memref<!tpu.dma_semaphore, #tpu.memory_space<semaphore_mem>>)
      %dma_wait3A_42 = arith.constant 0 : i32
      %dma_wait3A_43 = tpu.memref_slice %arg4[%run_scoped3A_11, %add3A, %run_scoped3A_12, %dma_wait3A_42] : memref<2x32x25x128xi32, #tpu.memory_space<hbm>> -> memref<1x1x1x128xi32, #tpu.memory_space<hbm>>
      %dma_wait3A_44 = tpu.memref_squeeze %dma_wait3A_43 : memref<1x1x1x128xi32, #tpu.memory_space<hbm>> -> memref<128xi32, #tpu.memory_space<hbm>>
      %dma_wait3A_45 = arith.constant 0 : i32
      %dma_wait3A_46 = tpu.memref_slice %arg4[%run_scoped3A_11, %add3A, %run_scoped3A_12, %dma_wait3A_45] : memref<2x32x25x128xi32, #tpu.memory_space<hbm>> -> memref<1x1x1x128xi32, #tpu.memory_space<hbm>>
      %dma_wait3A_47 = tpu.memref_squeeze %dma_wait3A_46 : memref<1x1x1x128xi32, #tpu.memory_space<hbm>> -> memref<128xi32, #tpu.memory_space<hbm>>
      tpu.wait_dma2 semaphore(%run_scoped3A_35 : memref<!tpu.dma_semaphore, #tpu.memory_space<semaphore_mem>>) src(%dma_wait3A_47 : memref<128xi32, #tpu.memory_space<hbm>>) dst(%arg8 : memref<128xi32, #tpu.memory_space<vmem>>)
      tpu.yield
    }) : () -> ()
    %run_scoped3A_13 = arith.constant 1 : i32
    %run_scoped3A_14 = arith.constant 1 : i32
    "tpu.region"() ({
      %run_scoped3A_35 = tpu.sem_alloc : memref<!tpu.dma_semaphore, #tpu.memory_space<semaphore_mem>>
      %dma_start3A_36 = arith.constant 0 : i32
      %dma_start3A_37 = tpu.memref_slice %arg4[%run_scoped3A_13, %add3A, %run_scoped3A_14, %dma_start3A_36] : memref<2x32x25x128xi32, #tpu.memory_space<hbm>> -> memref<1x1x1x128xi32, #tpu.memory_space<hbm>>
      %dma_start3A_38 = tpu.memref_squeeze %dma_start3A_37 : memref<1x1x1x128xi32, #tpu.memory_space<hbm>> -> memref<128xi32, #tpu.memory_space<hbm>>
      %dma_start3A_39 = arith.constant 0 : i32
      %dma_start3A_40 = tpu.memref_slice %arg4[%run_scoped3A_13, %add3A, %run_scoped3A_14, %dma_start3A_39] : memref<2x32x25x128xi32, #tpu.memory_space<hbm>> -> memref<1x1x1x128xi32, #tpu.memory_space<hbm>>
      %dma_start3A_41 = tpu.memref_squeeze %dma_start3A_40 : memref<1x1x1x128xi32, #tpu.memory_space<hbm>> -> memref<128xi32, #tpu.memory_space<hbm>>
      tpu.enqueue_dma source(%dma_start3A_41 : memref<128xi32, #tpu.memory_space<hbm>>) target(%arg10 : memref<128xi32, #tpu.memory_space<vmem>>) target_semaphore(%run_scoped3A_35 : memref<!tpu.dma_semaphore, #tpu.memory_space<semaphore_mem>>)
      %dma_wait3A_42 = arith.constant 0 : i32
      %dma_wait3A_43 = tpu.memref_slice %arg4[%run_scoped3A_13, %add3A, %run_scoped3A_14, %dma_wait3A_42] : memref<2x32x25x128xi32, #tpu.memory_space<hbm>> -> memref<1x1x1x128xi32, #tpu.memory_space<hbm>>
      %dma_wait3A_44 = tpu.memref_squeeze %dma_wait3A_43 : memref<1x1x1x128xi32, #tpu.memory_space<hbm>> -> memref<128xi32, #tpu.memory_space<hbm>>
      %dma_wait3A_45 = arith.constant 0 : i32
      %dma_wait3A_46 = tpu.memref_slice %arg4[%run_scoped3A_13, %add3A, %run_scoped3A_14, %dma_wait3A_45] : memref<2x32x25x128xi32, #tpu.memory_space<hbm>> -> memref<1x1x1x128xi32, #tpu.memory_space<hbm>>
      %dma_wait3A_47 = tpu.memref_squeeze %dma_wait3A_46 : memref<1x1x1x128xi32, #tpu.memory_space<hbm>> -> memref<128xi32, #tpu.memory_space<hbm>>
      tpu.wait_dma2 semaphore(%run_scoped3A_35 : memref<!tpu.dma_semaphore, #tpu.memory_space<semaphore_mem>>) src(%dma_wait3A_47 : memref<128xi32, #tpu.memory_space<hbm>>) dst(%arg10 : memref<128xi32, #tpu.memory_space<vmem>>)
      tpu.yield
    }) : () -> ()
    %dma_start3A_15 = arith.constant 0 : i32
    %dma_start3A_16 = arith.constant 0 : i32
    %dma_start3A_17 = tpu.memref_slice %arg2[%dma_start3A_15, %dma_start3A_16] : memref<10368x128xf32, #tpu.memory_space<hbm>> -> memref<10368x128xf32, #tpu.memory_space<hbm>>
    tpu.enqueue_indirect_dma source(%dma_start3A_17 : memref<10368x128xf32, #tpu.memory_space<hbm>>) target(%arg12 : memref<128x128xf32, #tpu.memory_space<vmem>>) offsets(%arg8 : memref<128xi32, #tpu.memory_space<vmem>>) semaphore(%arg16 : memref<!tpu.dma_semaphore, #tpu.memory_space<semaphore_mem>>)
    %dma_start3A_18 = arith.constant 0 : i32
    %dma_start3A_19 = arith.constant 0 : i32
    %dma_start3A_20 = tpu.memref_slice %arg3[%dma_start3A_18, %dma_start3A_19] : memref<10368x128xf32, #tpu.memory_space<hbm>> -> memref<10368x128xf32, #tpu.memory_space<hbm>>
    tpu.enqueue_indirect_dma source(%dma_start3A_20 : memref<10368x128xf32, #tpu.memory_space<hbm>>) target(%arg14 : memref<128x128xf32, #tpu.memory_space<vmem>>) offsets(%arg10 : memref<128xi32, #tpu.memory_space<vmem>>) semaphore(%arg18 : memref<!tpu.dma_semaphore, #tpu.memory_space<semaphore_mem>>)
    %scan3A = arith.constant 0 : i32
    %scan3A_21 = arith.constant 0 : i32
    %scan3A_22 = arith.constant 12 : i32
    %scan3A_23 = arith.addi %scan3A_21, %scan3A_22 : i32
    %scan3A_24 = arith.constant 1 : i32
    scf.for %scan3A_35 = %scan3A_21 to %scan3A_23 step %scan3A_24  : i32 {
      %mul3A_36 = arith.constant 2 : i32
      %mul3A_37 = arith.muli %mul3A_36, %scan3A_35 : i32
      %add3A_38 = arith.constant 0 : i32
      %add3A_39 = arith.addi %mul3A_37, %add3A_38 : i32
      %dma_wait3A_40 = arith.constant 0 : i32
      %dma_wait3A_41 = arith.constant 0 : i32
      %dma_wait3A_42 = tpu.memref_slice %arg2[%dma_wait3A_40, %dma_wait3A_41] : memref<10368x128xf32, #tpu.memory_space<hbm>> -> memref<10368x128xf32, #tpu.memory_space<hbm>>
      tpu.wait_indirect_dma semaphore(%arg15 : memref<!tpu.dma_semaphore, #tpu.memory_space<semaphore_mem>>) src(%dma_wait3A_42 : memref<10368x128xf32, #tpu.memory_space<hbm>>) dst(%arg11 : memref<128x128xf32, #tpu.memory_space<vmem>>)
      %mul3A_43 = arith.constant 128 : i32
      %mul3A_44 = arith.muli %add3A_39, %mul3A_43 : i32
      %add3A_45 = arith.addi %mul3A_2, %mul3A_44 : i32
      %dma_start3A_46 = arith.constant 0 : i32
      %dma_start3A_47 = tpu.memref_slice %arg5[%add3A_45, %dma_start3A_46] : memref<102400x128xf32, #tpu.memory_space<hbm>> -> memref<128x128xf32, #tpu.memory_space<hbm>>
      %dma_start3A_48 = arith.constant 0 : i32
      %dma_start3A_49 = tpu.memref_slice %arg5[%add3A_45, %dma_start3A_48] : memref<102400x128xf32, #tpu.memory_space<hbm>> -> memref<128x128xf32, #tpu.memory_space<hbm>>
      tpu.enqueue_dma source(%arg11 : memref<128x128xf32, #tpu.memory_space<vmem>>) target(%dma_start3A_49 : memref<128x128xf32, #tpu.memory_space<hbm>>) target_semaphore(%arg19 : memref<!tpu.dma_semaphore, #tpu.memory_space<semaphore_mem>>)
      %dma_wait3A_50 = arith.constant 0 : i32
      %dma_wait3A_51 = arith.constant 0 : i32
      %dma_wait3A_52 = tpu.memref_slice %arg3[%dma_wait3A_50, %dma_wait3A_51] : memref<10368x128xf32, #tpu.memory_space<hbm>> -> memref<10368x128xf32, #tpu.memory_space<hbm>>
      tpu.wait_indirect_dma semaphore(%arg17 : memref<!tpu.dma_semaphore, #tpu.memory_space<semaphore_mem>>) src(%dma_wait3A_52 : memref<10368x128xf32, #tpu.memory_space<hbm>>) dst(%arg13 : memref<128x128xf32, #tpu.memory_space<vmem>>)
      %mul3A_53 = arith.constant 128 : i32
      %mul3A_54 = arith.muli %add3A_39, %mul3A_53 : i32
      %add3A_55 = arith.addi %mul3A_2, %mul3A_54 : i32
      %dma_start3A_56 = arith.constant 0 : i32
      %dma_start3A_57 = tpu.memref_slice %arg6[%add3A_55, %dma_start3A_56] : memref<102400x128xf32, #tpu.memory_space<hbm>> -> memref<128x128xf32, #tpu.memory_space<hbm>>
      %dma_start3A_58 = arith.constant 0 : i32
      %dma_start3A_59 = tpu.memref_slice %arg6[%add3A_55, %dma_start3A_58] : memref<102400x128xf32, #tpu.memory_space<hbm>> -> memref<128x128xf32, #tpu.memory_space<hbm>>
      tpu.enqueue_dma source(%arg13 : memref<128x128xf32, #tpu.memory_space<vmem>>) target(%dma_start3A_59 : memref<128x128xf32, #tpu.memory_space<hbm>>) target_semaphore(%arg19 : memref<!tpu.dma_semaphore, #tpu.memory_space<semaphore_mem>>)
      %mul3A_60 = arith.constant 2 : i32
      %mul3A_61 = arith.muli %mul3A_60, %scan3A_35 : i32
      %add3A_62 = arith.constant 1 : i32
      %add3A_63 = arith.addi %mul3A_61, %add3A_62 : i32
      %dma_wait3A_64 = arith.constant 0 : i32
      %dma_wait3A_65 = arith.constant 0 : i32
      %dma_wait3A_66 = tpu.memref_slice %arg2[%dma_wait3A_64, %dma_wait3A_65] : memref<10368x128xf32, #tpu.memory_space<hbm>> -> memref<10368x128xf32, #tpu.memory_space<hbm>>
      tpu.wait_indirect_dma semaphore(%arg16 : memref<!tpu.dma_semaphore, #tpu.memory_space<semaphore_mem>>) src(%dma_wait3A_66 : memref<10368x128xf32, #tpu.memory_space<hbm>>) dst(%arg12 : memref<128x128xf32, #tpu.memory_space<vmem>>)
      %mul3A_67 = arith.constant 128 : i32
      %mul3A_68 = arith.muli %add3A_63, %mul3A_67 : i32
      %add3A_69 = arith.addi %mul3A_2, %mul3A_68 : i32
      %dma_start3A_70 = arith.constant 0 : i32
      %dma_start3A_71 = tpu.memref_slice %arg5[%add3A_69, %dma_start3A_70] : memref<102400x128xf32, #tpu.memory_space<hbm>> -> memref<128x128xf32, #tpu.memory_space<hbm>>
      %dma_start3A_72 = arith.constant 0 : i32
      %dma_start3A_73 = tpu.memref_slice %arg5[%add3A_69, %dma_start3A_72] : memref<102400x128xf32, #tpu.memory_space<hbm>> -> memref<128x128xf32, #tpu.memory_space<hbm>>
      tpu.enqueue_dma source(%arg12 : memref<128x128xf32, #tpu.memory_space<vmem>>) target(%dma_start3A_73 : memref<128x128xf32, #tpu.memory_space<hbm>>) target_semaphore(%arg20 : memref<!tpu.dma_semaphore, #tpu.memory_space<semaphore_mem>>)
      %dma_wait3A_74 = arith.constant 0 : i32
      %dma_wait3A_75 = arith.constant 0 : i32
      %dma_wait3A_76 = tpu.memref_slice %arg3[%dma_wait3A_74, %dma_wait3A_75] : memref<10368x128xf32, #tpu.memory_space<hbm>> -> memref<10368x128xf32, #tpu.memory_space<hbm>>
      tpu.wait_indirect_dma semaphore(%arg18 : memref<!tpu.dma_semaphore, #tpu.memory_space<semaphore_mem>>) src(%dma_wait3A_76 : memref<10368x128xf32, #tpu.memory_space<hbm>>) dst(%arg14 : memref<128x128xf32, #tpu.memory_space<vmem>>)
      %mul3A_77 = arith.constant 128 : i32
      %mul3A_78 = arith.muli %add3A_63, %mul3A_77 : i32
      %add3A_79 = arith.addi %mul3A_2, %mul3A_78 : i32
      %dma_start3A_80 = arith.constant 0 : i32
      %dma_start3A_81 = tpu.memref_slice %arg6[%add3A_79, %dma_start3A_80] : memref<102400x128xf32, #tpu.memory_space<hbm>> -> memref<128x128xf32, #tpu.memory_space<hbm>>
      %dma_start3A_82 = arith.constant 0 : i32
      %dma_start3A_83 = tpu.memref_slice %arg6[%add3A_79, %dma_start3A_82] : memref<102400x128xf32, #tpu.memory_space<hbm>> -> memref<128x128xf32, #tpu.memory_space<hbm>>
      tpu.enqueue_dma source(%arg14 : memref<128x128xf32, #tpu.memory_space<vmem>>) target(%dma_start3A_83 : memref<128x128xf32, #tpu.memory_space<hbm>>) target_semaphore(%arg20 : memref<!tpu.dma_semaphore, #tpu.memory_space<semaphore_mem>>)
      %dma_wait3A_84 = arith.constant 0 : i32
      %dma_wait3A_85 = tpu.memref_slice %arg5[%add3A_45, %dma_wait3A_84] : memref<102400x128xf32, #tpu.memory_space<hbm>> -> memref<128x128xf32, #tpu.memory_space<hbm>>
      %dma_wait3A_86 = arith.constant 0 : i32
      %dma_wait3A_87 = tpu.memref_slice %arg5[%add3A_45, %dma_wait3A_86] : memref<102400x128xf32, #tpu.memory_space<hbm>> -> memref<128x128xf32, #tpu.memory_space<hbm>>
      tpu.wait_dma2 semaphore(%arg19 : memref<!tpu.dma_semaphore, #tpu.memory_space<semaphore_mem>>) src(%arg11 : memref<128x128xf32, #tpu.memory_space<vmem>>) dst(%dma_wait3A_87 : memref<128x128xf32, #tpu.memory_space<hbm>>)
      %dma_wait3A_88 = arith.constant 0 : i32
      %dma_wait3A_89 = tpu.memref_slice %arg6[%add3A_55, %dma_wait3A_88] : memref<102400x128xf32, #tpu.memory_space<hbm>> -> memref<128x128xf32, #tpu.memory_space<hbm>>
      %dma_wait3A_90 = arith.constant 0 : i32
      %dma_wait3A_91 = tpu.memref_slice %arg6[%add3A_55, %dma_wait3A_90] : memref<102400x128xf32, #tpu.memory_space<hbm>> -> memref<128x128xf32, #tpu.memory_space<hbm>>
      tpu.wait_dma2 semaphore(%arg19 : memref<!tpu.dma_semaphore, #tpu.memory_space<semaphore_mem>>) src(%arg13 : memref<128x128xf32, #tpu.memory_space<vmem>>) dst(%dma_wait3A_91 : memref<128x128xf32, #tpu.memory_space<hbm>>)
      %mul3A_92 = arith.constant 2 : i32
      %mul3A_93 = arith.muli %mul3A_92, %scan3A_35 : i32
      %add3A_94 = arith.constant 0 : i32
      %add3A_95 = arith.addi %mul3A_93, %add3A_94 : i32
      %add3A_96 = arith.constant 2 : i32
      %add3A_97 = arith.addi %add3A_95, %add3A_96 : i32
      %lt3A = arith.constant 25 : i32
      %lt3A_98 = arith.cmpi slt, %add3A_97, %lt3A : i32
      %convert_element_type3A = arith.extui %lt3A_98 : i1 to i32
      %cond3A = arith.constant 0 : i32
      %cond3A_99 = arith.cmpi ne, %convert_element_type3A, %cond3A : i32
      scf.if %cond3A_99 {
        %run_scoped3A_119 = arith.constant 0 : i32
        "tpu.region"() ({
          %run_scoped3A_127 = tpu.sem_alloc : memref<!tpu.dma_semaphore, #tpu.memory_space<semaphore_mem>>
          %dma_start3A_128 = arith.constant 0 : i32
          %dma_start3A_129 = tpu.memref_slice %arg4[%run_scoped3A_119, %add3A, %add3A_97, %dma_start3A_128] : memref<2x32x25x128xi32, #tpu.memory_space<hbm>> -> memref<1x1x1x128xi32, #tpu.memory_space<hbm>>
          %dma_start3A_130 = tpu.memref_squeeze %dma_start3A_129 : memref<1x1x1x128xi32, #tpu.memory_space<hbm>> -> memref<128xi32, #tpu.memory_space<hbm>>
          %dma_start3A_131 = arith.constant 0 : i32
          %dma_start3A_132 = tpu.memref_slice %arg4[%run_scoped3A_119, %add3A, %add3A_97, %dma_start3A_131] : memref<2x32x25x128xi32, #tpu.memory_space<hbm>> -> memref<1x1x1x128xi32, #tpu.memory_space<hbm>>
          %dma_start3A_133 = tpu.memref_squeeze %dma_start3A_132 : memref<1x1x1x128xi32, #tpu.memory_space<hbm>> -> memref<128xi32, #tpu.memory_space<hbm>>
          tpu.enqueue_dma source(%dma_start3A_133 : memref<128xi32, #tpu.memory_space<hbm>>) target(%arg7 : memref<128xi32, #tpu.memory_space<vmem>>) target_semaphore(%run_scoped3A_127 : memref<!tpu.dma_semaphore, #tpu.memory_space<semaphore_mem>>)
          %dma_wait3A_134 = arith.constant 0 : i32
          %dma_wait3A_135 = tpu.memref_slice %arg4[%run_scoped3A_119, %add3A, %add3A_97, %dma_wait3A_134] : memref<2x32x25x128xi32, #tpu.memory_space<hbm>> -> memref<1x1x1x128xi32, #tpu.memory_space<hbm>>
          %dma_wait3A_136 = tpu.memref_squeeze %dma_wait3A_135 : memref<1x1x1x128xi32, #tpu.memory_space<hbm>> -> memref<128xi32, #tpu.memory_space<hbm>>
          %dma_wait3A_137 = arith.constant 0 : i32
          %dma_wait3A_138 = tpu.memref_slice %arg4[%run_scoped3A_119, %add3A, %add3A_97, %dma_wait3A_137] : memref<2x32x25x128xi32, #tpu.memory_space<hbm>> -> memref<1x1x1x128xi32, #tpu.memory_space<hbm>>
          %dma_wait3A_139 = tpu.memref_squeeze %dma_wait3A_138 : memref<1x1x1x128xi32, #tpu.memory_space<hbm>> -> memref<128xi32, #tpu.memory_space<hbm>>
          tpu.wait_dma2 semaphore(%run_scoped3A_127 : memref<!tpu.dma_semaphore, #tpu.memory_space<semaphore_mem>>) src(%dma_wait3A_139 : memref<128xi32, #tpu.memory_space<hbm>>) dst(%arg7 : memref<128xi32, #tpu.memory_space<vmem>>)
          tpu.yield
        }) : () -> ()
        %run_scoped3A_120 = arith.constant 1 : i32
        "tpu.region"() ({
          %run_scoped3A_127 = tpu.sem_alloc : memref<!tpu.dma_semaphore, #tpu.memory_space<semaphore_mem>>
          %dma_start3A_128 = arith.constant 0 : i32
          %dma_start3A_129 = tpu.memref_slice %arg4[%run_scoped3A_120, %add3A, %add3A_97, %dma_start3A_128] : memref<2x32x25x128xi32, #tpu.memory_space<hbm>> -> memref<1x1x1x128xi32, #tpu.memory_space<hbm>>
          %dma_start3A_130 = tpu.memref_squeeze %dma_start3A_129 : memref<1x1x1x128xi32, #tpu.memory_space<hbm>> -> memref<128xi32, #tpu.memory_space<hbm>>
          %dma_start3A_131 = arith.constant 0 : i32
          %dma_start3A_132 = tpu.memref_slice %arg4[%run_scoped3A_120, %add3A, %add3A_97, %dma_start3A_131] : memref<2x32x25x128xi32, #tpu.memory_space<hbm>> -> memref<1x1x1x128xi32, #tpu.memory_space<hbm>>
          %dma_start3A_133 = tpu.memref_squeeze %dma_start3A_132 : memref<1x1x1x128xi32, #tpu.memory_space<hbm>> -> memref<128xi32, #tpu.memory_space<hbm>>
          tpu.enqueue_dma source(%dma_start3A_133 : memref<128xi32, #tpu.memory_space<hbm>>) target(%arg9 : memref<128xi32, #tpu.memory_space<vmem>>) target_semaphore(%run_scoped3A_127 : memref<!tpu.dma_semaphore, #tpu.memory_space<semaphore_mem>>)
          %dma_wait3A_134 = arith.constant 0 : i32
          %dma_wait3A_135 = tpu.memref_slice %arg4[%run_scoped3A_120, %add3A, %add3A_97, %dma_wait3A_134] : memref<2x32x25x128xi32, #tpu.memory_space<hbm>> -> memref<1x1x1x128xi32, #tpu.memory_space<hbm>>
          %dma_wait3A_136 = tpu.memref_squeeze %dma_wait3A_135 : memref<1x1x1x128xi32, #tpu.memory_space<hbm>> -> memref<128xi32, #tpu.memory_space<hbm>>
          %dma_wait3A_137 = arith.constant 0 : i32
          %dma_wait3A_138 = tpu.memref_slice %arg4[%run_scoped3A_120, %add3A, %add3A_97, %dma_wait3A_137] : memref<2x32x25x128xi32, #tpu.memory_space<hbm>> -> memref<1x1x1x128xi32, #tpu.memory_space<hbm>>
          %dma_wait3A_139 = tpu.memref_squeeze %dma_wait3A_138 : memref<1x1x1x128xi32, #tpu.memory_space<hbm>> -> memref<128xi32, #tpu.memory_space<hbm>>
          tpu.wait_dma2 semaphore(%run_scoped3A_127 : memref<!tpu.dma_semaphore, #tpu.memory_space<semaphore_mem>>) src(%dma_wait3A_139 : memref<128xi32, #tpu.memory_space<hbm>>) dst(%arg9 : memref<128xi32, #tpu.memory_space<vmem>>)
          tpu.yield
        }) : () -> ()
        %dma_start3A_121 = arith.constant 0 : i32
        %dma_start3A_122 = arith.constant 0 : i32
        %dma_start3A_123 = tpu.memref_slice %arg2[%dma_start3A_121, %dma_start3A_122] : memref<10368x128xf32, #tpu.memory_space<hbm>> -> memref<10368x128xf32, #tpu.memory_space<hbm>>
        tpu.enqueue_indirect_dma source(%dma_start3A_123 : memref<10368x128xf32, #tpu.memory_space<hbm>>) target(%arg11 : memref<128x128xf32, #tpu.memory_space<vmem>>) offsets(%arg7 : memref<128xi32, #tpu.memory_space<vmem>>) semaphore(%arg15 : memref<!tpu.dma_semaphore, #tpu.memory_space<semaphore_mem>>)
        %dma_start3A_124 = arith.constant 0 : i32
        %dma_start3A_125 = arith.constant 0 : i32
        %dma_start3A_126 = tpu.memref_slice %arg3[%dma_start3A_124, %dma_start3A_125] : memref<10368x128xf32, #tpu.memory_space<hbm>> -> memref<10368x128xf32, #tpu.memory_space<hbm>>
        tpu.enqueue_indirect_dma source(%dma_start3A_126 : memref<10368x128xf32, #tpu.memory_space<hbm>>) target(%arg13 : memref<128x128xf32, #tpu.memory_space<vmem>>) offsets(%arg9 : memref<128xi32, #tpu.memory_space<vmem>>) semaphore(%arg17 : memref<!tpu.dma_semaphore, #tpu.memory_space<semaphore_mem>>)
      } else {
      }
      %dma_wait3A_100 = arith.constant 0 : i32
      %dma_wait3A_101 = tpu.memref_slice %arg5[%add3A_69, %dma_wait3A_100] : memref<102400x128xf32, #tpu.memory_space<hbm>> -> memref<128x128xf32, #tpu.memory_space<hbm>>
      %dma_wait3A_102 = arith.constant 0 : i32
      %dma_wait3A_103 = tpu.memref_slice %arg5[%add3A_69, %dma_wait3A_102] : memref<102400x128xf32, #tpu.memory_space<hbm>> -> memref<128x128xf32, #tpu.memory_space<hbm>>
      tpu.wait_dma2 semaphore(%arg20 : memref<!tpu.dma_semaphore, #tpu.memory_space<semaphore_mem>>) src(%arg12 : memref<128x128xf32, #tpu.memory_space<vmem>>) dst(%dma_wait3A_103 : memref<128x128xf32, #tpu.memory_space<hbm>>)
      %dma_wait3A_104 = arith.constant 0 : i32
      %dma_wait3A_105 = tpu.memref_slice %arg6[%add3A_79, %dma_wait3A_104] : memref<102400x128xf32, #tpu.memory_space<hbm>> -> memref<128x128xf32, #tpu.memory_space<hbm>>
      %dma_wait3A_106 = arith.constant 0 : i32
      %dma_wait3A_107 = tpu.memref_slice %arg6[%add3A_79, %dma_wait3A_106] : memref<102400x128xf32, #tpu.memory_space<hbm>> -> memref<128x128xf32, #tpu.memory_space<hbm>>
      tpu.wait_dma2 semaphore(%arg20 : memref<!tpu.dma_semaphore, #tpu.memory_space<semaphore_mem>>) src(%arg14 : memref<128x128xf32, #tpu.memory_space<vmem>>) dst(%dma_wait3A_107 : memref<128x128xf32, #tpu.memory_space<hbm>>)
      %mul3A_108 = arith.constant 2 : i32
      %mul3A_109 = arith.muli %mul3A_108, %scan3A_35 : i32
      %add3A_110 = arith.constant 1 : i32
      %add3A_111 = arith.addi %mul3A_109, %add3A_110 : i32
      %add3A_112 = arith.constant 2 : i32
      %add3A_113 = arith.addi %add3A_111, %add3A_112 : i32
      %lt3A_114 = arith.constant 25 : i32
      %lt3A_115 = arith.cmpi slt, %add3A_113, %lt3A_114 : i32
      %convert_element_type3A_116 = arith.extui %lt3A_115 : i1 to i32
      %cond3A_117 = arith.constant 0 : i32
      %cond3A_118 = arith.cmpi ne, %convert_element_type3A_116, %cond3A_117 : i32
      scf.if %cond3A_118 {
        %run_scoped3A_119 = arith.constant 0 : i32
        "tpu.region"() ({
          %run_scoped3A_127 = tpu.sem_alloc : memref<!tpu.dma_semaphore, #tpu.memory_space<semaphore_mem>>
          %dma_start3A_128 = arith.constant 0 : i32
          %dma_start3A_129 = tpu.memref_slice %arg4[%run_scoped3A_119, %add3A, %add3A_113, %dma_start3A_128] : memref<2x32x25x128xi32, #tpu.memory_space<hbm>> -> memref<1x1x1x128xi32, #tpu.memory_space<hbm>>
          %dma_start3A_130 = tpu.memref_squeeze %dma_start3A_129 : memref<1x1x1x128xi32, #tpu.memory_space<hbm>> -> memref<128xi32, #tpu.memory_space<hbm>>
          %dma_start3A_131 = arith.constant 0 : i32
          %dma_start3A_132 = tpu.memref_slice %arg4[%run_scoped3A_119, %add3A, %add3A_113, %dma_start3A_131] : memref<2x32x25x128xi32, #tpu.memory_space<hbm>> -> memref<1x1x1x128xi32, #tpu.memory_space<hbm>>
          %dma_start3A_133 = tpu.memref_squeeze %dma_start3A_132 : memref<1x1x1x128xi32, #tpu.memory_space<hbm>> -> memref<128xi32, #tpu.memory_space<hbm>>
          tpu.enqueue_dma source(%dma_start3A_133 : memref<128xi32, #tpu.memory_space<hbm>>) target(%arg8 : memref<128xi32, #tpu.memory_space<vmem>>) target_semaphore(%run_scoped3A_127 : memref<!tpu.dma_semaphore, #tpu.memory_space<semaphore_mem>>)
          %dma_wait3A_134 = arith.constant 0 : i32
          %dma_wait3A_135 = tpu.memref_slice %arg4[%run_scoped3A_119, %add3A, %add3A_113, %dma_wait3A_134] : memref<2x32x25x128xi32, #tpu.memory_space<hbm>> -> memref<1x1x1x128xi32, #tpu.memory_space<hbm>>
          %dma_wait3A_136 = tpu.memref_squeeze %dma_wait3A_135 : memref<1x1x1x128xi32, #tpu.memory_space<hbm>> -> memref<128xi32, #tpu.memory_space<hbm>>
          %dma_wait3A_137 = arith.constant 0 : i32
          %dma_wait3A_138 = tpu.memref_slice %arg4[%run_scoped3A_119, %add3A, %add3A_113, %dma_wait3A_137] : memref<2x32x25x128xi32, #tpu.memory_space<hbm>> -> memref<1x1x1x128xi32, #tpu.memory_space<hbm>>
          %dma_wait3A_139 = tpu.memref_squeeze %dma_wait3A_138 : memref<1x1x1x128xi32, #tpu.memory_space<hbm>> -> memref<128xi32, #tpu.memory_space<hbm>>
          tpu.wait_dma2 semaphore(%run_scoped3A_127 : memref<!tpu.dma_semaphore, #tpu.memory_space<semaphore_mem>>) src(%dma_wait3A_139 : memref<128xi32, #tpu.memory_space<hbm>>) dst(%arg8 : memref<128xi32, #tpu.memory_space<vmem>>)
          tpu.yield
        }) : () -> ()
        %run_scoped3A_120 = arith.constant 1 : i32
        "tpu.region"() ({
          %run_scoped3A_127 = tpu.sem_alloc : memref<!tpu.dma_semaphore, #tpu.memory_space<semaphore_mem>>
          %dma_start3A_128 = arith.constant 0 : i32
          %dma_start3A_129 = tpu.memref_slice %arg4[%run_scoped3A_120, %add3A, %add3A_113, %dma_start3A_128] : memref<2x32x25x128xi32, #tpu.memory_space<hbm>> -> memref<1x1x1x128xi32, #tpu.memory_space<hbm>>
          %dma_start3A_130 = tpu.memref_squeeze %dma_start3A_129 : memref<1x1x1x128xi32, #tpu.memory_space<hbm>> -> memref<128xi32, #tpu.memory_space<hbm>>
          %dma_start3A_131 = arith.constant 0 : i32
          %dma_start3A_132 = tpu.memref_slice %arg4[%run_scoped3A_120, %add3A, %add3A_113, %dma_start3A_131] : memref<2x32x25x128xi32, #tpu.memory_space<hbm>> -> memref<1x1x1x128xi32, #tpu.memory_space<hbm>>
          %dma_start3A_133 = tpu.memref_squeeze %dma_start3A_132 : memref<1x1x1x128xi32, #tpu.memory_space<hbm>> -> memref<128xi32, #tpu.memory_space<hbm>>
          tpu.enqueue_dma source(%dma_start3A_133 : memref<128xi32, #tpu.memory_space<hbm>>) target(%arg10 : memref<128xi32, #tpu.memory_space<vmem>>) target_semaphore(%run_scoped3A_127 : memref<!tpu.dma_semaphore, #tpu.memory_space<semaphore_mem>>)
          %dma_wait3A_134 = arith.constant 0 : i32
          %dma_wait3A_135 = tpu.memref_slice %arg4[%run_scoped3A_120, %add3A, %add3A_113, %dma_wait3A_134] : memref<2x32x25x128xi32, #tpu.memory_space<hbm>> -> memref<1x1x1x128xi32, #tpu.memory_space<hbm>>
          %dma_wait3A_136 = tpu.memref_squeeze %dma_wait3A_135 : memref<1x1x1x128xi32, #tpu.memory_space<hbm>> -> memref<128xi32, #tpu.memory_space<hbm>>
          %dma_wait3A_137 = arith.constant 0 : i32
          %dma_wait3A_138 = tpu.memref_slice %arg4[%run_scoped3A_120, %add3A, %add3A_113, %dma_wait3A_137] : memref<2x32x25x128xi32, #tpu.memory_space<hbm>> -> memref<1x1x1x128xi32, #tpu.memory_space<hbm>>
          %dma_wait3A_139 = tpu.memref_squeeze %dma_wait3A_138 : memref<1x1x1x128xi32, #tpu.memory_space<hbm>> -> memref<128xi32, #tpu.memory_space<hbm>>
          tpu.wait_dma2 semaphore(%run_scoped3A_127 : memref<!tpu.dma_semaphore, #tpu.memory_space<semaphore_mem>>) src(%dma_wait3A_139 : memref<128xi32, #tpu.memory_space<hbm>>) dst(%arg10 : memref<128xi32, #tpu.memory_space<vmem>>)
          tpu.yield
        }) : () -> ()
        %dma_start3A_121 = arith.constant 0 : i32
        %dma_start3A_122 = arith.constant 0 : i32
        %dma_start3A_123 = tpu.memref_slice %arg2[%dma_start3A_121, %dma_start3A_122] : memref<10368x128xf32, #tpu.memory_space<hbm>> -> memref<10368x128xf32, #tpu.memory_space<hbm>>
        tpu.enqueue_indirect_dma source(%dma_start3A_123 : memref<10368x128xf32, #tpu.memory_space<hbm>>) target(%arg12 : memref<128x128xf32, #tpu.memory_space<vmem>>) offsets(%arg8 : memref<128xi32, #tpu.memory_space<vmem>>) semaphore(%arg16 : memref<!tpu.dma_semaphore, #tpu.memory_space<semaphore_mem>>)
        %dma_start3A_124 = arith.constant 0 : i32
        %dma_start3A_125 = arith.constant 0 : i32
        %dma_start3A_126 = tpu.memref_slice %arg3[%dma_start3A_124, %dma_start3A_125] : memref<10368x128xf32, #tpu.memory_space<hbm>> -> memref<10368x128xf32, #tpu.memory_space<hbm>>
        tpu.enqueue_indirect_dma source(%dma_start3A_126 : memref<10368x128xf32, #tpu.memory_space<hbm>>) target(%arg14 : memref<128x128xf32, #tpu.memory_space<vmem>>) offsets(%arg10 : memref<128xi32, #tpu.memory_space<vmem>>) semaphore(%arg18 : memref<!tpu.dma_semaphore, #tpu.memory_space<semaphore_mem>>)
      } else {
      }
    }
    %scan3A_25 = arith.constant 12 : i32
    %dma_wait3A = arith.constant 0 : i32
    %dma_wait3A_26 = arith.constant 0 : i32
    %dma_wait3A_27 = tpu.memref_slice %arg2[%dma_wait3A, %dma_wait3A_26] : memref<10368x128xf32, #tpu.memory_space<hbm>> -> memref<10368x128xf32, #tpu.memory_space<hbm>>
    tpu.wait_indirect_dma semaphore(%arg15 : memref<!tpu.dma_semaphore, #tpu.memory_space<semaphore_mem>>) src(%dma_wait3A_27 : memref<10368x128xf32, #tpu.memory_space<hbm>>) dst(%arg11 : memref<128x128xf32, #tpu.memory_space<vmem>>)
    %add3A_28 = arith.constant 3072 : i32
    %add3A_29 = arith.addi %mul3A_2, %add3A_28 : i32
    "tpu.region"() ({
      %run_scoped3A_35 = tpu.sem_alloc : memref<!tpu.dma_semaphore, #tpu.memory_space<semaphore_mem>>
      %dma_start3A_36 = arith.constant 0 : i32
      %dma_start3A_37 = tpu.memref_slice %arg5[%add3A_29, %dma_start3A_36] : memref<102400x128xf32, #tpu.memory_space<hbm>> -> memref<128x128xf32, #tpu.memory_space<hbm>>
      %dma_start3A_38 = arith.constant 0 : i32
      %dma_start3A_39 = tpu.memref_slice %arg5[%add3A_29, %dma_start3A_38] : memref<102400x128xf32, #tpu.memory_space<hbm>> -> memref<128x128xf32, #tpu.memory_space<hbm>>
      tpu.enqueue_dma source(%arg11 : memref<128x128xf32, #tpu.memory_space<vmem>>) target(%dma_start3A_39 : memref<128x128xf32, #tpu.memory_space<hbm>>) target_semaphore(%run_scoped3A_35 : memref<!tpu.dma_semaphore, #tpu.memory_space<semaphore_mem>>)
      %dma_wait3A_40 = arith.constant 0 : i32
      %dma_wait3A_41 = tpu.memref_slice %arg5[%add3A_29, %dma_wait3A_40] : memref<102400x128xf32, #tpu.memory_space<hbm>> -> memref<128x128xf32, #tpu.memory_space<hbm>>
      %dma_wait3A_42 = arith.constant 0 : i32
      %dma_wait3A_43 = tpu.memref_slice %arg5[%add3A_29, %dma_wait3A_42] : memref<102400x128xf32, #tpu.memory_space<hbm>> -> memref<128x128xf32, #tpu.memory_space<hbm>>
      tpu.wait_dma2 semaphore(%run_scoped3A_35 : memref<!tpu.dma_semaphore, #tpu.memory_space<semaphore_mem>>) src(%arg11 : memref<128x128xf32, #tpu.memory_space<vmem>>) dst(%dma_wait3A_43 : memref<128x128xf32, #tpu.memory_space<hbm>>)
      tpu.yield
    }) : () -> ()
    %dma_wait3A_30 = arith.constant 0 : i32
    %dma_wait3A_31 = arith.constant 0 : i32
    %dma_wait3A_32 = tpu.memref_slice %arg3[%dma_wait3A_30, %dma_wait3A_31] : memref<10368x128xf32, #tpu.memory_space<hbm>> -> memref<10368x128xf32, #tpu.memory_space<hbm>>
    tpu.wait_indirect_dma semaphore(%arg17 : memref<!tpu.dma_semaphore, #tpu.memory_space<semaphore_mem>>) src(%dma_wait3A_32 : memref<10368x128xf32, #tpu.memory_space<hbm>>) dst(%arg13 : memref<128x128xf32, #tpu.memory_space<vmem>>)
    %add3A_33 = arith.constant 3072 : i32
    %add3A_34 = arith.addi %mul3A_2, %add3A_33 : i32
    "tpu.region"() ({
      %run_scoped3A_35 = tpu.sem_alloc : memref<!tpu.dma_semaphore, #tpu.memory_space<semaphore_mem>>
      %dma_start3A_36 = arith.constant 0 : i32
      %dma_start3A_37 = tpu.memref_slice %arg6[%add3A_34, %dma_start3A_36] : memref<102400x128xf32, #tpu.memory_space<hbm>> -> memref<128x128xf32, #tpu.memory_space<hbm>>
      %dma_start3A_38 = arith.constant 0 : i32
      %dma_start3A_39 = tpu.memref_slice %arg6[%add3A_34, %dma_start3A_38] : memref<102400x128xf32, #tpu.memory_space<hbm>> -> memref<128x128xf32, #tpu.memory_space<hbm>>
      tpu.enqueue_dma source(%arg13 : memref<128x128xf32, #tpu.memory_space<vmem>>) target(%dma_start3A_39 : memref<128x128xf32, #tpu.memory_space<hbm>>) target_semaphore(%run_scoped3A_35 : memref<!tpu.dma_semaphore, #tpu.memory_space<semaphore_mem>>)
      %dma_wait3A_40 = arith.constant 0 : i32
      %dma_wait3A_41 = tpu.memref_slice %arg6[%add3A_34, %dma_wait3A_40] : memref<102400x128xf32, #tpu.memory_space<hbm>> -> memref<128x128xf32, #tpu.memory_space<hbm>>
      %dma_wait3A_42 = arith.constant 0 : i32
      %dma_wait3A_43 = tpu.memref_slice %arg6[%add3A_34, %dma_wait3A_42] : memref<102400x128xf32, #tpu.memory_space<hbm>> -> memref<128x128xf32, #tpu.memory_space<hbm>>
      tpu.wait_dma2 semaphore(%run_scoped3A_35 : memref<!tpu.dma_semaphore, #tpu.memory_space<semaphore_mem>>) src(%arg13 : memref<128x128xf32, #tpu.memory_space<vmem>>) dst(%dma_wait3A_43 : memref<128x128xf32, #tpu.memory_space<hbm>>)
      tpu.yield
    }) : () -> ()
    return
  }
}

module attributes {stable_mosaic.version = 14 : i64} {
  func.func @_input_body(%arg0: memref<10000x128xf32, #tpu.memory_space<vmem>>, %arg1: memref<10000x128xf32, #tpu.memory_space<vmem>>, %arg2: memref<128x128xf32, #tpu.memory_space<vmem>>, %arg3: memref<1x128xf32, #tpu.memory_space<vmem>>, %arg4: memref<128x128xf32, #tpu.memory_space<vmem>>, %arg5: memref<1x128xf32, #tpu.memory_space<vmem>>, %arg6: memref<1x128xf32, #tpu.memory_space<vmem>>, %arg7: memref<1x128xf32, #tpu.memory_space<vmem>>, %arg8: memref<1x128xf32, #tpu.memory_space<vmem>>, %arg9: memref<1x128xf32, #tpu.memory_space<vmem>>, %arg10: memref<10368x128xf32, #tpu.memory_space<vmem>>, %arg11: memref<10368x128xf32, #tpu.memory_space<vmem>>) attributes {dimension_semantics = [], scalar_prefetch = 0 : i64, scratch_operands = 0 : i64, tpu.core_type = #tpu.core_type<tc>} {
    %get3A = arith.constant 0 : index
    %get3A_0 = arith.constant 0 : index
    %get3A_1 = vector.load %arg0[%get3A, %get3A_0] : memref<10000x128xf32, #tpu.memory_space<vmem>>, vector<10000x128xf32>
    %get3A_2 = arith.constant 0 : index
    %get3A_3 = arith.constant 0 : index
    %get3A_4 = vector.load %arg2[%get3A_2, %get3A_3] : memref<128x128xf32, #tpu.memory_space<vmem>>, vector<128x128xf32>
    %dot_general3A = arith.constant dense<0.000000e+00> : vector<10000x128xf32>
    %dot_general3A_5 = tpu.matmul %get3A_1, %get3A_4, %dot_general3A {dimension_numbers = #tpu.dot_dimension_numbers<[1], [1], [0], [0], [0, 0, 1, 0], [], []>, transpose_lhs_hint = false} : vector<10000x128xf32>, vector<128x128xf32>, vector<10000x128xf32> -> vector<10000x128xf32>
    %get3A_6 = arith.constant 0 : index
    %get3A_7 = arith.constant 0 : index
    %get3A_8 = vector.load %arg3[%get3A_6, %get3A_7] : memref<1x128xf32, #tpu.memory_space<vmem>>, vector<1x128xf32>
    %add3A = vector.broadcast %get3A_8 : vector<1x128xf32> to vector<10000x128xf32>
    %add3A_9 = arith.addf %dot_general3A_5, %add3A : vector<10000x128xf32>
    %reduce_sum3A = arith.constant dense<0.000000e+00> : vector<128xf32>
    %reduce_sum3A_10 = vector.multi_reduction <add>, %add3A_9, %reduce_sum3A [0] : vector<10000x128xf32> to vector<128xf32>
    %broadcast_in_dim3A = vector.shape_cast %reduce_sum3A_10 : vector<128xf32> to vector<1x128xf32>
    %div3A = arith.constant 1.000000e+04 : f32
    %div3A_11 = vector.broadcast %div3A : f32 to vector<1x128xf32>
    %div3A_12 = arith.divf %broadcast_in_dim3A, %div3A_11 : vector<1x128xf32>
    %sub3A = vector.broadcast %div3A_12 : vector<1x128xf32> to vector<10000x128xf32>
    %sub3A_13 = arith.subf %add3A_9, %sub3A : vector<10000x128xf32>
    %integer_pow3A = arith.mulf %sub3A_13, %sub3A_13 : vector<10000x128xf32>
    %reduce_sum3A_14 = arith.constant dense<0.000000e+00> : vector<128xf32>
    %reduce_sum3A_15 = vector.multi_reduction <add>, %integer_pow3A, %reduce_sum3A_14 [0] : vector<10000x128xf32> to vector<128xf32>
    %broadcast_in_dim3A_16 = vector.shape_cast %reduce_sum3A_15 : vector<128xf32> to vector<1x128xf32>
    %div3A_17 = arith.constant 1.000000e+04 : f32
    %div3A_18 = vector.broadcast %div3A_17 : f32 to vector<1x128xf32>
    %div3A_19 = arith.divf %broadcast_in_dim3A_16, %div3A_18 : vector<1x128xf32>
    %sub3A_20 = vector.broadcast %div3A_12 : vector<1x128xf32> to vector<10000x128xf32>
    %sub3A_21 = arith.subf %add3A_9, %sub3A_20 : vector<10000x128xf32>
    %add3A_22 = arith.constant 9.99999974E-6 : f32
    %add3A_23 = vector.broadcast %add3A_22 : f32 to vector<1x128xf32>
    %add3A_24 = arith.addf %div3A_19, %add3A_23 : vector<1x128xf32>
    %rsqrt3A = math.rsqrt %add3A_24 : vector<1x128xf32>
    %mul3A = vector.broadcast %rsqrt3A : vector<1x128xf32> to vector<10000x128xf32>
    %mul3A_25 = arith.mulf %sub3A_21, %mul3A : vector<10000x128xf32>
    %get3A_26 = arith.constant 0 : index
    %get3A_27 = arith.constant 0 : index
    %get3A_28 = vector.load %arg6[%get3A_26, %get3A_27] : memref<1x128xf32, #tpu.memory_space<vmem>>, vector<1x128xf32>
    %mul3A_29 = vector.broadcast %get3A_28 : vector<1x128xf32> to vector<10000x128xf32>
    %mul3A_30 = arith.mulf %mul3A_25, %mul3A_29 : vector<10000x128xf32>
    %get3A_31 = arith.constant 0 : index
    %get3A_32 = arith.constant 0 : index
    %get3A_33 = vector.load %arg7[%get3A_31, %get3A_32] : memref<1x128xf32, #tpu.memory_space<vmem>>, vector<1x128xf32>
    %add3A_34 = vector.broadcast %get3A_33 : vector<1x128xf32> to vector<10000x128xf32>
    %add3A_35 = arith.addf %mul3A_30, %add3A_34 : vector<10000x128xf32>
    %max3A = arith.constant 0.000000e+00 : f32
    %max3A_36 = vector.broadcast %max3A : f32 to vector<10000x128xf32>
    %max3A_37 = arith.maximumf %add3A_35, %max3A_36 : vector<10000x128xf32>
    %broadcast_in_dim3A_38 = arith.constant 0.000000e+00 : f32
    %broadcast_in_dim3A_39 = vector.broadcast %broadcast_in_dim3A_38 : f32 to vector<368x128xf32>
    %concatenate3A = tpu.concatenate %max3A_37, %broadcast_in_dim3A_39 in 0 : vector<10000x128xf32>, vector<368x128xf32> -> vector<10368x128xf32>
    %swap3A = arith.constant 0 : index
    %swap3A_40 = arith.constant 0 : index
    %swap3A_41 = vector.load %arg10[%swap3A, %swap3A_40] : memref<10368x128xf32, #tpu.memory_space<vmem>>, vector<10368x128xf32>
    tpu.vector_store %arg10[%swap3A, %swap3A_40], %concatenate3A {strides = array<i32>} : memref<10368x128xf32, #tpu.memory_space<vmem>>, vector<10368x128xf32>,
    %get3A_42 = arith.constant 0 : index
    %get3A_43 = arith.constant 0 : index
    %get3A_44 = vector.load %arg1[%get3A_42, %get3A_43] : memref<10000x128xf32, #tpu.memory_space<vmem>>, vector<10000x128xf32>
    %get3A_45 = arith.constant 0 : index
    %get3A_46 = arith.constant 0 : index
    %get3A_47 = vector.load %arg4[%get3A_45, %get3A_46] : memref<128x128xf32, #tpu.memory_space<vmem>>, vector<128x128xf32>
    %dot_general3A_48 = arith.constant dense<0.000000e+00> : vector<10000x128xf32>
    %dot_general3A_49 = tpu.matmul %get3A_44, %get3A_47, %dot_general3A_48 {dimension_numbers = #tpu.dot_dimension_numbers<[1], [1], [0], [0], [0, 0, 1, 0], [], []>, transpose_lhs_hint = false} : vector<10000x128xf32>, vector<128x128xf32>, vector<10000x128xf32> -> vector<10000x128xf32>
    %get3A_50 = arith.constant 0 : index
    %get3A_51 = arith.constant 0 : index
    %get3A_52 = vector.load %arg5[%get3A_50, %get3A_51] : memref<1x128xf32, #tpu.memory_space<vmem>>, vector<1x128xf32>
    %add3A_53 = vector.broadcast %get3A_52 : vector<1x128xf32> to vector<10000x128xf32>
    %add3A_54 = arith.addf %dot_general3A_49, %add3A_53 : vector<10000x128xf32>
    %reduce_sum3A_55 = arith.constant dense<0.000000e+00> : vector<128xf32>
    %reduce_sum3A_56 = vector.multi_reduction <add>, %add3A_54, %reduce_sum3A_55 [0] : vector<10000x128xf32> to vector<128xf32>
    %broadcast_in_dim3A_57 = vector.shape_cast %reduce_sum3A_56 : vector<128xf32> to vector<1x128xf32>
    %div3A_58 = arith.constant 1.000000e+04 : f32
    %div3A_59 = vector.broadcast %div3A_58 : f32 to vector<1x128xf32>
    %div3A_60 = arith.divf %broadcast_in_dim3A_57, %div3A_59 : vector<1x128xf32>
    %sub3A_61 = vector.broadcast %div3A_60 : vector<1x128xf32> to vector<10000x128xf32>
    %sub3A_62 = arith.subf %add3A_54, %sub3A_61 : vector<10000x128xf32>
    %integer_pow3A_63 = arith.mulf %sub3A_62, %sub3A_62 : vector<10000x128xf32>
    %reduce_sum3A_64 = arith.constant dense<0.000000e+00> : vector<128xf32>
    %reduce_sum3A_65 = vector.multi_reduction <add>, %integer_pow3A_63, %reduce_sum3A_64 [0] : vector<10000x128xf32> to vector<128xf32>
    %broadcast_in_dim3A_66 = vector.shape_cast %reduce_sum3A_65 : vector<128xf32> to vector<1x128xf32>
    %div3A_67 = arith.constant 1.000000e+04 : f32
    %div3A_68 = vector.broadcast %div3A_67 : f32 to vector<1x128xf32>
    %div3A_69 = arith.divf %broadcast_in_dim3A_66, %div3A_68 : vector<1x128xf32>
    %sub3A_70 = vector.broadcast %div3A_60 : vector<1x128xf32> to vector<10000x128xf32>
    %sub3A_71 = arith.subf %add3A_54, %sub3A_70 : vector<10000x128xf32>
    %add3A_72 = arith.constant 9.99999974E-6 : f32
    %add3A_73 = vector.broadcast %add3A_72 : f32 to vector<1x128xf32>
    %add3A_74 = arith.addf %div3A_69, %add3A_73 : vector<1x128xf32>
    %rsqrt3A_75 = math.rsqrt %add3A_74 : vector<1x128xf32>
    %mul3A_76 = vector.broadcast %rsqrt3A_75 : vector<1x128xf32> to vector<10000x128xf32>
    %mul3A_77 = arith.mulf %sub3A_71, %mul3A_76 : vector<10000x128xf32>
    %get3A_78 = arith.constant 0 : index
    %get3A_79 = arith.constant 0 : index
    %get3A_80 = vector.load %arg8[%get3A_78, %get3A_79] : memref<1x128xf32, #tpu.memory_space<vmem>>, vector<1x128xf32>
    %mul3A_81 = vector.broadcast %get3A_80 : vector<1x128xf32> to vector<10000x128xf32>
    %mul3A_82 = arith.mulf %mul3A_77, %mul3A_81 : vector<10000x128xf32>
    %get3A_83 = arith.constant 0 : index
    %get3A_84 = arith.constant 0 : index
    %get3A_85 = vector.load %arg9[%get3A_83, %get3A_84] : memref<1x128xf32, #tpu.memory_space<vmem>>, vector<1x128xf32>
    %add3A_86 = vector.broadcast %get3A_85 : vector<1x128xf32> to vector<10000x128xf32>
    %add3A_87 = arith.addf %mul3A_82, %add3A_86 : vector<10000x128xf32>
    %max3A_88 = arith.constant 0.000000e+00 : f32
    %max3A_89 = vector.broadcast %max3A_88 : f32 to vector<10000x128xf32>
    %max3A_90 = arith.maximumf %add3A_87, %max3A_89 : vector<10000x128xf32>
    %broadcast_in_dim3A_91 = arith.constant 0.000000e+00 : f32
    %broadcast_in_dim3A_92 = vector.broadcast %broadcast_in_dim3A_91 : f32 to vector<368x128xf32>
    %concatenate3A_93 = tpu.concatenate %max3A_90, %broadcast_in_dim3A_92 in 0 : vector<10000x128xf32>, vector<368x128xf32> -> vector<10368x128xf32>
    %swap3A_94 = arith.constant 0 : index
    %swap3A_95 = arith.constant 0 : index
    %swap3A_96 = vector.load %arg11[%swap3A_94, %swap3A_95] : memref<10368x128xf32, #tpu.memory_space<vmem>>, vector<10368x128xf32>
    tpu.vector_store %arg11[%swap3A_94, %swap3A_95], %concatenate3A_93 {strides = array<i32>} : memref<10368x128xf32, #tpu.memory_space<vmem>>, vector<10368x128xf32>,
    return
  }
}

module attributes {stable_mosaic.version = 14 : i64} {
  func.func @body(%arg0: i32, %arg1: memref<2592x128xf32, #tpu.memory_space<vmem>>, %arg2: memref<2592x128xf32, #tpu.memory_space<vmem>>, %arg3: memref<2592x128xf32, #tpu.memory_space<vmem>>, %arg4: memref<2592x128xf32, #tpu.memory_space<vmem>>, %arg5: memref<2592x128xf32, #tpu.memory_space<vmem>>, %arg6: memref<128x128xf32, #tpu.memory_space<vmem>>, %arg7: memref<1x128xf32, #tpu.memory_space<vmem>>, %arg8: memref<128x128xf32, #tpu.memory_space<vmem>>, %arg9: memref<2592x128xf32, #tpu.memory_space<vmem>>, %arg10: memref<2592x128xf32, #tpu.memory_space<vmem>>, %arg11: memref<2592x128xf32, #tpu.memory_space<vmem>>, %arg12: memref<2592x128xf32, #tpu.memory_space<vmem>>, %arg13: memref<2592x128xf32, #tpu.memory_space<vmem>>, %arg14: memref<128x128xf32, #tpu.memory_space<vmem>>, %arg15: memref<1x128xf32, #tpu.memory_space<vmem>>, %arg16: memref<128x128xf32, #tpu.memory_space<vmem>>, %arg17: memref<2592x128xf32, #tpu.memory_space<vmem>>, %arg18: memref<2592x128xf32, #tpu.memory_space<vmem>>) attributes {dimension_semantics = [#tpu.dimension_semantics<arbitrary>], iteration_bounds = array<i64: 4>, scalar_prefetch = 0 : i64, scratch_operands = 0 : i64, tpu.core_type = #tpu.core_type<tc>, window_params = [{transform_indices = @transform_0, window_bounds = array<i64: 2592, 128>}, {transform_indices = @transform_1, window_bounds = array<i64: 2592, 128>}, {transform_indices = @transform_2, window_bounds = array<i64: 2592, 128>}, {transform_indices = @transform_3, window_bounds = array<i64: 2592, 128>}, {transform_indices = @transform_4, window_bounds = array<i64: 2592, 128>}, {pipeline_mode = #tpu.pipeline_mode<synchronous>, transform_indices = @transform_5, window_bounds = array<i64: 128, 128>}, {pipeline_mode = #tpu.pipeline_mode<synchronous>, transform_indices = @transform_6, window_bounds = array<i64: 1, 128>}, {pipeline_mode = #tpu.pipeline_mode<synchronous>, transform_indices = @transform_7, window_bounds = array<i64: 128, 128>}, {transform_indices = @transform_8, window_bounds = array<i64: 2592, 128>}, {transform_indices = @transform_9, window_bounds = array<i64: 2592, 128>}, {transform_indices = @transform_10, window_bounds = array<i64: 2592, 128>}, {transform_indices = @transform_11, window_bounds = array<i64: 2592, 128>}, {transform_indices = @transform_12, window_bounds = array<i64: 2592, 128>}, {pipeline_mode = #tpu.pipeline_mode<synchronous>, transform_indices = @transform_13, window_bounds = array<i64: 128, 128>}, {pipeline_mode = #tpu.pipeline_mode<synchronous>, transform_indices = @transform_14, window_bounds = array<i64: 1, 128>}, {pipeline_mode = #tpu.pipeline_mode<synchronous>, transform_indices = @transform_15, window_bounds = array<i64: 128, 128>}, {transform_indices = @transform_16, window_bounds = array<i64: 2592, 128>}, {transform_indices = @transform_17, window_bounds = array<i64: 2592, 128>}]} {
    %get3A = arith.constant 0 : index
    %get3A_0 = arith.constant 0 : index
    %get3A_1 = vector.load %arg3[%get3A, %get3A_0] : memref<2592x128xf32, #tpu.memory_space<vmem>>, vector<2592x1xf32>
    %get3A_2 = arith.constant 0 : index
    %get3A_3 = arith.constant 0 : index
    %get3A_4 = vector.load %arg4[%get3A_2, %get3A_3] : memref<2592x128xf32, #tpu.memory_space<vmem>>, vector<2592x1xf32>
    %add3A = arith.addf %get3A_1, %get3A_4 : vector<2592x1xf32>
    %max3A = arith.constant 1.000000e+00 : f32
    %max3A_5 = vector.broadcast %max3A : f32 to vector<2592x1xf32>
    %max3A_6 = arith.maximumf %add3A, %max3A_5 : vector<2592x1xf32>
    %get3A_7 = arith.constant 0 : index
    %get3A_8 = arith.constant 0 : index
    %get3A_9 = vector.load %arg1[%get3A_7, %get3A_8] : memref<2592x128xf32, #tpu.memory_space<vmem>>, vector<2592x128xf32>
    %get3A_10 = arith.constant 0 : index
    %get3A_11 = arith.constant 0 : index
    %get3A_12 = vector.load %arg2[%get3A_10, %get3A_11] : memref<2592x128xf32, #tpu.memory_space<vmem>>, vector<2592x128xf32>
    %add3A_13 = arith.addf %get3A_9, %get3A_12 : vector<2592x128xf32>
    %div3A = vector.broadcast %max3A_6 : vector<2592x1xf32> to vector<2592x128xf32>
    %div3A_14 = arith.divf %add3A_13, %div3A : vector<2592x128xf32>
    %get3A_15 = arith.constant 0 : index
    %get3A_16 = arith.constant 0 : index
    %get3A_17 = vector.load %arg6[%get3A_15, %get3A_16] : memref<128x128xf32, #tpu.memory_space<vmem>>, vector<128x128xf32>
    %dot_general3A = arith.constant dense<0.000000e+00> : vector<2592x128xf32>
    %dot_general3A_18 = tpu.matmul %div3A_14, %get3A_17, %dot_general3A {dimension_numbers = #tpu.dot_dimension_numbers<[1], [1], [0], [0], [0, 0, 1, 0], [], []>, transpose_lhs_hint = false} : vector<2592x128xf32>, vector<128x128xf32>, vector<2592x128xf32> -> vector<2592x128xf32>
    %get3A_19 = arith.constant 0 : index
    %get3A_20 = arith.constant 0 : index
    %get3A_21 = vector.load %arg7[%get3A_19, %get3A_20] : memref<1x128xf32, #tpu.memory_space<vmem>>, vector<1x128xf32>
    %add3A_22 = vector.broadcast %get3A_21 : vector<1x128xf32> to vector<2592x128xf32>
    %add3A_23 = arith.addf %dot_general3A_18, %add3A_22 : vector<2592x128xf32>
    %get3A_24 = arith.constant 0 : index
    %get3A_25 = arith.constant 0 : index
    %get3A_26 = vector.load %arg5[%get3A_24, %get3A_25] : memref<2592x128xf32, #tpu.memory_space<vmem>>, vector<2592x128xf32>
    %get3A_27 = arith.constant 0 : index
    %get3A_28 = arith.constant 0 : index
    %get3A_29 = vector.load %arg8[%get3A_27, %get3A_28] : memref<128x128xf32, #tpu.memory_space<vmem>>, vector<128x128xf32>
    %dot_general3A_30 = arith.constant dense<0.000000e+00> : vector<2592x128xf32>
    %dot_general3A_31 = tpu.matmul %get3A_26, %get3A_29, %dot_general3A_30 {dimension_numbers = #tpu.dot_dimension_numbers<[1], [1], [0], [0], [0, 0, 1, 0], [], []>, transpose_lhs_hint = false} : vector<2592x128xf32>, vector<128x128xf32>, vector<2592x128xf32> -> vector<2592x128xf32>
    %add3A_32 = arith.addf %add3A_23, %dot_general3A_31 : vector<2592x128xf32>
    %max3A_33 = arith.constant 0.000000e+00 : f32
    %max3A_34 = vector.broadcast %max3A_33 : f32 to vector<2592x128xf32>
    %max3A_35 = arith.maximumf %add3A_32, %max3A_34 : vector<2592x128xf32>
    %swap3A = arith.constant 0 : index
    %swap3A_36 = arith.constant 0 : index
    %swap3A_37 = vector.load %arg17[%swap3A, %swap3A_36] : memref<2592x128xf32, #tpu.memory_space<vmem>>, vector<2592x128xf32>
    tpu.vector_store %arg17[%swap3A, %swap3A_36], %max3A_35 {strides = array<i32>} : memref<2592x128xf32, #tpu.memory_space<vmem>>, vector<2592x128xf32>,
    %get3A_38 = arith.constant 0 : index
    %get3A_39 = arith.constant 0 : index
    %get3A_40 = vector.load %arg11[%get3A_38, %get3A_39] : memref<2592x128xf32, #tpu.memory_space<vmem>>, vector<2592x1xf32>
    %get3A_41 = arith.constant 0 : index
    %get3A_42 = arith.constant 0 : index
    %get3A_43 = vector.load %arg12[%get3A_41, %get3A_42] : memref<2592x128xf32, #tpu.memory_space<vmem>>, vector<2592x1xf32>
    %add3A_44 = arith.addf %get3A_40, %get3A_43 : vector<2592x1xf32>
    %max3A_45 = arith.constant 1.000000e+00 : f32
    %max3A_46 = vector.broadcast %max3A_45 : f32 to vector<2592x1xf32>
    %max3A_47 = arith.maximumf %add3A_44, %max3A_46 : vector<2592x1xf32>
    %get3A_48 = arith.constant 0 : index
    %get3A_49 = arith.constant 0 : index
    %get3A_50 = vector.load %arg9[%get3A_48, %get3A_49] : memref<2592x128xf32, #tpu.memory_space<vmem>>, vector<2592x128xf32>
    %get3A_51 = arith.constant 0 : index
    %get3A_52 = arith.constant 0 : index
    %get3A_53 = vector.load %arg10[%get3A_51, %get3A_52] : memref<2592x128xf32, #tpu.memory_space<vmem>>, vector<2592x128xf32>
    %add3A_54 = arith.addf %get3A_50, %get3A_53 : vector<2592x128xf32>
    %div3A_55 = vector.broadcast %max3A_47 : vector<2592x1xf32> to vector<2592x128xf32>
    %div3A_56 = arith.divf %add3A_54, %div3A_55 : vector<2592x128xf32>
    %get3A_57 = arith.constant 0 : index
    %get3A_58 = arith.constant 0 : index
    %get3A_59 = vector.load %arg14[%get3A_57, %get3A_58] : memref<128x128xf32, #tpu.memory_space<vmem>>, vector<128x128xf32>
    %dot_general3A_60 = arith.constant dense<0.000000e+00> : vector<2592x128xf32>
    %dot_general3A_61 = tpu.matmul %div3A_56, %get3A_59, %dot_general3A_60 {dimension_numbers = #tpu.dot_dimension_numbers<[1], [1], [0], [0], [0, 0, 1, 0], [], []>, transpose_lhs_hint = false} : vector<2592x128xf32>, vector<128x128xf32>, vector<2592x128xf32> -> vector<2592x128xf32>
    %get3A_62 = arith.constant 0 : index
    %get3A_63 = arith.constant 0 : index
    %get3A_64 = vector.load %arg15[%get3A_62, %get3A_63] : memref<1x128xf32, #tpu.memory_space<vmem>>, vector<1x128xf32>
    %add3A_65 = vector.broadcast %get3A_64 : vector<1x128xf32> to vector<2592x128xf32>
    %add3A_66 = arith.addf %dot_general3A_61, %add3A_65 : vector<2592x128xf32>
    %get3A_67 = arith.constant 0 : index
    %get3A_68 = arith.constant 0 : index
    %get3A_69 = vector.load %arg13[%get3A_67, %get3A_68] : memref<2592x128xf32, #tpu.memory_space<vmem>>, vector<2592x128xf32>
    %get3A_70 = arith.constant 0 : index
    %get3A_71 = arith.constant 0 : index
    %get3A_72 = vector.load %arg16[%get3A_70, %get3A_71] : memref<128x128xf32, #tpu.memory_space<vmem>>, vector<128x128xf32>
    %dot_general3A_73 = arith.constant dense<0.000000e+00> : vector<2592x128xf32>
    %dot_general3A_74 = tpu.matmul %get3A_69, %get3A_72, %dot_general3A_73 {dimension_numbers = #tpu.dot_dimension_numbers<[1], [1], [0], [0], [0, 0, 1, 0], [], []>, transpose_lhs_hint = false} : vector<2592x128xf32>, vector<128x128xf32>, vector<2592x128xf32> -> vector<2592x128xf32>
    %add3A_75 = arith.addf %add3A_66, %dot_general3A_74 : vector<2592x128xf32>
    %max3A_76 = arith.constant 0.000000e+00 : f32
    %max3A_77 = vector.broadcast %max3A_76 : f32 to vector<2592x128xf32>
    %max3A_78 = arith.maximumf %add3A_75, %max3A_77 : vector<2592x128xf32>
    %swap3A_79 = arith.constant 0 : index
    %swap3A_80 = arith.constant 0 : index
    %swap3A_81 = vector.load %arg18[%swap3A_79, %swap3A_80] : memref<2592x128xf32, #tpu.memory_space<vmem>>, vector<2592x128xf32>
    tpu.vector_store %arg18[%swap3A_79, %swap3A_80], %max3A_78 {strides = array<i32>} : memref<2592x128xf32, #tpu.memory_space<vmem>>, vector<2592x128xf32>,
    return
  }
  func.func @transform_0(%arg0: i32) -> (i32, i32) {
    %c0_i32 = arith.constant 0 : i32
    %c0_i32_0 = arith.constant 0 : i32
    return %arg0, %c0_i32 : i32, i32
  }
  func.func @transform_1(%arg0: i32) -> (i32, i32) {
    %c0_i32 = arith.constant 0 : i32
    %c0_i32_0 = arith.constant 0 : i32
    return %arg0, %c0_i32 : i32, i32
  }
  func.func @transform_2(%arg0: i32) -> (i32, i32) {
    %c0_i32 = arith.constant 0 : i32
    %c0_i32_0 = arith.constant 0 : i32
    return %arg0, %c0_i32 : i32, i32
  }
  func.func @transform_3(%arg0: i32) -> (i32, i32) {
    %c0_i32 = arith.constant 0 : i32
    %c0_i32_0 = arith.constant 0 : i32
    return %arg0, %c0_i32 : i32, i32
  }
  func.func @transform_4(%arg0: i32) -> (i32, i32) {
    %c0_i32 = arith.constant 0 : i32
    %c0_i32_0 = arith.constant 0 : i32
    return %arg0, %c0_i32 : i32, i32
  }
  func.func @transform_5(%arg0: i32) -> (i32, i32) {
    %c0_i32 = arith.constant 0 : i32
    %c0_i32_0 = arith.constant 0 : i32
    %c0_i32_1 = arith.constant 0 : i32
    return %c0_i32, %c0_i32_0 : i32, i32
  }
  func.func @transform_6(%arg0: i32) -> (i32, i32) {
    %c0_i32 = arith.constant 0 : i32
    %c0_i32_0 = arith.constant 0 : i32
    %c0_i32_1 = arith.constant 0 : i32
    return %c0_i32, %c0_i32_0 : i32, i32
  }
  func.func @transform_7(%arg0: i32) -> (i32, i32) {
    %c0_i32 = arith.constant 0 : i32
    %c0_i32_0 = arith.constant 0 : i32
    %c0_i32_1 = arith.constant 0 : i32
    return %c0_i32, %c0_i32_0 : i32, i32
  }
  func.func @transform_8(%arg0: i32) -> (i32, i32) {
    %c0_i32 = arith.constant 0 : i32
    %c0_i32_0 = arith.constant 0 : i32
    return %arg0, %c0_i32 : i32, i32
  }
  func.func @transform_9(%arg0: i32) -> (i32, i32) {
    %c0_i32 = arith.constant 0 : i32
    %c0_i32_0 = arith.constant 0 : i32
    return %arg0, %c0_i32 : i32, i32
  }
  func.func @transform_10(%arg0: i32) -> (i32, i32) {
    %c0_i32 = arith.constant 0 : i32
    %c0_i32_0 = arith.constant 0 : i32
    return %arg0, %c0_i32 : i32, i32
  }
  func.func @transform_11(%arg0: i32) -> (i32, i32) {
    %c0_i32 = arith.constant 0 : i32
    %c0_i32_0 = arith.constant 0 : i32
    return %arg0, %c0_i32 : i32, i32
  }
  func.func @transform_12(%arg0: i32) -> (i32, i32) {
    %c0_i32 = arith.constant 0 : i32
    %c0_i32_0 = arith.constant 0 : i32
    return %arg0, %c0_i32 : i32, i32
  }
  func.func @transform_13(%arg0: i32) -> (i32, i32) {
    %c0_i32 = arith.constant 0 : i32
    %c0_i32_0 = arith.constant 0 : i32
    %c0_i32_1 = arith.constant 0 : i32
    return %c0_i32, %c0_i32_0 : i32, i32
  }
  func.func @transform_14(%arg0: i32) -> (i32, i32) {
    %c0_i32 = arith.constant 0 : i32
    %c0_i32_0 = arith.constant 0 : i32
    %c0_i32_1 = arith.constant 0 : i32
    return %c0_i32, %c0_i32_0 : i32, i32
  }
  func.func @transform_15(%arg0: i32) -> (i32, i32) {
    %c0_i32 = arith.constant 0 : i32
    %c0_i32_0 = arith.constant 0 : i32
    %c0_i32_1 = arith.constant 0 : i32
    return %c0_i32, %c0_i32_0 : i32, i32
  }
  func.func @transform_16(%arg0: i32) -> (i32, i32) {
    %c0_i32 = arith.constant 0 : i32
    %c0_i32_0 = arith.constant 0 : i32
    return %arg0, %c0_i32 : i32, i32
  }
  func.func @transform_17(%arg0: i32) -> (i32, i32) {
    %c0_i32 = arith.constant 0 : i32
    %c0_i32_0 = arith.constant 0 : i32
    return %arg0, %c0_i32 : i32, i32
  }
}

module attributes {stable_mosaic.version = 14 : i64} {
  func.func @body(%arg0: i32, %arg1: memref<2592x128xf32, #tpu.memory_space<vmem>>, %arg2: memref<2592x128xf32, #tpu.memory_space<vmem>>, %arg3: memref<2592x128xf32, #tpu.memory_space<vmem>>, %arg4: memref<2592x128xf32, #tpu.memory_space<vmem>>, %arg5: memref<2592x128xf32, #tpu.memory_space<vmem>>, %arg6: memref<128x128xf32, #tpu.memory_space<vmem>>, %arg7: memref<1x128xf32, #tpu.memory_space<vmem>>, %arg8: memref<128x128xf32, #tpu.memory_space<vmem>>, %arg9: memref<2592x128xf32, #tpu.memory_space<vmem>>, %arg10: memref<2592x128xf32, #tpu.memory_space<vmem>>, %arg11: memref<2592x128xf32, #tpu.memory_space<vmem>>, %arg12: memref<2592x128xf32, #tpu.memory_space<vmem>>, %arg13: memref<2592x128xf32, #tpu.memory_space<vmem>>, %arg14: memref<128x128xf32, #tpu.memory_space<vmem>>, %arg15: memref<1x128xf32, #tpu.memory_space<vmem>>, %arg16: memref<128x128xf32, #tpu.memory_space<vmem>>, %arg17: memref<2592x128xf32, #tpu.memory_space<vmem>>, %arg18: memref<2592x128xf32, #tpu.memory_space<vmem>>) attributes {dimension_semantics = [#tpu.dimension_semantics<arbitrary>], iteration_bounds = array<i64: 4>, scalar_prefetch = 0 : i64, scratch_operands = 0 : i64, tpu.core_type = #tpu.core_type<tc>, window_params = [{transform_indices = @transform_0, window_bounds = array<i64: 2592, 128>}, {transform_indices = @transform_1, window_bounds = array<i64: 2592, 128>}, {transform_indices = @transform_2, window_bounds = array<i64: 2592, 128>}, {transform_indices = @transform_3, window_bounds = array<i64: 2592, 128>}, {transform_indices = @transform_4, window_bounds = array<i64: 2592, 128>}, {pipeline_mode = #tpu.pipeline_mode<synchronous>, transform_indices = @transform_5, window_bounds = array<i64: 128, 128>}, {pipeline_mode = #tpu.pipeline_mode<synchronous>, transform_indices = @transform_6, window_bounds = array<i64: 1, 128>}, {pipeline_mode = #tpu.pipeline_mode<synchronous>, transform_indices = @transform_7, window_bounds = array<i64: 128, 128>}, {transform_indices = @transform_8, window_bounds = array<i64: 2592, 128>}, {transform_indices = @transform_9, window_bounds = array<i64: 2592, 128>}, {transform_indices = @transform_10, window_bounds = array<i64: 2592, 128>}, {transform_indices = @transform_11, window_bounds = array<i64: 2592, 128>}, {transform_indices = @transform_12, window_bounds = array<i64: 2592, 128>}, {pipeline_mode = #tpu.pipeline_mode<synchronous>, transform_indices = @transform_13, window_bounds = array<i64: 128, 128>}, {pipeline_mode = #tpu.pipeline_mode<synchronous>, transform_indices = @transform_14, window_bounds = array<i64: 1, 128>}, {pipeline_mode = #tpu.pipeline_mode<synchronous>, transform_indices = @transform_15, window_bounds = array<i64: 128, 128>}, {transform_indices = @transform_16, window_bounds = array<i64: 2592, 128>}, {transform_indices = @transform_17, window_bounds = array<i64: 2592, 128>}]} {
    %get3A = arith.constant 0 : index
    %get3A_0 = arith.constant 0 : index
    %get3A_1 = vector.load %arg3[%get3A, %get3A_0] : memref<2592x128xf32, #tpu.memory_space<vmem>>, vector<2592x1xf32>
    %get3A_2 = arith.constant 0 : index
    %get3A_3 = arith.constant 0 : index
    %get3A_4 = vector.load %arg4[%get3A_2, %get3A_3] : memref<2592x128xf32, #tpu.memory_space<vmem>>, vector<2592x1xf32>
    %add3A = arith.addf %get3A_1, %get3A_4 : vector<2592x1xf32>
    %max3A = arith.constant 1.000000e+00 : f32
    %max3A_5 = vector.broadcast %max3A : f32 to vector<2592x1xf32>
    %max3A_6 = arith.maximumf %add3A, %max3A_5 : vector<2592x1xf32>
    %get3A_7 = arith.constant 0 : index
    %get3A_8 = arith.constant 0 : index
    %get3A_9 = vector.load %arg1[%get3A_7, %get3A_8] : memref<2592x128xf32, #tpu.memory_space<vmem>>, vector<2592x128xf32>
    %get3A_10 = arith.constant 0 : index
    %get3A_11 = arith.constant 0 : index
    %get3A_12 = vector.load %arg2[%get3A_10, %get3A_11] : memref<2592x128xf32, #tpu.memory_space<vmem>>, vector<2592x128xf32>
    %add3A_13 = arith.addf %get3A_9, %get3A_12 : vector<2592x128xf32>
    %div3A = vector.broadcast %max3A_6 : vector<2592x1xf32> to vector<2592x128xf32>
    %div3A_14 = arith.divf %add3A_13, %div3A : vector<2592x128xf32>
    %get3A_15 = arith.constant 0 : index
    %get3A_16 = arith.constant 0 : index
    %get3A_17 = vector.load %arg6[%get3A_15, %get3A_16] : memref<128x128xf32, #tpu.memory_space<vmem>>, vector<128x128xf32>
    %dot_general3A = arith.constant dense<0.000000e+00> : vector<2592x128xf32>
    %dot_general3A_18 = tpu.matmul %div3A_14, %get3A_17, %dot_general3A {dimension_numbers = #tpu.dot_dimension_numbers<[1], [1], [0], [0], [0, 0, 1, 0], [], []>, transpose_lhs_hint = false} : vector<2592x128xf32>, vector<128x128xf32>, vector<2592x128xf32> -> vector<2592x128xf32>
    %get3A_19 = arith.constant 0 : index
    %get3A_20 = arith.constant 0 : index
    %get3A_21 = vector.load %arg7[%get3A_19, %get3A_20] : memref<1x128xf32, #tpu.memory_space<vmem>>, vector<1x128xf32>
    %add3A_22 = vector.broadcast %get3A_21 : vector<1x128xf32> to vector<2592x128xf32>
    %add3A_23 = arith.addf %dot_general3A_18, %add3A_22 : vector<2592x128xf32>
    %get3A_24 = arith.constant 0 : index
    %get3A_25 = arith.constant 0 : index
    %get3A_26 = vector.load %arg5[%get3A_24, %get3A_25] : memref<2592x128xf32, #tpu.memory_space<vmem>>, vector<2592x128xf32>
    %get3A_27 = arith.constant 0 : index
    %get3A_28 = arith.constant 0 : index
    %get3A_29 = vector.load %arg8[%get3A_27, %get3A_28] : memref<128x128xf32, #tpu.memory_space<vmem>>, vector<128x128xf32>
    %dot_general3A_30 = arith.constant dense<0.000000e+00> : vector<2592x128xf32>
    %dot_general3A_31 = tpu.matmul %get3A_26, %get3A_29, %dot_general3A_30 {dimension_numbers = #tpu.dot_dimension_numbers<[1], [1], [0], [0], [0, 0, 1, 0], [], []>, transpose_lhs_hint = false} : vector<2592x128xf32>, vector<128x128xf32>, vector<2592x128xf32> -> vector<2592x128xf32>
    %add3A_32 = arith.addf %add3A_23, %dot_general3A_31 : vector<2592x128xf32>
    %swap3A = arith.constant 0 : index
    %swap3A_33 = arith.constant 0 : index
    %swap3A_34 = vector.load %arg17[%swap3A, %swap3A_33] : memref<2592x128xf32, #tpu.memory_space<vmem>>, vector<2592x128xf32>
    tpu.vector_store %arg17[%swap3A, %swap3A_33], %add3A_32 {strides = array<i32>} : memref<2592x128xf32, #tpu.memory_space<vmem>>, vector<2592x128xf32>,
    %get3A_35 = arith.constant 0 : index
    %get3A_36 = arith.constant 0 : index
    %get3A_37 = vector.load %arg11[%get3A_35, %get3A_36] : memref<2592x128xf32, #tpu.memory_space<vmem>>, vector<2592x1xf32>
    %get3A_38 = arith.constant 0 : index
    %get3A_39 = arith.constant 0 : index
    %get3A_40 = vector.load %arg12[%get3A_38, %get3A_39] : memref<2592x128xf32, #tpu.memory_space<vmem>>, vector<2592x1xf32>
    %add3A_41 = arith.addf %get3A_37, %get3A_40 : vector<2592x1xf32>
    %max3A_42 = arith.constant 1.000000e+00 : f32
    %max3A_43 = vector.broadcast %max3A_42 : f32 to vector<2592x1xf32>
    %max3A_44 = arith.maximumf %add3A_41, %max3A_43 : vector<2592x1xf32>
    %get3A_45 = arith.constant 0 : index
    %get3A_46 = arith.constant 0 : index
    %get3A_47 = vector.load %arg9[%get3A_45, %get3A_46] : memref<2592x128xf32, #tpu.memory_space<vmem>>, vector<2592x128xf32>
    %get3A_48 = arith.constant 0 : index
    %get3A_49 = arith.constant 0 : index
    %get3A_50 = vector.load %arg10[%get3A_48, %get3A_49] : memref<2592x128xf32, #tpu.memory_space<vmem>>, vector<2592x128xf32>
    %add3A_51 = arith.addf %get3A_47, %get3A_50 : vector<2592x128xf32>
    %div3A_52 = vector.broadcast %max3A_44 : vector<2592x1xf32> to vector<2592x128xf32>
    %div3A_53 = arith.divf %add3A_51, %div3A_52 : vector<2592x128xf32>
    %get3A_54 = arith.constant 0 : index
    %get3A_55 = arith.constant 0 : index
    %get3A_56 = vector.load %arg14[%get3A_54, %get3A_55] : memref<128x128xf32, #tpu.memory_space<vmem>>, vector<128x128xf32>
    %dot_general3A_57 = arith.constant dense<0.000000e+00> : vector<2592x128xf32>
    %dot_general3A_58 = tpu.matmul %div3A_53, %get3A_56, %dot_general3A_57 {dimension_numbers = #tpu.dot_dimension_numbers<[1], [1], [0], [0], [0, 0, 1, 0], [], []>, transpose_lhs_hint = false} : vector<2592x128xf32>, vector<128x128xf32>, vector<2592x128xf32> -> vector<2592x128xf32>
    %get3A_59 = arith.constant 0 : index
    %get3A_60 = arith.constant 0 : index
    %get3A_61 = vector.load %arg15[%get3A_59, %get3A_60] : memref<1x128xf32, #tpu.memory_space<vmem>>, vector<1x128xf32>
    %add3A_62 = vector.broadcast %get3A_61 : vector<1x128xf32> to vector<2592x128xf32>
    %add3A_63 = arith.addf %dot_general3A_58, %add3A_62 : vector<2592x128xf32>
    %get3A_64 = arith.constant 0 : index
    %get3A_65 = arith.constant 0 : index
    %get3A_66 = vector.load %arg13[%get3A_64, %get3A_65] : memref<2592x128xf32, #tpu.memory_space<vmem>>, vector<2592x128xf32>
    %get3A_67 = arith.constant 0 : index
    %get3A_68 = arith.constant 0 : index
    %get3A_69 = vector.load %arg16[%get3A_67, %get3A_68] : memref<128x128xf32, #tpu.memory_space<vmem>>, vector<128x128xf32>
    %dot_general3A_70 = arith.constant dense<0.000000e+00> : vector<2592x128xf32>
    %dot_general3A_71 = tpu.matmul %get3A_66, %get3A_69, %dot_general3A_70 {dimension_numbers = #tpu.dot_dimension_numbers<[1], [1], [0], [0], [0, 0, 1, 0], [], []>, transpose_lhs_hint = false} : vector<2592x128xf32>, vector<128x128xf32>, vector<2592x128xf32> -> vector<2592x128xf32>
    %add3A_72 = arith.addf %add3A_63, %dot_general3A_71 : vector<2592x128xf32>
    %swap3A_73 = arith.constant 0 : index
    %swap3A_74 = arith.constant 0 : index
    %swap3A_75 = vector.load %arg18[%swap3A_73, %swap3A_74] : memref<2592x128xf32, #tpu.memory_space<vmem>>, vector<2592x128xf32>
    tpu.vector_store %arg18[%swap3A_73, %swap3A_74], %add3A_72 {strides = array<i32>} : memref<2592x128xf32, #tpu.memory_space<vmem>>, vector<2592x128xf32>,
    return
  }
  func.func @transform_0(%arg0: i32) -> (i32, i32) {
    %c0_i32 = arith.constant 0 : i32
    %c0_i32_0 = arith.constant 0 : i32
    return %arg0, %c0_i32 : i32, i32
  }
  func.func @transform_1(%arg0: i32) -> (i32, i32) {
    %c0_i32 = arith.constant 0 : i32
    %c0_i32_0 = arith.constant 0 : i32
    return %arg0, %c0_i32 : i32, i32
  }
  func.func @transform_2(%arg0: i32) -> (i32, i32) {
    %c0_i32 = arith.constant 0 : i32
    %c0_i32_0 = arith.constant 0 : i32
    return %arg0, %c0_i32 : i32, i32
  }
  func.func @transform_3(%arg0: i32) -> (i32, i32) {
    %c0_i32 = arith.constant 0 : i32
    %c0_i32_0 = arith.constant 0 : i32
    return %arg0, %c0_i32 : i32, i32
  }
  func.func @transform_4(%arg0: i32) -> (i32, i32) {
    %c0_i32 = arith.constant 0 : i32
    %c0_i32_0 = arith.constant 0 : i32
    return %arg0, %c0_i32 : i32, i32
  }
  func.func @transform_5(%arg0: i32) -> (i32, i32) {
    %c0_i32 = arith.constant 0 : i32
    %c0_i32_0 = arith.constant 0 : i32
    %c0_i32_1 = arith.constant 0 : i32
    return %c0_i32, %c0_i32_0 : i32, i32
  }
  func.func @transform_6(%arg0: i32) -> (i32, i32) {
    %c0_i32 = arith.constant 0 : i32
    %c0_i32_0 = arith.constant 0 : i32
    %c0_i32_1 = arith.constant 0 : i32
    return %c0_i32, %c0_i32_0 : i32, i32
  }
  func.func @transform_7(%arg0: i32) -> (i32, i32) {
    %c0_i32 = arith.constant 0 : i32
    %c0_i32_0 = arith.constant 0 : i32
    %c0_i32_1 = arith.constant 0 : i32
    return %c0_i32, %c0_i32_0 : i32, i32
  }
  func.func @transform_8(%arg0: i32) -> (i32, i32) {
    %c0_i32 = arith.constant 0 : i32
    %c0_i32_0 = arith.constant 0 : i32
    return %arg0, %c0_i32 : i32, i32
  }
  func.func @transform_9(%arg0: i32) -> (i32, i32) {
    %c0_i32 = arith.constant 0 : i32
    %c0_i32_0 = arith.constant 0 : i32
    return %arg0, %c0_i32 : i32, i32
  }
  func.func @transform_10(%arg0: i32) -> (i32, i32) {
    %c0_i32 = arith.constant 0 : i32
    %c0_i32_0 = arith.constant 0 : i32
    return %arg0, %c0_i32 : i32, i32
  }
  func.func @transform_11(%arg0: i32) -> (i32, i32) {
    %c0_i32 = arith.constant 0 : i32
    %c0_i32_0 = arith.constant 0 : i32
    return %arg0, %c0_i32 : i32, i32
  }
  func.func @transform_12(%arg0: i32) -> (i32, i32) {
    %c0_i32 = arith.constant 0 : i32
    %c0_i32_0 = arith.constant 0 : i32
    return %arg0, %c0_i32 : i32, i32
  }
  func.func @transform_13(%arg0: i32) -> (i32, i32) {
    %c0_i32 = arith.constant 0 : i32
    %c0_i32_0 = arith.constant 0 : i32
    %c0_i32_1 = arith.constant 0 : i32
    return %c0_i32, %c0_i32_0 : i32, i32
  }
  func.func @transform_14(%arg0: i32) -> (i32, i32) {
    %c0_i32 = arith.constant 0 : i32
    %c0_i32_0 = arith.constant 0 : i32
    %c0_i32_1 = arith.constant 0 : i32
    return %c0_i32, %c0_i32_0 : i32, i32
  }
  func.func @transform_15(%arg0: i32) -> (i32, i32) {
    %c0_i32 = arith.constant 0 : i32
    %c0_i32_0 = arith.constant 0 : i32
    %c0_i32_1 = arith.constant 0 : i32
    return %c0_i32, %c0_i32_0 : i32, i32
  }
  func.func @transform_16(%arg0: i32) -> (i32, i32) {
    %c0_i32 = arith.constant 0 : i32
    %c0_i32_0 = arith.constant 0 : i32
    return %arg0, %c0_i32 : i32, i32
  }
  func.func @transform_17(%arg0: i32) -> (i32, i32) {
    %c0_i32 = arith.constant 0 : i32
    %c0_i32_0 = arith.constant 0 : i32
    return %arg0, %c0_i32 : i32, i32
  }
}

module attributes {stable_mosaic.version = 14 : i64} {
  func.func @_dec_body(%arg0: i32, %arg1: memref<2048x128xf32, #tpu.memory_space<vmem>>, %arg2: memref<2048x128xf32, #tpu.memory_space<vmem>>, %arg3: memref<512x128xbf16, #tpu.memory_space<vmem>>, %arg4: memref<512x128xbf16, #tpu.memory_space<vmem>>, %arg5: memref<1x512xf32, #tpu.memory_space<vmem>>, %arg6: memref<256x512xbf16, #tpu.memory_space<vmem>>, %arg7: memref<1x256xf32, #tpu.memory_space<vmem>>, %arg8: memref<8x256xbf16, #tpu.memory_space<vmem>>, %arg9: memref<2048x8xf32, #tpu.memory_space<vmem>>, %arg10: memref<2048x8xf32, #tpu.memory_space<vmem>>) attributes {dimension_semantics = [#tpu.dimension_semantics<arbitrary>], iteration_bounds = array<i64: 50>, scalar_prefetch = 0 : i64, scratch_operands = 0 : i64, tpu.core_type = #tpu.core_type<tc>, window_params = [{transform_indices = @transform_0, window_bounds = array<i64: 2048, 128>}, {transform_indices = @transform_1, window_bounds = array<i64: 2048, 128>}, {pipeline_mode = #tpu.pipeline_mode<synchronous>, transform_indices = @transform_2, window_bounds = array<i64: 512, 128>}, {pipeline_mode = #tpu.pipeline_mode<synchronous>, transform_indices = @transform_3, window_bounds = array<i64: 512, 128>}, {pipeline_mode = #tpu.pipeline_mode<synchronous>, transform_indices = @transform_4, window_bounds = array<i64: 1, 512>}, {pipeline_mode = #tpu.pipeline_mode<synchronous>, transform_indices = @transform_5, window_bounds = array<i64: 256, 512>}, {pipeline_mode = #tpu.pipeline_mode<synchronous>, transform_indices = @transform_6, window_bounds = array<i64: 1, 256>}, {pipeline_mode = #tpu.pipeline_mode<synchronous>, transform_indices = @transform_7, window_bounds = array<i64: 8, 256>}, {pipeline_mode = #tpu.pipeline_mode<synchronous>, transform_indices = @transform_8, window_bounds = array<i64: 2048, 8>}, {transform_indices = @transform_9, window_bounds = array<i64: 2048, 8>}]} {
    %get3A = arith.constant 0 : index
    %get3A_0 = arith.constant 0 : index
    %get3A_1 = vector.load %arg1[%get3A, %get3A_0] : memref<2048x128xf32, #tpu.memory_space<vmem>>, vector<2048x128xf32>
    %convert_element_type3A = arith.truncf %get3A_1 : vector<2048x128xf32> to vector<2048x128xbf16>
    %get3A_2 = arith.constant 0 : index
    %get3A_3 = arith.constant 0 : index
    %get3A_4 = vector.load %arg3[%get3A_2, %get3A_3] : memref<512x128xbf16, #tpu.memory_space<vmem>>, vector<512x128xbf16>
    %dot_general3A = arith.constant dense<0.000000e+00> : vector<2048x512xf32>
    %dot_general3A_5 = tpu.matmul %convert_element_type3A, %get3A_4, %dot_general3A {dimension_numbers = #tpu.dot_dimension_numbers<[1], [1], [0], [0], [0, 0, 1, 0], [], []>, transpose_lhs_hint = false} : vector<2048x128xbf16>, vector<512x128xbf16>, vector<2048x512xf32> -> vector<2048x512xf32>
    %get3A_6 = arith.constant 0 : index
    %get3A_7 = arith.constant 0 : index
    %get3A_8 = vector.load %arg2[%get3A_6, %get3A_7] : memref<2048x128xf32, #tpu.memory_space<vmem>>, vector<2048x128xf32>
    %convert_element_type3A_9 = arith.truncf %get3A_8 : vector<2048x128xf32> to vector<2048x128xbf16>
    %get3A_10 = arith.constant 0 : index
    %get3A_11 = arith.constant 0 : index
    %get3A_12 = vector.load %arg4[%get3A_10, %get3A_11] : memref<512x128xbf16, #tpu.memory_space<vmem>>, vector<512x128xbf16>
    %dot_general3A_13 = arith.constant dense<0.000000e+00> : vector<2048x512xf32>
    %dot_general3A_14 = tpu.matmul %convert_element_type3A_9, %get3A_12, %dot_general3A_13 {dimension_numbers = #tpu.dot_dimension_numbers<[1], [1], [0], [0], [0, 0, 1, 0], [], []>, transpose_lhs_hint = false} : vector<2048x128xbf16>, vector<512x128xbf16>, vector<2048x512xf32> -> vector<2048x512xf32>
    %add3A = arith.addf %dot_general3A_5, %dot_general3A_14 : vector<2048x512xf32>
    %get3A_15 = arith.constant 0 : index
    %get3A_16 = arith.constant 0 : index
    %get3A_17 = vector.load %arg5[%get3A_15, %get3A_16] : memref<1x512xf32, #tpu.memory_space<vmem>>, vector<1x512xf32>
    %add3A_18 = vector.broadcast %get3A_17 : vector<1x512xf32> to vector<2048x512xf32>
    %add3A_19 = arith.addf %add3A, %add3A_18 : vector<2048x512xf32>
    %max3A = arith.constant 0.000000e+00 : f32
    %max3A_20 = vector.broadcast %max3A : f32 to vector<2048x512xf32>
    %max3A_21 = arith.maximumf %add3A_19, %max3A_20 : vector<2048x512xf32>
    %convert_element_type3A_22 = arith.truncf %max3A_21 : vector<2048x512xf32> to vector<2048x512xbf16>
    %get3A_23 = arith.constant 0 : index
    %get3A_24 = arith.constant 0 : index
    %get3A_25 = vector.load %arg6[%get3A_23, %get3A_24] : memref<256x512xbf16, #tpu.memory_space<vmem>>, vector<256x512xbf16>
    %dot_general3A_26 = arith.constant dense<0.000000e+00> : vector<2048x256xf32>
    %dot_general3A_27 = tpu.matmul %convert_element_type3A_22, %get3A_25, %dot_general3A_26 {dimension_numbers = #tpu.dot_dimension_numbers<[1], [1], [0], [0], [0, 0, 1, 0], [], []>, transpose_lhs_hint = false} : vector<2048x512xbf16>, vector<256x512xbf16>, vector<2048x256xf32> -> vector<2048x256xf32>
    %get3A_28 = arith.constant 0 : index
    %get3A_29 = arith.constant 0 : index
    %get3A_30 = vector.load %arg7[%get3A_28, %get3A_29] : memref<1x256xf32, #tpu.memory_space<vmem>>, vector<1x256xf32>
    %add3A_31 = vector.broadcast %get3A_30 : vector<1x256xf32> to vector<2048x256xf32>
    %add3A_32 = arith.addf %dot_general3A_27, %add3A_31 : vector<2048x256xf32>
    %max3A_33 = arith.constant 0.000000e+00 : f32
    %max3A_34 = vector.broadcast %max3A_33 : f32 to vector<2048x256xf32>
    %max3A_35 = arith.maximumf %add3A_32, %max3A_34 : vector<2048x256xf32>
    %convert_element_type3A_36 = arith.truncf %max3A_35 : vector<2048x256xf32> to vector<2048x256xbf16>
    %get3A_37 = arith.constant 0 : index
    %get3A_38 = arith.constant 0 : index
    %get3A_39 = vector.load %arg8[%get3A_37, %get3A_38] : memref<8x256xbf16, #tpu.memory_space<vmem>>, vector<8x256xbf16>
    %dot_general3A_40 = arith.constant dense<0.000000e+00> : vector<2048x8xf32>
    %dot_general3A_41 = tpu.matmul %convert_element_type3A_36, %get3A_39, %dot_general3A_40 {dimension_numbers = #tpu.dot_dimension_numbers<[1], [1], [0], [0], [0, 0, 1, 0], [], []>, transpose_lhs_hint = false} : vector<2048x256xbf16>, vector<8x256xbf16>, vector<2048x8xf32> -> vector<2048x8xf32>
    %get3A_42 = arith.constant 0 : index
    %get3A_43 = arith.constant 0 : index
    %get3A_44 = vector.load %arg9[%get3A_42, %get3A_43] : memref<2048x8xf32, #tpu.memory_space<vmem>>, vector<2048x8xf32>
    %add3A_45 = arith.addf %dot_general3A_41, %get3A_44 : vector<2048x8xf32>
    %swap3A = arith.constant 0 : index
    %swap3A_46 = arith.constant 0 : index
    %swap3A_47 = vector.load %arg10[%swap3A, %swap3A_46] : memref<2048x8xf32, #tpu.memory_space<vmem>>, vector<2048x8xf32>
    tpu.vector_store %arg10[%swap3A, %swap3A_46], %add3A_45 {strides = array<i32>} : memref<2048x8xf32, #tpu.memory_space<vmem>>, vector<2048x8xf32>,
    return
  }
  func.func @transform_0(%arg0: i32) -> (i32, i32) {
    %c0_i32 = arith.constant 0 : i32
    %c0_i32_0 = arith.constant 0 : i32
    return %arg0, %c0_i32 : i32, i32
  }
  func.func @transform_1(%arg0: i32) -> (i32, i32) {
    %c0_i32 = arith.constant 0 : i32
    %c0_i32_0 = arith.constant 0 : i32
    return %arg0, %c0_i32 : i32, i32
  }
  func.func @transform_2(%arg0: i32) -> (i32, i32) {
    %c0_i32 = arith.constant 0 : i32
    %c0_i32_0 = arith.constant 0 : i32
    %c0_i32_1 = arith.constant 0 : i32
    return %c0_i32, %c0_i32_0 : i32, i32
  }
  func.func @transform_3(%arg0: i32) -> (i32, i32) {
    %c0_i32 = arith.constant 0 : i32
    %c0_i32_0 = arith.constant 0 : i32
    %c0_i32_1 = arith.constant 0 : i32
    return %c0_i32, %c0_i32_0 : i32, i32
  }
  func.func @transform_4(%arg0: i32) -> (i32, i32) {
    %c0_i32 = arith.constant 0 : i32
    %c0_i32_0 = arith.constant 0 : i32
    %c0_i32_1 = arith.constant 0 : i32
    return %c0_i32, %c0_i32_0 : i32, i32
  }
  func.func @transform_5(%arg0: i32) -> (i32, i32) {
    %c0_i32 = arith.constant 0 : i32
    %c0_i32_0 = arith.constant 0 : i32
    %c0_i32_1 = arith.constant 0 : i32
    return %c0_i32, %c0_i32_0 : i32, i32
  }
  func.func @transform_6(%arg0: i32) -> (i32, i32) {
    %c0_i32 = arith.constant 0 : i32
    %c0_i32_0 = arith.constant 0 : i32
    %c0_i32_1 = arith.constant 0 : i32
    return %c0_i32, %c0_i32_0 : i32, i32
  }
  func.func @transform_7(%arg0: i32) -> (i32, i32) {
    %c0_i32 = arith.constant 0 : i32
    %c0_i32_0 = arith.constant 0 : i32
    %c0_i32_1 = arith.constant 0 : i32
    return %c0_i32, %c0_i32_0 : i32, i32
  }
  func.func @transform_8(%arg0: i32) -> (i32, i32) {
    %c0_i32 = arith.constant 0 : i32
    %c0_i32_0 = arith.constant 0 : i32
    %c0_i32_1 = arith.constant 0 : i32
    return %c0_i32, %c0_i32_0 : i32, i32
  }
  func.func @transform_9(%arg0: i32) -> (i32, i32) {
    %c0_i32 = arith.constant 0 : i32
    %c0_i32_0 = arith.constant 0 : i32
    return %arg0, %c0_i32 : i32, i32
  }
}

</mosaic_0001>

<sc_bundles>
// kernel: kernel.12.cloned.1.call-start
scs
__scs_entry_jumppad:
0x0: {  	(pc) =	sbr.rel $0x88, $3  }
0x1: {  	(tag) =	ssettag $0x0;
	lr =	simm.s32 $0x1  }
0x2: {  	[smem:$0x3F82] =	sst lr;
	_ =	strace $0xD0000000  }
0x3: {  	_ = 	snop  }
0x4: {  	_ = 	snop  }
0x5: {  	_ = 	snop  }
0x6: {  	_ = 	snop  }
0x7: {  	_ = 	snop  }
__scs_overlays_trampoline_lowered:
0x8: {  	[smem:$0x3F91] =	sst s0  }
0x9: {  	[smem:$0x3F92] =	sst s1  }
0xa: {  	[smem:$0x3F93] =	sst s2  }
0xb: {  	[smem:$0x3F94] =	sst s3  }
0xc: {  	[smem:$0x3F95] =	sst s4  }
0xd: {  	[smem:$0x3F96] =	sst s5  }
0xe: {  	[smem:$0x3F97] =	sst s6  }
0xf: {  	[smem:$0x3F98] =	sst s7  }
0x10: {  	[smem:$0x3F99] =	sst s8  }
0x11: {  	[smem:$0x3F9A] =	sst s9;
	s0 =	simm.s32 @!p0 $0x0  }
0x12: {  	s1 =	sld [smem:$0x3F80];
	s0 =	simm.s32 @p0 $0x1  }
0x13: {  	[smem:$0x3F9B] =	sst s0;
	s0 =	simm.s32 @!p1 $0x0  }
0x14: {  	s2 =	sld [smem:$0x3F7F];
	s0 =	simm.s32 @p1 $0x1  }
0x15: {  	[smem:$0x3F9C] =	sst s0;
	s0 =	simm.s32 @!p2 $0x0  }
0x16: {  	s3 =	sld [smem:$0x3FDB];
	s0 =	simm.s32 @p2 $0x1  }
0x17: {  	s4 =	simm.s32 $0x1BF5;
	[smem:$0x3F9E] =	sst s0  }
0x18: {  	s0 =	sld [smem:$0x3F81];
	_ =	swait.ge [sflag:s4], $0x0  }
0x19: {  	s7 =	sld [smem:$0x3F82]  }
0x1a: {  	s8 =	sadd.s32 $0xFFFFE003, lr  }
0x1b: {  	s9 =	sadd.s32 $0xFFFFFEF7, lr;
	s5 =	simm.s32 $0xFFFFFFFF;
	p2 =	slt.u32 s8, $0xFFFFF086  }
0x1c: {  	p1 =	slt.u32 s9, $0xF7A;
	s5 =	simm.s32 @!p2 $0x0  }
0x1d: {  	s5 =	simm.s32 @p1 $0x1;
	p0 =	seq.s32 s7, s2  }
0x1e: {  	s7 =	smul.u32 @!p0 $0xF7A, s2;
	p2 =	seq.s32 @!p0 s5, $0x0  }
0x1f: {  	s9 =	smul.u32 $0xF7A, s1;
	s8 =	simm.s32 @!p0 $0x1BF5;
	p2 =	por !p2, p0  }
0x20: {  	[sflag:s8] =	ssyncset.s32 @!p0 $0xFFFFF086;
	s6 =	sadd.s32 @!p0 s3, s7;
	s7 =	simm.s32 @!p0 $0x108  }
0x21: {  	s3 =	sadd.s32 s3, s9;
	s6 =	sadd.s32 @!p0 $0x88, s6;
	s7 =	simm.s32 @p2 $0x1082  }
0x22: {  	[simem:s7], [sflag:s8] =	dma.local @!p0 [hbm:s6], $0xF7A  }
0x23: {  	s9 =	sor.u32 $0xD0000000, s2;
	s6 =	simm.s32 $0x108;
	_ =	swait.ge @!p0 [sflag:s8], $0x0  }
0x24: {  	s3 =	sadd.s32 $0x88, s3;
	s6 =	simm.s32 @!p1 $0x1082;
	[sflag:s4] =	ssyncset.s32 $0xFFFFF086  }
0x25: {  	[simem:s6], [sflag:s4] =	dma.local [hbm:s3], $0xF7A  }
0x26: {  	[smem:$0x3F82] =	sst s1;
	(tag) =	ssettag s2;
	_ =	strace s9  }
0x27: {  	s1 =	sld [smem:$0x3F92]  }
0x28: {  	s2 =	sld [smem:$0x3F93]  }
0x29: {  	s4 =	sld [smem:$0x3F95]  }
0x2a: {  	p0 =	seq.s32 s5, $0x0;
	s5 =	sld [smem:$0x3F96]  }
0x2b: {  	s6 =	sld [smem:$0x3F97]  }
0x2c: {  	s7 =	sld [smem:$0x3F98]  }
0x2d: {  	s3 =	simm.s32 $0x108;
	s8 =	sld [smem:$0x3F99]  }
0x2e: {  	s3 =	simm.s32 @!p0 $0x1082;
	s9 =	sld [smem:$0x3F9A]  }
0x2f: {  	lr =	sadd.s32 s0, s3;
	s0 =	sld [smem:$0x3F91]  }
0x30: {  	s3 =	sld [smem:$0x3F94]  }
0x31: {  	[smem:$0x3F9D] =	sst s10  }
0x32: {  	s10 =	sld [smem:$0x3F9B];
	_ =	sdelay $0x3  }
0x33: {  	p0 =	seq.s32 s10, $0x1;
	s10 =	sld [smem:$0x3F9D];
	_ =	sdelay $0x3  }
0x34: {  	[smem:$0x3F9D] =	sst s10  }
0x35: {  	s10 =	sld [smem:$0x3F9C];
	_ =	sdelay $0x3  }
0x36: {  	p1 =	seq.s32 s10, $0x1;
	s10 =	sld [smem:$0x3F9D];
	_ =	sdelay $0x3  }
0x37: {  	[smem:$0x3F9D] =	sst s10  }
0x38: {  	s10 =	sld [smem:$0x3F9E]  }
0x39: {  	_ = 	snop;
	(pc) =	sbr.ind lr, $3  }
0x3a: {  	_ = 	snop  }
0x3b: {  	_ = 	snop  }
0x3c: {  	p2 =	seq.s32 s10, $0x1;
	s10 =	sld [smem:$0x3F9D]  }
0x3d: {  	_ =	shalt  }
0x3e: {  	_ =	shalt  }
0x3f: {  	_ =	shalt  }
0x40: {  	_ =	shalt  }
0x41: {  	_ =	shalt  }
0x42: {  	_ =	shalt  }
0x43: {  	_ =	shalt  }
0x44: {  	_ =	shalt  }
0x45: {  	_ =	shalt  }
0x46: {  	_ =	shalt  }
0x47: {  	_ =	shalt  }
0x48: {  	_ =	shalt  }
0x49: {  	_ =	shalt  }
0x4a: {  	_ =	shalt  }
0x4b: {  	_ =	shalt  }
0x4c: {  	_ =	shalt  }
0x4d: {  	_ =	shalt  }
0x4e: {  	_ =	shalt  }
0x4f: {  	_ =	shalt  }
0x50: {  	_ =	shalt  }
0x51: {  	_ =	shalt  }
0x52: {  	_ =	shalt  }
0x53: {  	_ =	shalt  }
0x54: {  	_ =	shalt  }
0x55: {  	_ =	shalt  }
0x56: {  	_ =	shalt  }
0x57: {  	_ =	shalt  }
0x58: {  	_ =	shalt  }
0x59: {  	_ =	shalt  }
0x5a: {  	_ =	shalt  }
0x5b: {  	_ =	shalt  }
0x5c: {  	_ =	shalt  }
0x5d: {  	_ =	shalt  }
0x5e: {  	_ =	shalt  }
0x5f: {  	_ =	shalt  }
0x60: {  	_ =	shalt  }
0x61: {  	_ =	shalt  }
0x62: {  	_ =	shalt  }
0x63: {  	_ =	shalt  }
0x64: {  	_ =	shalt  }
0x65: {  	_ =	shalt  }
0x66: {  	_ =	shalt  }
0x67: {  	_ =	shalt  }
0x68: {  	_ =	shalt  }
0x69: {  	_ =	shalt  }
0x6a: {  	_ =	shalt  }
0x6b: {  	_ =	shalt  }
0x6c: {  	_ =	shalt  }
0x6d: {  	_ =	shalt  }
0x6e: {  	_ =	shalt  }
0x6f: {  	_ =	shalt  }
0x70: {  	_ =	shalt  }
0x71: {  	_ =	shalt  }
0x72: {  	_ =	shalt  }
0x73: {  	_ =	shalt  }
0x74: {  	_ =	shalt  }
0x75: {  	_ =	shalt  }
0x76: {  	_ =	shalt  }
0x77: {  	_ =	shalt  }
0x78: {  	_ =	shalt  }
0x79: {  	_ =	shalt  }
0x7a: {  	_ =	shalt  }
0x7b: {  	_ =	shalt  }
0x7c: {  	_ =	shalt  }
0x7d: {  	_ =	shalt  }
0x7e: {  	_ =	shalt  }
0x7f: {  	_ =	shalt  }
0x80: {  	_ =	shalt  }
0x81: {  	_ =	shalt  }
0x82: {  	_ =	shalt  }
0x83: {  	_ =	shalt  }
0x84: {  	_ =	shalt  }
0x85: {  	_ =	shalt  }
0x86: {  	_ =	shalt  }
0x87: {  	_ =	shalt  }
.Lfunc_end0:
.L_simem_size_0:
called_computation.1_lowered:
.L_overlay_start_0:
0x88: {  	s2 =	sld [smem:$0x3FD9]  }
0x89: {  	s3 =	sld [smem:$0x3FFE];
	_ =	sdelay $0x1  }
0x8a: {  	s1 =	srdreg.scid  }
0x8b: {  	s0 =	sand.u32 $0x1, s1  }
0x8c: {  	s16 =	sshll.u32 s0, $0xA;
	s2 =	sadd.s32 s3, s2  }
0x8d: {  	s2 =	sadd.s32 s2, s16  }
0x8e: {  	[smem:$0x3FA9] =	sst s2  }
0x8f: {  	_ = 	snop  }
0x90: {  	(tm) =	ssettm $0x1  }
0x91: {  	s17 =	sld [smem:$0x3FFB];
	_ =	sdelay $0x3  }
0x92: {  	_ =	strace s17  }
0x93: {  	s2 =	sld [smem:$0x3FFC];
	_ =	sdelay $0x3  }
0x94: {  	_ =	strace s2  }
0x95: {  	s2 =	sld [smem:$0x3FFD];
	_ =	sdelay $0x3  }
0x96: {  	_ =	strace s2  }
0x97: {  	_ =	strace $0x8FFFFFFF  }
0x98: {  	s18 =	sld [smem:$0x3FDB];
	_ =	sdelay $0x1  }
0x99: {  	s19 =	simm.s32 $_scs_section_size  }
0x9a: {  	s4 =	simm.s32 $_size__tile_overlayer_lowered;
	s5 =	simm.s32 $_tile_overlayer_lowered  }
0x9b: {  	s22 =	simm.s32 $0x1BFF;
	s21 =	sshll.u32 s5, $0x1;
	s2 =	sadd.s32 s19, s18  }
0x9c: {  	s6 =	simm.s32 $0x0;
	s20 =	sshll.u32 s4, $0x1;
	s4 =	sadd.s32 s21, s2  }
0x9d: {  	[timem:s6], [sflag:s22] =	dma.local [hbm:s4], s20  }
0x9e: {  	_ =	swait.ge [sflag:s22], s20  }
0x9f: {  	s3 =	ssub.s32 $0x0, s20;
	[sflag:s22] =	ssyncset.done $0x0  }
0xa0: {  	[sflag:s22] =	ssyncadd.s32 s3;
	_ =	sdelay $0x1  }
0xa1: {  	s23 =	simm.s32 $0x1B8B  }
0xa2: {  	_ =	swait.ge [sflag:s23], $0x1  }
0xa3: {  	[sflag:s23] =	ssyncset.done $0x0  }
0xa4: {  	s25 =	simm.s32 $0x1B8E;
	s24 =	sld [smem:$0x3FFE];
	[sflag:s23] =	ssyncadd.s32 $0xFFFFFFFF  }
0xa5: {  	s26 =	simm.s32 $execute0_lowered;
	[smem:$0x3FD2] =	sst s25  }
0xa6: {  	s4 =	sshll.u32 s26, $0x1;
	_ =	strace $0x80000049;
	[dreg:$0x1] =	wrdreg $0xFFFFFFFF  }
0xa7: {  	s28 =	simm.s32 $_size_execute0_lowered;
	s2 =	sadd.s32 s2, s4;
	[dreg:$0x0] =	wrdreg $0x0  }
0xa8: {  	s4 =	sshll.u32 s28, $0x1;
	[dreg:$0x2] =	wrdreg s2  }
0xa9: {  	[dreg:$0x3] =	wrdreg s4  }
0xaa: {  	[dreg:$0x4] =	wrdreg $0xC0  }
0xab: {  	_ =	task [dreg:s6], $0x5FFFF  }
0xac: {  	[dreg:$0x1] =	wrdreg $0xFFFFFFFF  }
0xad: {  	[dreg:$0x0] =	wrdreg $0x60  }
0xae: {  	[dreg:$0x2] =	wrdreg s24  }
0xaf: {  	[dreg:$0x3] =	wrdreg $0x82000  }
0xb0: {  	[dreg:$0x4] =	wrdreg $0x9  }
0xb1: {  	_ =	task.clear_ibuf [dreg:s6], $0x5FFFF;
	_ =	strace $0x90000049  }
0xb2: {  	s29 =	simm.s32 $0x9;
	_ =	strace $0x8000004B  }
0xb3: {  	_ =	swait.ge [sflag:s29], $0x1  }
0xb4: {  	[sflag:s29] =	ssyncadd.s32 $0xFFFFFFFF  }
0xb5: {  	_ =	strace $0x9000004B  }
0xb6: {  	_ =	sfence  }
0xb7: {  	s30 =	sld [smem:$0x0];
	_ =	sdelay $0x2  }
0xb8: {  	s31 =	sshll.u32 s1, $0xD;
	s1 =	sshrl.u32 s1, $0x2  }
0xb9: {  	s3 =	sand.u32 $0x4000, s31;
	s1 =	sadd.s32 s1, s30  }
0xba: {  	s0 =	sor.u32 s3, s0;
	s1 =	sshll.u32 s1, $0x11  }
0xbb: {  	s0 =	sor.u32 s1, s0  }
0xbc: {  	s0 =	sadd.s32 $0x8F2B, s0  }
0xbd: {  	[sflag:s0] =	ssyncadd.remote.s32 $0x1  }
0xbe: {  	_ =	sfence.sel $0xFFFF  }
0xbf: {  	[dreg:$0x0] =	wrdreg $0xFFFFFFFF;
	(pc) =	sbr.abs _section_cstart, $3  }
0xc0: {  	[dreg:$0x1] =	wrdreg $0xFFFFFFFF  }
0xc1: {  	_ =	task.clear_ibuf [dreg:s6], $0x2FFFF;
	_ =	strace $0x9FFFFFFF  }
0xc2: {  	(tm) =	ssettm $0x7FFFFFFF  }
0xc3: {  	_ =	shalt  }
tec
execute0_lowered:
.L_overlay_start_1:
0x0: {  	(tag) =	ssettag $0x1  }
0x1: {  	s0 =	rddreg [dreg:$0x0]  }
0x2: {  	s2 =	rddreg [dreg:$0x1];
	s3 =	simm.s32 $0x0;
	s13 =	stileid.u32  }
0x3: {  	s5 =	srdreg.scid;
	s29 =	simm.s32 $0x5;
	s30 =	simm.s32 $0x100  }
0x4: {  	s31 =	simm.s32 $0x80;
	[smem:$0x7FF] =	sst s3;
	s1 =	smul.u32 $0x14400, s13  }
0x5: {  	s4 =	sadd.s32 $0x30200, s0;
	s8 =	sand.u32 $0x1, s5;
	s5 =	sadd.s32 $0x58A00, s0  }
0x6: {  	s6 =	sadd.s32 $0x1C200, s0;
	s7 =	sadd.s32 $0x8200, s0;
	s18 =	smul.u32 $0x51000, s13  }
0x7: {  	s22 =	sshll.u32 s13, $0x6;
	_ =	strace $0x8000004A;
	s10 =	smul.u32 $0x144000, s8  }
0x8: {  	s11 =	sshll.u32 s8, $0x4;
	s12 =	ssub.s32 $0x2, s8;
	s9 =	sshrl.u32 s1, $0x3  }
0x9: {  	s19 =	sor.u32 s13, s11;
	s20 =	sshrl.u32 s12, $0x1;
	s11 =	sor.u32 $0x1C05, s22  }
0xa: {  	s9 =	sadd.s32 s9, s0;
	s1 =	sadd.s32 s1, s10;
	s10 =	sshrl.u32 s18, $0x2  }
0xb: {  	s8 =	smul.u32 $0x2800, s19;
	s21 =	ssub.s32 s12, s20;
	s1 =	sshrl.u32 s1, $0x3  }
0xc: {  	s10 =	sadd.s32 s10, s2;
	s21 =	smax.u32 s21, $0x1;
	s0 =	sadd.s32 s1, s0  }
0xd: {  	[dreg:$0x3] =	wrdreg s10;
	s10 =	sadd.s32 $0x81200, s9;
	s12 =	sshrl.u32 s8, $0x3  }
0xe: {  	s13 =	sadd.s32 $0x50000, s8;
	[dreg:$0xe] =	wrdreg s21;
	s1 =	simm.s32 $0x4200  }
0xf: {  	s23 =	sadd.s32 s6, s12;
	s24 =	sshrl.u32 s13, $0x3;
	s14 =	sor.u32 $0x10, s12  }
0x10: {  	s15 =	sadd.s32 $0xA010, s12;
	s17 =	sadd.s32 $0xFAA00, s0;
	[dreg:$0x4] =	wrdreg s23  }
0x11: {  	s18 =	sadd.s32 s7, s12;
	s0 =	sadd.s32 $0x19CA00, s0;
	[dreg:$0x8] =	wrdreg s17  }
0x12: {  	s22 =	sadd.s32 $0x4E0, s12;
	s16 =	sadd.s32 s6, s24;
	[dreg:$0x9] =	wrdreg s18  }
0x13: {  	s25 =	sadd.s32 s6, s14;
	s26 =	sadd.s32 s6, s15;
	[dreg:$0xd] =	wrdreg s0  }
0x14: {  	s9 =	sadd.s32 s7, s24;
	s19 =	sadd.s32 s7, s14;
	[dreg:$0x5] =	wrdreg s16  }
0x15: {  	s20 =	sadd.s32 s7, s15;
	s23 =	sadd.s32 $0xA4E0, s12;
	[dreg:$0x6] =	wrdreg s25  }
0x16: {  	s24 =	sadd.s32 s6, s22;
	s0 =	simm.s32 $0x200;
	[dreg:$0x7] =	wrdreg s26  }
0x17: {  	s12 =	simm.s32 $0x2;
	s14 =	simm.s32 $0x180;
	[dreg:$0xa] =	wrdreg s9  }
0x18: {  	s15 =	simm.s32 $0x3;
	s17 =	simm.s32 $0x0;
	[dreg:$0xb] =	wrdreg s19  }
0x19: {  	[dreg:$0xc] =	wrdreg s20;
	s25 =	sadd.s32 s7, s22;
	s26 =	sadd.s32 s6, s23  }
0x1a: {  	s28 =	sadd.s32 s7, s23;
	s9 =	simm.s32 $0x1;
	s16 =	simm.s32 $0x4  }
.LBB2_1:
0x1b: {  	s18 =	rddreg [dreg:$0x3]  }
0x1c: {  	s18 =	sshrl.u32 s18, $0x3  }
0x1d: {  	[spmem:s18], [sflag:s11] =	dma.local [hbm:s10], $0x2880  }
0x1e: {  	_ =	swait.ge [sflag:s29], $0x2880  }
0x1f: {  	[sflag:s29] =	ssyncset.done $0x0  }
0x20: {  	[sflag:s29] =	ssyncadd.s32 $0xFFFFD780  }
0x21: {  	[bflag:$0x0] =	sbarrier.arrive $0xFFFF  }
0x22: {  	s19 =	rddreg [dreg:$0x4]  }
0x23: {  	[tilespmem:s3], [sflag:$0x5] =	stream.linear.gather [hbm4b:s19+s3], $0x80, $0x38;
	[tilespmem:$0x1C600] =	vst v63  }
0x24: {  	_ =	swait.ge [sflag:s29], $0x80  }
0x25: {  	[sflag:s29] =	ssyncset.done $0x0  }
0x26: {  	s20 =	rddreg [dreg:$0x5];
	[sflag:s29] =	ssyncadd.s32 $0xFFFFFF80  }
0x27: {  	[tilespmem:s30], [sflag:$0x5] =	stream.linear.gather [hbm4b:s20+s3], $0x80, $0x38;
	[tilespmem:$0x1C600] =	vst v63  }
0x28: {  	_ =	swait.ge [sflag:s29], $0x80  }
0x29: {  	[sflag:s29] =	ssyncset.done $0x0  }
0x2a: {  	[sflag:s29] =	ssyncadd.s32 $0xFFFFFF80  }
0x2b: {  	[tilespmem:s0], [sflag:$0x1] =	stream.indirect.gather [hbm4b:s4+s31], $0x80, s3, s31, $0xb8;
	[tilespmem:$0x1C600] =	vst v63  }
0x2c: {  	s21 =	rddreg [dreg:$0x6]  }
0x2d: {  	[tilespmem:s31], [sflag:$0x5] =	stream.linear.gather [hbm4b:s21+s3], $0x80, $0x38;
	[tilespmem:$0x1C600] =	vst v63  }
0x2e: {  	_ =	swait.ge [sflag:s29], $0x80  }
0x2f: {  	[sflag:s29] =	ssyncset.done $0x0  }
0x30: {  	s22 =	rddreg [dreg:$0x7];
	[sflag:s29] =	ssyncadd.s32 $0xFFFFFF80  }
0x31: {  	[tilespmem:s14], [sflag:$0x5] =	stream.linear.gather [hbm4b:s22+s3], $0x80, $0x38;
	[tilespmem:$0x1C600] =	vst v63  }
0x32: {  	_ =	swait.ge [sflag:s29], $0x80  }
0x33: {  	[sflag:s29] =	ssyncset.done $0x0  }
0x34: {  	[sflag:s29] =	ssyncadd.s32 $0xFFFFFF80  }
0x35: {  	[tilespmem:s1], [sflag:$0x2] =	stream.indirect.gather [hbm4b:s4+s31], $0x80, s31, s31, $0xb8;
	[tilespmem:$0x1C600] =	vst v63  }
0x36: {  	_ =	swait.ge [sflag:s9], $0x4000  }
0x37: {  	[sflag:s9] =	ssyncset.done $0x0  }
0x38: {  	[sflag:s9] =	ssyncadd.s32 $0xFFFFC000  }
0x39: {  	[spmem:s2] =	stream.indirect.scatter.add.f32 [tilespmem:s0], [sflag:$0x3], $0x80, s30, s31, $0xb8;
	[tilespmem:$0x1C600] =	vst v63  }
0x3a: {  	s23 =	simm.s32 $0x100;
	_ =	swait.ge [sflag:s12], $0x4000  }
0x3b: {  	s20 =	sand.u32 $0x7C00, s23;
	[sflag:s12] =	ssyncset.done $0x0  }
0x3c: {  	s19 =	sand.u32 $0x300, s23;
	s21 =	sadd.s32 s8, s20;
	[sflag:s12] =	ssyncadd.s32 $0xFFFFC000  }
0x3d: {  	[spmem:s2] =	stream.indirect.scatter.add.f32 [tilespmem:s1], [sflag:$0x4], $0x80, s14, s31, $0xb8;
	[tilespmem:$0x1C600] =	vst v63  }
0x3e: {  	s21 =	sor.u32 s19, s21;
	_ =	swait.ge [sflag:s15], $0x4000  }
0x3f: {  	s21 =	sshrl.u32 s21, $0x3;
	[sflag:s15] =	ssyncset.done $0x0  }
0x40: {  	s20 =	sadd.s32 s13, s20;
	s21 =	sadd.s32 s6, s21;
	[sflag:s15] =	ssyncadd.s32 $0xFFFFC000  }
0x41: {  	[tilespmem:s3], [sflag:$0x5] =	stream.linear.gather [hbm4b:s21+s3], $0x80, $0x38;
	[tilespmem:$0x1C600] =	vst v63  }
0x42: {  	s19 =	sor.u32 s19, s20;
	_ =	swait.ge [sflag:s29], $0x80  }
0x43: {  	s19 =	sshrl.u32 s19, $0x3;
	[sflag:s29] =	ssyncset.done $0x0  }
0x44: {  	s19 =	sadd.s32 s6, s19;
	[sflag:s29] =	ssyncadd.s32 $0xFFFFFF80  }
0x45: {  	[tilespmem:s30], [sflag:$0x5] =	stream.linear.gather [hbm4b:s19+s3], $0x80, $0x38;
	[tilespmem:$0x1C600] =	vst v63  }
0x46: {  	_ =	swait.ge [sflag:s29], $0x80  }
0x47: {  	s20 =	sand.u32 $0x7C00, s14;
	[sflag:s29] =	ssyncset.done $0x0  }
0x48: {  	s23 =	sadd.s32 s8, s20;
	s22 =	sand.u32 $0x380, s14;
	[sflag:s29] =	ssyncadd.s32 $0xFFFFFF80  }
0x49: {  	[tilespmem:s0], [sflag:$0x1] =	stream.indirect.gather [hbm4b:s4+s31], $0x80, s3, s31, $0xb8;
	[tilespmem:$0x1C600] =	vst v63  }
0x4a: {  	s21 =	sor.u32 s22, s23;
	_ =	swait.ge [sflag:s16], $0x4000  }
0x4b: {  	s21 =	sshrl.u32 s21, $0x3;
	[sflag:s16] =	ssyncset.done $0x0  }
0x4c: {  	s21 =	sadd.s32 s6, s21;
	s19 =	sadd.s32 s13, s20;
	[sflag:s16] =	ssyncadd.s32 $0xFFFFC000  }
0x4d: {  	[tilespmem:s31], [sflag:$0x5] =	stream.linear.gather [hbm4b:s21+s3], $0x80, $0x38;
	[tilespmem:$0x1C600] =	vst v63  }
0x4e: {  	s19 =	sor.u32 s22, s19;
	_ =	swait.ge [sflag:s29], $0x80  }
0x4f: {  	s19 =	sshrl.u32 s19, $0x3;
	[sflag:s29] =	ssyncset.done $0x0  }
0x50: {  	s19 =	sadd.s32 s6, s19;
	[sflag:s29] =	ssyncadd.s32 $0xFFFFFF80  }
0x51: {  	[tilespmem:s14], [sflag:$0x5] =	stream.linear.gather [hbm4b:s19+s3], $0x80, $0x38;
	[tilespmem:$0x1C600] =	vst v63  }
0x52: {  	_ =	swait.ge [sflag:s29], $0x80  }
0x53: {  	s19 =	simm.s32 $0x280;
	[sflag:s29] =	ssyncset.done $0x0  }
.LBB2_2:
0x54: {  	p0 =	sne.s32 s19, $0x2680  }
0x55: {  	[sflag:s29] =	ssyncadd.s32 $0xFFFFFF80;
	s20 =	smov.u32 s19;
	s19 =	sadd.s32 $0x100, s19  }
0x56: {  	[tilespmem:s1], [sflag:$0x2] =	stream.indirect.gather [hbm4b:s4+s31], $0x80, s31, s31, $0xb8;
	[tilespmem:$0x1C600] =	vst v63  }
0x57: {  	_ =	swait.ge [sflag:s9], $0x4000  }
0x58: {  	[sflag:s9] =	ssyncset.done $0x0  }
0x59: {  	[sflag:s9] =	ssyncadd.s32 $0xFFFFC000  }
0x5a: {  	[spmem:s2] =	stream.indirect.scatter.add.f32 [tilespmem:s0], [sflag:$0x3], $0x80, s30, s31, $0xb8;
	[tilespmem:$0x1C600] =	vst v63  }
0x5b: {  	s21 =	sadd.s32 $0xFFFFFF80, s20;
	_ =	swait.ge [sflag:s12], $0x4000  }
0x5c: {  	s22 =	sand.u32 $0x7C00, s21;
	s21 =	sand.u32 $0x300, s21;
	[sflag:s12] =	ssyncset.done $0x0  }
0x5d: {  	s23 =	sadd.s32 s8, s22;
	s22 =	sadd.s32 s13, s22;
	[sflag:s12] =	ssyncadd.s32 $0xFFFFC000  }
0x5e: {  	[spmem:s2] =	stream.indirect.scatter.add.f32 [tilespmem:s1], [sflag:$0x4], $0x80, s14, s31, $0xb8;
	[tilespmem:$0x1C600] =	vst v63  }
0x5f: {  	s23 =	sor.u32 s21, s23;
	s21 =	sor.u32 s21, s22;
	_ =	swait.ge [sflag:s15], $0x4000  }
0x60: {  	s22 =	sshrl.u32 s23, $0x3;
	s21 =	sshrl.u32 s21, $0x3;
	[sflag:s15] =	ssyncset.done $0x0  }
0x61: {  	s22 =	sadd.s32 s6, s22;
	[sflag:s15] =	ssyncadd.s32 $0xFFFFC000  }
0x62: {  	[tilespmem:s3], [sflag:$0x5] =	stream.linear.gather [hbm4b:s22+s3], $0x80, $0x38;
	[tilespmem:$0x1C600] =	vst v63  }
0x63: {  	_ =	swait.ge [sflag:s29], $0x80  }
0x64: {  	s21 =	sadd.s32 s6, s21;
	[sflag:s29] =	ssyncset.done $0x0  }
0x65: {  	[sflag:s29] =	ssyncadd.s32 $0xFFFFFF80  }
0x66: {  	[tilespmem:s30], [sflag:$0x5] =	stream.linear.gather [hbm4b:s21+s3], $0x80, $0x38;
	[tilespmem:$0x1C600] =	vst v63  }
0x67: {  	_ =	swait.ge [sflag:s29], $0x80  }
0x68: {  	s21 =	sand.u32 $0x7C00, s20;
	s20 =	sand.u32 $0x380, s20;
	[sflag:s29] =	ssyncset.done $0x0  }
0x69: {  	s22 =	sadd.s32 s8, s21;
	s21 =	sadd.s32 s13, s21;
	[sflag:s29] =	ssyncadd.s32 $0xFFFFFF80  }
0x6a: {  	[tilespmem:s0], [sflag:$0x1] =	stream.indirect.gather [hbm4b:s4+s31], $0x80, s3, s31, $0xb8;
	[tilespmem:$0x1C600] =	vst v63  }
0x6b: {  	s22 =	sor.u32 s20, s22;
	s20 =	sor.u32 s20, s21;
	_ =	swait.ge [sflag:s16], $0x4000  }
0x6c: {  	s21 =	sshrl.u32 s22, $0x3;
	s20 =	sshrl.u32 s20, $0x3;
	[sflag:s16] =	ssyncset.done $0x0  }
0x6d: {  	s21 =	sadd.s32 s6, s21;
	[sflag:s16] =	ssyncadd.s32 $0xFFFFC000  }
0x6e: {  	[tilespmem:s31], [sflag:$0x5] =	stream.linear.gather [hbm4b:s21+s3], $0x80, $0x38;
	[tilespmem:$0x1C600] =	vst v63  }
0x6f: {  	_ =	swait.ge [sflag:s29], $0x80  }
.Ltmp0:
0x70: {  	s20 =	sadd.s32 s6, s20;
	[sflag:s29] =	ssyncset.done $0x0;
	(pc) =	sbr.rel @p0 .LBB2_2-.Ltmp0, $4  }
0x71: {  	[sflag:s29] =	ssyncadd.s32 $0xFFFFFF80  }
0x72: {  	[tilespmem:s14], [sflag:$0x5] =	stream.linear.gather [hbm4b:s20+s3], $0x80, $0x38;
	[tilespmem:$0x1C600] =	vst v63  }
0x73: {  	_ =	swait.ge [sflag:s29], $0x80  }
0x74: {  	[sflag:s29] =	ssyncset.done $0x0  }
0x75: {  	[sflag:s29] =	ssyncadd.s32 $0xFFFFFF80  }
0x76: {  	[tilespmem:s1], [sflag:$0x2] =	stream.indirect.gather [hbm4b:s4+s31], $0x80, s31, s31, $0xb8;
	[tilespmem:$0x1C600] =	vst v63  }
0x77: {  	_ =	swait.ge [sflag:s9], $0x4000  }
0x78: {  	[sflag:s9] =	ssyncset.done $0x0  }
0x79: {  	[sflag:s9] =	ssyncadd.s32 $0xFFFFC000  }
0x7a: {  	[spmem:s2] =	stream.indirect.scatter.add.f32 [tilespmem:s0], [sflag:$0x3], $0x80, s30, s31, $0xb8;
	[tilespmem:$0x1C600] =	vst v63  }
0x7b: {  	_ =	swait.ge [sflag:s12], $0x4000  }
0x7c: {  	[sflag:s12] =	ssyncset.done $0x0  }
0x7d: {  	s19 =	simm.s32 $0x180;
	[sflag:s12] =	ssyncadd.s32 $0xFFFFC000  }
0x7e: {  	[spmem:s2] =	stream.indirect.scatter.add.f32 [tilespmem:s1], [sflag:$0x4], $0x80, s19, s31, $0xb8;
	[tilespmem:$0x1C600] =	vst v63  }
0x7f: {  	_ =	swait.ge [sflag:s15], $0x4000  }
0x80: {  	[sflag:s15] =	ssyncset.done $0x0  }
0x81: {  	[sflag:s15] =	ssyncadd.s32 $0xFFFFC000  }
0x82: {  	[tilespmem:s3], [sflag:$0x5] =	stream.linear.gather [hbm4b:s24+s3], $0x80, $0x38;
	[tilespmem:$0x1C600] =	vst v63  }
0x83: {  	_ =	swait.ge [sflag:s29], $0x80  }
0x84: {  	[sflag:s29] =	ssyncset.done $0x0  }
0x85: {  	[sflag:s29] =	ssyncadd.s32 $0xFFFFFF80  }
0x86: {  	[tilespmem:s30], [sflag:$0x5] =	stream.linear.gather [hbm4b:s26+s3], $0x80, $0x38;
	[tilespmem:$0x1C600] =	vst v63  }
0x87: {  	_ =	swait.ge [sflag:s29], $0x80  }
0x88: {  	[sflag:s29] =	ssyncset.done $0x0  }
0x89: {  	[sflag:s29] =	ssyncadd.s32 $0xFFFFFF80  }
0x8a: {  	[tilespmem:s0], [sflag:$0x1] =	stream.indirect.gather [hbm4b:s4+s31], $0x80, s3, s31, $0xb8;
	[tilespmem:$0x1C600] =	vst v63  }
0x8b: {  	_ =	swait.ge [sflag:s16], $0x4000  }
0x8c: {  	[sflag:s16] =	ssyncset.done $0x0  }
0x8d: {  	[sflag:s16] =	ssyncadd.s32 $0xFFFFC000  }
0x8e: {  	_ =	swait.ge [sflag:s9], $0x4000  }
0x8f: {  	[sflag:s9] =	ssyncset.done $0x0  }
0x90: {  	[sflag:s9] =	ssyncadd.s32 $0xFFFFC000  }
0x91: {  	[spmem:s2] =	stream.indirect.scatter.add.f32 [tilespmem:s0], [sflag:$0x5], $0x80, s30, s31, $0xb8;
	[tilespmem:$0x1C600] =	vst v63  }
0x92: {  	_ =	swait.ge [sflag:s29], $0x4000  }
0x93: {  	[sflag:s29] =	ssyncset.done $0x0  }
0x94: {  	[sflag:s29] =	ssyncadd.s32 $0xFFFFC000  }
0x95: {  	[bflag:$0x0] =	sbarrier.arrive $0xFFFF  }
0x96: {  	s20 =	rddreg [dreg:$0x8]  }
0x97: {  	[hbm:s20], [sflag:s11] =	dma.local [spmem:s18], $0x2880  }
0x98: {  	_ =	swait.ge [sflag:s29], $0x2880  }
0x99: {  	[sflag:s29] =	ssyncset.done $0x0  }
0x9a: {  	[sflag:s29] =	ssyncadd.s32 $0xFFFFD780  }
0x9b: {  	[bflag:$0x0] =	sbarrier.arrive $0xFFFF  }
0x9c: {  	[spmem:s18], [sflag:s11] =	dma.local [hbm:s10], $0x2880  }
0x9d: {  	_ =	swait.ge [sflag:s29], $0x2880  }
0x9e: {  	[sflag:s29] =	ssyncset.done $0x0  }
0x9f: {  	[sflag:s29] =	ssyncadd.s32 $0xFFFFD780  }
0xa0: {  	[bflag:$0x0] =	sbarrier.arrive $0xFFFF  }
0xa1: {  	s22 =	rddreg [dreg:$0x9]  }
0xa2: {  	[tilespmem:s3], [sflag:$0x5] =	stream.linear.gather [hbm4b:s22+s3], $0x80, $0x38;
	[tilespmem:$0x1C600] =	vst v63  }
0xa3: {  	_ =	swait.ge [sflag:s29], $0x80  }
0xa4: {  	[sflag:s29] =	ssyncset.done $0x0  }
0xa5: {  	s23 =	rddreg [dreg:$0xa];
	[sflag:s29] =	ssyncadd.s32 $0xFFFFFF80  }
0xa6: {  	[tilespmem:s30], [sflag:$0x5] =	stream.linear.gather [hbm4b:s23+s3], $0x80, $0x38;
	[tilespmem:$0x1C600] =	vst v63  }
0xa7: {  	_ =	swait.ge [sflag:s29], $0x80  }
0xa8: {  	[sflag:s29] =	ssyncset.done $0x0  }
0xa9: {  	[sflag:s29] =	ssyncadd.s32 $0xFFFFFF80  }
0xaa: {  	[tilespmem:s0], [sflag:$0x1] =	stream.indirect.gather [hbm4b:s5+s31], $0x80, s3, s31, $0xb8;
	[tilespmem:$0x1C600] =	vst v63  }
0xab: {  	s21 =	rddreg [dreg:$0xb]  }
0xac: {  	[tilespmem:s31], [sflag:$0x5] =	stream.linear.gather [hbm4b:s21+s3], $0x80, $0x38;
	[tilespmem:$0x1C600] =	vst v63  }
0xad: {  	_ =	swait.ge [sflag:s29], $0x80  }
0xae: {  	[sflag:s29] =	ssyncset.done $0x0  }
0xaf: {  	s22 =	rddreg [dreg:$0xc];
	[sflag:s29] =	ssyncadd.s32 $0xFFFFFF80  }
0xb0: {  	[tilespmem:s19], [sflag:$0x5] =	stream.linear.gather [hbm4b:s22+s3], $0x80, $0x38;
	[tilespmem:$0x1C600] =	vst v63  }
0xb1: {  	_ =	swait.ge [sflag:s29], $0x80  }
0xb2: {  	[sflag:s29] =	ssyncset.done $0x0  }
0xb3: {  	[sflag:s29] =	ssyncadd.s32 $0xFFFFFF80  }
0xb4: {  	[tilespmem:s1], [sflag:$0x2] =	stream.indirect.gather [hbm4b:s5+s31], $0x80, s31, s31, $0xb8;
	[tilespmem:$0x1C600] =	vst v63  }
0xb5: {  	_ =	swait.ge [sflag:s9], $0x4000  }
0xb6: {  	[sflag:s9] =	ssyncset.done $0x0  }
0xb7: {  	[sflag:s9] =	ssyncadd.s32 $0xFFFFC000  }
0xb8: {  	[spmem:s2] =	stream.indirect.scatter.add.f32 [tilespmem:s0], [sflag:$0x3], $0x80, s30, s31, $0xb8;
	[tilespmem:$0x1C600] =	vst v63  }
0xb9: {  	s23 =	simm.s32 $0x100;
	_ =	swait.ge [sflag:s12], $0x4000  }
0xba: {  	s21 =	sand.u32 $0x7C00, s23;
	[sflag:s12] =	ssyncset.done $0x0  }
0xbb: {  	s20 =	sand.u32 $0x300, s23;
	s22 =	sadd.s32 s8, s21;
	[sflag:s12] =	ssyncadd.s32 $0xFFFFC000  }
0xbc: {  	[spmem:s2] =	stream.indirect.scatter.add.f32 [tilespmem:s1], [sflag:$0x4], $0x80, s14, s31, $0xb8;
	[tilespmem:$0x1C600] =	vst v63  }
0xbd: {  	s22 =	sor.u32 s20, s22;
	_ =	swait.ge [sflag:s15], $0x4000  }
0xbe: {  	s22 =	sshrl.u32 s22, $0x3;
	[sflag:s15] =	ssyncset.done $0x0  }
0xbf: {  	s21 =	sadd.s32 s13, s21;
	s22 =	sadd.s32 s7, s22;
	[sflag:s15] =	ssyncadd.s32 $0xFFFFC000  }
0xc0: {  	[tilespmem:s3], [sflag:$0x5] =	stream.linear.gather [hbm4b:s22+s3], $0x80, $0x38;
	[tilespmem:$0x1C600] =	vst v63  }
0xc1: {  	s20 =	sor.u32 s20, s21;
	_ =	swait.ge [sflag:s29], $0x80  }
0xc2: {  	s20 =	sshrl.u32 s20, $0x3;
	[sflag:s29] =	ssyncset.done $0x0  }
0xc3: {  	s20 =	sadd.s32 s7, s20;
	[sflag:s29] =	ssyncadd.s32 $0xFFFFFF80  }
0xc4: {  	[tilespmem:s30], [sflag:$0x5] =	stream.linear.gather [hbm4b:s20+s3], $0x80, $0x38;
	[tilespmem:$0x1C600] =	vst v63  }
0xc5: {  	_ =	swait.ge [sflag:s29], $0x80  }
0xc6: {  	s22 =	sand.u32 $0x7C00, s19;
	[sflag:s29] =	ssyncset.done $0x0  }
0xc7: {  	s19 =	sand.u32 $0x380, s19;
	s23 =	sadd.s32 s8, s22;
	[sflag:s29] =	ssyncadd.s32 $0xFFFFFF80  }
0xc8: {  	[tilespmem:s0], [sflag:$0x1] =	stream.indirect.gather [hbm4b:s5+s31], $0x80, s3, s31, $0xb8;
	[tilespmem:$0x1C600] =	vst v63  }
0xc9: {  	s21 =	sor.u32 s19, s23;
	_ =	swait.ge [sflag:s16], $0x4000  }
0xca: {  	s21 =	sshrl.u32 s21, $0x3;
	[sflag:s16] =	ssyncset.done $0x0  }
0xcb: {  	s21 =	sadd.s32 s7, s21;
	s20 =	sadd.s32 s13, s22;
	[sflag:s16] =	ssyncadd.s32 $0xFFFFC000  }
0xcc: {  	[tilespmem:s31], [sflag:$0x5] =	stream.linear.gather [hbm4b:s21+s3], $0x80, $0x38;
	[tilespmem:$0x1C600] =	vst v63  }
0xcd: {  	s19 =	sor.u32 s19, s20;
	_ =	swait.ge [sflag:s29], $0x80  }
0xce: {  	s19 =	sshrl.u32 s19, $0x3;
	[sflag:s29] =	ssyncset.done $0x0  }
0xcf: {  	s19 =	sadd.s32 s7, s19;
	[sflag:s29] =	ssyncadd.s32 $0xFFFFFF80  }
0xd0: {  	[tilespmem:s14], [sflag:$0x5] =	stream.linear.gather [hbm4b:s19+s3], $0x80, $0x38;
	[tilespmem:$0x1C600] =	vst v63  }
0xd1: {  	_ =	swait.ge [sflag:s29], $0x80  }
0xd2: {  	s19 =	simm.s32 $0x280;
	[sflag:s29] =	ssyncset.done $0x0  }
.LBB2_4:
0xd3: {  	p0 =	sne.s32 s19, $0x2680  }
0xd4: {  	[sflag:s29] =	ssyncadd.s32 $0xFFFFFF80;
	s20 =	smov.u32 s19;
	s19 =	sadd.s32 $0x100, s19  }
0xd5: {  	[tilespmem:s1], [sflag:$0x2] =	stream.indirect.gather [hbm4b:s5+s31], $0x80, s31, s31, $0xb8;
	[tilespmem:$0x1C600] =	vst v63  }
0xd6: {  	_ =	swait.ge [sflag:s9], $0x4000  }
0xd7: {  	[sflag:s9] =	ssyncset.done $0x0  }
0xd8: {  	[sflag:s9] =	ssyncadd.s32 $0xFFFFC000  }
0xd9: {  	[spmem:s2] =	stream.indirect.scatter.add.f32 [tilespmem:s0], [sflag:$0x3], $0x80, s30, s31, $0xb8;
	[tilespmem:$0x1C600] =	vst v63  }
0xda: {  	s21 =	sadd.s32 $0xFFFFFF80, s20;
	_ =	swait.ge [sflag:s12], $0x4000  }
0xdb: {  	s22 =	sand.u32 $0x7C00, s21;
	s21 =	sand.u32 $0x300, s21;
	[sflag:s12] =	ssyncset.done $0x0  }
0xdc: {  	s23 =	sadd.s32 s8, s22;
	s22 =	sadd.s32 s13, s22;
	[sflag:s12] =	ssyncadd.s32 $0xFFFFC000  }
0xdd: {  	[spmem:s2] =	stream.indirect.scatter.add.f32 [tilespmem:s1], [sflag:$0x4], $0x80, s14, s31, $0xb8;
	[tilespmem:$0x1C600] =	vst v63  }
0xde: {  	s23 =	sor.u32 s21, s23;
	s21 =	sor.u32 s21, s22;
	_ =	swait.ge [sflag:s15], $0x4000  }
0xdf: {  	s22 =	sshrl.u32 s23, $0x3;
	s21 =	sshrl.u32 s21, $0x3;
	[sflag:s15] =	ssyncset.done $0x0  }
0xe0: {  	s22 =	sadd.s32 s7, s22;
	[sflag:s15] =	ssyncadd.s32 $0xFFFFC000  }
0xe1: {  	[tilespmem:s3], [sflag:$0x5] =	stream.linear.gather [hbm4b:s22+s3], $0x80, $0x38;
	[tilespmem:$0x1C600] =	vst v63  }
0xe2: {  	_ =	swait.ge [sflag:s29], $0x80  }
0xe3: {  	s21 =	sadd.s32 s7, s21;
	[sflag:s29] =	ssyncset.done $0x0  }
0xe4: {  	[sflag:s29] =	ssyncadd.s32 $0xFFFFFF80  }
0xe5: {  	[tilespmem:s30], [sflag:$0x5] =	stream.linear.gather [hbm4b:s21+s3], $0x80, $0x38;
	[tilespmem:$0x1C600] =	vst v63  }
0xe6: {  	_ =	swait.ge [sflag:s29], $0x80  }
0xe7: {  	s21 =	sand.u32 $0x7C00, s20;
	s20 =	sand.u32 $0x380, s20;
	[sflag:s29] =	ssyncset.done $0x0  }
0xe8: {  	s22 =	sadd.s32 s8, s21;
	s21 =	sadd.s32 s13, s21;
	[sflag:s29] =	ssyncadd.s32 $0xFFFFFF80  }
0xe9: {  	[tilespmem:s0], [sflag:$0x1] =	stream.indirect.gather [hbm4b:s5+s31], $0x80, s3, s31, $0xb8;
	[tilespmem:$0x1C600] =	vst v63  }
0xea: {  	s22 =	sor.u32 s20, s22;
	s20 =	sor.u32 s20, s21;
	_ =	swait.ge [sflag:s16], $0x4000  }
0xeb: {  	s21 =	sshrl.u32 s22, $0x3;
	s20 =	sshrl.u32 s20, $0x3;
	[sflag:s16] =	ssyncset.done $0x0  }
0xec: {  	s21 =	sadd.s32 s7, s21;
	[sflag:s16] =	ssyncadd.s32 $0xFFFFC000  }
0xed: {  	[tilespmem:s31], [sflag:$0x5] =	stream.linear.gather [hbm4b:s21+s3], $0x80, $0x38;
	[tilespmem:$0x1C600] =	vst v63  }
0xee: {  	_ =	swait.ge [sflag:s29], $0x80  }
.Ltmp1:
0xef: {  	s20 =	sadd.s32 s7, s20;
	[sflag:s29] =	ssyncset.done $0x0;
	(pc) =	sbr.rel @p0 .LBB2_4-.Ltmp1, $4  }
0xf0: {  	[sflag:s29] =	ssyncadd.s32 $0xFFFFFF80  }
0xf1: {  	[tilespmem:s14], [sflag:$0x5] =	stream.linear.gather [hbm4b:s20+s3], $0x80, $0x38;
	[tilespmem:$0x1C600] =	vst v63  }
0xf2: {  	_ =	swait.ge [sflag:s29], $0x80  }
0xf3: {  	[sflag:s29] =	ssyncset.done $0x0  }
0xf4: {  	[sflag:s29] =	ssyncadd.s32 $0xFFFFFF80  }
0xf5: {  	[tilespmem:s1], [sflag:$0x2] =	stream.indirect.gather [hbm4b:s5+s31], $0x80, s31, s31, $0xb8;
	[tilespmem:$0x1C600] =	vst v63  }
0xf6: {  	_ =	swait.ge [sflag:s9], $0x4000  }
0xf7: {  	[sflag:s9] =	ssyncset.done $0x0  }
0xf8: {  	[sflag:s9] =	ssyncadd.s32 $0xFFFFC000  }
0xf9: {  	[spmem:s2] =	stream.indirect.scatter.add.f32 [tilespmem:s0], [sflag:$0x3], $0x80, s30, s31, $0xb8;
	[tilespmem:$0x1C600] =	vst v63  }
0xfa: {  	_ =	swait.ge [sflag:s12], $0x4000  }
0xfb: {  	[sflag:s12] =	ssyncset.done $0x0  }
0xfc: {  	[sflag:s12] =	ssyncadd.s32 $0xFFFFC000  }
0xfd: {  	[spmem:s2] =	stream.indirect.scatter.add.f32 [tilespmem:s1], [sflag:$0x4], $0x80, s14, s31, $0xb8;
	[tilespmem:$0x1C600] =	vst v63  }
0xfe: {  	_ =	swait.ge [sflag:s15], $0x4000  }
0xff: {  	[sflag:s15] =	ssyncset.done $0x0  }
0x100: {  	[sflag:s15] =	ssyncadd.s32 $0xFFFFC000  }
0x101: {  	[tilespmem:s3], [sflag:$0x5] =	stream.linear.gather [hbm4b:s25+s3], $0x80, $0x38;
	[tilespmem:$0x1C600] =	vst v63  }
0x102: {  	_ =	swait.ge [sflag:s29], $0x80  }
0x103: {  	[sflag:s29] =	ssyncset.done $0x0  }
0x104: {  	[sflag:s29] =	ssyncadd.s32 $0xFFFFFF80  }
0x105: {  	[tilespmem:s30], [sflag:$0x5] =	stream.linear.gather [hbm4b:s28+s3], $0x80, $0x38;
	[tilespmem:$0x1C600] =	vst v63  }
0x106: {  	_ =	swait.ge [sflag:s29], $0x80  }
0x107: {  	[sflag:s29] =	ssyncset.done $0x0  }
0x108: {  	[sflag:s29] =	ssyncadd.s32 $0xFFFFFF80  }
0x109: {  	[tilespmem:s0], [sflag:$0x1] =	stream.indirect.gather [hbm4b:s5+s31], $0x80, s3, s31, $0xb8;
	[tilespmem:$0x1C600] =	vst v63  }
0x10a: {  	_ =	swait.ge [sflag:s16], $0x4000  }
0x10b: {  	[sflag:s16] =	ssyncset.done $0x0  }
0x10c: {  	[sflag:s16] =	ssyncadd.s32 $0xFFFFC000  }
0x10d: {  	_ =	swait.ge [sflag:s9], $0x4000  }
0x10e: {  	[sflag:s9] =	ssyncset.done $0x0  }
0x10f: {  	[sflag:s9] =	ssyncadd.s32 $0xFFFFC000  }
0x110: {  	[spmem:s2] =	stream.indirect.scatter.add.f32 [tilespmem:s0], [sflag:$0x5], $0x80, s30, s31, $0xb8;
	[tilespmem:$0x1C600] =	vst v63  }
0x111: {  	_ =	swait.ge [sflag:s29], $0x4000  }
0x112: {  	[sflag:s29] =	ssyncset.done $0x0  }
0x113: {  	[sflag:s29] =	ssyncadd.s32 $0xFFFFC000  }
0x114: {  	[bflag:$0x0] =	sbarrier.arrive $0xFFFF  }
0x115: {  	s19 =	rddreg [dreg:$0xd]  }
0x116: {  	[hbm:s19], [sflag:s11] =	dma.local [spmem:s18], $0x2880  }
0x117: {  	_ =	swait.ge [sflag:s29], $0x2880  }
0x118: {  	s17 =	sadd.s32 $0x1, s17;
	s23 =	rddreg [dreg:$0xe]  }
0x119: {  	p0 =	sne.s32 s17, s23  }
.Ltmp2:
0x11a: {  	_ = 	snop;
	(pc) =	sbr.rel @p0 .LBB2_1-.Ltmp2, $3  }
0x11b: {  	_ =	sdelay $0x1  }
0x11c: {  	[sflag:s29] =	ssyncset.done $0x0  }
0x11d: {  	[sflag:s29] =	ssyncadd.s32 $0xFFFFD780  }
0x11e: {  	_ =	sfence.sel $0x180000  }
0x11f: {  	[bflag:$0x0] =	sbarrier.arrive $0xFFFF  }
0x120: {  	_ =	strace $0x9000004A  }
0x121: {  	s0 =	stileid.u32;
	[bflag:$0x2] =	sbarrier.arrive $0xFFFF  }
0x122: {  	p0 =	sne.s32 s0, $0x0;
	s0 =	rddreg [dreg:$0x2]  }
0x123: {  	s0 =	sadd.s32 @!p0 $0x100000, s0  }
0x124: {  	[sflag:s0] =	ssyncadd.tile.s32 @!p0 $0x1;
	_ =	shalt  }
.Lfunc_end2:
_tile_overlayer_lowered:
.L_overlay_start_2:
0x125: {  	(tag) =	ssettag $0x2  }
0x126: {  	s0 =	rddreg [dreg:$0x0];
	s2 =	stileid.u32  }
0x127: {  	s1 =	rddreg [dreg:$0x1];
	p0 =	sne.s32 s2, $0x0  }
0x128: {  	s3 =	rddreg [dreg:$0x2];
	[bflag:$0x3] =	sbarrier.arrive $0xFFFF;
	s2 =	simm.s32 @!p0 $0x1C05  }
0x129: {  	[timem:s3], [sflag:s2] =	dma.local @!p0 [hbm:s0], s1  }
0x12a: {  	s0 =	simm.s32 @!p0 $0x5  }
0x12b: {  	_ =	swait.ge @!p0 [sflag:s0], s1  }
0x12c: {  	s1 =	ssub.s32 @!p0 $0x0, s1;
	[sflag:s0] =	ssyncset.done @!p0 $0x0  }
0x12d: {  	[sflag:s0] =	ssyncadd.s32 @!p0 s1  }
0x12e: {  	[bflag:$0x3] =	sbarrier.arrive $0xFFFF  }
0x12f: {  	_ =	shalt  }

// kernel: kernel.15.cloned.1.call-start
scs
__scs_entry_jumppad:
0x0: {  	(pc) =	sbr.rel $0x88, $3  }
0x1: {  	(tag) =	ssettag $0x0;
	lr =	simm.s32 $0x1  }
0x2: {  	[smem:$0x3F82] =	sst lr;
	_ =	strace $0xD0000000  }
0x3: {  	_ = 	snop  }
0x4: {  	_ = 	snop  }
0x5: {  	_ = 	snop  }
0x6: {  	_ = 	snop  }
0x7: {  	_ = 	snop  }
__scs_overlays_trampoline_lowered:
0x8: {  	[smem:$0x3F91] =	sst s0  }
0x9: {  	[smem:$0x3F92] =	sst s1  }
0xa: {  	[smem:$0x3F93] =	sst s2  }
0xb: {  	[smem:$0x3F94] =	sst s3  }
0xc: {  	[smem:$0x3F95] =	sst s4  }
0xd: {  	[smem:$0x3F96] =	sst s5  }
0xe: {  	[smem:$0x3F97] =	sst s6  }
0xf: {  	[smem:$0x3F98] =	sst s7  }
0x10: {  	[smem:$0x3F99] =	sst s8  }
0x11: {  	[smem:$0x3F9A] =	sst s9;
	s0 =	simm.s32 @!p0 $0x0  }
0x12: {  	s1 =	sld [smem:$0x3F80];
	s0 =	simm.s32 @p0 $0x1  }
0x13: {  	[smem:$0x3F9B] =	sst s0;
	s0 =	simm.s32 @!p1 $0x0  }
0x14: {  	s2 =	sld [smem:$0x3F7F];
	s0 =	simm.s32 @p1 $0x1  }
0x15: {  	[smem:$0x3F9C] =	sst s0;
	s0 =	simm.s32 @!p2 $0x0  }
0x16: {  	s3 =	sld [smem:$0x3FDB];
	s0 =	simm.s32 @p2 $0x1  }
0x17: {  	s4 =	simm.s32 $0x1BF5;
	[smem:$0x3F9E] =	sst s0  }
0x18: {  	s0 =	sld [smem:$0x3F81];
	_ =	swait.ge [sflag:s4], $0x0  }
0x19: {  	s7 =	sld [smem:$0x3F82]  }
0x1a: {  	s8 =	sadd.s32 $0xFFFFE003, lr  }
0x1b: {  	s9 =	sadd.s32 $0xFFFFFEF7, lr;
	s5 =	simm.s32 $0xFFFFFFFF;
	p2 =	slt.u32 s8, $0xFFFFF086  }
0x1c: {  	p1 =	slt.u32 s9, $0xF7A;
	s5 =	simm.s32 @!p2 $0x0  }
0x1d: {  	s5 =	simm.s32 @p1 $0x1;
	p0 =	seq.s32 s7, s2  }
0x1e: {  	s7 =	smul.u32 @!p0 $0xF7A, s2;
	p2 =	seq.s32 @!p0 s5, $0x0  }
0x1f: {  	s9 =	smul.u32 $0xF7A, s1;
	s8 =	simm.s32 @!p0 $0x1BF5;
	p2 =	por !p2, p0  }
0x20: {  	[sflag:s8] =	ssyncset.s32 @!p0 $0xFFFFF086;
	s6 =	sadd.s32 @!p0 s3, s7;
	s7 =	simm.s32 @!p0 $0x108  }
0x21: {  	s3 =	sadd.s32 s3, s9;
	s6 =	sadd.s32 @!p0 $0x88, s6;
	s7 =	simm.s32 @p2 $0x1082  }
0x22: {  	[simem:s7], [sflag:s8] =	dma.local @!p0 [hbm:s6], $0xF7A  }
0x23: {  	s9 =	sor.u32 $0xD0000000, s2;
	s6 =	simm.s32 $0x108;
	_ =	swait.ge @!p0 [sflag:s8], $0x0  }
0x24: {  	s3 =	sadd.s32 $0x88, s3;
	s6 =	simm.s32 @!p1 $0x1082;
	[sflag:s4] =	ssyncset.s32 $0xFFFFF086  }
0x25: {  	[simem:s6], [sflag:s4] =	dma.local [hbm:s3], $0xF7A  }
0x26: {  	[smem:$0x3F82] =	sst s1;
	(tag) =	ssettag s2;
	_ =	strace s9  }
0x27: {  	s1 =	sld [smem:$0x3F92]  }
0x28: {  	s2 =	sld [smem:$0x3F93]  }
0x29: {  	s4 =	sld [smem:$0x3F95]  }
0x2a: {  	p0 =	seq.s32 s5, $0x0;
	s5 =	sld [smem:$0x3F96]  }
0x2b: {  	s6 =	sld [smem:$0x3F97]  }
0x2c: {  	s7 =	sld [smem:$0x3F98]  }
0x2d: {  	s3 =	simm.s32 $0x108;
	s8 =	sld [smem:$0x3F99]  }
0x2e: {  	s3 =	simm.s32 @!p0 $0x1082;
	s9 =	sld [smem:$0x3F9A]  }
0x2f: {  	lr =	sadd.s32 s0, s3;
	s0 =	sld [smem:$0x3F91]  }
0x30: {  	s3 =	sld [smem:$0x3F94]  }
0x31: {  	[smem:$0x3F9D] =	sst s10  }
0x32: {  	s10 =	sld [smem:$0x3F9B];
	_ =	sdelay $0x3  }
0x33: {  	p0 =	seq.s32 s10, $0x1;
	s10 =	sld [smem:$0x3F9D];
	_ =	sdelay $0x3  }
0x34: {  	[smem:$0x3F9D] =	sst s10  }
0x35: {  	s10 =	sld [smem:$0x3F9C];
	_ =	sdelay $0x3  }
0x36: {  	p1 =	seq.s32 s10, $0x1;
	s10 =	sld [smem:$0x3F9D];
	_ =	sdelay $0x3  }
0x37: {  	[smem:$0x3F9D] =	sst s10  }
0x38: {  	s10 =	sld [smem:$0x3F9E]  }
0x39: {  	_ = 	snop;
	(pc) =	sbr.ind lr, $3  }
0x3a: {  	_ = 	snop  }
0x3b: {  	_ = 	snop  }
0x3c: {  	p2 =	seq.s32 s10, $0x1;
	s10 =	sld [smem:$0x3F9D]  }
0x3d: {  	_ =	shalt  }
0x3e: {  	_ =	shalt  }
0x3f: {  	_ =	shalt  }
0x40: {  	_ =	shalt  }
0x41: {  	_ =	shalt  }
0x42: {  	_ =	shalt  }
0x43: {  	_ =	shalt  }
0x44: {  	_ =	shalt  }
0x45: {  	_ =	shalt  }
0x46: {  	_ =	shalt  }
0x47: {  	_ =	shalt  }
0x48: {  	_ =	shalt  }
0x49: {  	_ =	shalt  }
0x4a: {  	_ =	shalt  }
0x4b: {  	_ =	shalt  }
0x4c: {  	_ =	shalt  }
0x4d: {  	_ =	shalt  }
0x4e: {  	_ =	shalt  }
0x4f: {  	_ =	shalt  }
0x50: {  	_ =	shalt  }
0x51: {  	_ =	shalt  }
0x52: {  	_ =	shalt  }
0x53: {  	_ =	shalt  }
0x54: {  	_ =	shalt  }
0x55: {  	_ =	shalt  }
0x56: {  	_ =	shalt  }
0x57: {  	_ =	shalt  }
0x58: {  	_ =	shalt  }
0x59: {  	_ =	shalt  }
0x5a: {  	_ =	shalt  }
0x5b: {  	_ =	shalt  }
0x5c: {  	_ =	shalt  }
0x5d: {  	_ =	shalt  }
0x5e: {  	_ =	shalt  }
0x5f: {  	_ =	shalt  }
0x60: {  	_ =	shalt  }
0x61: {  	_ =	shalt  }
0x62: {  	_ =	shalt  }
0x63: {  	_ =	shalt  }
0x64: {  	_ =	shalt  }
0x65: {  	_ =	shalt  }
0x66: {  	_ =	shalt  }
0x67: {  	_ =	shalt  }
0x68: {  	_ =	shalt  }
0x69: {  	_ =	shalt  }
0x6a: {  	_ =	shalt  }
0x6b: {  	_ =	shalt  }
0x6c: {  	_ =	shalt  }
0x6d: {  	_ =	shalt  }
0x6e: {  	_ =	shalt  }
0x6f: {  	_ =	shalt  }
0x70: {  	_ =	shalt  }
0x71: {  	_ =	shalt  }
0x72: {  	_ =	shalt  }
0x73: {  	_ =	shalt  }
0x74: {  	_ =	shalt  }
0x75: {  	_ =	shalt  }
0x76: {  	_ =	shalt  }
0x77: {  	_ =	shalt  }
0x78: {  	_ =	shalt  }
0x79: {  	_ =	shalt  }
0x7a: {  	_ =	shalt  }
0x7b: {  	_ =	shalt  }
0x7c: {  	_ =	shalt  }
0x7d: {  	_ =	shalt  }
0x7e: {  	_ =	shalt  }
0x7f: {  	_ =	shalt  }
0x80: {  	_ =	shalt  }
0x81: {  	_ =	shalt  }
0x82: {  	_ =	shalt  }
0x83: {  	_ =	shalt  }
0x84: {  	_ =	shalt  }
0x85: {  	_ =	shalt  }
0x86: {  	_ =	shalt  }
0x87: {  	_ =	shalt  }
.Lfunc_end0:
.L_simem_size_0:
called_computation.2_lowered:
.L_overlay_start_0:
0x88: {  	s2 =	sld [smem:$0x3FD9]  }
0x89: {  	s3 =	sld [smem:$0x3FFE];
	_ =	sdelay $0x1  }
0x8a: {  	s1 =	srdreg.scid  }
0x8b: {  	s0 =	sand.u32 $0x1, s1  }
0x8c: {  	s16 =	sshll.u32 s0, $0xA;
	s2 =	sadd.s32 s3, s2  }
0x8d: {  	s2 =	sadd.s32 s2, s16  }
0x8e: {  	[smem:$0x3FA9] =	sst s2  }
0x8f: {  	_ = 	snop  }
0x90: {  	(tm) =	ssettm $0x1  }
0x91: {  	s17 =	sld [smem:$0x3FFB];
	_ =	sdelay $0x3  }
0x92: {  	_ =	strace s17  }
0x93: {  	s2 =	sld [smem:$0x3FFC];
	_ =	sdelay $0x3  }
0x94: {  	_ =	strace s2  }
0x95: {  	s2 =	sld [smem:$0x3FFD];
	_ =	sdelay $0x3  }
0x96: {  	_ =	strace s2  }
0x97: {  	_ =	strace $0x8FFFFFFF  }
0x98: {  	s18 =	sld [smem:$0x3FDB];
	_ =	sdelay $0x1  }
0x99: {  	s19 =	simm.s32 $_scs_section_size  }
0x9a: {  	s4 =	simm.s32 $_size__tile_overlayer_lowered;
	s5 =	simm.s32 $_tile_overlayer_lowered  }
0x9b: {  	s22 =	simm.s32 $0x1BFF;
	s21 =	sshll.u32 s5, $0x1;
	s2 =	sadd.s32 s19, s18  }
0x9c: {  	s6 =	simm.s32 $0x0;
	s20 =	sshll.u32 s4, $0x1;
	s4 =	sadd.s32 s21, s2  }
0x9d: {  	[timem:s6], [sflag:s22] =	dma.local [hbm:s4], s20  }
0x9e: {  	_ =	swait.ge [sflag:s22], s20  }
0x9f: {  	s3 =	ssub.s32 $0x0, s20;
	[sflag:s22] =	ssyncset.done $0x0  }
0xa0: {  	[sflag:s22] =	ssyncadd.s32 s3;
	_ =	sdelay $0x1  }
0xa1: {  	s23 =	simm.s32 $0x1B8B  }
0xa2: {  	_ =	swait.ge [sflag:s23], $0x1  }
0xa3: {  	[sflag:s23] =	ssyncset.done $0x0  }
0xa4: {  	s25 =	simm.s32 $0x1B8E;
	s24 =	sld [smem:$0x3FFE];
	[sflag:s23] =	ssyncadd.s32 $0xFFFFFFFF  }
0xa5: {  	s26 =	simm.s32 $execute0_lowered;
	[smem:$0x3FD2] =	sst s25  }
0xa6: {  	s4 =	sshll.u32 s26, $0x1;
	_ =	strace $0x8000004C;
	[dreg:$0x1] =	wrdreg $0xFFFFFFFF  }
0xa7: {  	s28 =	simm.s32 $_size_execute0_lowered;
	s2 =	sadd.s32 s2, s4;
	[dreg:$0x0] =	wrdreg $0x0  }
0xa8: {  	s4 =	sshll.u32 s28, $0x1;
	[dreg:$0x2] =	wrdreg s2  }
0xa9: {  	[dreg:$0x3] =	wrdreg s4  }
0xaa: {  	[dreg:$0x4] =	wrdreg $0xC0  }
0xab: {  	_ =	task [dreg:s6], $0x5FFFF  }
0xac: {  	[dreg:$0x1] =	wrdreg $0xFFFFFFFF  }
0xad: {  	[dreg:$0x0] =	wrdreg $0x60  }
0xae: {  	[dreg:$0x2] =	wrdreg s24  }
0xaf: {  	[dreg:$0x3] =	wrdreg $0x9  }
0xb0: {  	_ =	task.clear_ibuf [dreg:s6], $0x4FFFF;
	_ =	strace $0x9000004C  }
0xb1: {  	s29 =	simm.s32 $0x9;
	_ =	strace $0x8000004E  }
0xb2: {  	_ =	swait.ge [sflag:s29], $0x1  }
0xb3: {  	[sflag:s29] =	ssyncadd.s32 $0xFFFFFFFF  }
0xb4: {  	_ =	strace $0x9000004E  }
0xb5: {  	_ =	sfence  }
0xb6: {  	s30 =	sld [smem:$0x0];
	_ =	sdelay $0x2  }
0xb7: {  	s31 =	sshll.u32 s1, $0xD;
	s1 =	sshrl.u32 s1, $0x2  }
0xb8: {  	s3 =	sand.u32 $0x4000, s31;
	s1 =	sadd.s32 s1, s30  }
0xb9: {  	s0 =	sor.u32 s3, s0;
	s1 =	sshll.u32 s1, $0x11  }
0xba: {  	s0 =	sor.u32 s1, s0  }
0xbb: {  	s0 =	sadd.s32 $0x8F2B, s0  }
0xbc: {  	[sflag:s0] =	ssyncadd.remote.s32 $0x1  }
0xbd: {  	_ =	sfence.sel $0xFFFF  }
0xbe: {  	[dreg:$0x0] =	wrdreg $0xFFFFFFFF;
	(pc) =	sbr.abs _section_cstart, $3  }
0xbf: {  	[dreg:$0x1] =	wrdreg $0xFFFFFFFF  }
0xc0: {  	_ =	task.clear_ibuf [dreg:s6], $0x2FFFF;
	_ =	strace $0x9FFFFFFF  }
0xc1: {  	(tm) =	ssettm $0x7FFFFFFF  }
tec
execute0_lowered:
.L_overlay_start_1:
0x0: {  	(tag) =	ssettag $0x1  }
0x1: {  	s0 =	rddreg [dreg:$0x0]  }
0x2: {  	s1 =	simm.s32 $0x0;
	s3 =	srdreg.scid;
	s13 =	stileid.u32  }
0x3: {  	s19 =	simm.s32 $0x7;
	s28 =	simm.s32 $0x3;
	s29 =	simm.s32 $0x2  }
0x4: {  	s30 =	simm.s32 $0x4;
	s31 =	simm.s32 $0x5;
	[smem:$0x7FF] =	sst s1  }
0x5: {  	s2 =	sadd.s32 $0x8200, s0;
	s4 =	sadd.s32 $0x30A00, s0;
	s5 =	sadd.s32 $0x1EDA00, s0  }
0x6: {  	s9 =	sadd.s32 $0x59200, s0;
	s0 =	sadd.s32 $0x1F5A00, s0;
	s16 =	smul.u32 $0xC800, s13  }
0x7: {  	s3 =	sand.u32 $0x1, s3;
	s17 =	smul.u32 $0x64000, s13;
	_ =	strace $0x8000004D  }
0x8: {  	s6 =	ssub.s32 $0x2, s3;
	s7 =	sshll.u32 s3, $0x4;
	s15 =	smul.u32 $0xC8000, s3  }
0x9: {  	s3 =	smul.u32 $0x640000, s3;
	s8 =	sshrl.u32 s6, $0x1;
	s10 =	sor.u32 s13, s7  }
0xa: {  	s11 =	ssub.s32 s6, s8;
	s6 =	sshll.u32 s10, $0xC;
	s20 =	sshll.u32 s10, $0x9  }
0xb: {  	s10 =	smul.u32 $0x64000, s10;
	s24 =	sadd.s32 s15, s0;
	s25 =	sadd.s32 s15, s9  }
0xc: {  	s3 =	sadd.s32 s17, s3;
	s7 =	sor.u32 $0x20000, s6;
	s8 =	sadd.s32 s5, s20  }
0xd: {  	s14 =	smax.u32 s11, $0x1;
	s26 =	sadd.s32 s16, s25;
	s3 =	sshrl.u32 s3, $0x3  }
0xe: {  	s20 =	simm.s32 $0x100;
	s25 =	simm.s32 $0xC200;
	s12 =	sshrl.u32 s7, $0x3  }
0xf: {  	s10 =	sshrl.u32 s10, $0x3;
	s21 =	sadd.s32 $0x10, s8;
	[dreg:$0x2] =	wrdreg s8  }
0x10: {  	s8 =	sadd.s32 $0x4010, s8;
	s17 =	sadd.s32 s3, s0;
	s18 =	sadd.s32 s3, s9  }
0x11: {  	s3 =	simm.s32 $0x180;
	s12 =	sadd.s32 s5, s12;
	[dreg:$0x4] =	wrdreg s21  }
0x12: {  	s10 =	sadd.s32 $0xC000, s10;
	[dreg:$0x5] =	wrdreg s8;
	s21 =	simm.s32 $0x80  }
.Ltmp0:
0x13: {  	[dreg:$0x3] =	wrdreg s12;
	s22 =	sadd.s32 s9, s10;
	(pc) =	sbr.rel .LBB2_1-.Ltmp0, $4  }
0x14: {  	s23 =	sadd.s32 s0, s10;
	s10 =	sadd.s32 s16, s24;
	s16 =	sadd.s32 $0x800, s26  }
0x15: {  	s24 =	simm.s32 $0x4200;
	s26 =	simm.s32 $0x1;
	[dreg:$0x6] =	wrdreg s22  }
0x16: {  	s0 =	simm.s32 $0x6;
	s9 =	simm.s32 $0x0;
	[dreg:$0x7] =	wrdreg s23  }
0x17: {  	s15 =	sadd.s32 $0x800, s10;
	s22 =	simm.s32 $0x200;
	s23 =	simm.s32 $0x8200  }
.LBB2_4:
0x18: {  	_ =	swait.ge [sflag:s26], $0x4000  }
0x19: {  	[sflag:s26] =	ssyncset.done $0x0  }
0x1a: {  	s8 =	rddreg [dreg:$0x6];
	[sflag:s26] =	ssyncadd.s32 $0xFFFFC000  }
0x1b: {  	[hbm4b:s8+s1] =	stream.linear.scatter [tilespmem:s22], [sflag:$0x7], $0x4000, $0x38;
	[tilespmem:$0x10200] =	vst v63  }
0x1c: {  	_ =	swait.ge [sflag:s19], $0x4000  }
0x1d: {  	[sflag:s19] =	ssyncset.done $0x0  }
0x1e: {  	[sflag:s19] =	ssyncadd.s32 $0xFFFFC000  }
0x1f: {  	s9 =	sadd.s32 $0x1, s9;
	_ =	swait.ge [sflag:s28], $0x4000  }
0x20: {  	p0 =	sne.s32 s9, s14;
	[sflag:s28] =	ssyncset.done $0x0  }
.Ltmp1:
0x21: {  	s13 =	rddreg [dreg:$0x7];
	[sflag:s28] =	ssyncadd.s32 $0xFFFFC000;
	(pc) =	sbr.rel @!p0 .LBB2_5-.Ltmp1, $4  }
0x22: {  	[hbm4b:s13+s1] =	stream.linear.scatter [tilespmem:s23], [sflag:$0x7], $0x4000, $0x38;
	[tilespmem:$0x10200] =	vst v63  }
0x23: {  	_ =	swait.ge [sflag:s19], $0x4000  }
0x24: {  	[sflag:s19] =	ssyncset.done $0x0  }
0x25: {  	[sflag:s19] =	ssyncadd.s32 $0xFFFFC000  }
.LBB2_1:
0x26: {  	s8 =	rddreg [dreg:$0x2]  }
0x27: {  	[tilespmem:s1], [sflag:$0x7] =	stream.linear.gather [hbm4b:s8+s1], $0x80, $0x38;
	[tilespmem:$0x10200] =	vst v63  }
0x28: {  	_ =	swait.ge [sflag:s19], $0x80  }
0x29: {  	[sflag:s19] =	ssyncset.done $0x0  }
0x2a: {  	s11 =	rddreg [dreg:$0x3];
	[sflag:s19] =	ssyncadd.s32 $0xFFFFFF80  }
0x2b: {  	[tilespmem:s20], [sflag:$0x7] =	stream.linear.gather [hbm4b:s11+s1], $0x80, $0x38;
	[tilespmem:$0x10200] =	vst v63  }
0x2c: {  	_ =	swait.ge [sflag:s19], $0x80  }
0x2d: {  	[sflag:s19] =	ssyncset.done $0x0  }
0x2e: {  	[sflag:s19] =	ssyncadd.s32 $0xFFFFFF80  }
0x2f: {  	[tilespmem:s22], [sflag:$0x1] =	stream.indirect.gather [hbm4b:s2+s21], $0x80, s1, s21, $0xb8;
	[tilespmem:$0x10200] =	vst v63  }
0x30: {  	_ = 	snop  }
0x31: {  	[tilespmem:s23], [sflag:$0x3] =	stream.indirect.gather [hbm4b:s4+s21], $0x80, s20, s21, $0xb8;
	[tilespmem:$0x10200] =	vst v63  }
0x32: {  	s12 =	rddreg [dreg:$0x4]  }
0x33: {  	[tilespmem:s21], [sflag:$0x7] =	stream.linear.gather [hbm4b:s12+s1], $0x80, $0x38;
	[tilespmem:$0x10200] =	vst v63  }
0x34: {  	_ =	swait.ge [sflag:s19], $0x80  }
0x35: {  	[sflag:s19] =	ssyncset.done $0x0  }
0x36: {  	s13 =	rddreg [dreg:$0x5];
	[sflag:s19] =	ssyncadd.s32 $0xFFFFFF80  }
0x37: {  	[tilespmem:s3], [sflag:$0x7] =	stream.linear.gather [hbm4b:s13+s1], $0x80, $0x38;
	[tilespmem:$0x10200] =	vst v63  }
0x38: {  	_ =	swait.ge [sflag:s19], $0x80  }
0x39: {  	[sflag:s19] =	ssyncset.done $0x0  }
0x3a: {  	[sflag:s19] =	ssyncadd.s32 $0xFFFFFF80  }
0x3b: {  	[tilespmem:s24], [sflag:$0x2] =	stream.indirect.gather [hbm4b:s2+s21], $0x80, s21, s21, $0xb8;
	[tilespmem:$0x10200] =	vst v63  }
0x3c: {  	s10 =	simm.s32 $0x180;
	s11 =	simm.s32 $0x0  }
0x3d: {  	[tilespmem:s25], [sflag:$0x4] =	stream.indirect.gather [hbm4b:s4+s21], $0x80, s3, s21, $0xb8;
	[tilespmem:$0x10200] =	vst v63  }
.LBB2_2:
0x3e: {  	_ =	swait.ge [sflag:s26], $0x4000  }
0x3f: {  	[sflag:s26] =	ssyncset.done $0x0  }
0x40: {  	s12 =	sadd.s32 s11, s18;
	[sflag:s26] =	ssyncadd.s32 $0xFFFFC000  }
0x41: {  	[hbm4b:s12+s1] =	stream.linear.scatter [tilespmem:s22], [sflag:$0x5], $0x4000, $0x38;
	[tilespmem:$0x10200] =	vst v63  }
0x42: {  	_ =	swait.ge [sflag:s28], $0x4000  }
0x43: {  	[sflag:s28] =	ssyncset.done $0x0  }
0x44: {  	s13 =	sadd.s32 s11, s17;
	[sflag:s28] =	ssyncadd.s32 $0xFFFFC000  }
0x45: {  	[hbm4b:s13+s1] =	stream.linear.scatter [tilespmem:s23], [sflag:$0x5], $0x4000, $0x38;
	[tilespmem:$0x10200] =	vst v63  }
0x46: {  	_ =	swait.ge [sflag:s29], $0x4000  }
0x47: {  	[sflag:s29] =	ssyncset.done $0x0  }
0x48: {  	s8 =	sadd.s32 s11, s16;
	[sflag:s29] =	ssyncadd.s32 $0xFFFFC000  }
0x49: {  	[hbm4b:s8+s1] =	stream.linear.scatter [tilespmem:s24], [sflag:$0x6], $0x4000, $0x38;
	[tilespmem:$0x10200] =	vst v63  }
0x4a: {  	_ =	swait.ge [sflag:s30], $0x4000  }
0x4b: {  	[sflag:s30] =	ssyncset.done $0x0  }
0x4c: {  	s13 =	sadd.s32 s11, s15;
	[sflag:s30] =	ssyncadd.s32 $0xFFFFC000  }
0x4d: {  	[hbm4b:s13+s1] =	stream.linear.scatter [tilespmem:s25], [sflag:$0x6], $0x4000, $0x38;
	[tilespmem:$0x10200] =	vst v63  }
0x4e: {  	s12 =	sadd.s32 $0xFFFFFF80, s10;
	_ =	swait.ge [sflag:s31], $0x4000  }
0x4f: {  	s8 =	sand.u32 $0x1C00, s12;
	[sflag:s31] =	ssyncset.done $0x0  }
0x50: {  	s12 =	sand.u32 $0x300, s12;
	s13 =	sadd.s32 s6, s8;
	[sflag:s31] =	ssyncadd.s32 $0xFFFFC000  }
0x51: {  	s13 =	sor.u32 s12, s13;
	_ =	swait.ge [sflag:s31], $0x4000  }
0x52: {  	s13 =	sshrl.u32 s13, $0x3;
	[sflag:s31] =	ssyncset.done $0x0  }
0x53: {  	s8 =	sadd.s32 s7, s8;
	s13 =	sadd.s32 s5, s13;
	[sflag:s31] =	ssyncadd.s32 $0xFFFFC000  }
0x54: {  	[tilespmem:s1], [sflag:$0x7] =	stream.linear.gather [hbm4b:s13+s1], $0x80, $0x38;
	[tilespmem:$0x10200] =	vst v63  }
0x55: {  	s8 =	sor.u32 s12, s8;
	_ =	swait.ge [sflag:s19], $0x80  }
0x56: {  	s8 =	sshrl.u32 s8, $0x3;
	[sflag:s19] =	ssyncset.done $0x0  }
0x57: {  	s8 =	sadd.s32 s5, s8;
	[sflag:s19] =	ssyncadd.s32 $0xFFFFFF80  }
0x58: {  	[tilespmem:s20], [sflag:$0x7] =	stream.linear.gather [hbm4b:s8+s1], $0x80, $0x38;
	[tilespmem:$0x10200] =	vst v63  }
0x59: {  	_ =	swait.ge [sflag:s19], $0x80  }
0x5a: {  	[sflag:s19] =	ssyncset.done $0x0  }
0x5b: {  	[sflag:s19] =	ssyncadd.s32 $0xFFFFFF80  }
0x5c: {  	[tilespmem:s22], [sflag:$0x1] =	stream.indirect.gather [hbm4b:s2+s21], $0x80, s1, s21, $0xb8;
	[tilespmem:$0x10200] =	vst v63  }
0x5d: {  	_ = 	snop  }
0x5e: {  	[tilespmem:s23], [sflag:$0x3] =	stream.indirect.gather [hbm4b:s4+s21], $0x80, s20, s21, $0xb8;
	[tilespmem:$0x10200] =	vst v63  }
0x5f: {  	p0 =	seq.s32 s11, $0xB000;
	_ =	swait.ge [sflag:s0], $0x4000  }
.Ltmp2:
0x60: {  	[sflag:s0] =	ssyncset.done $0x0;
	(pc) =	sbr.rel @p0 .LBB2_4-.Ltmp2, $4  }
0x61: {  	[sflag:s0] =	ssyncadd.s32 $0xFFFFC000  }
0x62: {  	_ =	swait.ge [sflag:s0], $0x4000  }
0x63: {  	[sflag:s0] =	ssyncset.done $0x0  }
0x64: {  	[sflag:s0] =	ssyncadd.s32 $0xFFFFC000  }
0x65: {  	s8 =	sand.u32 $0x1C00, s10  }
0x66: {  	s13 =	sand.u32 $0x380, s10;
	s12 =	sadd.s32 s6, s8  }
0x67: {  	s12 =	sor.u32 s13, s12  }
0x68: {  	s12 =	sshrl.u32 s12, $0x3  }
0x69: {  	s8 =	sadd.s32 s7, s8;
	s12 =	sadd.s32 s5, s12  }
0x6a: {  	[tilespmem:s21], [sflag:$0x7] =	stream.linear.gather [hbm4b:s12+s1], $0x80, $0x38;
	[tilespmem:$0x10200] =	vst v63  }
0x6b: {  	s8 =	sor.u32 s13, s8;
	_ =	swait.ge [sflag:s19], $0x80  }
0x6c: {  	s8 =	sshrl.u32 s8, $0x3;
	[sflag:s19] =	ssyncset.done $0x0  }
0x6d: {  	s8 =	sadd.s32 s5, s8;
	[sflag:s19] =	ssyncadd.s32 $0xFFFFFF80  }
0x6e: {  	[tilespmem:s3], [sflag:$0x7] =	stream.linear.gather [hbm4b:s8+s1], $0x80, $0x38;
	[tilespmem:$0x10200] =	vst v63  }
0x6f: {  	_ =	swait.ge [sflag:s19], $0x80  }
.Ltmp3:
0x70: {  	[sflag:s19] =	ssyncset.done $0x0;
	(pc) =	sbr.rel .LBB2_2-.Ltmp3, $4  }
0x71: {  	[sflag:s19] =	ssyncadd.s32 $0xFFFFFF80  }
0x72: {  	[tilespmem:s24], [sflag:$0x2] =	stream.indirect.gather [hbm4b:s2+s21], $0x80, s21, s21, $0xb8;
	[tilespmem:$0x10200] =	vst v63  }
0x73: {  	s11 =	sadd.s32 $0x1000, s11;
	s10 =	sadd.s32 $0x100, s10  }
0x74: {  	[tilespmem:s25], [sflag:$0x4] =	stream.indirect.gather [hbm4b:s4+s21], $0x80, s3, s21, $0xb8;
	[tilespmem:$0x10200] =	vst v63  }
.LBB2_5:
0x75: {  	_ =	sfence.sel $0x180000  }
0x76: {  	[bflag:$0x0] =	sbarrier.arrive $0xFFFF  }
0x77: {  	_ =	strace $0x9000004D  }
0x78: {  	s0 =	stileid.u32;
	[bflag:$0x2] =	sbarrier.arrive $0xFFFF  }
0x79: {  	p0 =	sne.s32 s0, $0x0;
	s0 =	rddreg [dreg:$0x1]  }
0x7a: {  	s0 =	sadd.s32 @!p0 $0x100000, s0  }
0x7b: {  	[sflag:s0] =	ssyncadd.tile.s32 @!p0 $0x1;
	_ =	shalt  }
.Lfunc_end2:
_tile_overlayer_lowered:
.L_overlay_start_2:
0x7c: {  	(tag) =	ssettag $0x2  }
0x7d: {  	s0 =	rddreg [dreg:$0x0];
	s2 =	stileid.u32  }
0x7e: {  	s1 =	rddreg [dreg:$0x1];
	p0 =	sne.s32 s2, $0x0  }
0x7f: {  	s3 =	rddreg [dreg:$0x2];
	[bflag:$0x3] =	sbarrier.arrive $0xFFFF;
	s2 =	simm.s32 @!p0 $0x1C07  }
0x80: {  	[timem:s3], [sflag:s2] =	dma.local @!p0 [hbm:s0], s1  }
0x81: {  	s0 =	simm.s32 @!p0 $0x7  }
0x82: {  	_ =	swait.ge @!p0 [sflag:s0], s1  }
0x83: {  	s1 =	ssub.s32 @!p0 $0x0, s1;
	[sflag:s0] =	ssyncset.done @!p0 $0x0  }
0x84: {  	[sflag:s0] =	ssyncadd.s32 @!p0 s1  }
0x85: {  	[bflag:$0x3] =	sbarrier.arrive $0xFFFF  }
0x86: {  	_ =	shalt  }

// kernel: kernel.9.cloned.1.call-start
scs
__scs_entry_jumppad:
0x0: {  	(pc) =	sbr.rel $0x88, $3  }
0x1: {  	(tag) =	ssettag $0x0;
	lr =	simm.s32 $0x1  }
0x2: {  	[smem:$0x3F82] =	sst lr;
	_ =	strace $0xD0000000  }
0x3: {  	_ = 	snop  }
0x4: {  	_ = 	snop  }
0x5: {  	_ = 	snop  }
0x6: {  	_ = 	snop  }
0x7: {  	_ = 	snop  }
__scs_overlays_trampoline_lowered:
0x8: {  	[smem:$0x3F91] =	sst s0  }
0x9: {  	[smem:$0x3F92] =	sst s1  }
0xa: {  	[smem:$0x3F93] =	sst s2  }
0xb: {  	[smem:$0x3F94] =	sst s3  }
0xc: {  	[smem:$0x3F95] =	sst s4  }
0xd: {  	[smem:$0x3F96] =	sst s5  }
0xe: {  	[smem:$0x3F97] =	sst s6  }
0xf: {  	[smem:$0x3F98] =	sst s7  }
0x10: {  	[smem:$0x3F99] =	sst s8  }
0x11: {  	[smem:$0x3F9A] =	sst s9;
	s0 =	simm.s32 @!p0 $0x0  }
0x12: {  	s1 =	sld [smem:$0x3F80];
	s0 =	simm.s32 @p0 $0x1  }
0x13: {  	[smem:$0x3F9B] =	sst s0;
	s0 =	simm.s32 @!p1 $0x0  }
0x14: {  	s2 =	sld [smem:$0x3F7F];
	s0 =	simm.s32 @p1 $0x1  }
0x15: {  	[smem:$0x3F9C] =	sst s0;
	s0 =	simm.s32 @!p2 $0x0  }
0x16: {  	s3 =	sld [smem:$0x3FDB];
	s0 =	simm.s32 @p2 $0x1  }
0x17: {  	s4 =	simm.s32 $0x1BF5;
	[smem:$0x3F9E] =	sst s0  }
0x18: {  	s0 =	sld [smem:$0x3F81];
	_ =	swait.ge [sflag:s4], $0x0  }
0x19: {  	s7 =	sld [smem:$0x3F82]  }
0x1a: {  	s8 =	sadd.s32 $0xFFFFE003, lr  }
0x1b: {  	s9 =	sadd.s32 $0xFFFFFEF7, lr;
	s5 =	simm.s32 $0xFFFFFFFF;
	p2 =	slt.u32 s8, $0xFFFFF086  }
0x1c: {  	p1 =	slt.u32 s9, $0xF7A;
	s5 =	simm.s32 @!p2 $0x0  }
0x1d: {  	s5 =	simm.s32 @p1 $0x1;
	p0 =	seq.s32 s7, s2  }
0x1e: {  	s7 =	smul.u32 @!p0 $0xF7A, s2;
	p2 =	seq.s32 @!p0 s5, $0x0  }
0x1f: {  	s9 =	smul.u32 $0xF7A, s1;
	s8 =	simm.s32 @!p0 $0x1BF5;
	p2 =	por !p2, p0  }
0x20: {  	[sflag:s8] =	ssyncset.s32 @!p0 $0xFFFFF086;
	s6 =	sadd.s32 @!p0 s3, s7;
	s7 =	simm.s32 @!p0 $0x108  }
0x21: {  	s3 =	sadd.s32 s3, s9;
	s6 =	sadd.s32 @!p0 $0x88, s6;
	s7 =	simm.s32 @p2 $0x1082  }
0x22: {  	[simem:s7], [sflag:s8] =	dma.local @!p0 [hbm:s6], $0xF7A  }
0x23: {  	s9 =	sor.u32 $0xD0000000, s2;
	s6 =	simm.s32 $0x108;
	_ =	swait.ge @!p0 [sflag:s8], $0x0  }
0x24: {  	s3 =	sadd.s32 $0x88, s3;
	s6 =	simm.s32 @!p1 $0x1082;
	[sflag:s4] =	ssyncset.s32 $0xFFFFF086  }
0x25: {  	[simem:s6], [sflag:s4] =	dma.local [hbm:s3], $0xF7A  }
0x26: {  	[smem:$0x3F82] =	sst s1;
	(tag) =	ssettag s2;
	_ =	strace s9  }
0x27: {  	s1 =	sld [smem:$0x3F92]  }
0x28: {  	s2 =	sld [smem:$0x3F93]  }
0x29: {  	s4 =	sld [smem:$0x3F95]  }
0x2a: {  	p0 =	seq.s32 s5, $0x0;
	s5 =	sld [smem:$0x3F96]  }
0x2b: {  	s6 =	sld [smem:$0x3F97]  }
0x2c: {  	s7 =	sld [smem:$0x3F98]  }
0x2d: {  	s3 =	simm.s32 $0x108;
	s8 =	sld [smem:$0x3F99]  }
0x2e: {  	s3 =	simm.s32 @!p0 $0x1082;
	s9 =	sld [smem:$0x3F9A]  }
0x2f: {  	lr =	sadd.s32 s0, s3;
	s0 =	sld [smem:$0x3F91]  }
0x30: {  	s3 =	sld [smem:$0x3F94]  }
0x31: {  	[smem:$0x3F9D] =	sst s10  }
0x32: {  	s10 =	sld [smem:$0x3F9B];
	_ =	sdelay $0x3  }
0x33: {  	p0 =	seq.s32 s10, $0x1;
	s10 =	sld [smem:$0x3F9D];
	_ =	sdelay $0x3  }
0x34: {  	[smem:$0x3F9D] =	sst s10  }
0x35: {  	s10 =	sld [smem:$0x3F9C];
	_ =	sdelay $0x3  }
0x36: {  	p1 =	seq.s32 s10, $0x1;
	s10 =	sld [smem:$0x3F9D];
	_ =	sdelay $0x3  }
0x37: {  	[smem:$0x3F9D] =	sst s10  }
0x38: {  	s10 =	sld [smem:$0x3F9E]  }
0x39: {  	_ = 	snop;
	(pc) =	sbr.ind lr, $3  }
0x3a: {  	_ = 	snop  }
0x3b: {  	_ = 	snop  }
0x3c: {  	p2 =	seq.s32 s10, $0x1;
	s10 =	sld [smem:$0x3F9D]  }
0x3d: {  	_ =	shalt  }
0x3e: {  	_ =	shalt  }
0x3f: {  	_ =	shalt  }
0x40: {  	_ =	shalt  }
0x41: {  	_ =	shalt  }
0x42: {  	_ =	shalt  }
0x43: {  	_ =	shalt  }
0x44: {  	_ =	shalt  }
0x45: {  	_ =	shalt  }
0x46: {  	_ =	shalt  }
0x47: {  	_ =	shalt  }
0x48: {  	_ =	shalt  }
0x49: {  	_ =	shalt  }
0x4a: {  	_ =	shalt  }
0x4b: {  	_ =	shalt  }
0x4c: {  	_ =	shalt  }
0x4d: {  	_ =	shalt  }
0x4e: {  	_ =	shalt  }
0x4f: {  	_ =	shalt  }
0x50: {  	_ =	shalt  }
0x51: {  	_ =	shalt  }
0x52: {  	_ =	shalt  }
0x53: {  	_ =	shalt  }
0x54: {  	_ =	shalt  }
0x55: {  	_ =	shalt  }
0x56: {  	_ =	shalt  }
0x57: {  	_ =	shalt  }
0x58: {  	_ =	shalt  }
0x59: {  	_ =	shalt  }
0x5a: {  	_ =	shalt  }
0x5b: {  	_ =	shalt  }
0x5c: {  	_ =	shalt  }
0x5d: {  	_ =	shalt  }
0x5e: {  	_ =	shalt  }
0x5f: {  	_ =	shalt  }
0x60: {  	_ =	shalt  }
0x61: {  	_ =	shalt  }
0x62: {  	_ =	shalt  }
0x63: {  	_ =	shalt  }
0x64: {  	_ =	shalt  }
0x65: {  	_ =	shalt  }
0x66: {  	_ =	shalt  }
0x67: {  	_ =	shalt  }
0x68: {  	_ =	shalt  }
0x69: {  	_ =	shalt  }
0x6a: {  	_ =	shalt  }
0x6b: {  	_ =	shalt  }
0x6c: {  	_ =	shalt  }
0x6d: {  	_ =	shalt  }
0x6e: {  	_ =	shalt  }
0x6f: {  	_ =	shalt  }
0x70: {  	_ =	shalt  }
0x71: {  	_ =	shalt  }
0x72: {  	_ =	shalt  }
0x73: {  	_ =	shalt  }
0x74: {  	_ =	shalt  }
0x75: {  	_ =	shalt  }
0x76: {  	_ =	shalt  }
0x77: {  	_ =	shalt  }
0x78: {  	_ =	shalt  }
0x79: {  	_ =	shalt  }
0x7a: {  	_ =	shalt  }
0x7b: {  	_ =	shalt  }
0x7c: {  	_ =	shalt  }
0x7d: {  	_ =	shalt  }
0x7e: {  	_ =	shalt  }
0x7f: {  	_ =	shalt  }
0x80: {  	_ =	shalt  }
0x81: {  	_ =	shalt  }
0x82: {  	_ =	shalt  }
0x83: {  	_ =	shalt  }
0x84: {  	_ =	shalt  }
0x85: {  	_ =	shalt  }
0x86: {  	_ =	shalt  }
0x87: {  	_ =	shalt  }
.Lfunc_end0:
.L_simem_size_0:
called_computation_lowered:
.L_overlay_start_0:
0x88: {  	s2 =	sld [smem:$0x3FD9]  }
0x89: {  	s3 =	sld [smem:$0x3FFE];
	_ =	sdelay $0x1  }
0x8a: {  	s1 =	srdreg.scid  }
0x8b: {  	s0 =	sand.u32 $0x1, s1  }
0x8c: {  	s17 =	sshll.u32 s0, $0xA;
	s2 =	sadd.s32 s3, s2  }
0x8d: {  	s2 =	sadd.s32 s2, s17  }
0x8e: {  	[smem:$0x3FA9] =	sst s2  }
0x8f: {  	_ = 	snop  }
0x90: {  	s2 =	sld [smem:$0x3FD0];
	(tm) =	ssettm $0x1  }
0x91: {  	s18 =	sld [smem:$0x3FFB];
	_ =	sdelay $0x3  }
0x92: {  	_ =	strace s18  }
0x93: {  	s3 =	sld [smem:$0x3FFC];
	_ =	sdelay $0x3  }
0x94: {  	_ =	strace s3  }
0x95: {  	s3 =	sld [smem:$0x3FFD];
	_ =	sdelay $0x3  }
0x96: {  	_ =	strace s3  }
0x97: {  	_ =	strace $0x8FFFFFFF  }
0x98: {  	s19 =	sld [smem:$0x3FDB];
	_ =	sdelay $0x1  }
0x99: {  	s4 =	simm.s32 $_scs_section_size  }
0x9a: {  	s5 =	simm.s32 $_size__tile_overlayer_lowered;
	s6 =	simm.s32 $_tile_overlayer_lowered  }
0x9b: {  	s22 =	simm.s32 $0x1BFF;
	s21 =	sshll.u32 s6, $0x1;
	s3 =	sadd.s32 s4, s19  }
0x9c: {  	s7 =	simm.s32 $0x0;
	s20 =	sshll.u32 s5, $0x1;
	s5 =	sadd.s32 s21, s3  }
0x9d: {  	[timem:s7], [sflag:s22] =	dma.local [hbm:s5], s20  }
0x9e: {  	_ =	swait.ge [sflag:s22], s20  }
0x9f: {  	s4 =	ssub.s32 $0x0, s20;
	[sflag:s22] =	ssyncset.done $0x0  }
0xa0: {  	[sflag:s22] =	ssyncadd.s32 s4;
	_ =	sdelay $0x1  }
0xa1: {  	s23 =	simm.s32 $0x1B8B  }
0xa2: {  	_ =	swait.ge [sflag:s23], $0x1  }
0xa3: {  	[sflag:s23] =	ssyncset.done $0x0  }
0xa4: {  	s25 =	simm.s32 $0x1B8E;
	s24 =	sld [smem:$0x3FFE];
	[sflag:s23] =	ssyncadd.s32 $0xFFFFFFFF  }
0xa5: {  	s26 =	simm.s32 $execute0_lowered;
	[smem:$0x3FD2] =	sst s25  }
0xa6: {  	s5 =	sshll.u32 s26, $0x1;
	_ =	strace $0x80000046;
	[dreg:$0x1] =	wrdreg $0xFFFFFFFF  }
0xa7: {  	s28 =	simm.s32 $_size_execute0_lowered;
	s3 =	sadd.s32 s3, s5;
	[dreg:$0x0] =	wrdreg $0x0  }
0xa8: {  	s5 =	sshll.u32 s28, $0x1;
	[dreg:$0x2] =	wrdreg s3  }
0xa9: {  	[dreg:$0x3] =	wrdreg s5  }
0xaa: {  	[dreg:$0x4] =	wrdreg $0xC0  }
0xab: {  	_ =	task [dreg:s7], $0x5FFFF  }
0xac: {  	[dreg:$0x1] =	wrdreg $0xFFFFFFFF  }
0xad: {  	[dreg:$0x0] =	wrdreg $0x60  }
0xae: {  	[dreg:$0x2] =	wrdreg s24  }
0xaf: {  	[dreg:$0x3] =	wrdreg s2  }
0xb0: {  	[dreg:$0x4] =	wrdreg $0x82000  }
0xb1: {  	[dreg:$0x5] =	wrdreg $0x9  }
0xb2: {  	_ =	task.clear_ibuf [dreg:s7], $0x6FFFF;
	_ =	strace $0x90000046  }
0xb3: {  	s29 =	simm.s32 $0x9;
	_ =	strace $0x80000048  }
0xb4: {  	_ =	swait.ge [sflag:s29], $0x1  }
0xb5: {  	[sflag:s29] =	ssyncadd.s32 $0xFFFFFFFF  }
0xb6: {  	_ =	strace $0x90000048  }
0xb7: {  	_ =	sfence  }
0xb8: {  	s30 =	sld [smem:$0x0];
	_ =	sdelay $0x2  }
0xb9: {  	s31 =	sshll.u32 s1, $0xD;
	s1 =	sshrl.u32 s1, $0x2  }
0xba: {  	s3 =	sand.u32 $0x4000, s31;
	s1 =	sadd.s32 s1, s30  }
0xbb: {  	s0 =	sor.u32 s3, s0;
	s1 =	sshll.u32 s1, $0x11  }
0xbc: {  	s0 =	sor.u32 s1, s0  }
0xbd: {  	s0 =	sadd.s32 $0x8F2B, s0  }
0xbe: {  	[sflag:s0] =	ssyncadd.remote.s32 $0x1  }
0xbf: {  	_ =	sfence.sel $0xFFFF  }
0xc0: {  	[dreg:$0x0] =	wrdreg $0xFFFFFFFF;
	(pc) =	sbr.abs _section_cstart, $3  }
0xc1: {  	[dreg:$0x1] =	wrdreg $0xFFFFFFFF  }
0xc2: {  	_ =	task.clear_ibuf [dreg:s7], $0x2FFFF;
	_ =	strace $0x9FFFFFFF  }
0xc3: {  	(tm) =	ssettm $0x7FFFFFFF  }
tec
execute0_lowered:
.L_overlay_start_1:
0x0: {  	(tag) =	ssettag $0x1  }
0x1: {  	s0 =	rddreg [dreg:$0x0]  }
0x2: {  	s3 =	rddreg [dreg:$0x2]  }
0x3: {  	s4 =	simm.s32 $0x0;
	s14 =	stileid.u32;
	s2 =	srdreg.scid  }
0x4: {  	[smem:$0x7FF] =	sst s4;
	s1 =	smul.u32 $0x14400, s14  }
0x5: {  	s5 =	sadd.s32 $0x58A00, s0;
	s2 =	sand.u32 $0x1, s2;
	s6 =	sadd.s32 $0x30200, s0  }
0x6: {  	s7 =	sadd.s32 $0x1C200, s0;
	s8 =	sadd.s32 $0x8200, s0;
	s22 =	smul.u32 $0x51000, s14  }
0x7: {  	s26 =	sshll.u32 s14, $0x6;
	_ =	strace $0x80000047;
	s10 =	smul.u32 $0x144000, s2  }
0x8: {  	s23 =	sshll.u32 s2, $0x4;
	s2 =	ssub.s32 $0x2, s2;
	s9 =	sshrl.u32 s1, $0x3  }
0x9: {  	s12 =	sshrl.u32 s2, $0x1;
	s13 =	sshrl.u32 s22, $0x2;
	s11 =	sadd.s32 s9, s0  }
0xa: {  	s1 =	sadd.s32 s1, s10;
	s10 =	sor.u32 s14, s23;
	s24 =	ssub.s32 s2, s12  }
0xb: {  	s25 =	sadd.s32 s13, s3;
	s13 =	sor.u32 $0x1C05, s26;
	s2 =	simm.s32 $0x100  }
0xc: {  	s1 =	sshrl.u32 s1, $0x3;
	s9 =	smul.u32 $0x2800, s10;
	[dreg:$0x4] =	wrdreg s25  }
0xd: {  	s11 =	sadd.s32 $0x81200, s11;
	s23 =	smax.u32 s24, $0x1;
	s0 =	sadd.s32 s1, s0  }
0xe: {  	[dreg:$0xe] =	wrdreg s23;
	s1 =	simm.s32 $0x80;
	s19 =	sadd.s32 $0xA9A00, s0  }
0xf: {  	s23 =	simm.s32 $0x4;
	s21 =	sadd.s32 $0x14BA00, s0;
	[dreg:$0x8] =	wrdreg s19  }
0x10: {  	s12 =	sadd.s32 $0x50000, s9;
	s22 =	sadd.s32 $0xFAA00, s0;
	[dreg:$0xb] =	wrdreg s21  }
0x11: {  	s28 =	sshrl.u32 s9, $0x3;
	s0 =	sadd.s32 $0x19CA00, s0;
	[dreg:$0xc] =	wrdreg s22  }
0x12: {  	s29 =	sshrl.u32 s12, $0x3;
	s17 =	sadd.s32 $0xA010, s28;
	[dreg:$0xd] =	wrdreg s0  }
0x13: {  	s24 =	sadd.s32 s7, s28;
	s25 =	sadd.s32 $0x4E0, s28;
	s26 =	sadd.s32 s8, s28  }
0x14: {  	s19 =	simm.s32 $0x2;
	s22 =	simm.s32 $0x3;
	[dreg:$0xf] =	wrdreg s24  }
0x15: {  	s15 =	sadd.s32 s7, s29;
	s18 =	sadd.s32 s7, s17;
	[dreg:$0x10] =	wrdreg s26  }
0x16: {  	s10 =	sadd.s32 s8, s29;
	s21 =	sadd.s32 s8, s17;
	[dreg:$0x5] =	wrdreg s15  }
0x17: {  	s29 =	sadd.s32 s7, s25;
	s0 =	sadd.s32 s8, s25;
	[dreg:$0x7] =	wrdreg s18  }
0x18: {  	s17 =	simm.s32 $0x1;
	s24 =	simm.s32 $0x6;
	[dreg:$0x9] =	wrdreg s10  }
0x19: {  	s25 =	simm.s32 $0x0;
	s15 =	sor.u32 $0x10, s28;
	[dreg:$0x11] =	wrdreg s29  }
0x1a: {  	s28 =	sadd.s32 $0xA4E0, s28;
	[dreg:$0x12] =	wrdreg s0;
	s0 =	simm.s32 $0x5  }
0x1b: {  	s10 =	simm.s32 $0x200;
	s16 =	sadd.s32 s7, s15;
	s20 =	sadd.s32 s8, s15  }
0x1c: {  	s30 =	sadd.s32 s7, s28;
	s31 =	sadd.s32 s8, s28;
	[dreg:$0x6] =	wrdreg s16  }
0x1d: {  	s15 =	simm.s32 $0x4200;
	[dreg:$0xa] =	wrdreg s20;
	s20 =	simm.s32 $0x180  }
.LBB2_1:
0x1e: {  	s14 =	rddreg [dreg:$0x4]  }
0x1f: {  	s26 =	sshrl.u32 s14, $0x3  }
0x20: {  	[spmem:s26], [sflag:s13] =	dma.local [hbm:s11], $0x2880  }
0x21: {  	_ =	swait.ge [sflag:s0], $0x2880  }
0x22: {  	[sflag:s0] =	ssyncset.done $0x0  }
0x23: {  	[sflag:s0] =	ssyncadd.s32 $0xFFFFD780  }
0x24: {  	[bflag:$0x0] =	sbarrier.arrive $0xFFFF  }
0x25: {  	s16 =	rddreg [dreg:$0xf]  }
0x26: {  	[tilespmem:s4], [sflag:$0x5] =	stream.linear.gather [hbm4b:s16+s4], $0x80, $0x38;
	[tilespmem:$0x1C600] =	vst v63  }
0x27: {  	_ =	swait.ge [sflag:s0], $0x80  }
0x28: {  	[sflag:s0] =	ssyncset.done $0x0  }
0x29: {  	s18 =	rddreg [dreg:$0x5];
	[sflag:s0] =	ssyncadd.s32 $0xFFFFFF80  }
0x2a: {  	[tilespmem:s2], [sflag:$0x5] =	stream.linear.gather [hbm4b:s18+s4], $0x80, $0x38;
	[tilespmem:$0x1C600] =	vst v63  }
0x2b: {  	_ =	swait.ge [sflag:s0], $0x80  }
0x2c: {  	[sflag:s0] =	ssyncset.done $0x0  }
0x2d: {  	[sflag:s0] =	ssyncadd.s32 $0xFFFFFF80  }
0x2e: {  	[tilespmem:s10], [sflag:$0x1] =	stream.indirect.gather [hbm4b:s5+s1], $0x80, s4, s1, $0xb8;
	[tilespmem:$0x1C600] =	vst v63  }
0x2f: {  	s29 =	rddreg [dreg:$0x6]  }
0x30: {  	[tilespmem:s1], [sflag:$0x5] =	stream.linear.gather [hbm4b:s29+s4], $0x80, $0x38;
	[tilespmem:$0x1C600] =	vst v63  }
0x31: {  	_ =	swait.ge [sflag:s0], $0x80  }
0x32: {  	[sflag:s0] =	ssyncset.done $0x0  }
0x33: {  	s16 =	rddreg [dreg:$0x7];
	[sflag:s0] =	ssyncadd.s32 $0xFFFFFF80  }
0x34: {  	[tilespmem:s20], [sflag:$0x5] =	stream.linear.gather [hbm4b:s16+s4], $0x80, $0x38;
	[tilespmem:$0x1C600] =	vst v63  }
0x35: {  	_ =	swait.ge [sflag:s0], $0x80  }
0x36: {  	[sflag:s0] =	ssyncset.done $0x0  }
0x37: {  	[sflag:s0] =	ssyncadd.s32 $0xFFFFFF80  }
0x38: {  	[tilespmem:s15], [sflag:$0x2] =	stream.indirect.gather [hbm4b:s5+s1], $0x80, s1, s1, $0xb8;
	[tilespmem:$0x1C600] =	vst v63  }
0x39: {  	_ =	swait.ge [sflag:s17], $0x4000  }
0x3a: {  	[sflag:s17] =	ssyncset.done $0x0  }
0x3b: {  	[sflag:s17] =	ssyncadd.s32 $0xFFFFC000  }
0x3c: {  	[spmem:s3] =	stream.indirect.scatter.add.f32 [tilespmem:s10], [sflag:$0x3], $0x80, s2, s1, $0xb8;
	[tilespmem:$0x1C600] =	vst v63  }
0x3d: {  	s28 =	simm.s32 $0x100;
	_ =	swait.ge [sflag:s19], $0x4000  }
0x3e: {  	s29 =	sand.u32 $0x7C00, s28;
	[sflag:s19] =	ssyncset.done $0x0  }
0x3f: {  	s28 =	sand.u32 $0x300, s28;
	s18 =	sadd.s32 s9, s29;
	[sflag:s19] =	ssyncadd.s32 $0xFFFFC000  }
0x40: {  	[spmem:s3] =	stream.indirect.scatter.add.f32 [tilespmem:s15], [sflag:$0x4], $0x80, s20, s1, $0xb8;
	[tilespmem:$0x1C600] =	vst v63  }
0x41: {  	s14 =	sor.u32 s28, s18;
	_ =	swait.ge [sflag:s22], $0x4000  }
0x42: {  	s14 =	sshrl.u32 s14, $0x3;
	[sflag:s22] =	ssyncset.done $0x0  }
0x43: {  	s29 =	sadd.s32 s12, s29;
	s14 =	sadd.s32 s7, s14;
	[sflag:s22] =	ssyncadd.s32 $0xFFFFC000  }
0x44: {  	[tilespmem:s4], [sflag:$0x5] =	stream.linear.gather [hbm4b:s14+s4], $0x80, $0x38;
	[tilespmem:$0x1C600] =	vst v63  }
0x45: {  	s29 =	sor.u32 s28, s29;
	_ =	swait.ge [sflag:s0], $0x80  }
0x46: {  	s14 =	sshrl.u32 s29, $0x3;
	[sflag:s0] =	ssyncset.done $0x0  }
0x47: {  	s14 =	sadd.s32 s7, s14;
	[sflag:s0] =	ssyncadd.s32 $0xFFFFFF80  }
0x48: {  	[tilespmem:s2], [sflag:$0x5] =	stream.linear.gather [hbm4b:s14+s4], $0x80, $0x38;
	[tilespmem:$0x1C600] =	vst v63  }
0x49: {  	_ =	swait.ge [sflag:s0], $0x80  }
0x4a: {  	s16 =	sand.u32 $0x7C00, s20;
	[sflag:s0] =	ssyncset.done $0x0  }
0x4b: {  	s28 =	sand.u32 $0x380, s20;
	s18 =	sadd.s32 s9, s16;
	[sflag:s0] =	ssyncadd.s32 $0xFFFFFF80  }
0x4c: {  	[tilespmem:s10], [sflag:$0x1] =	stream.indirect.gather [hbm4b:s5+s1], $0x80, s4, s1, $0xb8;
	[tilespmem:$0x1C600] =	vst v63  }
0x4d: {  	s29 =	sor.u32 s28, s18;
	_ =	swait.ge [sflag:s23], $0x4000  }
0x4e: {  	s29 =	sshrl.u32 s29, $0x3;
	[sflag:s23] =	ssyncset.done $0x0  }
0x4f: {  	s29 =	sadd.s32 s7, s29;
	s14 =	sadd.s32 s12, s16;
	[sflag:s23] =	ssyncadd.s32 $0xFFFFC000  }
0x50: {  	[tilespmem:s1], [sflag:$0x5] =	stream.linear.gather [hbm4b:s29+s4], $0x80, $0x38;
	[tilespmem:$0x1C600] =	vst v63  }
0x51: {  	s14 =	sor.u32 s28, s14;
	_ =	swait.ge [sflag:s0], $0x80  }
0x52: {  	s14 =	sshrl.u32 s14, $0x3;
	[sflag:s0] =	ssyncset.done $0x0  }
0x53: {  	s14 =	sadd.s32 s7, s14;
	[sflag:s0] =	ssyncadd.s32 $0xFFFFFF80  }
0x54: {  	[tilespmem:s20], [sflag:$0x5] =	stream.linear.gather [hbm4b:s14+s4], $0x80, $0x38;
	[tilespmem:$0x1C600] =	vst v63  }
0x55: {  	_ =	swait.ge [sflag:s0], $0x80  }
0x56: {  	s28 =	simm.s32 $0x280;
	[sflag:s0] =	ssyncset.done $0x0  }
.LBB2_2:
0x57: {  	p0 =	sne.s32 s28, $0x2680  }
0x58: {  	[sflag:s0] =	ssyncadd.s32 $0xFFFFFF80;
	s14 =	smov.u32 s28;
	s28 =	sadd.s32 $0x100, s28  }
0x59: {  	[tilespmem:s15], [sflag:$0x2] =	stream.indirect.gather [hbm4b:s5+s1], $0x80, s1, s1, $0xb8;
	[tilespmem:$0x1C600] =	vst v63  }
0x5a: {  	_ =	swait.ge [sflag:s17], $0x4000  }
0x5b: {  	[sflag:s17] =	ssyncset.done $0x0  }
0x5c: {  	[sflag:s17] =	ssyncadd.s32 $0xFFFFC000  }
0x5d: {  	[spmem:s3] =	stream.indirect.scatter.add.f32 [tilespmem:s10], [sflag:$0x3], $0x80, s2, s1, $0xb8;
	[tilespmem:$0x1C600] =	vst v63  }
0x5e: {  	s29 =	sadd.s32 $0xFFFFFF80, s14;
	_ =	swait.ge [sflag:s19], $0x4000  }
0x5f: {  	s16 =	sand.u32 $0x7C00, s29;
	s29 =	sand.u32 $0x300, s29;
	[sflag:s19] =	ssyncset.done $0x0  }
0x60: {  	s18 =	sadd.s32 s9, s16;
	s16 =	sadd.s32 s12, s16;
	[sflag:s19] =	ssyncadd.s32 $0xFFFFC000  }
0x61: {  	[spmem:s3] =	stream.indirect.scatter.add.f32 [tilespmem:s15], [sflag:$0x4], $0x80, s20, s1, $0xb8;
	[tilespmem:$0x1C600] =	vst v63  }
0x62: {  	s18 =	sor.u32 s29, s18;
	s16 =	sor.u32 s29, s16;
	_ =	swait.ge [sflag:s22], $0x4000  }
0x63: {  	s18 =	sshrl.u32 s18, $0x3;
	s16 =	sshrl.u32 s16, $0x3;
	[sflag:s22] =	ssyncset.done $0x0  }
0x64: {  	s18 =	sadd.s32 s7, s18;
	[sflag:s22] =	ssyncadd.s32 $0xFFFFC000  }
0x65: {  	[tilespmem:s4], [sflag:$0x5] =	stream.linear.gather [hbm4b:s18+s4], $0x80, $0x38;
	[tilespmem:$0x1C600] =	vst v63  }
0x66: {  	_ =	swait.ge [sflag:s0], $0x80  }
0x67: {  	s16 =	sadd.s32 s7, s16;
	[sflag:s0] =	ssyncset.done $0x0  }
0x68: {  	[sflag:s0] =	ssyncadd.s32 $0xFFFFFF80  }
0x69: {  	[tilespmem:s2], [sflag:$0x5] =	stream.linear.gather [hbm4b:s16+s4], $0x80, $0x38;
	[tilespmem:$0x1C600] =	vst v63  }
0x6a: {  	_ =	swait.ge [sflag:s0], $0x80  }
0x6b: {  	s16 =	sand.u32 $0x7C00, s14;
	s14 =	sand.u32 $0x380, s14;
	[sflag:s0] =	ssyncset.done $0x0  }
0x6c: {  	s18 =	sadd.s32 s9, s16;
	s16 =	sadd.s32 s12, s16;
	[sflag:s0] =	ssyncadd.s32 $0xFFFFFF80  }
0x6d: {  	[tilespmem:s10], [sflag:$0x1] =	stream.indirect.gather [hbm4b:s5+s1], $0x80, s4, s1, $0xb8;
	[tilespmem:$0x1C600] =	vst v63  }
0x6e: {  	s18 =	sor.u32 s14, s18;
	s14 =	sor.u32 s14, s16;
	_ =	swait.ge [sflag:s23], $0x4000  }
0x6f: {  	s16 =	sshrl.u32 s18, $0x3;
	s14 =	sshrl.u32 s14, $0x3;
	[sflag:s23] =	ssyncset.done $0x0  }
0x70: {  	s16 =	sadd.s32 s7, s16;
	[sflag:s23] =	ssyncadd.s32 $0xFFFFC000  }
0x71: {  	[tilespmem:s1], [sflag:$0x5] =	stream.linear.gather [hbm4b:s16+s4], $0x80, $0x38;
	[tilespmem:$0x1C600] =	vst v63  }
0x72: {  	_ =	swait.ge [sflag:s0], $0x80  }
.Ltmp0:
0x73: {  	s14 =	sadd.s32 s7, s14;
	[sflag:s0] =	ssyncset.done $0x0;
	(pc) =	sbr.rel @p0 .LBB2_2-.Ltmp0, $4  }
0x74: {  	[sflag:s0] =	ssyncadd.s32 $0xFFFFFF80  }
0x75: {  	[tilespmem:s20], [sflag:$0x5] =	stream.linear.gather [hbm4b:s14+s4], $0x80, $0x38;
	[tilespmem:$0x1C600] =	vst v63  }
0x76: {  	_ =	swait.ge [sflag:s0], $0x80  }
0x77: {  	[sflag:s0] =	ssyncset.done $0x0  }
0x78: {  	[sflag:s0] =	ssyncadd.s32 $0xFFFFFF80  }
0x79: {  	[tilespmem:s15], [sflag:$0x2] =	stream.indirect.gather [hbm4b:s5+s1], $0x80, s1, s1, $0xb8;
	[tilespmem:$0x1C600] =	vst v63  }
0x7a: {  	_ =	swait.ge [sflag:s17], $0x4000  }
0x7b: {  	[sflag:s17] =	ssyncset.done $0x0  }
0x7c: {  	[sflag:s17] =	ssyncadd.s32 $0xFFFFC000  }
0x7d: {  	[spmem:s3] =	stream.indirect.scatter.add.f32 [tilespmem:s10], [sflag:$0x3], $0x80, s2, s1, $0xb8;
	[tilespmem:$0x1C600] =	vst v63  }
0x7e: {  	_ =	swait.ge [sflag:s19], $0x4000  }
0x7f: {  	[sflag:s19] =	ssyncset.done $0x0  }
0x80: {  	s28 =	simm.s32 $0x180;
	[sflag:s19] =	ssyncadd.s32 $0xFFFFC000  }
0x81: {  	[spmem:s3] =	stream.indirect.scatter.add.f32 [tilespmem:s15], [sflag:$0x4], $0x80, s28, s1, $0xb8;
	[tilespmem:$0x1C600] =	vst v63  }
0x82: {  	_ =	swait.ge [sflag:s22], $0x4000  }
0x83: {  	[sflag:s22] =	ssyncset.done $0x0  }
0x84: {  	s14 =	rddreg [dreg:$0x11];
	[sflag:s22] =	ssyncadd.s32 $0xFFFFC000  }
0x85: {  	[tilespmem:s4], [sflag:$0x5] =	stream.linear.gather [hbm4b:s14+s4], $0x80, $0x38;
	[tilespmem:$0x1C600] =	vst v63  }
0x86: {  	_ =	swait.ge [sflag:s0], $0x80  }
0x87: {  	[sflag:s0] =	ssyncset.done $0x0  }
0x88: {  	[sflag:s0] =	ssyncadd.s32 $0xFFFFFF80  }
0x89: {  	[tilespmem:s2], [sflag:$0x5] =	stream.linear.gather [hbm4b:s30+s4], $0x80, $0x38;
	[tilespmem:$0x1C600] =	vst v63  }
0x8a: {  	_ =	swait.ge [sflag:s0], $0x80  }
0x8b: {  	[sflag:s0] =	ssyncset.done $0x0  }
0x8c: {  	[sflag:s0] =	ssyncadd.s32 $0xFFFFFF80  }
0x8d: {  	[tilespmem:s10], [sflag:$0x1] =	stream.indirect.gather [hbm4b:s5+s1], $0x80, s4, s1, $0xb8;
	[tilespmem:$0x1C600] =	vst v63  }
0x8e: {  	_ =	swait.ge [sflag:s23], $0x4000  }
0x8f: {  	[sflag:s23] =	ssyncset.done $0x0  }
0x90: {  	[sflag:s23] =	ssyncadd.s32 $0xFFFFC000  }
0x91: {  	_ =	swait.ge [sflag:s17], $0x4000  }
0x92: {  	[sflag:s17] =	ssyncset.done $0x0  }
0x93: {  	[sflag:s17] =	ssyncadd.s32 $0xFFFFC000  }
0x94: {  	[spmem:s3] =	stream.indirect.scatter.add.f32 [tilespmem:s10], [sflag:$0x5], $0x80, s2, s1, $0xb8;
	[tilespmem:$0x1C600] =	vst v63  }
0x95: {  	_ =	swait.ge [sflag:s0], $0x4000  }
0x96: {  	[sflag:s0] =	ssyncset.done $0x0  }
0x97: {  	[sflag:s0] =	ssyncadd.s32 $0xFFFFC000  }
0x98: {  	[bflag:$0x0] =	sbarrier.arrive $0xFFFF  }
0x99: {  	s16 =	rddreg [dreg:$0x8]  }
0x9a: {  	[hbm:s16], [sflag:s13] =	dma.local [spmem:s26], $0x2880  }
0x9b: {  	_ =	swait.ge [sflag:s0], $0x2880  }
0x9c: {  	[sflag:s0] =	ssyncset.done $0x0  }
0x9d: {  	[sflag:s0] =	ssyncadd.s32 $0xFFFFD780  }
0x9e: {  	[bflag:$0x0] =	sbarrier.arrive $0xFFFF  }
0x9f: {  	[spmem:s26], [sflag:s13] =	dma.local [hbm:s11], $0x2880  }
0xa0: {  	_ =	swait.ge [sflag:s0], $0x2880  }
0xa1: {  	[sflag:s0] =	ssyncset.done $0x0  }
0xa2: {  	[sflag:s0] =	ssyncadd.s32 $0xFFFFD780  }
0xa3: {  	[bflag:$0x0] =	sbarrier.arrive $0xFFFF  }
0xa4: {  	s18 =	rddreg [dreg:$0x10]  }
0xa5: {  	[tilespmem:s4], [sflag:$0x5] =	stream.linear.gather [hbm4b:s18+s4], $0x80, $0x38;
	[tilespmem:$0x1C600] =	vst v63  }
0xa6: {  	_ =	swait.ge [sflag:s0], $0x80  }
0xa7: {  	[sflag:s0] =	ssyncset.done $0x0  }
0xa8: {  	s29 =	rddreg [dreg:$0x9];
	[sflag:s0] =	ssyncadd.s32 $0xFFFFFF80  }
0xa9: {  	[tilespmem:s2], [sflag:$0x5] =	stream.linear.gather [hbm4b:s29+s4], $0x80, $0x38;
	[tilespmem:$0x1C600] =	vst v63  }
0xaa: {  	_ =	swait.ge [sflag:s0], $0x80  }
0xab: {  	[sflag:s0] =	ssyncset.done $0x0  }
0xac: {  	[sflag:s0] =	ssyncadd.s32 $0xFFFFFF80  }
0xad: {  	[tilespmem:s10], [sflag:$0x1] =	stream.indirect.gather [hbm4b:s6+s1], $0x80, s4, s1, $0xb8;
	[tilespmem:$0x1C600] =	vst v63  }
0xae: {  	s16 =	rddreg [dreg:$0xa]  }
0xaf: {  	[tilespmem:s1], [sflag:$0x5] =	stream.linear.gather [hbm4b:s16+s4], $0x80, $0x38;
	[tilespmem:$0x1C600] =	vst v63  }
0xb0: {  	_ =	swait.ge [sflag:s0], $0x80  }
0xb1: {  	[sflag:s0] =	ssyncset.done $0x0  }
0xb2: {  	[sflag:s0] =	ssyncadd.s32 $0xFFFFFF80  }
0xb3: {  	[tilespmem:s28], [sflag:$0x5] =	stream.linear.gather [hbm4b:s21+s4], $0x80, $0x38;
	[tilespmem:$0x1C600] =	vst v63  }
0xb4: {  	_ =	swait.ge [sflag:s0], $0x80  }
0xb5: {  	[sflag:s0] =	ssyncset.done $0x0  }
0xb6: {  	[sflag:s0] =	ssyncadd.s32 $0xFFFFFF80  }
0xb7: {  	[tilespmem:s15], [sflag:$0x2] =	stream.indirect.gather [hbm4b:s6+s1], $0x80, s1, s1, $0xb8;
	[tilespmem:$0x1C600] =	vst v63  }
0xb8: {  	_ =	swait.ge [sflag:s17], $0x4000  }
0xb9: {  	[sflag:s17] =	ssyncset.done $0x0  }
0xba: {  	[sflag:s17] =	ssyncadd.s32 $0xFFFFC000  }
0xbb: {  	[spmem:s3] =	stream.indirect.scatter.add.f32 [tilespmem:s10], [sflag:$0x3], $0x80, s2, s1, $0xb8;
	[tilespmem:$0x1C600] =	vst v63  }
0xbc: {  	s18 =	simm.s32 $0x100;
	_ =	swait.ge [sflag:s19], $0x4000  }
0xbd: {  	s16 =	sand.u32 $0x7C00, s18;
	[sflag:s19] =	ssyncset.done $0x0  }
0xbe: {  	s14 =	sand.u32 $0x300, s18;
	s18 =	sadd.s32 s9, s16;
	[sflag:s19] =	ssyncadd.s32 $0xFFFFC000  }
0xbf: {  	[spmem:s3] =	stream.indirect.scatter.add.f32 [tilespmem:s15], [sflag:$0x4], $0x80, s20, s1, $0xb8;
	[tilespmem:$0x1C600] =	vst v63  }
0xc0: {  	s18 =	sor.u32 s14, s18;
	_ =	swait.ge [sflag:s22], $0x4000  }
0xc1: {  	s18 =	sshrl.u32 s18, $0x3;
	[sflag:s22] =	ssyncset.done $0x0  }
0xc2: {  	s16 =	sadd.s32 s12, s16;
	s18 =	sadd.s32 s8, s18;
	[sflag:s22] =	ssyncadd.s32 $0xFFFFC000  }
0xc3: {  	[tilespmem:s4], [sflag:$0x5] =	stream.linear.gather [hbm4b:s18+s4], $0x80, $0x38;
	[tilespmem:$0x1C600] =	vst v63  }
0xc4: {  	s14 =	sor.u32 s14, s16;
	_ =	swait.ge [sflag:s0], $0x80  }
0xc5: {  	s14 =	sshrl.u32 s14, $0x3;
	[sflag:s0] =	ssyncset.done $0x0  }
0xc6: {  	s14 =	sadd.s32 s8, s14;
	[sflag:s0] =	ssyncadd.s32 $0xFFFFFF80  }
0xc7: {  	[tilespmem:s2], [sflag:$0x5] =	stream.linear.gather [hbm4b:s14+s4], $0x80, $0x38;
	[tilespmem:$0x1C600] =	vst v63  }
0xc8: {  	_ =	swait.ge [sflag:s0], $0x80  }
0xc9: {  	s14 =	sand.u32 $0x7C00, s28;
	[sflag:s0] =	ssyncset.done $0x0  }
0xca: {  	s16 =	sand.u32 $0x380, s28;
	s29 =	sadd.s32 s9, s14;
	[sflag:s0] =	ssyncadd.s32 $0xFFFFFF80  }
0xcb: {  	[tilespmem:s10], [sflag:$0x1] =	stream.indirect.gather [hbm4b:s6+s1], $0x80, s4, s1, $0xb8;
	[tilespmem:$0x1C600] =	vst v63  }
0xcc: {  	s18 =	sor.u32 s16, s29;
	_ =	swait.ge [sflag:s23], $0x4000  }
0xcd: {  	s18 =	sshrl.u32 s18, $0x3;
	[sflag:s23] =	ssyncset.done $0x0  }
0xce: {  	s14 =	sadd.s32 s12, s14;
	s18 =	sadd.s32 s8, s18;
	[sflag:s23] =	ssyncadd.s32 $0xFFFFC000  }
0xcf: {  	[tilespmem:s1], [sflag:$0x5] =	stream.linear.gather [hbm4b:s18+s4], $0x80, $0x38;
	[tilespmem:$0x1C600] =	vst v63  }
0xd0: {  	s14 =	sor.u32 s16, s14;
	_ =	swait.ge [sflag:s0], $0x80  }
0xd1: {  	s14 =	sshrl.u32 s14, $0x3;
	[sflag:s0] =	ssyncset.done $0x0  }
0xd2: {  	s14 =	sadd.s32 s8, s14;
	[sflag:s0] =	ssyncadd.s32 $0xFFFFFF80  }
0xd3: {  	[tilespmem:s20], [sflag:$0x5] =	stream.linear.gather [hbm4b:s14+s4], $0x80, $0x38;
	[tilespmem:$0x1C600] =	vst v63  }
0xd4: {  	_ =	swait.ge [sflag:s0], $0x80  }
0xd5: {  	s28 =	simm.s32 $0x280;
	[sflag:s0] =	ssyncset.done $0x0  }
.LBB2_4:
0xd6: {  	p0 =	sne.s32 s28, $0x2680  }
0xd7: {  	[sflag:s0] =	ssyncadd.s32 $0xFFFFFF80;
	s14 =	smov.u32 s28;
	s28 =	sadd.s32 $0x100, s28  }
0xd8: {  	[tilespmem:s15], [sflag:$0x2] =	stream.indirect.gather [hbm4b:s6+s1], $0x80, s1, s1, $0xb8;
	[tilespmem:$0x1C600] =	vst v63  }
0xd9: {  	_ =	swait.ge [sflag:s17], $0x4000  }
0xda: {  	[sflag:s17] =	ssyncset.done $0x0  }
0xdb: {  	[sflag:s17] =	ssyncadd.s32 $0xFFFFC000  }
0xdc: {  	[spmem:s3] =	stream.indirect.scatter.add.f32 [tilespmem:s10], [sflag:$0x3], $0x80, s2, s1, $0xb8;
	[tilespmem:$0x1C600] =	vst v63  }
0xdd: {  	s16 =	sadd.s32 $0xFFFFFF80, s14;
	_ =	swait.ge [sflag:s19], $0x4000  }
0xde: {  	s18 =	sand.u32 $0x7C00, s16;
	s16 =	sand.u32 $0x300, s16;
	[sflag:s19] =	ssyncset.done $0x0  }
0xdf: {  	s29 =	sadd.s32 s9, s18;
	s18 =	sadd.s32 s12, s18;
	[sflag:s19] =	ssyncadd.s32 $0xFFFFC000  }
0xe0: {  	[spmem:s3] =	stream.indirect.scatter.add.f32 [tilespmem:s15], [sflag:$0x4], $0x80, s20, s1, $0xb8;
	[tilespmem:$0x1C600] =	vst v63  }
0xe1: {  	s29 =	sor.u32 s16, s29;
	s16 =	sor.u32 s16, s18;
	_ =	swait.ge [sflag:s22], $0x4000  }
0xe2: {  	s18 =	sshrl.u32 s29, $0x3;
	s16 =	sshrl.u32 s16, $0x3;
	[sflag:s22] =	ssyncset.done $0x0  }
0xe3: {  	s18 =	sadd.s32 s8, s18;
	[sflag:s22] =	ssyncadd.s32 $0xFFFFC000  }
0xe4: {  	[tilespmem:s4], [sflag:$0x5] =	stream.linear.gather [hbm4b:s18+s4], $0x80, $0x38;
	[tilespmem:$0x1C600] =	vst v63  }
0xe5: {  	_ =	swait.ge [sflag:s0], $0x80  }
0xe6: {  	s16 =	sadd.s32 s8, s16;
	[sflag:s0] =	ssyncset.done $0x0  }
0xe7: {  	[sflag:s0] =	ssyncadd.s32 $0xFFFFFF80  }
0xe8: {  	[tilespmem:s2], [sflag:$0x5] =	stream.linear.gather [hbm4b:s16+s4], $0x80, $0x38;
	[tilespmem:$0x1C600] =	vst v63  }
0xe9: {  	_ =	swait.ge [sflag:s0], $0x80  }
0xea: {  	s16 =	sand.u32 $0x7C00, s14;
	s14 =	sand.u32 $0x380, s14;
	[sflag:s0] =	ssyncset.done $0x0  }
0xeb: {  	s18 =	sadd.s32 s9, s16;
	s16 =	sadd.s32 s12, s16;
	[sflag:s0] =	ssyncadd.s32 $0xFFFFFF80  }
0xec: {  	[tilespmem:s10], [sflag:$0x1] =	stream.indirect.gather [hbm4b:s6+s1], $0x80, s4, s1, $0xb8;
	[tilespmem:$0x1C600] =	vst v63  }
0xed: {  	s18 =	sor.u32 s14, s18;
	s14 =	sor.u32 s14, s16;
	_ =	swait.ge [sflag:s23], $0x4000  }
0xee: {  	s16 =	sshrl.u32 s18, $0x3;
	s14 =	sshrl.u32 s14, $0x3;
	[sflag:s23] =	ssyncset.done $0x0  }
0xef: {  	s16 =	sadd.s32 s8, s16;
	[sflag:s23] =	ssyncadd.s32 $0xFFFFC000  }
0xf0: {  	[tilespmem:s1], [sflag:$0x5] =	stream.linear.gather [hbm4b:s16+s4], $0x80, $0x38;
	[tilespmem:$0x1C600] =	vst v63  }
0xf1: {  	_ =	swait.ge [sflag:s0], $0x80  }
.Ltmp1:
0xf2: {  	s14 =	sadd.s32 s8, s14;
	[sflag:s0] =	ssyncset.done $0x0;
	(pc) =	sbr.rel @p0 .LBB2_4-.Ltmp1, $4  }
0xf3: {  	[sflag:s0] =	ssyncadd.s32 $0xFFFFFF80  }
0xf4: {  	[tilespmem:s20], [sflag:$0x5] =	stream.linear.gather [hbm4b:s14+s4], $0x80, $0x38;
	[tilespmem:$0x1C600] =	vst v63  }
0xf5: {  	_ =	swait.ge [sflag:s0], $0x80  }
0xf6: {  	[sflag:s0] =	ssyncset.done $0x0  }
0xf7: {  	[sflag:s0] =	ssyncadd.s32 $0xFFFFFF80  }
0xf8: {  	[tilespmem:s15], [sflag:$0x2] =	stream.indirect.gather [hbm4b:s6+s1], $0x80, s1, s1, $0xb8;
	[tilespmem:$0x1C600] =	vst v63  }
0xf9: {  	_ =	swait.ge [sflag:s17], $0x4000  }
0xfa: {  	[sflag:s17] =	ssyncset.done $0x0  }
0xfb: {  	[sflag:s17] =	ssyncadd.s32 $0xFFFFC000  }
0xfc: {  	[spmem:s3] =	stream.indirect.scatter.add.f32 [tilespmem:s10], [sflag:$0x3], $0x80, s2, s1, $0xb8;
	[tilespmem:$0x1C600] =	vst v63  }
0xfd: {  	_ =	swait.ge [sflag:s19], $0x4000  }
0xfe: {  	[sflag:s19] =	ssyncset.done $0x0  }
0xff: {  	s28 =	simm.s32 $0x180;
	[sflag:s19] =	ssyncadd.s32 $0xFFFFC000  }
0x100: {  	[spmem:s3] =	stream.indirect.scatter.add.f32 [tilespmem:s15], [sflag:$0x4], $0x80, s28, s1, $0xb8;
	[tilespmem:$0x1C600] =	vst v63  }
0x101: {  	_ =	swait.ge [sflag:s22], $0x4000  }
0x102: {  	[sflag:s22] =	ssyncset.done $0x0  }
0x103: {  	s14 =	rddreg [dreg:$0x12];
	[sflag:s22] =	ssyncadd.s32 $0xFFFFC000  }
0x104: {  	[tilespmem:s4], [sflag:$0x5] =	stream.linear.gather [hbm4b:s14+s4], $0x80, $0x38;
	[tilespmem:$0x1C600] =	vst v63  }
0x105: {  	_ =	swait.ge [sflag:s0], $0x80  }
0x106: {  	[sflag:s0] =	ssyncset.done $0x0  }
0x107: {  	[sflag:s0] =	ssyncadd.s32 $0xFFFFFF80  }
0x108: {  	[tilespmem:s2], [sflag:$0x5] =	stream.linear.gather [hbm4b:s31+s4], $0x80, $0x38;
	[tilespmem:$0x1C600] =	vst v63  }
0x109: {  	_ =	swait.ge [sflag:s0], $0x80  }
0x10a: {  	[sflag:s0] =	ssyncset.done $0x0  }
0x10b: {  	[sflag:s0] =	ssyncadd.s32 $0xFFFFFF80  }
0x10c: {  	[tilespmem:s10], [sflag:$0x1] =	stream.indirect.gather [hbm4b:s6+s1], $0x80, s4, s1, $0xb8;
	[tilespmem:$0x1C600] =	vst v63  }
0x10d: {  	_ =	swait.ge [sflag:s23], $0x4000  }
0x10e: {  	[sflag:s23] =	ssyncset.done $0x0  }
0x10f: {  	[sflag:s23] =	ssyncadd.s32 $0xFFFFC000  }
0x110: {  	_ =	swait.ge [sflag:s17], $0x4000  }
0x111: {  	[sflag:s17] =	ssyncset.done $0x0  }
0x112: {  	[sflag:s17] =	ssyncadd.s32 $0xFFFFC000  }
0x113: {  	[spmem:s3] =	stream.indirect.scatter.add.f32 [tilespmem:s10], [sflag:$0x5], $0x80, s2, s1, $0xb8;
	[tilespmem:$0x1C600] =	vst v63  }
0x114: {  	_ =	swait.ge [sflag:s0], $0x4000  }
0x115: {  	[sflag:s0] =	ssyncset.done $0x0  }
0x116: {  	[sflag:s0] =	ssyncadd.s32 $0xFFFFC000  }
0x117: {  	[bflag:$0x0] =	sbarrier.arrive $0xFFFF  }
0x118: {  	s18 =	rddreg [dreg:$0xb]  }
0x119: {  	[hbm:s18], [sflag:s13] =	dma.local [spmem:s26], $0x2880  }
0x11a: {  	_ =	swait.ge [sflag:s0], $0x2880  }
0x11b: {  	[sflag:s0] =	ssyncset.done $0x0  }
0x11c: {  	[sflag:s0] =	ssyncadd.s32 $0xFFFFD780  }
0x11d: {  	[bflag:$0x0] =	sbarrier.arrive $0xFFFF  }
0x11e: {  	[spmem:s26], [sflag:s13] =	dma.local [hbm:s11], $0x2880  }
0x11f: {  	_ =	swait.ge [sflag:s0], $0x2880  }
0x120: {  	[sflag:s0] =	ssyncset.done $0x0  }
0x121: {  	[sflag:s0] =	ssyncadd.s32 $0xFFFFD780  }
0x122: {  	s29 =	rddreg [dreg:$0x1]  }
0x123: {  	[tilespmem:s10], [sflag:$0x5] =	stream.linear.gather [hbm4b:s29+s4], $0x4000, $0x38;
	[tilespmem:$0x1C600] =	vst v63  }
0x124: {  	_ =	swait.ge [sflag:s0], $0x4000  }
0x125: {  	[sflag:s0] =	ssyncset.done $0x0  }
0x126: {  	[sflag:s0] =	ssyncadd.s32 $0xFFFFC000  }
0x127: {  	[bflag:$0x0] =	sbarrier.arrive $0xFFFF  }
0x128: {  	s16 =	rddreg [dreg:$0x5]  }
0x129: {  	[tilespmem:s2], [sflag:$0x5] =	stream.linear.gather [hbm4b:s16+s4], $0x80, $0x38;
	[tilespmem:$0x1C600] =	vst v63  }
0x12a: {  	_ =	swait.ge [sflag:s0], $0x80  }
0x12b: {  	[sflag:s0] =	ssyncset.done $0x0  }
0x12c: {  	s18 =	rddreg [dreg:$0x7];
	[sflag:s0] =	ssyncadd.s32 $0xFFFFFF80  }
0x12d: {  	[tilespmem:s28], [sflag:$0x5] =	stream.linear.gather [hbm4b:s18+s4], $0x80, $0x38;
	[tilespmem:$0x1C600] =	vst v63  }
0x12e: {  	_ =	swait.ge [sflag:s0], $0x80  }
0x12f: {  	s29 =	simm.s32 $0x100;
	[sflag:s0] =	ssyncset.done $0x0  }
0x130: {  	s16 =	sand.u32 $0x7C00, s29;
	[sflag:s0] =	ssyncadd.s32 $0xFFFFFF80  }
0x131: {  	[spmem:s3] =	stream.indirect.scatter.add.f32 [tilespmem:s10], [sflag:$0x3], $0x80, s2, s1, $0xb8;
	[tilespmem:$0x1C600] =	vst v63  }
0x132: {  	s14 =	sand.u32 $0x300, s29;
	s16 =	sadd.s32 s12, s16  }
0x133: {  	[spmem:s3] =	stream.indirect.scatter.add.f32 [tilespmem:s10], [sflag:$0x4], $0x80, s20, s1, $0xb8;
	[tilespmem:$0x1C600] =	vst v63  }
0x134: {  	s14 =	sor.u32 s14, s16;
	_ =	swait.ge [sflag:s22], $0x4000  }
0x135: {  	s14 =	sshrl.u32 s14, $0x3;
	[sflag:s22] =	ssyncset.done $0x0  }
0x136: {  	s14 =	sadd.s32 s7, s14;
	[sflag:s22] =	ssyncadd.s32 $0xFFFFC000  }
0x137: {  	[tilespmem:s2], [sflag:$0x6] =	stream.linear.gather [hbm4b:s14+s4], $0x80, $0x38;
	[tilespmem:$0x1C600] =	vst v63  }
0x138: {  	_ =	swait.ge [sflag:s24], $0x80  }
0x139: {  	s18 =	sand.u32 $0x7C00, s28;
	[sflag:s24] =	ssyncset.done $0x0  }
0x13a: {  	s29 =	sand.u32 $0x380, s28;
	s14 =	sadd.s32 s12, s18;
	[sflag:s24] =	ssyncadd.s32 $0xFFFFFF80  }
0x13b: {  	s14 =	sor.u32 s29, s14;
	_ =	swait.ge [sflag:s23], $0x4000  }
0x13c: {  	s14 =	sshrl.u32 s14, $0x3;
	[sflag:s23] =	ssyncset.done $0x0  }
0x13d: {  	s14 =	sadd.s32 s7, s14;
	[sflag:s23] =	ssyncadd.s32 $0xFFFFC000  }
0x13e: {  	[tilespmem:s20], [sflag:$0x5] =	stream.linear.gather [hbm4b:s14+s4], $0x80, $0x38;
	[tilespmem:$0x1C600] =	vst v63  }
0x13f: {  	s28 =	simm.s32 $0x280;
	_ =	swait.ge [sflag:s0], $0x80  }
.LBB2_6:
0x140: {  	s14 =	sadd.s32 $0xFFFFFF80, s28  }
0x141: {  	[sflag:s0] =	ssyncset.done $0x0;
	s16 =	smov.u32 s28;
	s18 =	sadd.s32 $0x100, s28  }
0x142: {  	s29 =	sand.u32 $0x7C00, s14;
	s14 =	sand.u32 $0x300, s14;
	[sflag:s0] =	ssyncadd.s32 $0xFFFFFF80  }
0x143: {  	[spmem:s3] =	stream.indirect.scatter.add.f32 [tilespmem:s10], [sflag:$0x3], $0x80, s2, s1, $0xb8;
	[tilespmem:$0x1C600] =	vst v63  }
0x144: {  	p0 =	sne.s32 s28, $0x2680;
	s29 =	sadd.s32 s12, s29  }
0x145: {  	[spmem:s3] =	stream.indirect.scatter.add.f32 [tilespmem:s10], [sflag:$0x4], $0x80, s20, s1, $0xb8;
	[tilespmem:$0x1C600] =	vst v63  }
0x146: {  	s14 =	sor.u32 s14, s29;
	_ =	swait.ge [sflag:s22], $0x4000  }
0x147: {  	s14 =	sshrl.u32 s14, $0x3;
	[sflag:s22] =	ssyncset.done $0x0  }
0x148: {  	s14 =	sadd.s32 s7, s14;
	[sflag:s22] =	ssyncadd.s32 $0xFFFFC000  }
0x149: {  	[tilespmem:s2], [sflag:$0x6] =	stream.linear.gather [hbm4b:s14+s4], $0x80, $0x38;
	[tilespmem:$0x1C600] =	vst v63  }
0x14a: {  	s14 =	sand.u32 $0x7C00, s16;
	_ =	swait.ge [sflag:s24], $0x80  }
0x14b: {  	s16 =	sand.u32 $0x380, s16;
	s14 =	sadd.s32 s12, s14;
	[sflag:s24] =	ssyncset.done $0x0  }
0x14c: {  	s14 =	sor.u32 s16, s14;
	[sflag:s24] =	ssyncadd.s32 $0xFFFFFF80  }
.Ltmp2:
0x14d: {  	s14 =	sshrl.u32 s14, $0x3;
	_ =	swait.ge [sflag:s23], $0x4000;
	(pc) =	sbr.rel @p0 .LBB2_6-.Ltmp2, $4  }
0x14e: {  	s14 =	sadd.s32 s7, s14;
	[sflag:s23] =	ssyncset.done $0x0  }
0x14f: {  	[sflag:s23] =	ssyncadd.s32 $0xFFFFC000  }
0x150: {  	[tilespmem:s20], [sflag:$0x5] =	stream.linear.gather [hbm4b:s14+s4], $0x80, $0x38;
	[tilespmem:$0x1C600] =	vst v63  }
0x151: {  	s28 =	smov.u32 s18;
	_ =	swait.ge [sflag:s0], $0x80  }
0x152: {  	[sflag:s0] =	ssyncset.done $0x0  }
0x153: {  	[sflag:s0] =	ssyncadd.s32 $0xFFFFFF80  }
0x154: {  	[spmem:s3] =	stream.indirect.scatter.add.f32 [tilespmem:s10], [sflag:$0x3], $0x80, s2, s1, $0xb8;
	[tilespmem:$0x1C600] =	vst v63  }
0x155: {  	s14 =	simm.s32 $0x180  }
0x156: {  	[spmem:s3] =	stream.indirect.scatter.add.f32 [tilespmem:s10], [sflag:$0x4], $0x80, s14, s1, $0xb8;
	[tilespmem:$0x1C600] =	vst v63  }
0x157: {  	_ =	swait.ge [sflag:s22], $0x4000  }
0x158: {  	[sflag:s22] =	ssyncset.done $0x0  }
0x159: {  	[sflag:s22] =	ssyncadd.s32 $0xFFFFC000  }
0x15a: {  	[tilespmem:s2], [sflag:$0x6] =	stream.linear.gather [hbm4b:s30+s4], $0x80, $0x38;
	[tilespmem:$0x1C600] =	vst v63  }
0x15b: {  	_ =	swait.ge [sflag:s24], $0x80  }
0x15c: {  	[sflag:s24] =	ssyncset.done $0x0  }
0x15d: {  	[sflag:s24] =	ssyncadd.s32 $0xFFFFFF80  }
0x15e: {  	_ =	swait.ge [sflag:s23], $0x4000  }
0x15f: {  	[sflag:s23] =	ssyncset.done $0x0  }
0x160: {  	[sflag:s23] =	ssyncadd.s32 $0xFFFFC000  }
0x161: {  	[spmem:s3] =	stream.indirect.scatter.add.f32 [tilespmem:s10], [sflag:$0x5], $0x80, s2, s1, $0xb8;
	[tilespmem:$0x1C600] =	vst v63  }
0x162: {  	_ =	swait.ge [sflag:s0], $0x4000  }
0x163: {  	[sflag:s0] =	ssyncset.done $0x0  }
0x164: {  	[sflag:s0] =	ssyncadd.s32 $0xFFFFC000  }
0x165: {  	[bflag:$0x0] =	sbarrier.arrive $0xFFFF  }
0x166: {  	s16 =	rddreg [dreg:$0xc]  }
0x167: {  	[hbm:s16], [sflag:s13] =	dma.local [spmem:s26], $0x2880  }
0x168: {  	_ =	swait.ge [sflag:s0], $0x2880  }
0x169: {  	[sflag:s0] =	ssyncset.done $0x0  }
0x16a: {  	[sflag:s0] =	ssyncadd.s32 $0xFFFFD780  }
0x16b: {  	[bflag:$0x0] =	sbarrier.arrive $0xFFFF  }
0x16c: {  	[spmem:s26], [sflag:s13] =	dma.local [hbm:s11], $0x2880  }
0x16d: {  	_ =	swait.ge [sflag:s0], $0x2880  }
0x16e: {  	[sflag:s0] =	ssyncset.done $0x0  }
0x16f: {  	[sflag:s0] =	ssyncadd.s32 $0xFFFFD780  }
0x170: {  	[bflag:$0x0] =	sbarrier.arrive $0xFFFF  }
0x171: {  	s18 =	rddreg [dreg:$0x9]  }
0x172: {  	[tilespmem:s2], [sflag:$0x5] =	stream.linear.gather [hbm4b:s18+s4], $0x80, $0x38;
	[tilespmem:$0x1C600] =	vst v63  }
0x173: {  	_ =	swait.ge [sflag:s0], $0x80  }
0x174: {  	[sflag:s0] =	ssyncset.done $0x0  }
0x175: {  	[sflag:s0] =	ssyncadd.s32 $0xFFFFFF80  }
0x176: {  	[tilespmem:s14], [sflag:$0x5] =	stream.linear.gather [hbm4b:s21+s4], $0x80, $0x38;
	[tilespmem:$0x1C600] =	vst v63  }
0x177: {  	_ =	swait.ge [sflag:s0], $0x80  }
0x178: {  	s29 =	simm.s32 $0x100;
	[sflag:s0] =	ssyncset.done $0x0  }
0x179: {  	s18 =	sand.u32 $0x7C00, s29;
	[sflag:s0] =	ssyncadd.s32 $0xFFFFFF80  }
0x17a: {  	[spmem:s3] =	stream.indirect.scatter.add.f32 [tilespmem:s10], [sflag:$0x3], $0x80, s2, s1, $0xb8;
	[tilespmem:$0x1C600] =	vst v63  }
0x17b: {  	s16 =	sand.u32 $0x300, s29;
	s18 =	sadd.s32 s12, s18  }
0x17c: {  	[spmem:s3] =	stream.indirect.scatter.add.f32 [tilespmem:s10], [sflag:$0x4], $0x80, s20, s1, $0xb8;
	[tilespmem:$0x1C600] =	vst v63  }
0x17d: {  	s16 =	sor.u32 s16, s18;
	_ =	swait.ge [sflag:s22], $0x4000  }
0x17e: {  	s16 =	sshrl.u32 s16, $0x3;
	[sflag:s22] =	ssyncset.done $0x0  }
0x17f: {  	s16 =	sadd.s32 s8, s16;
	[sflag:s22] =	ssyncadd.s32 $0xFFFFC000  }
0x180: {  	[tilespmem:s2], [sflag:$0x6] =	stream.linear.gather [hbm4b:s16+s4], $0x80, $0x38;
	[tilespmem:$0x1C600] =	vst v63  }
0x181: {  	_ =	swait.ge [sflag:s24], $0x80  }
0x182: {  	s29 =	sand.u32 $0x7C00, s14;
	[sflag:s24] =	ssyncset.done $0x0  }
0x183: {  	s14 =	sand.u32 $0x380, s14;
	s16 =	sadd.s32 s12, s29;
	[sflag:s24] =	ssyncadd.s32 $0xFFFFFF80  }
0x184: {  	s14 =	sor.u32 s14, s16;
	_ =	swait.ge [sflag:s23], $0x4000  }
0x185: {  	s14 =	sshrl.u32 s14, $0x3;
	[sflag:s23] =	ssyncset.done $0x0  }
0x186: {  	s14 =	sadd.s32 s8, s14;
	[sflag:s23] =	ssyncadd.s32 $0xFFFFC000  }
0x187: {  	[tilespmem:s20], [sflag:$0x5] =	stream.linear.gather [hbm4b:s14+s4], $0x80, $0x38;
	[tilespmem:$0x1C600] =	vst v63  }
0x188: {  	s28 =	simm.s32 $0x280;
	_ =	swait.ge [sflag:s0], $0x80  }
.LBB2_8:
0x189: {  	s14 =	sadd.s32 $0xFFFFFF80, s28  }
0x18a: {  	[sflag:s0] =	ssyncset.done $0x0;
	s16 =	smov.u32 s28;
	s18 =	sadd.s32 $0x100, s28  }
0x18b: {  	s29 =	sand.u32 $0x7C00, s14;
	s14 =	sand.u32 $0x300, s14;
	[sflag:s0] =	ssyncadd.s32 $0xFFFFFF80  }
0x18c: {  	[spmem:s3] =	stream.indirect.scatter.add.f32 [tilespmem:s10], [sflag:$0x3], $0x80, s2, s1, $0xb8;
	[tilespmem:$0x1C600] =	vst v63  }
0x18d: {  	p0 =	sne.s32 s28, $0x2680;
	s29 =	sadd.s32 s12, s29  }
0x18e: {  	[spmem:s3] =	stream.indirect.scatter.add.f32 [tilespmem:s10], [sflag:$0x4], $0x80, s20, s1, $0xb8;
	[tilespmem:$0x1C600] =	vst v63  }
0x18f: {  	s14 =	sor.u32 s14, s29;
	_ =	swait.ge [sflag:s22], $0x4000  }
0x190: {  	s14 =	sshrl.u32 s14, $0x3;
	[sflag:s22] =	ssyncset.done $0x0  }
0x191: {  	s14 =	sadd.s32 s8, s14;
	[sflag:s22] =	ssyncadd.s32 $0xFFFFC000  }
0x192: {  	[tilespmem:s2], [sflag:$0x6] =	stream.linear.gather [hbm4b:s14+s4], $0x80, $0x38;
	[tilespmem:$0x1C600] =	vst v63  }
0x193: {  	s14 =	sand.u32 $0x7C00, s16;
	_ =	swait.ge [sflag:s24], $0x80  }
0x194: {  	s16 =	sand.u32 $0x380, s16;
	s14 =	sadd.s32 s12, s14;
	[sflag:s24] =	ssyncset.done $0x0  }
0x195: {  	s14 =	sor.u32 s16, s14;
	[sflag:s24] =	ssyncadd.s32 $0xFFFFFF80  }
.Ltmp3:
0x196: {  	s14 =	sshrl.u32 s14, $0x3;
	_ =	swait.ge [sflag:s23], $0x4000;
	(pc) =	sbr.rel @p0 .LBB2_8-.Ltmp3, $4  }
0x197: {  	s14 =	sadd.s32 s8, s14;
	[sflag:s23] =	ssyncset.done $0x0  }
0x198: {  	[sflag:s23] =	ssyncadd.s32 $0xFFFFC000  }
0x199: {  	[tilespmem:s20], [sflag:$0x5] =	stream.linear.gather [hbm4b:s14+s4], $0x80, $0x38;
	[tilespmem:$0x1C600] =	vst v63  }
0x19a: {  	s28 =	smov.u32 s18;
	_ =	swait.ge [sflag:s0], $0x80  }
0x19b: {  	[sflag:s0] =	ssyncset.done $0x0  }
0x19c: {  	[sflag:s0] =	ssyncadd.s32 $0xFFFFFF80  }
0x19d: {  	[spmem:s3] =	stream.indirect.scatter.add.f32 [tilespmem:s10], [sflag:$0x3], $0x80, s2, s1, $0xb8;
	[tilespmem:$0x1C600] =	vst v63  }
0x19e: {  	_ = 	snop  }
0x19f: {  	[spmem:s3] =	stream.indirect.scatter.add.f32 [tilespmem:s10], [sflag:$0x4], $0x80, s20, s1, $0xb8;
	[tilespmem:$0x1C600] =	vst v63  }
0x1a0: {  	_ =	swait.ge [sflag:s22], $0x4000  }
0x1a1: {  	[sflag:s22] =	ssyncset.done $0x0  }
0x1a2: {  	[sflag:s22] =	ssyncadd.s32 $0xFFFFC000  }
0x1a3: {  	[tilespmem:s2], [sflag:$0x6] =	stream.linear.gather [hbm4b:s31+s4], $0x80, $0x38;
	[tilespmem:$0x1C600] =	vst v63  }
0x1a4: {  	_ =	swait.ge [sflag:s24], $0x80  }
0x1a5: {  	[sflag:s24] =	ssyncset.done $0x0  }
0x1a6: {  	[sflag:s24] =	ssyncadd.s32 $0xFFFFFF80  }
0x1a7: {  	_ =	swait.ge [sflag:s23], $0x4000  }
0x1a8: {  	[sflag:s23] =	ssyncset.done $0x0  }
0x1a9: {  	[sflag:s23] =	ssyncadd.s32 $0xFFFFC000  }
0x1aa: {  	[spmem:s3] =	stream.indirect.scatter.add.f32 [tilespmem:s10], [sflag:$0x5], $0x80, s2, s1, $0xb8;
	[tilespmem:$0x1C600] =	vst v63  }
0x1ab: {  	_ =	swait.ge [sflag:s0], $0x4000  }
0x1ac: {  	[sflag:s0] =	ssyncset.done $0x0  }
0x1ad: {  	[sflag:s0] =	ssyncadd.s32 $0xFFFFC000  }
0x1ae: {  	[bflag:$0x0] =	sbarrier.arrive $0xFFFF  }
0x1af: {  	s14 =	rddreg [dreg:$0xd]  }
0x1b0: {  	[hbm:s14], [sflag:s13] =	dma.local [spmem:s26], $0x2880  }
0x1b1: {  	_ =	swait.ge [sflag:s0], $0x2880  }
0x1b2: {  	s25 =	sadd.s32 $0x1, s25;
	s29 =	rddreg [dreg:$0xe]  }
0x1b3: {  	p0 =	sne.s32 s25, s29  }
.Ltmp4:
0x1b4: {  	_ = 	snop;
	(pc) =	sbr.rel @p0 .LBB2_1-.Ltmp4, $3  }
0x1b5: {  	_ =	sdelay $0x1  }
0x1b6: {  	[sflag:s0] =	ssyncset.done $0x0  }
0x1b7: {  	[sflag:s0] =	ssyncadd.s32 $0xFFFFD780  }
0x1b8: {  	_ =	sfence.sel $0x180000  }
0x1b9: {  	[bflag:$0x0] =	sbarrier.arrive $0xFFFF  }
0x1ba: {  	_ =	strace $0x90000047  }
0x1bb: {  	s0 =	stileid.u32;
	[bflag:$0x2] =	sbarrier.arrive $0xFFFF  }
0x1bc: {  	p0 =	sne.s32 s0, $0x0;
	s0 =	rddreg [dreg:$0x3]  }
0x1bd: {  	s0 =	sadd.s32 @!p0 $0x100000, s0  }
0x1be: {  	[sflag:s0] =	ssyncadd.tile.s32 @!p0 $0x1;
	_ =	shalt  }
.Lfunc_end2:
_tile_overlayer_lowered:
.L_overlay_start_2:
0x1bf: {  	(tag) =	ssettag $0x2  }
0x1c0: {  	s0 =	rddreg [dreg:$0x0];
	s2 =	stileid.u32  }
0x1c1: {  	s1 =	rddreg [dreg:$0x1];
	p0 =	sne.s32 s2, $0x0  }
0x1c2: {  	s3 =	rddreg [dreg:$0x2];
	[bflag:$0x3] =	sbarrier.arrive $0xFFFF;
	s2 =	simm.s32 @!p0 $0x1C05  }
0x1c3: {  	[timem:s3], [sflag:s2] =	dma.local @!p0 [hbm:s0], s1  }
0x1c4: {  	s0 =	simm.s32 @!p0 $0x5  }
0x1c5: {  	_ =	swait.ge @!p0 [sflag:s0], s1  }
0x1c6: {  	s1 =	ssub.s32 @!p0 $0x0, s1;
	[sflag:s0] =	ssyncset.done @!p0 $0x0  }
0x1c7: {  	[sflag:s0] =	ssyncadd.s32 @!p0 s1  }
0x1c8: {  	[bflag:$0x3] =	sbarrier.arrive $0xFFFF  }
0x1c9: {  	_ =	shalt  }

</sc_bundles>
